<compile_context>
chip_gen: v7x
topology: tpu7x:2x2x1
jax: 0.10.2.dev20260603
libtpu: 0.0.44.dev20260713+nightly
codegen_flags: <defaults>
</compile_context>

<pallas_src>
import functools

import jax
import jax.numpy as jnp
from jax import lax
from jax.experimental import pallas as pl
from jax.experimental.pallas import tpu as pltpu
from jax.experimental.pallas import tpu_sc as plsc

_CAPS = (4096, 4096, 4096, 4096)

_P = 128
_NC = 2
_NS = 16
_NW = _NC * _NS


def _cdiv(a, b):
    return (a + b - 1) // b


def _classifier_call(inputs, Wc, bc, cblk):
    n, c, h, w = inputs.shape
    e = Wc.shape[0]
    g = n // cblk

    def body(x_ref, wc_ref, bc_ref, route_ref, xt_ref):
        x = x_ref[...]
        pooled = jnp.mean(x, axis=(2, 3))
        scores = jnp.dot(pooled, wc_ref[...].T,
                         preferred_element_type=jnp.float32) + bc_ref[...][None, :]
        route_ref[0, 0, :] = jnp.argmax(scores, axis=-1).astype(jnp.int32)
        xt_ref[...] = x.transpose(0, 2, 1, 3).reshape(cblk, h, c * w)

    route3, xt = pl.pallas_call(
        body,
        grid=(g,),
        in_specs=[
            pl.BlockSpec((cblk, c, h, w), lambda i: (i, 0, 0, 0)),
            pl.BlockSpec((e, c), lambda i: (0, 0)),
            pl.BlockSpec((e,), lambda i: (0,)),
        ],
        out_specs=[
            pl.BlockSpec((1, 1, cblk), lambda i: (i, 0, 0)),
            pl.BlockSpec((cblk, h, c * w), lambda i: (i, 0, 0)),
        ],
        out_shape=[
            jax.ShapeDtypeStruct((g, 1, cblk), jnp.int32),
            jax.ShapeDtypeStruct((n, h, c * w), jnp.float32),
        ],
        compiler_params=pltpu.CompilerParams(
            dimension_semantics=("arbitrary",),
            vmem_limit_bytes=100 * 1024 * 1024),
    )(inputs, Wc, bc)
    return route3.reshape(n), xt


def _routing_metadata(route, n, e, p, g_static, npad, caps):
    order = jnp.argsort(route, stable=True).astype(jnp.int32)
    route_sorted = route[order]
    counts = jnp.sum(route[:, None] == jnp.arange(e)[None, :], axis=0)
    offsets = jnp.concatenate([jnp.zeros((1,), jnp.int32),
                               jnp.cumsum(counts)[:-1].astype(jnp.int32)])
    nb = _cdiv(counts, p)
    bstart = jnp.concatenate([jnp.zeros((1,), jnp.int32),
                              jnp.cumsum(nb)[:-1].astype(jnp.int32)])
    i = jnp.arange(n, dtype=jnp.int32)
    rank = i - offsets[route_sorted]
    slots = bstart[route_sorted] * p + rank
    caps_arr = jnp.asarray(caps, jnp.int32)
    src_idx = jnp.zeros((npad,), jnp.int32).at[slots].set(order)
    dst_idx = jnp.full((npad,), n, jnp.int32).at[slots].set(order)
    valid = jnp.zeros((npad,), jnp.float32).at[slots].set(
        (rank < caps_arr[route_sorted]).astype(jnp.float32))
    gidx = jnp.arange(g_static, dtype=jnp.int32)
    eob = jnp.clip(
        jnp.sum(gidx[:, None] >= bstart[None, :], axis=1) - 1, 0, e - 1
    ).astype(jnp.int32)
    return src_idx, dst_idx, valid, eob


def _tridiag_weights(w_conv, hw):
    ar = jnp.arange(hw)
    s = jnp.stack([(ar[:, None] - ar[None, :] == dw - 1) for dw in range(3)])
    s = s.astype(jnp.float32)
    lead = w_conv.shape[:-4]
    w2 = w_conv.reshape((-1,) + w_conv.shape[-4:])
    wt = jnp.einsum('aoixy,ywv->axiwov', w2, s)
    co, ci = w_conv.shape[-4], w_conv.shape[-3]
    return wt.reshape(lead + (3, ci * hw, co * hw)).astype(jnp.bfloat16)


def _sc_gather(table, idx3, npad, d, nchunks, csz):
    mesh = plsc.VectorSubcoreMesh(core_axis_name="c", subcore_axis_name="s")

    @functools.partial(
        pl.kernel, mesh=mesh,
        out_type=jax.ShapeDtypeStruct((npad, d), jnp.float32),
        scratch_types=[
            pltpu.VMEM((nchunks, csz), jnp.int32),
            pltpu.VMEM((csz, d), jnp.float32),
            pltpu.SemaphoreType.DMA,
        ],
    )
    def k(table_hbm, idx_hbm, out_hbm, idx_v, rows_v, sem):
        wid = lax.axis_index("s") * _NC + lax.axis_index("c")
        base = wid * (nchunks * csz)
        pltpu.sync_copy(idx_hbm.at[wid], idx_v)
        for j in range(nchunks):
            pltpu.async_copy(table_hbm.at[idx_v.at[j]], rows_v, sem).wait()
            pltpu.sync_copy(rows_v, out_hbm.at[pl.ds(base + j * csz, csz)])

    return k(table, idx3)


def _sc_scatter(rows, idx3, nout, d, nchunks, csz):
    mesh = plsc.VectorSubcoreMesh(core_axis_name="c", subcore_axis_name="s")

    @functools.partial(
        pl.kernel, mesh=mesh,
        out_type=jax.ShapeDtypeStruct((nout, d), jnp.float32),
        scratch_types=[
            pltpu.VMEM((nchunks, csz), jnp.int32),
            pltpu.VMEM((csz, d), jnp.float32),
            pltpu.SemaphoreType.DMA,
        ],
    )
    def k(rows_hbm, idx_hbm, out_hbm, idx_v, rows_v, sem):
        wid = lax.axis_index("s") * _NC + lax.axis_index("c")
        base = wid * (nchunks * csz)
        pltpu.sync_copy(idx_hbm.at[wid], idx_v)
        for j in range(nchunks):
            pltpu.sync_copy(rows_hbm.at[pl.ds(base + j * csz, csz)], rows_v)
            pltpu.async_copy(rows_v, out_hbm.at[idx_v.at[j]], sem).wait()

    return k(rows, idx3)


def _expert_call(x_perm, eob, valid, wt_h, wt_b, wt_t, bh, bb, bt,
                 p, g, hw, cin, f, nblk):
    kin = cin * hw
    kmid = f * hw

    def conv3(x, wt3, brow, kout):
        zero = jnp.zeros((p, 1, x.shape[-1]), jnp.float32)
        xp = jnp.concatenate([zero, x, zero], axis=1)
        acc = None
        for dh in range(3):
            a = xp[:, dh:dh + hw, :].reshape(p * hw, x.shape[-1])
            t = jnp.dot(a.astype(jnp.bfloat16), wt3[dh],
                        preferred_element_type=jnp.float32)
            acc = t if acc is None else acc + t
        return acc.reshape(p, hw, kout) + brow[None, None, :]

    def body(eob_ref, x_ref, wh_ref, wb_ref, wt_ref, bh_ref, bb_ref, bt_ref,
             v_ref, y_ref):
        x = x_ref[...]
        h = jax.nn.relu(conv3(x, wh_ref[0], bh_ref[0, 0], kmid))
        for i in range(nblk):
            h = h + jax.nn.relu(conv3(h, wb_ref[0, i], bb_ref[0, i, 0], kmid))
        y = conv3(h, wt_ref[0], bt_ref[0, 0], kin)
        y_ref[...] = y * v_ref[0, 0, :][:, None, None]

    grid_spec = pltpu.PrefetchScalarGridSpec(
        num_scalar_prefetch=1,
        grid=(g,),
        in_specs=[
            pl.BlockSpec((p, hw, kin), lambda i, e_r: (i, 0, 0)),
            pl.BlockSpec((1, 3, kin, kmid), lambda i, e_r: (e_r[i], 0, 0, 0)),
            pl.BlockSpec((1, nblk, 3, kmid, kmid),
                         lambda i, e_r: (e_r[i], 0, 0, 0, 0)),
            pl.BlockSpec((1, 3, kmid, kin), lambda i, e_r: (e_r[i], 0, 0, 0)),
            pl.BlockSpec((1, 1, kmid), lambda i, e_r: (e_r[i], 0, 0)),
            pl.BlockSpec((1, nblk, 1, kmid), lambda i, e_r: (e_r[i], 0, 0, 0)),
            pl.BlockSpec((1, 1, kin), lambda i, e_r: (e_r[i], 0, 0)),
            pl.BlockSpec((1, 1, p), lambda i, e_r: (i, 0, 0)),
        ],
        out_specs=pl.BlockSpec((p, hw, kin), lambda i, e_r: (i, 0, 0)),
    )
    return pl.pallas_call(
        body,
        grid_spec=grid_spec,
        out_shape=jax.ShapeDtypeStruct((g * p, hw, kin), jnp.float32),
        compiler_params=pltpu.CompilerParams(
            dimension_semantics=("arbitrary",),
            vmem_limit_bytes=100 * 1024 * 1024),
    )(eob, x_perm, wt_h, wt_b, wt_t, bh, bb, bt, valid)


def kernel(inputs, Wc, bc, W_in, b_in, W_blk, b_blk, W_out, b_out):
    n, cin, hw, _ = inputs.shape
    e = Wc.shape[0]
    f = W_in.shape[1]
    nblk = W_blk.shape[1]
    d = cin * hw * hw

    p = _P
    g = n // p + e
    npad = g * p

    rpw = npad // _NW
    csz = 24
    while rpw % csz:
        csz -= 8
    nchunks = rpw // csz

    route, inputs_t = _classifier_call(inputs, Wc, bc, cblk=256)

    src_idx, dst_idx, valid, eob = _routing_metadata(
        route, n, e, p, g, npad, _CAPS)
    src3 = src_idx.reshape(_NW, nchunks, csz)
    dst3 = dst_idx.reshape(_NW, nchunks, csz)
    valid3 = valid.reshape(g, 1, p)

    wt_h = _tridiag_weights(W_in, hw)
    wt_b = _tridiag_weights(W_blk, hw)
    wt_t = _tridiag_weights(W_out, hw)
    bh = jnp.repeat(b_in, hw, axis=1).reshape(e, 1, f * hw)
    bb = jnp.repeat(b_blk, hw, axis=2).reshape(e, nblk, 1, f * hw)
    bt = jnp.repeat(b_out, hw, axis=1).reshape(e, 1, cin * hw)

    x_perm = _sc_gather(inputs_t.reshape(n, d), src3, npad, d, nchunks, csz)

    y_perm = _expert_call(x_perm.reshape(npad, hw, cin * hw), eob, valid3,
                          wt_h, wt_b, wt_t, bh, bb, bt, p, g, hw, cin, f, nblk)

    out_t = _sc_scatter(y_perm.reshape(npad, d), dst3, n + 8, d, nchunks, csz)

    return out_t[:n].reshape(n, hw, cin, hw).transpose(0, 2, 1, 3)

# --- scband reference (transcript-rebuilt; emitter-appended) ---
"""Pipeline reference for scband-v-fused-live-sr-2559800508453 (READ-ONLY COPY).

The authoritative reference and input builder live on the scoring server;
editing this copy changes nothing except your own understanding.
"""

import jax, jax.numpy as jnp
import numpy as np

E = 4
B = 1
F = 16
N = 8192
HW = 32
CAPS = (4096, 4096, 4096, 4096)


def _conv(x, w, b):
    y = jax.lax.conv_general_dilated(x, w, window_strides=(1, 1), padding='SAME',
                                     dimension_numbers=('NCHW', 'OIHW', 'NCHW'))
    return y + b[None, :, None, None]


def _expert_forward(x, W_in, b_in, W_blk, b_blk, W_out, b_out):
    # vFusedNAS subnet: head conv -> residual blocks -> tail conv
    h = jax.nn.relu(_conv(x, W_in, b_in))
    for i in range(W_blk.shape[0]):
        h = h + jax.nn.relu(_conv(h, W_blk[i], b_blk[i]))
    return _conv(h, W_out, b_out)


def setup_inputs(seed: int = 0) -> dict:
    key = jax.random.key(seed)
    ks = jax.random.split(key, 8)
    inputs = jax.random.normal(ks[0], (N, 3, HW, HW), dtype=jnp.float32)
    # classifier: global-average-pool + linear -> per-patch routing scores
    Wc = jax.random.normal(ks[1], (E, 3), dtype=jnp.float32) * 0.5
    bc = jnp.zeros((E,), dtype=jnp.float32)
    # per-expert (stacked) subnet conv parameters
    W_in = jax.random.normal(ks[2], (E, F, 3, 3, 3), dtype=jnp.float32) * 0.1
    b_in = jnp.zeros((E, F), dtype=jnp.float32)
    W_blk = jax.random.normal(ks[3], (E, B, F, F, 3, 3), dtype=jnp.float32) * 0.05
    b_blk = jnp.zeros((E, B, F), dtype=jnp.float32)
    W_out = jax.random.normal(ks[4], (E, 3, F, 3, 3), dtype=jnp.float32) * 0.1
    b_out = jnp.zeros((E, 3), dtype=jnp.float32)
    return {"inputs": inputs, "Wc": Wc, "bc": bc, "W_in": W_in, "b_in": b_in,
            "W_blk": W_blk, "b_blk": b_blk, "W_out": W_out, "b_out": b_out}


def reference(inputs, Wc, bc, W_in, b_in, W_blk, b_blk, W_out, b_out):
    # classifier -> scores [N, E]
    pooled = inputs.mean(axis=(2, 3))
    scores = pooled @ Wc.T + bc
    # ScatterRouter: hard argmax routing
    route = jnp.argmax(scores, axis=-1)
    out = jnp.zeros_like(inputs)
    for e in range(E):
        cap = CAPS[e]
        mask = route == e
        count = jnp.sum(mask)
        # scatter to expert e with fixed capacity (pad to subnet_bs[e])
        idx = jnp.nonzero(mask, size=cap, fill_value=0)[0]
        valid = (jnp.arange(cap) < count).astype(inputs.dtype)
        x_e = inputs[idx]
        y_e = _expert_forward(x_e, W_in[e], b_in[e], W_blk[e], b_blk[e], W_out[e], b_out[e])
        # drop padding rows and GatherRouter: scatter back to original positions
        out = out.at[idx].add(y_e * valid[:, None, None, None])
    return out

if __name__ == "__main__":
    import jax
    _d = setup_inputs()
    print(jax.jit(kernel)(*tuple(_d.values())))

</pallas_src>

<mosaic_0001>
#map = affine_map<(d0, d1) -> (0, 0)>
#map1 = affine_map<(d0, d1) -> (0, 0, 0)>
module attributes {stable_mosaic.version = 14 : i64} {
  func.func @k(%arg0: i32, %arg1: i32, %arg2: memref<8704x3072xf32, #tpu.memory_space<hbm>>, %arg3: memref<32x17x16xi32, #tpu.memory_space<hbm>>, %arg4: memref<8200x3072xf32, #tpu.memory_space<hbm>>, %arg5: memref<17x16xi32, #tpu.memory_space<vmem>>, %arg6: memref<16x3072xf32, #tpu.memory_space<vmem>>, %arg7: memref<!tpu.dma_semaphore, #tpu.memory_space<semaphore_mem>>) attributes {dimension_semantics = [#tpu.dimension_semantics<core_parallel>, #tpu.dimension_semantics<subcore_parallel>], iteration_bounds = array<i64: 2, 16>, scalar_prefetch = 0 : i64, scratch_operands = 3 : i64, tpu.core_type = #tpu.core_type<sc_vector_subcore>, window_params = [{transform_indices = #map}, {transform_indices = #map1}, {transform_indices = #map}]} {
    %mul3A = arith.constant 2 : i32
    %mul3A_0 = arith.muli %arg1, %mul3A : i32
    %add3A = arith.addi %mul3A_0, %arg0 : i32
    %mul3A_1 = arith.constant 272 : i32
    %mul3A_2 = arith.muli %add3A, %mul3A_1 : i32
    "tpu.region"() ({
      %run_scoped3A = tpu.sem_alloc : memref<!tpu.dma_semaphore, #tpu.memory_space<semaphore_mem>>
      %dma_start3A_273 = arith.constant 0 : i32
      %dma_start3A_274 = arith.constant 0 : i32
      %dma_start3A_275 = tpu.memref_slice %arg3[%add3A, %dma_start3A_273, %dma_start3A_274] : memref<32x17x16xi32, #tpu.memory_space<hbm>> -> memref<1x17x16xi32, #tpu.memory_space<hbm>>
      %dma_start3A_276 = tpu.memref_squeeze %dma_start3A_275 : memref<1x17x16xi32, #tpu.memory_space<hbm>> -> memref<17x16xi32, #tpu.memory_space<hbm>>
      %dma_start3A_277 = arith.constant 0 : i32
      %dma_start3A_278 = arith.constant 0 : i32
      %dma_start3A_279 = tpu.memref_slice %arg3[%add3A, %dma_start3A_277, %dma_start3A_278] : memref<32x17x16xi32, #tpu.memory_space<hbm>> -> memref<1x17x16xi32, #tpu.memory_space<hbm>>
      %dma_start3A_280 = tpu.memref_squeeze %dma_start3A_279 : memref<1x17x16xi32, #tpu.memory_space<hbm>> -> memref<17x16xi32, #tpu.memory_space<hbm>>
      tpu.enqueue_dma source(%dma_start3A_280 : memref<17x16xi32, #tpu.memory_space<hbm>>) target(%arg5 : memref<17x16xi32, #tpu.memory_space<vmem>>) target_semaphore(%run_scoped3A : memref<!tpu.dma_semaphore, #tpu.memory_space<semaphore_mem>>)
      %dma_wait3A_281 = arith.constant 0 : i32
      %dma_wait3A_282 = arith.constant 0 : i32
      %dma_wait3A_283 = tpu.memref_slice %arg3[%add3A, %dma_wait3A_281, %dma_wait3A_282] : memref<32x17x16xi32, #tpu.memory_space<hbm>> -> memref<1x17x16xi32, #tpu.memory_space<hbm>>
      %dma_wait3A_284 = tpu.memref_squeeze %dma_wait3A_283 : memref<1x17x16xi32, #tpu.memory_space<hbm>> -> memref<17x16xi32, #tpu.memory_space<hbm>>
      %dma_wait3A_285 = arith.constant 0 : i32
      %dma_wait3A_286 = arith.constant 0 : i32
      %dma_wait3A_287 = tpu.memref_slice %arg3[%add3A, %dma_wait3A_285, %dma_wait3A_286] : memref<32x17x16xi32, #tpu.memory_space<hbm>> -> memref<1x17x16xi32, #tpu.memory_space<hbm>>
      %dma_wait3A_288 = tpu.memref_squeeze %dma_wait3A_287 : memref<1x17x16xi32, #tpu.memory_space<hbm>> -> memref<17x16xi32, #tpu.memory_space<hbm>>
      tpu.wait_dma2 semaphore(%run_scoped3A : memref<!tpu.dma_semaphore, #tpu.memory_space<semaphore_mem>>) src(%dma_wait3A_288 : memref<17x16xi32, #tpu.memory_space<hbm>>) dst(%arg5 : memref<17x16xi32, #tpu.memory_space<vmem>>)
      tpu.yield
    }) : () -> ()
    %add3A_3 = arith.constant 0 : i32
    %add3A_4 = arith.addi %mul3A_2, %add3A_3 : i32
    "tpu.region"() ({
      %run_scoped3A = tpu.sem_alloc : memref<!tpu.dma_semaphore, #tpu.memory_space<semaphore_mem>>
      %dma_start3A_273 = arith.constant 0 : i32
      %dma_start3A_274 = tpu.memref_slice %arg2[%add3A_4, %dma_start3A_273] : memref<8704x3072xf32, #tpu.memory_space<hbm>> -> memref<16x3072xf32, #tpu.memory_space<hbm>>
      %dma_start3A_275 = arith.constant 0 : i32
      %dma_start3A_276 = tpu.memref_slice %arg2[%add3A_4, %dma_start3A_275] : memref<8704x3072xf32, #tpu.memory_space<hbm>> -> memref<16x3072xf32, #tpu.memory_space<hbm>>
      tpu.enqueue_dma source(%dma_start3A_276 : memref<16x3072xf32, #tpu.memory_space<hbm>>) target(%arg6 : memref<16x3072xf32, #tpu.memory_space<vmem>>) target_semaphore(%run_scoped3A : memref<!tpu.dma_semaphore, #tpu.memory_space<semaphore_mem>>)
      %dma_wait3A_277 = arith.constant 0 : i32
      %dma_wait3A_278 = tpu.memref_slice %arg2[%add3A_4, %dma_wait3A_277] : memref<8704x3072xf32, #tpu.memory_space<hbm>> -> memref<16x3072xf32, #tpu.memory_space<hbm>>
      %dma_wait3A_279 = arith.constant 0 : i32
      %dma_wait3A_280 = tpu.memref_slice %arg2[%add3A_4, %dma_wait3A_279] : memref<8704x3072xf32, #tpu.memory_space<hbm>> -> memref<16x3072xf32, #tpu.memory_space<hbm>>
      tpu.wait_dma2 semaphore(%run_scoped3A : memref<!tpu.dma_semaphore, #tpu.memory_space<semaphore_mem>>) src(%dma_wait3A_280 : memref<16x3072xf32, #tpu.memory_space<hbm>>) dst(%arg6 : memref<16x3072xf32, #tpu.memory_space<vmem>>)
      tpu.yield
    }) : () -> ()
    %dma_start3A = arith.constant 0 : i32
    %dma_start3A_5 = arith.constant 0 : i32
    %dma_start3A_6 = tpu.memref_slice %arg5[%dma_start3A, %dma_start3A_5] : memref<17x16xi32, #tpu.memory_space<vmem>> -> memref<1x16xi32, #tpu.memory_space<vmem>>
    %dma_start3A_7 = tpu.memref_squeeze %dma_start3A_6 : memref<1x16xi32, #tpu.memory_space<vmem>> -> memref<16xi32, #tpu.memory_space<vmem>>
    %dma_start3A_8 = arith.constant 0 : i32
    %dma_start3A_9 = arith.constant 0 : i32
    %dma_start3A_10 = tpu.memref_slice %arg4[%dma_start3A_8, %dma_start3A_9] : memref<8200x3072xf32, #tpu.memory_space<hbm>> -> memref<8200x3072xf32, #tpu.memory_space<hbm>>
    tpu.enqueue_indirect_dma source(%arg6 : memref<16x3072xf32, #tpu.memory_space<vmem>>) target(%dma_start3A_10 : memref<8200x3072xf32, #tpu.memory_space<hbm>>) offsets(%dma_start3A_7 : memref<16xi32, #tpu.memory_space<vmem>>) semaphore(%arg7 : memref<!tpu.dma_semaphore, #tpu.memory_space<semaphore_mem>>)
    %dma_wait3A = arith.constant 0 : i32
    %dma_wait3A_11 = arith.constant 0 : i32
    %dma_wait3A_12 = tpu.memref_slice %arg5[%dma_wait3A, %dma_wait3A_11] : memref<17x16xi32, #tpu.memory_space<vmem>> -> memref<1x16xi32, #tpu.memory_space<vmem>>
    %dma_wait3A_13 = tpu.memref_squeeze %dma_wait3A_12 : memref<1x16xi32, #tpu.memory_space<vmem>> -> memref<16xi32, #tpu.memory_space<vmem>>
    %dma_wait3A_14 = arith.constant 0 : i32
    %dma_wait3A_15 = arith.constant 0 : i32
    %dma_wait3A_16 = tpu.memref_slice %arg4[%dma_wait3A_14, %dma_wait3A_15] : memref<8200x3072xf32, #tpu.memory_space<hbm>> -> memref<8200x3072xf32, #tpu.memory_space<hbm>>
    tpu.wait_indirect_dma semaphore(%arg7 : memref<!tpu.dma_semaphore, #tpu.memory_space<semaphore_mem>>) src(%arg6 : memref<16x3072xf32, #tpu.memory_space<vmem>>) dst(%dma_wait3A_16 : memref<8200x3072xf32, #tpu.memory_space<hbm>>)
    %add3A_17 = arith.constant 16 : i32
    %add3A_18 = arith.addi %mul3A_2, %add3A_17 : i32
    "tpu.region"() ({
      %run_scoped3A = tpu.sem_alloc : memref<!tpu.dma_semaphore, #tpu.memory_space<semaphore_mem>>
      %dma_start3A_273 = arith.constant 0 : i32
      %dma_start3A_274 = tpu.memref_slice %arg2[%add3A_18, %dma_start3A_273] : memref<8704x3072xf32, #tpu.memory_space<hbm>> -> memref<16x3072xf32, #tpu.memory_space<hbm>>
      %dma_start3A_275 = arith.constant 0 : i32
      %dma_start3A_276 = tpu.memref_slice %arg2[%add3A_18, %dma_start3A_275] : memref<8704x3072xf32, #tpu.memory_space<hbm>> -> memref<16x3072xf32, #tpu.memory_space<hbm>>
      tpu.enqueue_dma source(%dma_start3A_276 : memref<16x3072xf32, #tpu.memory_space<hbm>>) target(%arg6 : memref<16x3072xf32, #tpu.memory_space<vmem>>) target_semaphore(%run_scoped3A : memref<!tpu.dma_semaphore, #tpu.memory_space<semaphore_mem>>)
      %dma_wait3A_277 = arith.constant 0 : i32
      %dma_wait3A_278 = tpu.memref_slice %arg2[%add3A_18, %dma_wait3A_277] : memref<8704x3072xf32, #tpu.memory_space<hbm>> -> memref<16x3072xf32, #tpu.memory_space<hbm>>
      %dma_wait3A_279 = arith.constant 0 : i32
      %dma_wait3A_280 = tpu.memref_slice %arg2[%add3A_18, %dma_wait3A_279] : memref<8704x3072xf32, #tpu.memory_space<hbm>> -> memref<16x3072xf32, #tpu.memory_space<hbm>>
      tpu.wait_dma2 semaphore(%run_scoped3A : memref<!tpu.dma_semaphore, #tpu.memory_space<semaphore_mem>>) src(%dma_wait3A_280 : memref<16x3072xf32, #tpu.memory_space<hbm>>) dst(%arg6 : memref<16x3072xf32, #tpu.memory_space<vmem>>)
      tpu.yield
    }) : () -> ()
    %dma_start3A_19 = arith.constant 1 : i32
    %dma_start3A_20 = arith.constant 0 : i32
    %dma_start3A_21 = tpu.memref_slice %arg5[%dma_start3A_19, %dma_start3A_20] : memref<17x16xi32, #tpu.memory_space<vmem>> -> memref<1x16xi32, #tpu.memory_space<vmem>>
    %dma_start3A_22 = tpu.memref_squeeze %dma_start3A_21 : memref<1x16xi32, #tpu.memory_space<vmem>> -> memref<16xi32, #tpu.memory_space<vmem>>
    %dma_start3A_23 = arith.constant 0 : i32
    %dma_start3A_24 = arith.constant 0 : i32
    %dma_start3A_25 = tpu.memref_slice %arg4[%dma_start3A_23, %dma_start3A_24] : memref<8200x3072xf32, #tpu.memory_space<hbm>> -> memref<8200x3072xf32, #tpu.memory_space<hbm>>
    tpu.enqueue_indirect_dma source(%arg6 : memref<16x3072xf32, #tpu.memory_space<vmem>>) target(%dma_start3A_25 : memref<8200x3072xf32, #tpu.memory_space<hbm>>) offsets(%dma_start3A_22 : memref<16xi32, #tpu.memory_space<vmem>>) semaphore(%arg7 : memref<!tpu.dma_semaphore, #tpu.memory_space<semaphore_mem>>)
    %dma_wait3A_26 = arith.constant 1 : i32
    %dma_wait3A_27 = arith.constant 0 : i32
    %dma_wait3A_28 = tpu.memref_slice %arg5[%dma_wait3A_26, %dma_wait3A_27] : memref<17x16xi32, #tpu.memory_space<vmem>> -> memref<1x16xi32, #tpu.memory_space<vmem>>
    %dma_wait3A_29 = tpu.memref_squeeze %dma_wait3A_28 : memref<1x16xi32, #tpu.memory_space<vmem>> -> memref<16xi32, #tpu.memory_space<vmem>>
    %dma_wait3A_30 = arith.constant 0 : i32
    %dma_wait3A_31 = arith.constant 0 : i32
    %dma_wait3A_32 = tpu.memref_slice %arg4[%dma_wait3A_30, %dma_wait3A_31] : memref<8200x3072xf32, #tpu.memory_space<hbm>> -> memref<8200x3072xf32, #tpu.memory_space<hbm>>
    tpu.wait_indirect_dma semaphore(%arg7 : memref<!tpu.dma_semaphore, #tpu.memory_space<semaphore_mem>>) src(%arg6 : memref<16x3072xf32, #tpu.memory_space<vmem>>) dst(%dma_wait3A_32 : memref<8200x3072xf32, #tpu.memory_space<hbm>>)
    %add3A_33 = arith.constant 32 : i32
    %add3A_34 = arith.addi %mul3A_2, %add3A_33 : i32
    "tpu.region"() ({
      %run_scoped3A = tpu.sem_alloc : memref<!tpu.dma_semaphore, #tpu.memory_space<semaphore_mem>>
      %dma_start3A_273 = arith.constant 0 : i32
      %dma_start3A_274 = tpu.memref_slice %arg2[%add3A_34, %dma_start3A_273] : memref<8704x3072xf32, #tpu.memory_space<hbm>> -> memref<16x3072xf32, #tpu.memory_space<hbm>>
      %dma_start3A_275 = arith.constant 0 : i32
      %dma_start3A_276 = tpu.memref_slice %arg2[%add3A_34, %dma_start3A_275] : memref<8704x3072xf32, #tpu.memory_space<hbm>> -> memref<16x3072xf32, #tpu.memory_space<hbm>>
      tpu.enqueue_dma source(%dma_start3A_276 : memref<16x3072xf32, #tpu.memory_space<hbm>>) target(%arg6 : memref<16x3072xf32, #tpu.memory_space<vmem>>) target_semaphore(%run_scoped3A : memref<!tpu.dma_semaphore, #tpu.memory_space<semaphore_mem>>)
      %dma_wait3A_277 = arith.constant 0 : i32
      %dma_wait3A_278 = tpu.memref_slice %arg2[%add3A_34, %dma_wait3A_277] : memref<8704x3072xf32, #tpu.memory_space<hbm>> -> memref<16x3072xf32, #tpu.memory_space<hbm>>
      %dma_wait3A_279 = arith.constant 0 : i32
      %dma_wait3A_280 = tpu.memref_slice %arg2[%add3A_34, %dma_wait3A_279] : memref<8704x3072xf32, #tpu.memory_space<hbm>> -> memref<16x3072xf32, #tpu.memory_space<hbm>>
      tpu.wait_dma2 semaphore(%run_scoped3A : memref<!tpu.dma_semaphore, #tpu.memory_space<semaphore_mem>>) src(%dma_wait3A_280 : memref<16x3072xf32, #tpu.memory_space<hbm>>) dst(%arg6 : memref<16x3072xf32, #tpu.memory_space<vmem>>)
      tpu.yield
    }) : () -> ()
    %dma_start3A_35 = arith.constant 2 : i32
    %dma_start3A_36 = arith.constant 0 : i32
    %dma_start3A_37 = tpu.memref_slice %arg5[%dma_start3A_35, %dma_start3A_36] : memref<17x16xi32, #tpu.memory_space<vmem>> -> memref<1x16xi32, #tpu.memory_space<vmem>>
    %dma_start3A_38 = tpu.memref_squeeze %dma_start3A_37 : memref<1x16xi32, #tpu.memory_space<vmem>> -> memref<16xi32, #tpu.memory_space<vmem>>
    %dma_start3A_39 = arith.constant 0 : i32
    %dma_start3A_40 = arith.constant 0 : i32
    %dma_start3A_41 = tpu.memref_slice %arg4[%dma_start3A_39, %dma_start3A_40] : memref<8200x3072xf32, #tpu.memory_space<hbm>> -> memref<8200x3072xf32, #tpu.memory_space<hbm>>
    tpu.enqueue_indirect_dma source(%arg6 : memref<16x3072xf32, #tpu.memory_space<vmem>>) target(%dma_start3A_41 : memref<8200x3072xf32, #tpu.memory_space<hbm>>) offsets(%dma_start3A_38 : memref<16xi32, #tpu.memory_space<vmem>>) semaphore(%arg7 : memref<!tpu.dma_semaphore, #tpu.memory_space<semaphore_mem>>)
    %dma_wait3A_42 = arith.constant 2 : i32
    %dma_wait3A_43 = arith.constant 0 : i32
    %dma_wait3A_44 = tpu.memref_slice %arg5[%dma_wait3A_42, %dma_wait3A_43] : memref<17x16xi32, #tpu.memory_space<vmem>> -> memref<1x16xi32, #tpu.memory_space<vmem>>
    %dma_wait3A_45 = tpu.memref_squeeze %dma_wait3A_44 : memref<1x16xi32, #tpu.memory_space<vmem>> -> memref<16xi32, #tpu.memory_space<vmem>>
    %dma_wait3A_46 = arith.constant 0 : i32
    %dma_wait3A_47 = arith.constant 0 : i32
    %dma_wait3A_48 = tpu.memref_slice %arg4[%dma_wait3A_46, %dma_wait3A_47] : memref<8200x3072xf32, #tpu.memory_space<hbm>> -> memref<8200x3072xf32, #tpu.memory_space<hbm>>
    tpu.wait_indirect_dma semaphore(%arg7 : memref<!tpu.dma_semaphore, #tpu.memory_space<semaphore_mem>>) src(%arg6 : memref<16x3072xf32, #tpu.memory_space<vmem>>) dst(%dma_wait3A_48 : memref<8200x3072xf32, #tpu.memory_space<hbm>>)
    %add3A_49 = arith.constant 48 : i32
    %add3A_50 = arith.addi %mul3A_2, %add3A_49 : i32
    "tpu.region"() ({
      %run_scoped3A = tpu.sem_alloc : memref<!tpu.dma_semaphore, #tpu.memory_space<semaphore_mem>>
      %dma_start3A_273 = arith.constant 0 : i32
      %dma_start3A_274 = tpu.memref_slice %arg2[%add3A_50, %dma_start3A_273] : memref<8704x3072xf32, #tpu.memory_space<hbm>> -> memref<16x3072xf32, #tpu.memory_space<hbm>>
      %dma_start3A_275 = arith.constant 0 : i32
      %dma_start3A_276 = tpu.memref_slice %arg2[%add3A_50, %dma_start3A_275] : memref<8704x3072xf32, #tpu.memory_space<hbm>> -> memref<16x3072xf32, #tpu.memory_space<hbm>>
      tpu.enqueue_dma source(%dma_start3A_276 : memref<16x3072xf32, #tpu.memory_space<hbm>>) target(%arg6 : memref<16x3072xf32, #tpu.memory_space<vmem>>) target_semaphore(%run_scoped3A : memref<!tpu.dma_semaphore, #tpu.memory_space<semaphore_mem>>)
      %dma_wait3A_277 = arith.constant 0 : i32
      %dma_wait3A_278 = tpu.memref_slice %arg2[%add3A_50, %dma_wait3A_277] : memref<8704x3072xf32, #tpu.memory_space<hbm>> -> memref<16x3072xf32, #tpu.memory_space<hbm>>
      %dma_wait3A_279 = arith.constant 0 : i32
      %dma_wait3A_280 = tpu.memref_slice %arg2[%add3A_50, %dma_wait3A_279] : memref<8704x3072xf32, #tpu.memory_space<hbm>> -> memref<16x3072xf32, #tpu.memory_space<hbm>>
      tpu.wait_dma2 semaphore(%run_scoped3A : memref<!tpu.dma_semaphore, #tpu.memory_space<semaphore_mem>>) src(%dma_wait3A_280 : memref<16x3072xf32, #tpu.memory_space<hbm>>) dst(%arg6 : memref<16x3072xf32, #tpu.memory_space<vmem>>)
      tpu.yield
    }) : () -> ()
    %dma_start3A_51 = arith.constant 3 : i32
    %dma_start3A_52 = arith.constant 0 : i32
    %dma_start3A_53 = tpu.memref_slice %arg5[%dma_start3A_51, %dma_start3A_52] : memref<17x16xi32, #tpu.memory_space<vmem>> -> memref<1x16xi32, #tpu.memory_space<vmem>>
    %dma_start3A_54 = tpu.memref_squeeze %dma_start3A_53 : memref<1x16xi32, #tpu.memory_space<vmem>> -> memref<16xi32, #tpu.memory_space<vmem>>
    %dma_start3A_55 = arith.constant 0 : i32
    %dma_start3A_56 = arith.constant 0 : i32
    %dma_start3A_57 = tpu.memref_slice %arg4[%dma_start3A_55, %dma_start3A_56] : memref<8200x3072xf32, #tpu.memory_space<hbm>> -> memref<8200x3072xf32, #tpu.memory_space<hbm>>
    tpu.enqueue_indirect_dma source(%arg6 : memref<16x3072xf32, #tpu.memory_space<vmem>>) target(%dma_start3A_57 : memref<8200x3072xf32, #tpu.memory_space<hbm>>) offsets(%dma_start3A_54 : memref<16xi32, #tpu.memory_space<vmem>>) semaphore(%arg7 : memref<!tpu.dma_semaphore, #tpu.memory_space<semaphore_mem>>)
    %dma_wait3A_58 = arith.constant 3 : i32
    %dma_wait3A_59 = arith.constant 0 : i32
    %dma_wait3A_60 = tpu.memref_slice %arg5[%dma_wait3A_58, %dma_wait3A_59] : memref<17x16xi32, #tpu.memory_space<vmem>> -> memref<1x16xi32, #tpu.memory_space<vmem>>
    %dma_wait3A_61 = tpu.memref_squeeze %dma_wait3A_60 : memref<1x16xi32, #tpu.memory_space<vmem>> -> memref<16xi32, #tpu.memory_space<vmem>>
    %dma_wait3A_62 = arith.constant 0 : i32
    %dma_wait3A_63 = arith.constant 0 : i32
    %dma_wait3A_64 = tpu.memref_slice %arg4[%dma_wait3A_62, %dma_wait3A_63] : memref<8200x3072xf32, #tpu.memory_space<hbm>> -> memref<8200x3072xf32, #tpu.memory_space<hbm>>
    tpu.wait_indirect_dma semaphore(%arg7 : memref<!tpu.dma_semaphore, #tpu.memory_space<semaphore_mem>>) src(%arg6 : memref<16x3072xf32, #tpu.memory_space<vmem>>) dst(%dma_wait3A_64 : memref<8200x3072xf32, #tpu.memory_space<hbm>>)
    %add3A_65 = arith.constant 64 : i32
    %add3A_66 = arith.addi %mul3A_2, %add3A_65 : i32
    "tpu.region"() ({
      %run_scoped3A = tpu.sem_alloc : memref<!tpu.dma_semaphore, #tpu.memory_space<semaphore_mem>>
      %dma_start3A_273 = arith.constant 0 : i32
      %dma_start3A_274 = tpu.memref_slice %arg2[%add3A_66, %dma_start3A_273] : memref<8704x3072xf32, #tpu.memory_space<hbm>> -> memref<16x3072xf32, #tpu.memory_space<hbm>>
      %dma_start3A_275 = arith.constant 0 : i32
      %dma_start3A_276 = tpu.memref_slice %arg2[%add3A_66, %dma_start3A_275] : memref<8704x3072xf32, #tpu.memory_space<hbm>> -> memref<16x3072xf32, #tpu.memory_space<hbm>>
      tpu.enqueue_dma source(%dma_start3A_276 : memref<16x3072xf32, #tpu.memory_space<hbm>>) target(%arg6 : memref<16x3072xf32, #tpu.memory_space<vmem>>) target_semaphore(%run_scoped3A : memref<!tpu.dma_semaphore, #tpu.memory_space<semaphore_mem>>)
      %dma_wait3A_277 = arith.constant 0 : i32
      %dma_wait3A_278 = tpu.memref_slice %arg2[%add3A_66, %dma_wait3A_277] : memref<8704x3072xf32, #tpu.memory_space<hbm>> -> memref<16x3072xf32, #tpu.memory_space<hbm>>
      %dma_wait3A_279 = arith.constant 0 : i32
      %dma_wait3A_280 = tpu.memref_slice %arg2[%add3A_66, %dma_wait3A_279] : memref<8704x3072xf32, #tpu.memory_space<hbm>> -> memref<16x3072xf32, #tpu.memory_space<hbm>>
      tpu.wait_dma2 semaphore(%run_scoped3A : memref<!tpu.dma_semaphore, #tpu.memory_space<semaphore_mem>>) src(%dma_wait3A_280 : memref<16x3072xf32, #tpu.memory_space<hbm>>) dst(%arg6 : memref<16x3072xf32, #tpu.memory_space<vmem>>)
      tpu.yield
    }) : () -> ()
    %dma_start3A_67 = arith.constant 4 : i32
    %dma_start3A_68 = arith.constant 0 : i32
    %dma_start3A_69 = tpu.memref_slice %arg5[%dma_start3A_67, %dma_start3A_68] : memref<17x16xi32, #tpu.memory_space<vmem>> -> memref<1x16xi32, #tpu.memory_space<vmem>>
    %dma_start3A_70 = tpu.memref_squeeze %dma_start3A_69 : memref<1x16xi32, #tpu.memory_space<vmem>> -> memref<16xi32, #tpu.memory_space<vmem>>
    %dma_start3A_71 = arith.constant 0 : i32
    %dma_start3A_72 = arith.constant 0 : i32
    %dma_start3A_73 = tpu.memref_slice %arg4[%dma_start3A_71, %dma_start3A_72] : memref<8200x3072xf32, #tpu.memory_space<hbm>> -> memref<8200x3072xf32, #tpu.memory_space<hbm>>
    tpu.enqueue_indirect_dma source(%arg6 : memref<16x3072xf32, #tpu.memory_space<vmem>>) target(%dma_start3A_73 : memref<8200x3072xf32, #tpu.memory_space<hbm>>) offsets(%dma_start3A_70 : memref<16xi32, #tpu.memory_space<vmem>>) semaphore(%arg7 : memref<!tpu.dma_semaphore, #tpu.memory_space<semaphore_mem>>)
    %dma_wait3A_74 = arith.constant 4 : i32
    %dma_wait3A_75 = arith.constant 0 : i32
    %dma_wait3A_76 = tpu.memref_slice %arg5[%dma_wait3A_74, %dma_wait3A_75] : memref<17x16xi32, #tpu.memory_space<vmem>> -> memref<1x16xi32, #tpu.memory_space<vmem>>
    %dma_wait3A_77 = tpu.memref_squeeze %dma_wait3A_76 : memref<1x16xi32, #tpu.memory_space<vmem>> -> memref<16xi32, #tpu.memory_space<vmem>>
    %dma_wait3A_78 = arith.constant 0 : i32
    %dma_wait3A_79 = arith.constant 0 : i32
    %dma_wait3A_80 = tpu.memref_slice %arg4[%dma_wait3A_78, %dma_wait3A_79] : memref<8200x3072xf32, #tpu.memory_space<hbm>> -> memref<8200x3072xf32, #tpu.memory_space<hbm>>
    tpu.wait_indirect_dma semaphore(%arg7 : memref<!tpu.dma_semaphore, #tpu.memory_space<semaphore_mem>>) src(%arg6 : memref<16x3072xf32, #tpu.memory_space<vmem>>) dst(%dma_wait3A_80 : memref<8200x3072xf32, #tpu.memory_space<hbm>>)
    %add3A_81 = arith.constant 80 : i32
    %add3A_82 = arith.addi %mul3A_2, %add3A_81 : i32
    "tpu.region"() ({
      %run_scoped3A = tpu.sem_alloc : memref<!tpu.dma_semaphore, #tpu.memory_space<semaphore_mem>>
      %dma_start3A_273 = arith.constant 0 : i32
      %dma_start3A_274 = tpu.memref_slice %arg2[%add3A_82, %dma_start3A_273] : memref<8704x3072xf32, #tpu.memory_space<hbm>> -> memref<16x3072xf32, #tpu.memory_space<hbm>>
      %dma_start3A_275 = arith.constant 0 : i32
      %dma_start3A_276 = tpu.memref_slice %arg2[%add3A_82, %dma_start3A_275] : memref<8704x3072xf32, #tpu.memory_space<hbm>> -> memref<16x3072xf32, #tpu.memory_space<hbm>>
      tpu.enqueue_dma source(%dma_start3A_276 : memref<16x3072xf32, #tpu.memory_space<hbm>>) target(%arg6 : memref<16x3072xf32, #tpu.memory_space<vmem>>) target_semaphore(%run_scoped3A : memref<!tpu.dma_semaphore, #tpu.memory_space<semaphore_mem>>)
      %dma_wait3A_277 = arith.constant 0 : i32
      %dma_wait3A_278 = tpu.memref_slice %arg2[%add3A_82, %dma_wait3A_277] : memref<8704x3072xf32, #tpu.memory_space<hbm>> -> memref<16x3072xf32, #tpu.memory_space<hbm>>
      %dma_wait3A_279 = arith.constant 0 : i32
      %dma_wait3A_280 = tpu.memref_slice %arg2[%add3A_82, %dma_wait3A_279] : memref<8704x3072xf32, #tpu.memory_space<hbm>> -> memref<16x3072xf32, #tpu.memory_space<hbm>>
      tpu.wait_dma2 semaphore(%run_scoped3A : memref<!tpu.dma_semaphore, #tpu.memory_space<semaphore_mem>>) src(%dma_wait3A_280 : memref<16x3072xf32, #tpu.memory_space<hbm>>) dst(%arg6 : memref<16x3072xf32, #tpu.memory_space<vmem>>)
      tpu.yield
    }) : () -> ()
    %dma_start3A_83 = arith.constant 5 : i32
    %dma_start3A_84 = arith.constant 0 : i32
    %dma_start3A_85 = tpu.memref_slice %arg5[%dma_start3A_83, %dma_start3A_84] : memref<17x16xi32, #tpu.memory_space<vmem>> -> memref<1x16xi32, #tpu.memory_space<vmem>>
    %dma_start3A_86 = tpu.memref_squeeze %dma_start3A_85 : memref<1x16xi32, #tpu.memory_space<vmem>> -> memref<16xi32, #tpu.memory_space<vmem>>
    %dma_start3A_87 = arith.constant 0 : i32
    %dma_start3A_88 = arith.constant 0 : i32
    %dma_start3A_89 = tpu.memref_slice %arg4[%dma_start3A_87, %dma_start3A_88] : memref<8200x3072xf32, #tpu.memory_space<hbm>> -> memref<8200x3072xf32, #tpu.memory_space<hbm>>
    tpu.enqueue_indirect_dma source(%arg6 : memref<16x3072xf32, #tpu.memory_space<vmem>>) target(%dma_start3A_89 : memref<8200x3072xf32, #tpu.memory_space<hbm>>) offsets(%dma_start3A_86 : memref<16xi32, #tpu.memory_space<vmem>>) semaphore(%arg7 : memref<!tpu.dma_semaphore, #tpu.memory_space<semaphore_mem>>)
    %dma_wait3A_90 = arith.constant 5 : i32
    %dma_wait3A_91 = arith.constant 0 : i32
    %dma_wait3A_92 = tpu.memref_slice %arg5[%dma_wait3A_90, %dma_wait3A_91] : memref<17x16xi32, #tpu.memory_space<vmem>> -> memref<1x16xi32, #tpu.memory_space<vmem>>
    %dma_wait3A_93 = tpu.memref_squeeze %dma_wait3A_92 : memref<1x16xi32, #tpu.memory_space<vmem>> -> memref<16xi32, #tpu.memory_space<vmem>>
    %dma_wait3A_94 = arith.constant 0 : i32
    %dma_wait3A_95 = arith.constant 0 : i32
    %dma_wait3A_96 = tpu.memref_slice %arg4[%dma_wait3A_94, %dma_wait3A_95] : memref<8200x3072xf32, #tpu.memory_space<hbm>> -> memref<8200x3072xf32, #tpu.memory_space<hbm>>
    tpu.wait_indirect_dma semaphore(%arg7 : memref<!tpu.dma_semaphore, #tpu.memory_space<semaphore_mem>>) src(%arg6 : memref<16x3072xf32, #tpu.memory_space<vmem>>) dst(%dma_wait3A_96 : memref<8200x3072xf32, #tpu.memory_space<hbm>>)
    %add3A_97 = arith.constant 96 : i32
    %add3A_98 = arith.addi %mul3A_2, %add3A_97 : i32
    "tpu.region"() ({
      %run_scoped3A = tpu.sem_alloc : memref<!tpu.dma_semaphore, #tpu.memory_space<semaphore_mem>>
      %dma_start3A_273 = arith.constant 0 : i32
      %dma_start3A_274 = tpu.memref_slice %arg2[%add3A_98, %dma_start3A_273] : memref<8704x3072xf32, #tpu.memory_space<hbm>> -> memref<16x3072xf32, #tpu.memory_space<hbm>>
      %dma_start3A_275 = arith.constant 0 : i32
      %dma_start3A_276 = tpu.memref_slice %arg2[%add3A_98, %dma_start3A_275] : memref<8704x3072xf32, #tpu.memory_space<hbm>> -> memref<16x3072xf32, #tpu.memory_space<hbm>>
      tpu.enqueue_dma source(%dma_start3A_276 : memref<16x3072xf32, #tpu.memory_space<hbm>>) target(%arg6 : memref<16x3072xf32, #tpu.memory_space<vmem>>) target_semaphore(%run_scoped3A : memref<!tpu.dma_semaphore, #tpu.memory_space<semaphore_mem>>)
      %dma_wait3A_277 = arith.constant 0 : i32
      %dma_wait3A_278 = tpu.memref_slice %arg2[%add3A_98, %dma_wait3A_277] : memref<8704x3072xf32, #tpu.memory_space<hbm>> -> memref<16x3072xf32, #tpu.memory_space<hbm>>
      %dma_wait3A_279 = arith.constant 0 : i32
      %dma_wait3A_280 = tpu.memref_slice %arg2[%add3A_98, %dma_wait3A_279] : memref<8704x3072xf32, #tpu.memory_space<hbm>> -> memref<16x3072xf32, #tpu.memory_space<hbm>>
      tpu.wait_dma2 semaphore(%run_scoped3A : memref<!tpu.dma_semaphore, #tpu.memory_space<semaphore_mem>>) src(%dma_wait3A_280 : memref<16x3072xf32, #tpu.memory_space<hbm>>) dst(%arg6 : memref<16x3072xf32, #tpu.memory_space<vmem>>)
      tpu.yield
    }) : () -> ()
    %dma_start3A_99 = arith.constant 6 : i32
    %dma_start3A_100 = arith.constant 0 : i32
    %dma_start3A_101 = tpu.memref_slice %arg5[%dma_start3A_99, %dma_start3A_100] : memref<17x16xi32, #tpu.memory_space<vmem>> -> memref<1x16xi32, #tpu.memory_space<vmem>>
    %dma_start3A_102 = tpu.memref_squeeze %dma_start3A_101 : memref<1x16xi32, #tpu.memory_space<vmem>> -> memref<16xi32, #tpu.memory_space<vmem>>
    %dma_start3A_103 = arith.constant 0 : i32
    %dma_start3A_104 = arith.constant 0 : i32
    %dma_start3A_105 = tpu.memref_slice %arg4[%dma_start3A_103, %dma_start3A_104] : memref<8200x3072xf32, #tpu.memory_space<hbm>> -> memref<8200x3072xf32, #tpu.memory_space<hbm>>
    tpu.enqueue_indirect_dma source(%arg6 : memref<16x3072xf32, #tpu.memory_space<vmem>>) target(%dma_start3A_105 : memref<8200x3072xf32, #tpu.memory_space<hbm>>) offsets(%dma_start3A_102 : memref<16xi32, #tpu.memory_space<vmem>>) semaphore(%arg7 : memref<!tpu.dma_semaphore, #tpu.memory_space<semaphore_mem>>)
    %dma_wait3A_106 = arith.constant 6 : i32
    %dma_wait3A_107 = arith.constant 0 : i32
    %dma_wait3A_108 = tpu.memref_slice %arg5[%dma_wait3A_106, %dma_wait3A_107] : memref<17x16xi32, #tpu.memory_space<vmem>> -> memref<1x16xi32, #tpu.memory_space<vmem>>
    %dma_wait3A_109 = tpu.memref_squeeze %dma_wait3A_108 : memref<1x16xi32, #tpu.memory_space<vmem>> -> memref<16xi32, #tpu.memory_space<vmem>>
    %dma_wait3A_110 = arith.constant 0 : i32
    %dma_wait3A_111 = arith.constant 0 : i32
    %dma_wait3A_112 = tpu.memref_slice %arg4[%dma_wait3A_110, %dma_wait3A_111] : memref<8200x3072xf32, #tpu.memory_space<hbm>> -> memref<8200x3072xf32, #tpu.memory_space<hbm>>
    tpu.wait_indirect_dma semaphore(%arg7 : memref<!tpu.dma_semaphore, #tpu.memory_space<semaphore_mem>>) src(%arg6 : memref<16x3072xf32, #tpu.memory_space<vmem>>) dst(%dma_wait3A_112 : memref<8200x3072xf32, #tpu.memory_space<hbm>>)
    %add3A_113 = arith.constant 112 : i32
    %add3A_114 = arith.addi %mul3A_2, %add3A_113 : i32
    "tpu.region"() ({
      %run_scoped3A = tpu.sem_alloc : memref<!tpu.dma_semaphore, #tpu.memory_space<semaphore_mem>>
      %dma_start3A_273 = arith.constant 0 : i32
      %dma_start3A_274 = tpu.memref_slice %arg2[%add3A_114, %dma_start3A_273] : memref<8704x3072xf32, #tpu.memory_space<hbm>> -> memref<16x3072xf32, #tpu.memory_space<hbm>>
      %dma_start3A_275 = arith.constant 0 : i32
      %dma_start3A_276 = tpu.memref_slice %arg2[%add3A_114, %dma_start3A_275] : memref<8704x3072xf32, #tpu.memory_space<hbm>> -> memref<16x3072xf32, #tpu.memory_space<hbm>>
      tpu.enqueue_dma source(%dma_start3A_276 : memref<16x3072xf32, #tpu.memory_space<hbm>>) target(%arg6 : memref<16x3072xf32, #tpu.memory_space<vmem>>) target_semaphore(%run_scoped3A : memref<!tpu.dma_semaphore, #tpu.memory_space<semaphore_mem>>)
      %dma_wait3A_277 = arith.constant 0 : i32
      %dma_wait3A_278 = tpu.memref_slice %arg2[%add3A_114, %dma_wait3A_277] : memref<8704x3072xf32, #tpu.memory_space<hbm>> -> memref<16x3072xf32, #tpu.memory_space<hbm>>
      %dma_wait3A_279 = arith.constant 0 : i32
      %dma_wait3A_280 = tpu.memref_slice %arg2[%add3A_114, %dma_wait3A_279] : memref<8704x3072xf32, #tpu.memory_space<hbm>> -> memref<16x3072xf32, #tpu.memory_space<hbm>>
      tpu.wait_dma2 semaphore(%run_scoped3A : memref<!tpu.dma_semaphore, #tpu.memory_space<semaphore_mem>>) src(%dma_wait3A_280 : memref<16x3072xf32, #tpu.memory_space<hbm>>) dst(%arg6 : memref<16x3072xf32, #tpu.memory_space<vmem>>)
      tpu.yield
    }) : () -> ()
    %dma_start3A_115 = arith.constant 7 : i32
    %dma_start3A_116 = arith.constant 0 : i32
    %dma_start3A_117 = tpu.memref_slice %arg5[%dma_start3A_115, %dma_start3A_116] : memref<17x16xi32, #tpu.memory_space<vmem>> -> memref<1x16xi32, #tpu.memory_space<vmem>>
    %dma_start3A_118 = tpu.memref_squeeze %dma_start3A_117 : memref<1x16xi32, #tpu.memory_space<vmem>> -> memref<16xi32, #tpu.memory_space<vmem>>
    %dma_start3A_119 = arith.constant 0 : i32
    %dma_start3A_120 = arith.constant 0 : i32
    %dma_start3A_121 = tpu.memref_slice %arg4[%dma_start3A_119, %dma_start3A_120] : memref<8200x3072xf32, #tpu.memory_space<hbm>> -> memref<8200x3072xf32, #tpu.memory_space<hbm>>
    tpu.enqueue_indirect_dma source(%arg6 : memref<16x3072xf32, #tpu.memory_space<vmem>>) target(%dma_start3A_121 : memref<8200x3072xf32, #tpu.memory_space<hbm>>) offsets(%dma_start3A_118 : memref<16xi32, #tpu.memory_space<vmem>>) semaphore(%arg7 : memref<!tpu.dma_semaphore, #tpu.memory_space<semaphore_mem>>)
    %dma_wait3A_122 = arith.constant 7 : i32
    %dma_wait3A_123 = arith.constant 0 : i32
    %dma_wait3A_124 = tpu.memref_slice %arg5[%dma_wait3A_122, %dma_wait3A_123] : memref<17x16xi32, #tpu.memory_space<vmem>> -> memref<1x16xi32, #tpu.memory_space<vmem>>
    %dma_wait3A_125 = tpu.memref_squeeze %dma_wait3A_124 : memref<1x16xi32, #tpu.memory_space<vmem>> -> memref<16xi32, #tpu.memory_space<vmem>>
    %dma_wait3A_126 = arith.constant 0 : i32
    %dma_wait3A_127 = arith.constant 0 : i32
    %dma_wait3A_128 = tpu.memref_slice %arg4[%dma_wait3A_126, %dma_wait3A_127] : memref<8200x3072xf32, #tpu.memory_space<hbm>> -> memref<8200x3072xf32, #tpu.memory_space<hbm>>
    tpu.wait_indirect_dma semaphore(%arg7 : memref<!tpu.dma_semaphore, #tpu.memory_space<semaphore_mem>>) src(%arg6 : memref<16x3072xf32, #tpu.memory_space<vmem>>) dst(%dma_wait3A_128 : memref<8200x3072xf32, #tpu.memory_space<hbm>>)
    %add3A_129 = arith.constant 128 : i32
    %add3A_130 = arith.addi %mul3A_2, %add3A_129 : i32
    "tpu.region"() ({
      %run_scoped3A = tpu.sem_alloc : memref<!tpu.dma_semaphore, #tpu.memory_space<semaphore_mem>>
      %dma_start3A_273 = arith.constant 0 : i32
      %dma_start3A_274 = tpu.memref_slice %arg2[%add3A_130, %dma_start3A_273] : memref<8704x3072xf32, #tpu.memory_space<hbm>> -> memref<16x3072xf32, #tpu.memory_space<hbm>>
      %dma_start3A_275 = arith.constant 0 : i32
      %dma_start3A_276 = tpu.memref_slice %arg2[%add3A_130, %dma_start3A_275] : memref<8704x3072xf32, #tpu.memory_space<hbm>> -> memref<16x3072xf32, #tpu.memory_space<hbm>>
      tpu.enqueue_dma source(%dma_start3A_276 : memref<16x3072xf32, #tpu.memory_space<hbm>>) target(%arg6 : memref<16x3072xf32, #tpu.memory_space<vmem>>) target_semaphore(%run_scoped3A : memref<!tpu.dma_semaphore, #tpu.memory_space<semaphore_mem>>)
      %dma_wait3A_277 = arith.constant 0 : i32
      %dma_wait3A_278 = tpu.memref_slice %arg2[%add3A_130, %dma_wait3A_277] : memref<8704x3072xf32, #tpu.memory_space<hbm>> -> memref<16x3072xf32, #tpu.memory_space<hbm>>
      %dma_wait3A_279 = arith.constant 0 : i32
      %dma_wait3A_280 = tpu.memref_slice %arg2[%add3A_130, %dma_wait3A_279] : memref<8704x3072xf32, #tpu.memory_space<hbm>> -> memref<16x3072xf32, #tpu.memory_space<hbm>>
      tpu.wait_dma2 semaphore(%run_scoped3A : memref<!tpu.dma_semaphore, #tpu.memory_space<semaphore_mem>>) src(%dma_wait3A_280 : memref<16x3072xf32, #tpu.memory_space<hbm>>) dst(%arg6 : memref<16x3072xf32, #tpu.memory_space<vmem>>)
      tpu.yield
    }) : () -> ()
    %dma_start3A_131 = arith.constant 8 : i32
    %dma_start3A_132 = arith.constant 0 : i32
    %dma_start3A_133 = tpu.memref_slice %arg5[%dma_start3A_131, %dma_start3A_132] : memref<17x16xi32, #tpu.memory_space<vmem>> -> memref<1x16xi32, #tpu.memory_space<vmem>>
    %dma_start3A_134 = tpu.memref_squeeze %dma_start3A_133 : memref<1x16xi32, #tpu.memory_space<vmem>> -> memref<16xi32, #tpu.memory_space<vmem>>
    %dma_start3A_135 = arith.constant 0 : i32
    %dma_start3A_136 = arith.constant 0 : i32
    %dma_start3A_137 = tpu.memref_slice %arg4[%dma_start3A_135, %dma_start3A_136] : memref<8200x3072xf32, #tpu.memory_space<hbm>> -> memref<8200x3072xf32, #tpu.memory_space<hbm>>
    tpu.enqueue_indirect_dma source(%arg6 : memref<16x3072xf32, #tpu.memory_space<vmem>>) target(%dma_start3A_137 : memref<8200x3072xf32, #tpu.memory_space<hbm>>) offsets(%dma_start3A_134 : memref<16xi32, #tpu.memory_space<vmem>>) semaphore(%arg7 : memref<!tpu.dma_semaphore, #tpu.memory_space<semaphore_mem>>)
    %dma_wait3A_138 = arith.constant 8 : i32
    %dma_wait3A_139 = arith.constant 0 : i32
    %dma_wait3A_140 = tpu.memref_slice %arg5[%dma_wait3A_138, %dma_wait3A_139] : memref<17x16xi32, #tpu.memory_space<vmem>> -> memref<1x16xi32, #tpu.memory_space<vmem>>
    %dma_wait3A_141 = tpu.memref_squeeze %dma_wait3A_140 : memref<1x16xi32, #tpu.memory_space<vmem>> -> memref<16xi32, #tpu.memory_space<vmem>>
    %dma_wait3A_142 = arith.constant 0 : i32
    %dma_wait3A_143 = arith.constant 0 : i32
    %dma_wait3A_144 = tpu.memref_slice %arg4[%dma_wait3A_142, %dma_wait3A_143] : memref<8200x3072xf32, #tpu.memory_space<hbm>> -> memref<8200x3072xf32, #tpu.memory_space<hbm>>
    tpu.wait_indirect_dma semaphore(%arg7 : memref<!tpu.dma_semaphore, #tpu.memory_space<semaphore_mem>>) src(%arg6 : memref<16x3072xf32, #tpu.memory_space<vmem>>) dst(%dma_wait3A_144 : memref<8200x3072xf32, #tpu.memory_space<hbm>>)
    %add3A_145 = arith.constant 144 : i32
    %add3A_146 = arith.addi %mul3A_2, %add3A_145 : i32
    "tpu.region"() ({
      %run_scoped3A = tpu.sem_alloc : memref<!tpu.dma_semaphore, #tpu.memory_space<semaphore_mem>>
      %dma_start3A_273 = arith.constant 0 : i32
      %dma_start3A_274 = tpu.memref_slice %arg2[%add3A_146, %dma_start3A_273] : memref<8704x3072xf32, #tpu.memory_space<hbm>> -> memref<16x3072xf32, #tpu.memory_space<hbm>>
      %dma_start3A_275 = arith.constant 0 : i32
      %dma_start3A_276 = tpu.memref_slice %arg2[%add3A_146, %dma_start3A_275] : memref<8704x3072xf32, #tpu.memory_space<hbm>> -> memref<16x3072xf32, #tpu.memory_space<hbm>>
      tpu.enqueue_dma source(%dma_start3A_276 : memref<16x3072xf32, #tpu.memory_space<hbm>>) target(%arg6 : memref<16x3072xf32, #tpu.memory_space<vmem>>) target_semaphore(%run_scoped3A : memref<!tpu.dma_semaphore, #tpu.memory_space<semaphore_mem>>)
      %dma_wait3A_277 = arith.constant 0 : i32
      %dma_wait3A_278 = tpu.memref_slice %arg2[%add3A_146, %dma_wait3A_277] : memref<8704x3072xf32, #tpu.memory_space<hbm>> -> memref<16x3072xf32, #tpu.memory_space<hbm>>
      %dma_wait3A_279 = arith.constant 0 : i32
      %dma_wait3A_280 = tpu.memref_slice %arg2[%add3A_146, %dma_wait3A_279] : memref<8704x3072xf32, #tpu.memory_space<hbm>> -> memref<16x3072xf32, #tpu.memory_space<hbm>>
      tpu.wait_dma2 semaphore(%run_scoped3A : memref<!tpu.dma_semaphore, #tpu.memory_space<semaphore_mem>>) src(%dma_wait3A_280 : memref<16x3072xf32, #tpu.memory_space<hbm>>) dst(%arg6 : memref<16x3072xf32, #tpu.memory_space<vmem>>)
      tpu.yield
    }) : () -> ()
    %dma_start3A_147 = arith.constant 9 : i32
    %dma_start3A_148 = arith.constant 0 : i32
    %dma_start3A_149 = tpu.memref_slice %arg5[%dma_start3A_147, %dma_start3A_148] : memref<17x16xi32, #tpu.memory_space<vmem>> -> memref<1x16xi32, #tpu.memory_space<vmem>>
    %dma_start3A_150 = tpu.memref_squeeze %dma_start3A_149 : memref<1x16xi32, #tpu.memory_space<vmem>> -> memref<16xi32, #tpu.memory_space<vmem>>
    %dma_start3A_151 = arith.constant 0 : i32
    %dma_start3A_152 = arith.constant 0 : i32
    %dma_start3A_153 = tpu.memref_slice %arg4[%dma_start3A_151, %dma_start3A_152] : memref<8200x3072xf32, #tpu.memory_space<hbm>> -> memref<8200x3072xf32, #tpu.memory_space<hbm>>
    tpu.enqueue_indirect_dma source(%arg6 : memref<16x3072xf32, #tpu.memory_space<vmem>>) target(%dma_start3A_153 : memref<8200x3072xf32, #tpu.memory_space<hbm>>) offsets(%dma_start3A_150 : memref<16xi32, #tpu.memory_space<vmem>>) semaphore(%arg7 : memref<!tpu.dma_semaphore, #tpu.memory_space<semaphore_mem>>)
    %dma_wait3A_154 = arith.constant 9 : i32
    %dma_wait3A_155 = arith.constant 0 : i32
    %dma_wait3A_156 = tpu.memref_slice %arg5[%dma_wait3A_154, %dma_wait3A_155] : memref<17x16xi32, #tpu.memory_space<vmem>> -> memref<1x16xi32, #tpu.memory_space<vmem>>
    %dma_wait3A_157 = tpu.memref_squeeze %dma_wait3A_156 : memref<1x16xi32, #tpu.memory_space<vmem>> -> memref<16xi32, #tpu.memory_space<vmem>>
    %dma_wait3A_158 = arith.constant 0 : i32
    %dma_wait3A_159 = arith.constant 0 : i32
    %dma_wait3A_160 = tpu.memref_slice %arg4[%dma_wait3A_158, %dma_wait3A_159] : memref<8200x3072xf32, #tpu.memory_space<hbm>> -> memref<8200x3072xf32, #tpu.memory_space<hbm>>
    tpu.wait_indirect_dma semaphore(%arg7 : memref<!tpu.dma_semaphore, #tpu.memory_space<semaphore_mem>>) src(%arg6 : memref<16x3072xf32, #tpu.memory_space<vmem>>) dst(%dma_wait3A_160 : memref<8200x3072xf32, #tpu.memory_space<hbm>>)
    %add3A_161 = arith.constant 160 : i32
    %add3A_162 = arith.addi %mul3A_2, %add3A_161 : i32
    "tpu.region"() ({
      %run_scoped3A = tpu.sem_alloc : memref<!tpu.dma_semaphore, #tpu.memory_space<semaphore_mem>>
      %dma_start3A_273 = arith.constant 0 : i32
      %dma_start3A_274 = tpu.memref_slice %arg2[%add3A_162, %dma_start3A_273] : memref<8704x3072xf32, #tpu.memory_space<hbm>> -> memref<16x3072xf32, #tpu.memory_space<hbm>>
      %dma_start3A_275 = arith.constant 0 : i32
      %dma_start3A_276 = tpu.memref_slice %arg2[%add3A_162, %dma_start3A_275] : memref<8704x3072xf32, #tpu.memory_space<hbm>> -> memref<16x3072xf32, #tpu.memory_space<hbm>>
      tpu.enqueue_dma source(%dma_start3A_276 : memref<16x3072xf32, #tpu.memory_space<hbm>>) target(%arg6 : memref<16x3072xf32, #tpu.memory_space<vmem>>) target_semaphore(%run_scoped3A : memref<!tpu.dma_semaphore, #tpu.memory_space<semaphore_mem>>)
      %dma_wait3A_277 = arith.constant 0 : i32
      %dma_wait3A_278 = tpu.memref_slice %arg2[%add3A_162, %dma_wait3A_277] : memref<8704x3072xf32, #tpu.memory_space<hbm>> -> memref<16x3072xf32, #tpu.memory_space<hbm>>
      %dma_wait3A_279 = arith.constant 0 : i32
      %dma_wait3A_280 = tpu.memref_slice %arg2[%add3A_162, %dma_wait3A_279] : memref<8704x3072xf32, #tpu.memory_space<hbm>> -> memref<16x3072xf32, #tpu.memory_space<hbm>>
      tpu.wait_dma2 semaphore(%run_scoped3A : memref<!tpu.dma_semaphore, #tpu.memory_space<semaphore_mem>>) src(%dma_wait3A_280 : memref<16x3072xf32, #tpu.memory_space<hbm>>) dst(%arg6 : memref<16x3072xf32, #tpu.memory_space<vmem>>)
      tpu.yield
    }) : () -> ()
    %dma_start3A_163 = arith.constant 10 : i32
    %dma_start3A_164 = arith.constant 0 : i32
    %dma_start3A_165 = tpu.memref_slice %arg5[%dma_start3A_163, %dma_start3A_164] : memref<17x16xi32, #tpu.memory_space<vmem>> -> memref<1x16xi32, #tpu.memory_space<vmem>>
    %dma_start3A_166 = tpu.memref_squeeze %dma_start3A_165 : memref<1x16xi32, #tpu.memory_space<vmem>> -> memref<16xi32, #tpu.memory_space<vmem>>
    %dma_start3A_167 = arith.constant 0 : i32
    %dma_start3A_168 = arith.constant 0 : i32
    %dma_start3A_169 = tpu.memref_slice %arg4[%dma_start3A_167, %dma_start3A_168] : memref<8200x3072xf32, #tpu.memory_space<hbm>> -> memref<8200x3072xf32, #tpu.memory_space<hbm>>
    tpu.enqueue_indirect_dma source(%arg6 : memref<16x3072xf32, #tpu.memory_space<vmem>>) target(%dma_start3A_169 : memref<8200x3072xf32, #tpu.memory_space<hbm>>) offsets(%dma_start3A_166 : memref<16xi32, #tpu.memory_space<vmem>>) semaphore(%arg7 : memref<!tpu.dma_semaphore, #tpu.memory_space<semaphore_mem>>)
    %dma_wait3A_170 = arith.constant 10 : i32
    %dma_wait3A_171 = arith.constant 0 : i32
    %dma_wait3A_172 = tpu.memref_slice %arg5[%dma_wait3A_170, %dma_wait3A_171] : memref<17x16xi32, #tpu.memory_space<vmem>> -> memref<1x16xi32, #tpu.memory_space<vmem>>
    %dma_wait3A_173 = tpu.memref_squeeze %dma_wait3A_172 : memref<1x16xi32, #tpu.memory_space<vmem>> -> memref<16xi32, #tpu.memory_space<vmem>>
    %dma_wait3A_174 = arith.constant 0 : i32
    %dma_wait3A_175 = arith.constant 0 : i32
    %dma_wait3A_176 = tpu.memref_slice %arg4[%dma_wait3A_174, %dma_wait3A_175] : memref<8200x3072xf32, #tpu.memory_space<hbm>> -> memref<8200x3072xf32, #tpu.memory_space<hbm>>
    tpu.wait_indirect_dma semaphore(%arg7 : memref<!tpu.dma_semaphore, #tpu.memory_space<semaphore_mem>>) src(%arg6 : memref<16x3072xf32, #tpu.memory_space<vmem>>) dst(%dma_wait3A_176 : memref<8200x3072xf32, #tpu.memory_space<hbm>>)
    %add3A_177 = arith.constant 176 : i32
    %add3A_178 = arith.addi %mul3A_2, %add3A_177 : i32
    "tpu.region"() ({
      %run_scoped3A = tpu.sem_alloc : memref<!tpu.dma_semaphore, #tpu.memory_space<semaphore_mem>>
      %dma_start3A_273 = arith.constant 0 : i32
      %dma_start3A_274 = tpu.memref_slice %arg2[%add3A_178, %dma_start3A_273] : memref<8704x3072xf32, #tpu.memory_space<hbm>> -> memref<16x3072xf32, #tpu.memory_space<hbm>>
      %dma_start3A_275 = arith.constant 0 : i32
      %dma_start3A_276 = tpu.memref_slice %arg2[%add3A_178, %dma_start3A_275] : memref<8704x3072xf32, #tpu.memory_space<hbm>> -> memref<16x3072xf32, #tpu.memory_space<hbm>>
      tpu.enqueue_dma source(%dma_start3A_276 : memref<16x3072xf32, #tpu.memory_space<hbm>>) target(%arg6 : memref<16x3072xf32, #tpu.memory_space<vmem>>) target_semaphore(%run_scoped3A : memref<!tpu.dma_semaphore, #tpu.memory_space<semaphore_mem>>)
      %dma_wait3A_277 = arith.constant 0 : i32
      %dma_wait3A_278 = tpu.memref_slice %arg2[%add3A_178, %dma_wait3A_277] : memref<8704x3072xf32, #tpu.memory_space<hbm>> -> memref<16x3072xf32, #tpu.memory_space<hbm>>
      %dma_wait3A_279 = arith.constant 0 : i32
      %dma_wait3A_280 = tpu.memref_slice %arg2[%add3A_178, %dma_wait3A_279] : memref<8704x3072xf32, #tpu.memory_space<hbm>> -> memref<16x3072xf32, #tpu.memory_space<hbm>>
      tpu.wait_dma2 semaphore(%run_scoped3A : memref<!tpu.dma_semaphore, #tpu.memory_space<semaphore_mem>>) src(%dma_wait3A_280 : memref<16x3072xf32, #tpu.memory_space<hbm>>) dst(%arg6 : memref<16x3072xf32, #tpu.memory_space<vmem>>)
      tpu.yield
    }) : () -> ()
    %dma_start3A_179 = arith.constant 11 : i32
    %dma_start3A_180 = arith.constant 0 : i32
    %dma_start3A_181 = tpu.memref_slice %arg5[%dma_start3A_179, %dma_start3A_180] : memref<17x16xi32, #tpu.memory_space<vmem>> -> memref<1x16xi32, #tpu.memory_space<vmem>>
    %dma_start3A_182 = tpu.memref_squeeze %dma_start3A_181 : memref<1x16xi32, #tpu.memory_space<vmem>> -> memref<16xi32, #tpu.memory_space<vmem>>
    %dma_start3A_183 = arith.constant 0 : i32
    %dma_start3A_184 = arith.constant 0 : i32
    %dma_start3A_185 = tpu.memref_slice %arg4[%dma_start3A_183, %dma_start3A_184] : memref<8200x3072xf32, #tpu.memory_space<hbm>> -> memref<8200x3072xf32, #tpu.memory_space<hbm>>
    tpu.enqueue_indirect_dma source(%arg6 : memref<16x3072xf32, #tpu.memory_space<vmem>>) target(%dma_start3A_185 : memref<8200x3072xf32, #tpu.memory_space<hbm>>) offsets(%dma_start3A_182 : memref<16xi32, #tpu.memory_space<vmem>>) semaphore(%arg7 : memref<!tpu.dma_semaphore, #tpu.memory_space<semaphore_mem>>)
    %dma_wait3A_186 = arith.constant 11 : i32
    %dma_wait3A_187 = arith.constant 0 : i32
    %dma_wait3A_188 = tpu.memref_slice %arg5[%dma_wait3A_186, %dma_wait3A_187] : memref<17x16xi32, #tpu.memory_space<vmem>> -> memref<1x16xi32, #tpu.memory_space<vmem>>
    %dma_wait3A_189 = tpu.memref_squeeze %dma_wait3A_188 : memref<1x16xi32, #tpu.memory_space<vmem>> -> memref<16xi32, #tpu.memory_space<vmem>>
    %dma_wait3A_190 = arith.constant 0 : i32
    %dma_wait3A_191 = arith.constant 0 : i32
    %dma_wait3A_192 = tpu.memref_slice %arg4[%dma_wait3A_190, %dma_wait3A_191] : memref<8200x3072xf32, #tpu.memory_space<hbm>> -> memref<8200x3072xf32, #tpu.memory_space<hbm>>
    tpu.wait_indirect_dma semaphore(%arg7 : memref<!tpu.dma_semaphore, #tpu.memory_space<semaphore_mem>>) src(%arg6 : memref<16x3072xf32, #tpu.memory_space<vmem>>) dst(%dma_wait3A_192 : memref<8200x3072xf32, #tpu.memory_space<hbm>>)
    %add3A_193 = arith.constant 192 : i32
    %add3A_194 = arith.addi %mul3A_2, %add3A_193 : i32
    "tpu.region"() ({
      %run_scoped3A = tpu.sem_alloc : memref<!tpu.dma_semaphore, #tpu.memory_space<semaphore_mem>>
      %dma_start3A_273 = arith.constant 0 : i32
      %dma_start3A_274 = tpu.memref_slice %arg2[%add3A_194, %dma_start3A_273] : memref<8704x3072xf32, #tpu.memory_space<hbm>> -> memref<16x3072xf32, #tpu.memory_space<hbm>>
      %dma_start3A_275 = arith.constant 0 : i32
      %dma_start3A_276 = tpu.memref_slice %arg2[%add3A_194, %dma_start3A_275] : memref<8704x3072xf32, #tpu.memory_space<hbm>> -> memref<16x3072xf32, #tpu.memory_space<hbm>>
      tpu.enqueue_dma source(%dma_start3A_276 : memref<16x3072xf32, #tpu.memory_space<hbm>>) target(%arg6 : memref<16x3072xf32, #tpu.memory_space<vmem>>) target_semaphore(%run_scoped3A : memref<!tpu.dma_semaphore, #tpu.memory_space<semaphore_mem>>)
      %dma_wait3A_277 = arith.constant 0 : i32
      %dma_wait3A_278 = tpu.memref_slice %arg2[%add3A_194, %dma_wait3A_277] : memref<8704x3072xf32, #tpu.memory_space<hbm>> -> memref<16x3072xf32, #tpu.memory_space<hbm>>
      %dma_wait3A_279 = arith.constant 0 : i32
      %dma_wait3A_280 = tpu.memref_slice %arg2[%add3A_194, %dma_wait3A_279] : memref<8704x3072xf32, #tpu.memory_space<hbm>> -> memref<16x3072xf32, #tpu.memory_space<hbm>>
      tpu.wait_dma2 semaphore(%run_scoped3A : memref<!tpu.dma_semaphore, #tpu.memory_space<semaphore_mem>>) src(%dma_wait3A_280 : memref<16x3072xf32, #tpu.memory_space<hbm>>) dst(%arg6 : memref<16x3072xf32, #tpu.memory_space<vmem>>)
      tpu.yield
    }) : () -> ()
    %dma_start3A_195 = arith.constant 12 : i32
    %dma_start3A_196 = arith.constant 0 : i32
    %dma_start3A_197 = tpu.memref_slice %arg5[%dma_start3A_195, %dma_start3A_196] : memref<17x16xi32, #tpu.memory_space<vmem>> -> memref<1x16xi32, #tpu.memory_space<vmem>>
    %dma_start3A_198 = tpu.memref_squeeze %dma_start3A_197 : memref<1x16xi32, #tpu.memory_space<vmem>> -> memref<16xi32, #tpu.memory_space<vmem>>
    %dma_start3A_199 = arith.constant 0 : i32
    %dma_start3A_200 = arith.constant 0 : i32
    %dma_start3A_201 = tpu.memref_slice %arg4[%dma_start3A_199, %dma_start3A_200] : memref<8200x3072xf32, #tpu.memory_space<hbm>> -> memref<8200x3072xf32, #tpu.memory_space<hbm>>
    tpu.enqueue_indirect_dma source(%arg6 : memref<16x3072xf32, #tpu.memory_space<vmem>>) target(%dma_start3A_201 : memref<8200x3072xf32, #tpu.memory_space<hbm>>) offsets(%dma_start3A_198 : memref<16xi32, #tpu.memory_space<vmem>>) semaphore(%arg7 : memref<!tpu.dma_semaphore, #tpu.memory_space<semaphore_mem>>)
    %dma_wait3A_202 = arith.constant 12 : i32
    %dma_wait3A_203 = arith.constant 0 : i32
    %dma_wait3A_204 = tpu.memref_slice %arg5[%dma_wait3A_202, %dma_wait3A_203] : memref<17x16xi32, #tpu.memory_space<vmem>> -> memref<1x16xi32, #tpu.memory_space<vmem>>
    %dma_wait3A_205 = tpu.memref_squeeze %dma_wait3A_204 : memref<1x16xi32, #tpu.memory_space<vmem>> -> memref<16xi32, #tpu.memory_space<vmem>>
    %dma_wait3A_206 = arith.constant 0 : i32
    %dma_wait3A_207 = arith.constant 0 : i32
    %dma_wait3A_208 = tpu.memref_slice %arg4[%dma_wait3A_206, %dma_wait3A_207] : memref<8200x3072xf32, #tpu.memory_space<hbm>> -> memref<8200x3072xf32, #tpu.memory_space<hbm>>
    tpu.wait_indirect_dma semaphore(%arg7 : memref<!tpu.dma_semaphore, #tpu.memory_space<semaphore_mem>>) src(%arg6 : memref<16x3072xf32, #tpu.memory_space<vmem>>) dst(%dma_wait3A_208 : memref<8200x3072xf32, #tpu.memory_space<hbm>>)
    %add3A_209 = arith.constant 208 : i32
    %add3A_210 = arith.addi %mul3A_2, %add3A_209 : i32
    "tpu.region"() ({
      %run_scoped3A = tpu.sem_alloc : memref<!tpu.dma_semaphore, #tpu.memory_space<semaphore_mem>>
      %dma_start3A_273 = arith.constant 0 : i32
      %dma_start3A_274 = tpu.memref_slice %arg2[%add3A_210, %dma_start3A_273] : memref<8704x3072xf32, #tpu.memory_space<hbm>> -> memref<16x3072xf32, #tpu.memory_space<hbm>>
      %dma_start3A_275 = arith.constant 0 : i32
      %dma_start3A_276 = tpu.memref_slice %arg2[%add3A_210, %dma_start3A_275] : memref<8704x3072xf32, #tpu.memory_space<hbm>> -> memref<16x3072xf32, #tpu.memory_space<hbm>>
      tpu.enqueue_dma source(%dma_start3A_276 : memref<16x3072xf32, #tpu.memory_space<hbm>>) target(%arg6 : memref<16x3072xf32, #tpu.memory_space<vmem>>) target_semaphore(%run_scoped3A : memref<!tpu.dma_semaphore, #tpu.memory_space<semaphore_mem>>)
      %dma_wait3A_277 = arith.constant 0 : i32
      %dma_wait3A_278 = tpu.memref_slice %arg2[%add3A_210, %dma_wait3A_277] : memref<8704x3072xf32, #tpu.memory_space<hbm>> -> memref<16x3072xf32, #tpu.memory_space<hbm>>
      %dma_wait3A_279 = arith.constant 0 : i32
      %dma_wait3A_280 = tpu.memref_slice %arg2[%add3A_210, %dma_wait3A_279] : memref<8704x3072xf32, #tpu.memory_space<hbm>> -> memref<16x3072xf32, #tpu.memory_space<hbm>>
      tpu.wait_dma2 semaphore(%run_scoped3A : memref<!tpu.dma_semaphore, #tpu.memory_space<semaphore_mem>>) src(%dma_wait3A_280 : memref<16x3072xf32, #tpu.memory_space<hbm>>) dst(%arg6 : memref<16x3072xf32, #tpu.memory_space<vmem>>)
      tpu.yield
    }) : () -> ()
    %dma_start3A_211 = arith.constant 13 : i32
    %dma_start3A_212 = arith.constant 0 : i32
    %dma_start3A_213 = tpu.memref_slice %arg5[%dma_start3A_211, %dma_start3A_212] : memref<17x16xi32, #tpu.memory_space<vmem>> -> memref<1x16xi32, #tpu.memory_space<vmem>>
    %dma_start3A_214 = tpu.memref_squeeze %dma_start3A_213 : memref<1x16xi32, #tpu.memory_space<vmem>> -> memref<16xi32, #tpu.memory_space<vmem>>
    %dma_start3A_215 = arith.constant 0 : i32
    %dma_start3A_216 = arith.constant 0 : i32
    %dma_start3A_217 = tpu.memref_slice %arg4[%dma_start3A_215, %dma_start3A_216] : memref<8200x3072xf32, #tpu.memory_space<hbm>> -> memref<8200x3072xf32, #tpu.memory_space<hbm>>
    tpu.enqueue_indirect_dma source(%arg6 : memref<16x3072xf32, #tpu.memory_space<vmem>>) target(%dma_start3A_217 : memref<8200x3072xf32, #tpu.memory_space<hbm>>) offsets(%dma_start3A_214 : memref<16xi32, #tpu.memory_space<vmem>>) semaphore(%arg7 : memref<!tpu.dma_semaphore, #tpu.memory_space<semaphore_mem>>)
    %dma_wait3A_218 = arith.constant 13 : i32
    %dma_wait3A_219 = arith.constant 0 : i32
    %dma_wait3A_220 = tpu.memref_slice %arg5[%dma_wait3A_218, %dma_wait3A_219] : memref<17x16xi32, #tpu.memory_space<vmem>> -> memref<1x16xi32, #tpu.memory_space<vmem>>
    %dma_wait3A_221 = tpu.memref_squeeze %dma_wait3A_220 : memref<1x16xi32, #tpu.memory_space<vmem>> -> memref<16xi32, #tpu.memory_space<vmem>>
    %dma_wait3A_222 = arith.constant 0 : i32
    %dma_wait3A_223 = arith.constant 0 : i32
    %dma_wait3A_224 = tpu.memref_slice %arg4[%dma_wait3A_222, %dma_wait3A_223] : memref<8200x3072xf32, #tpu.memory_space<hbm>> -> memref<8200x3072xf32, #tpu.memory_space<hbm>>
    tpu.wait_indirect_dma semaphore(%arg7 : memref<!tpu.dma_semaphore, #tpu.memory_space<semaphore_mem>>) src(%arg6 : memref<16x3072xf32, #tpu.memory_space<vmem>>) dst(%dma_wait3A_224 : memref<8200x3072xf32, #tpu.memory_space<hbm>>)
    %add3A_225 = arith.constant 224 : i32
    %add3A_226 = arith.addi %mul3A_2, %add3A_225 : i32
    "tpu.region"() ({
      %run_scoped3A = tpu.sem_alloc : memref<!tpu.dma_semaphore, #tpu.memory_space<semaphore_mem>>
      %dma_start3A_273 = arith.constant 0 : i32
      %dma_start3A_274 = tpu.memref_slice %arg2[%add3A_226, %dma_start3A_273] : memref<8704x3072xf32, #tpu.memory_space<hbm>> -> memref<16x3072xf32, #tpu.memory_space<hbm>>
      %dma_start3A_275 = arith.constant 0 : i32
      %dma_start3A_276 = tpu.memref_slice %arg2[%add3A_226, %dma_start3A_275] : memref<8704x3072xf32, #tpu.memory_space<hbm>> -> memref<16x3072xf32, #tpu.memory_space<hbm>>
      tpu.enqueue_dma source(%dma_start3A_276 : memref<16x3072xf32, #tpu.memory_space<hbm>>) target(%arg6 : memref<16x3072xf32, #tpu.memory_space<vmem>>) target_semaphore(%run_scoped3A : memref<!tpu.dma_semaphore, #tpu.memory_space<semaphore_mem>>)
      %dma_wait3A_277 = arith.constant 0 : i32
      %dma_wait3A_278 = tpu.memref_slice %arg2[%add3A_226, %dma_wait3A_277] : memref<8704x3072xf32, #tpu.memory_space<hbm>> -> memref<16x3072xf32, #tpu.memory_space<hbm>>
      %dma_wait3A_279 = arith.constant 0 : i32
      %dma_wait3A_280 = tpu.memref_slice %arg2[%add3A_226, %dma_wait3A_279] : memref<8704x3072xf32, #tpu.memory_space<hbm>> -> memref<16x3072xf32, #tpu.memory_space<hbm>>
      tpu.wait_dma2 semaphore(%run_scoped3A : memref<!tpu.dma_semaphore, #tpu.memory_space<semaphore_mem>>) src(%dma_wait3A_280 : memref<16x3072xf32, #tpu.memory_space<hbm>>) dst(%arg6 : memref<16x3072xf32, #tpu.memory_space<vmem>>)
      tpu.yield
    }) : () -> ()
    %dma_start3A_227 = arith.constant 14 : i32
    %dma_start3A_228 = arith.constant 0 : i32
    %dma_start3A_229 = tpu.memref_slice %arg5[%dma_start3A_227, %dma_start3A_228] : memref<17x16xi32, #tpu.memory_space<vmem>> -> memref<1x16xi32, #tpu.memory_space<vmem>>
    %dma_start3A_230 = tpu.memref_squeeze %dma_start3A_229 : memref<1x16xi32, #tpu.memory_space<vmem>> -> memref<16xi32, #tpu.memory_space<vmem>>
    %dma_start3A_231 = arith.constant 0 : i32
    %dma_start3A_232 = arith.constant 0 : i32
    %dma_start3A_233 = tpu.memref_slice %arg4[%dma_start3A_231, %dma_start3A_232] : memref<8200x3072xf32, #tpu.memory_space<hbm>> -> memref<8200x3072xf32, #tpu.memory_space<hbm>>
    tpu.enqueue_indirect_dma source(%arg6 : memref<16x3072xf32, #tpu.memory_space<vmem>>) target(%dma_start3A_233 : memref<8200x3072xf32, #tpu.memory_space<hbm>>) offsets(%dma_start3A_230 : memref<16xi32, #tpu.memory_space<vmem>>) semaphore(%arg7 : memref<!tpu.dma_semaphore, #tpu.memory_space<semaphore_mem>>)
    %dma_wait3A_234 = arith.constant 14 : i32
    %dma_wait3A_235 = arith.constant 0 : i32
    %dma_wait3A_236 = tpu.memref_slice %arg5[%dma_wait3A_234, %dma_wait3A_235] : memref<17x16xi32, #tpu.memory_space<vmem>> -> memref<1x16xi32, #tpu.memory_space<vmem>>
    %dma_wait3A_237 = tpu.memref_squeeze %dma_wait3A_236 : memref<1x16xi32, #tpu.memory_space<vmem>> -> memref<16xi32, #tpu.memory_space<vmem>>
    %dma_wait3A_238 = arith.constant 0 : i32
    %dma_wait3A_239 = arith.constant 0 : i32
    %dma_wait3A_240 = tpu.memref_slice %arg4[%dma_wait3A_238, %dma_wait3A_239] : memref<8200x3072xf32, #tpu.memory_space<hbm>> -> memref<8200x3072xf32, #tpu.memory_space<hbm>>
    tpu.wait_indirect_dma semaphore(%arg7 : memref<!tpu.dma_semaphore, #tpu.memory_space<semaphore_mem>>) src(%arg6 : memref<16x3072xf32, #tpu.memory_space<vmem>>) dst(%dma_wait3A_240 : memref<8200x3072xf32, #tpu.memory_space<hbm>>)
    %add3A_241 = arith.constant 240 : i32
    %add3A_242 = arith.addi %mul3A_2, %add3A_241 : i32
    "tpu.region"() ({
      %run_scoped3A = tpu.sem_alloc : memref<!tpu.dma_semaphore, #tpu.memory_space<semaphore_mem>>
      %dma_start3A_273 = arith.constant 0 : i32
      %dma_start3A_274 = tpu.memref_slice %arg2[%add3A_242, %dma_start3A_273] : memref<8704x3072xf32, #tpu.memory_space<hbm>> -> memref<16x3072xf32, #tpu.memory_space<hbm>>
      %dma_start3A_275 = arith.constant 0 : i32
      %dma_start3A_276 = tpu.memref_slice %arg2[%add3A_242, %dma_start3A_275] : memref<8704x3072xf32, #tpu.memory_space<hbm>> -> memref<16x3072xf32, #tpu.memory_space<hbm>>
      tpu.enqueue_dma source(%dma_start3A_276 : memref<16x3072xf32, #tpu.memory_space<hbm>>) target(%arg6 : memref<16x3072xf32, #tpu.memory_space<vmem>>) target_semaphore(%run_scoped3A : memref<!tpu.dma_semaphore, #tpu.memory_space<semaphore_mem>>)
      %dma_wait3A_277 = arith.constant 0 : i32
      %dma_wait3A_278 = tpu.memref_slice %arg2[%add3A_242, %dma_wait3A_277] : memref<8704x3072xf32, #tpu.memory_space<hbm>> -> memref<16x3072xf32, #tpu.memory_space<hbm>>
      %dma_wait3A_279 = arith.constant 0 : i32
      %dma_wait3A_280 = tpu.memref_slice %arg2[%add3A_242, %dma_wait3A_279] : memref<8704x3072xf32, #tpu.memory_space<hbm>> -> memref<16x3072xf32, #tpu.memory_space<hbm>>
      tpu.wait_dma2 semaphore(%run_scoped3A : memref<!tpu.dma_semaphore, #tpu.memory_space<semaphore_mem>>) src(%dma_wait3A_280 : memref<16x3072xf32, #tpu.memory_space<hbm>>) dst(%arg6 : memref<16x3072xf32, #tpu.memory_space<vmem>>)
      tpu.yield
    }) : () -> ()
    %dma_start3A_243 = arith.constant 15 : i32
    %dma_start3A_244 = arith.constant 0 : i32
    %dma_start3A_245 = tpu.memref_slice %arg5[%dma_start3A_243, %dma_start3A_244] : memref<17x16xi32, #tpu.memory_space<vmem>> -> memref<1x16xi32, #tpu.memory_space<vmem>>
    %dma_start3A_246 = tpu.memref_squeeze %dma_start3A_245 : memref<1x16xi32, #tpu.memory_space<vmem>> -> memref<16xi32, #tpu.memory_space<vmem>>
    %dma_start3A_247 = arith.constant 0 : i32
    %dma_start3A_248 = arith.constant 0 : i32
    %dma_start3A_249 = tpu.memref_slice %arg4[%dma_start3A_247, %dma_start3A_248] : memref<8200x3072xf32, #tpu.memory_space<hbm>> -> memref<8200x3072xf32, #tpu.memory_space<hbm>>
    tpu.enqueue_indirect_dma source(%arg6 : memref<16x3072xf32, #tpu.memory_space<vmem>>) target(%dma_start3A_249 : memref<8200x3072xf32, #tpu.memory_space<hbm>>) offsets(%dma_start3A_246 : memref<16xi32, #tpu.memory_space<vmem>>) semaphore(%arg7 : memref<!tpu.dma_semaphore, #tpu.memory_space<semaphore_mem>>)
    %dma_wait3A_250 = arith.constant 15 : i32
    %dma_wait3A_251 = arith.constant 0 : i32
    %dma_wait3A_252 = tpu.memref_slice %arg5[%dma_wait3A_250, %dma_wait3A_251] : memref<17x16xi32, #tpu.memory_space<vmem>> -> memref<1x16xi32, #tpu.memory_space<vmem>>
    %dma_wait3A_253 = tpu.memref_squeeze %dma_wait3A_252 : memref<1x16xi32, #tpu.memory_space<vmem>> -> memref<16xi32, #tpu.memory_space<vmem>>
    %dma_wait3A_254 = arith.constant 0 : i32
    %dma_wait3A_255 = arith.constant 0 : i32
    %dma_wait3A_256 = tpu.memref_slice %arg4[%dma_wait3A_254, %dma_wait3A_255] : memref<8200x3072xf32, #tpu.memory_space<hbm>> -> memref<8200x3072xf32, #tpu.memory_space<hbm>>
    tpu.wait_indirect_dma semaphore(%arg7 : memref<!tpu.dma_semaphore, #tpu.memory_space<semaphore_mem>>) src(%arg6 : memref<16x3072xf32, #tpu.memory_space<vmem>>) dst(%dma_wait3A_256 : memref<8200x3072xf32, #tpu.memory_space<hbm>>)
    %add3A_257 = arith.constant 256 : i32
    %add3A_258 = arith.addi %mul3A_2, %add3A_257 : i32
    "tpu.region"() ({
      %run_scoped3A = tpu.sem_alloc : memref<!tpu.dma_semaphore, #tpu.memory_space<semaphore_mem>>
      %dma_start3A_273 = arith.constant 0 : i32
      %dma_start3A_274 = tpu.memref_slice %arg2[%add3A_258, %dma_start3A_273] : memref<8704x3072xf32, #tpu.memory_space<hbm>> -> memref<16x3072xf32, #tpu.memory_space<hbm>>
      %dma_start3A_275 = arith.constant 0 : i32
      %dma_start3A_276 = tpu.memref_slice %arg2[%add3A_258, %dma_start3A_275] : memref<8704x3072xf32, #tpu.memory_space<hbm>> -> memref<16x3072xf32, #tpu.memory_space<hbm>>
      tpu.enqueue_dma source(%dma_start3A_276 : memref<16x3072xf32, #tpu.memory_space<hbm>>) target(%arg6 : memref<16x3072xf32, #tpu.memory_space<vmem>>) target_semaphore(%run_scoped3A : memref<!tpu.dma_semaphore, #tpu.memory_space<semaphore_mem>>)
      %dma_wait3A_277 = arith.constant 0 : i32
      %dma_wait3A_278 = tpu.memref_slice %arg2[%add3A_258, %dma_wait3A_277] : memref<8704x3072xf32, #tpu.memory_space<hbm>> -> memref<16x3072xf32, #tpu.memory_space<hbm>>
      %dma_wait3A_279 = arith.constant 0 : i32
      %dma_wait3A_280 = tpu.memref_slice %arg2[%add3A_258, %dma_wait3A_279] : memref<8704x3072xf32, #tpu.memory_space<hbm>> -> memref<16x3072xf32, #tpu.memory_space<hbm>>
      tpu.wait_dma2 semaphore(%run_scoped3A : memref<!tpu.dma_semaphore, #tpu.memory_space<semaphore_mem>>) src(%dma_wait3A_280 : memref<16x3072xf32, #tpu.memory_space<hbm>>) dst(%arg6 : memref<16x3072xf32, #tpu.memory_space<vmem>>)
      tpu.yield
    }) : () -> ()
    %dma_start3A_259 = arith.constant 16 : i32
    %dma_start3A_260 = arith.constant 0 : i32
    %dma_start3A_261 = tpu.memref_slice %arg5[%dma_start3A_259, %dma_start3A_260] : memref<17x16xi32, #tpu.memory_space<vmem>> -> memref<1x16xi32, #tpu.memory_space<vmem>>
    %dma_start3A_262 = tpu.memref_squeeze %dma_start3A_261 : memref<1x16xi32, #tpu.memory_space<vmem>> -> memref<16xi32, #tpu.memory_space<vmem>>
    %dma_start3A_263 = arith.constant 0 : i32
    %dma_start3A_264 = arith.constant 0 : i32
    %dma_start3A_265 = tpu.memref_slice %arg4[%dma_start3A_263, %dma_start3A_264] : memref<8200x3072xf32, #tpu.memory_space<hbm>> -> memref<8200x3072xf32, #tpu.memory_space<hbm>>
    tpu.enqueue_indirect_dma source(%arg6 : memref<16x3072xf32, #tpu.memory_space<vmem>>) target(%dma_start3A_265 : memref<8200x3072xf32, #tpu.memory_space<hbm>>) offsets(%dma_start3A_262 : memref<16xi32, #tpu.memory_space<vmem>>) semaphore(%arg7 : memref<!tpu.dma_semaphore, #tpu.memory_space<semaphore_mem>>)
    %dma_wait3A_266 = arith.constant 16 : i32
    %dma_wait3A_267 = arith.constant 0 : i32
    %dma_wait3A_268 = tpu.memref_slice %arg5[%dma_wait3A_266, %dma_wait3A_267] : memref<17x16xi32, #tpu.memory_space<vmem>> -> memref<1x16xi32, #tpu.memory_space<vmem>>
    %dma_wait3A_269 = tpu.memref_squeeze %dma_wait3A_268 : memref<1x16xi32, #tpu.memory_space<vmem>> -> memref<16xi32, #tpu.memory_space<vmem>>
    %dma_wait3A_270 = arith.constant 0 : i32
    %dma_wait3A_271 = arith.constant 0 : i32
    %dma_wait3A_272 = tpu.memref_slice %arg4[%dma_wait3A_270, %dma_wait3A_271] : memref<8200x3072xf32, #tpu.memory_space<hbm>> -> memref<8200x3072xf32, #tpu.memory_space<hbm>>
    tpu.wait_indirect_dma semaphore(%arg7 : memref<!tpu.dma_semaphore, #tpu.memory_space<semaphore_mem>>) src(%arg6 : memref<16x3072xf32, #tpu.memory_space<vmem>>) dst(%dma_wait3A_272 : memref<8200x3072xf32, #tpu.memory_space<hbm>>)
    return
  }
}

#map = affine_map<(d0, d1) -> (0, 0)>
#map1 = affine_map<(d0, d1) -> (0, 0, 0)>
module attributes {stable_mosaic.version = 14 : i64} {
  func.func @k(%arg0: i32, %arg1: i32, %arg2: memref<8192x3072xf32, #tpu.memory_space<hbm>>, %arg3: memref<32x17x16xi32, #tpu.memory_space<hbm>>, %arg4: memref<8704x3072xf32, #tpu.memory_space<hbm>>, %arg5: memref<17x16xi32, #tpu.memory_space<vmem>>, %arg6: memref<16x3072xf32, #tpu.memory_space<vmem>>, %arg7: memref<!tpu.dma_semaphore, #tpu.memory_space<semaphore_mem>>) attributes {dimension_semantics = [#tpu.dimension_semantics<core_parallel>, #tpu.dimension_semantics<subcore_parallel>], iteration_bounds = array<i64: 2, 16>, scalar_prefetch = 0 : i64, scratch_operands = 3 : i64, tpu.core_type = #tpu.core_type<sc_vector_subcore>, window_params = [{transform_indices = #map}, {transform_indices = #map1}, {transform_indices = #map}]} {
    %mul3A = arith.constant 2 : i32
    %mul3A_0 = arith.muli %arg1, %mul3A : i32
    %add3A = arith.addi %mul3A_0, %arg0 : i32
    %mul3A_1 = arith.constant 272 : i32
    %mul3A_2 = arith.muli %add3A, %mul3A_1 : i32
    "tpu.region"() ({
      %run_scoped3A = tpu.sem_alloc : memref<!tpu.dma_semaphore, #tpu.memory_space<semaphore_mem>>
      %dma_start3A_273 = arith.constant 0 : i32
      %dma_start3A_274 = arith.constant 0 : i32
      %dma_start3A_275 = tpu.memref_slice %arg3[%add3A, %dma_start3A_273, %dma_start3A_274] : memref<32x17x16xi32, #tpu.memory_space<hbm>> -> memref<1x17x16xi32, #tpu.memory_space<hbm>>
      %dma_start3A_276 = tpu.memref_squeeze %dma_start3A_275 : memref<1x17x16xi32, #tpu.memory_space<hbm>> -> memref<17x16xi32, #tpu.memory_space<hbm>>
      %dma_start3A_277 = arith.constant 0 : i32
      %dma_start3A_278 = arith.constant 0 : i32
      %dma_start3A_279 = tpu.memref_slice %arg3[%add3A, %dma_start3A_277, %dma_start3A_278] : memref<32x17x16xi32, #tpu.memory_space<hbm>> -> memref<1x17x16xi32, #tpu.memory_space<hbm>>
      %dma_start3A_280 = tpu.memref_squeeze %dma_start3A_279 : memref<1x17x16xi32, #tpu.memory_space<hbm>> -> memref<17x16xi32, #tpu.memory_space<hbm>>
      tpu.enqueue_dma source(%dma_start3A_280 : memref<17x16xi32, #tpu.memory_space<hbm>>) target(%arg5 : memref<17x16xi32, #tpu.memory_space<vmem>>) target_semaphore(%run_scoped3A : memref<!tpu.dma_semaphore, #tpu.memory_space<semaphore_mem>>)
      %dma_wait3A_281 = arith.constant 0 : i32
      %dma_wait3A_282 = arith.constant 0 : i32
      %dma_wait3A_283 = tpu.memref_slice %arg3[%add3A, %dma_wait3A_281, %dma_wait3A_282] : memref<32x17x16xi32, #tpu.memory_space<hbm>> -> memref<1x17x16xi32, #tpu.memory_space<hbm>>
      %dma_wait3A_284 = tpu.memref_squeeze %dma_wait3A_283 : memref<1x17x16xi32, #tpu.memory_space<hbm>> -> memref<17x16xi32, #tpu.memory_space<hbm>>
      %dma_wait3A_285 = arith.constant 0 : i32
      %dma_wait3A_286 = arith.constant 0 : i32
      %dma_wait3A_287 = tpu.memref_slice %arg3[%add3A, %dma_wait3A_285, %dma_wait3A_286] : memref<32x17x16xi32, #tpu.memory_space<hbm>> -> memref<1x17x16xi32, #tpu.memory_space<hbm>>
      %dma_wait3A_288 = tpu.memref_squeeze %dma_wait3A_287 : memref<1x17x16xi32, #tpu.memory_space<hbm>> -> memref<17x16xi32, #tpu.memory_space<hbm>>
      tpu.wait_dma2 semaphore(%run_scoped3A : memref<!tpu.dma_semaphore, #tpu.memory_space<semaphore_mem>>) src(%dma_wait3A_288 : memref<17x16xi32, #tpu.memory_space<hbm>>) dst(%arg5 : memref<17x16xi32, #tpu.memory_space<vmem>>)
      tpu.yield
    }) : () -> ()
    %dma_start3A = arith.constant 0 : i32
    %dma_start3A_3 = arith.constant 0 : i32
    %dma_start3A_4 = tpu.memref_slice %arg5[%dma_start3A, %dma_start3A_3] : memref<17x16xi32, #tpu.memory_space<vmem>> -> memref<1x16xi32, #tpu.memory_space<vmem>>
    %dma_start3A_5 = tpu.memref_squeeze %dma_start3A_4 : memref<1x16xi32, #tpu.memory_space<vmem>> -> memref<16xi32, #tpu.memory_space<vmem>>
    %dma_start3A_6 = arith.constant 0 : i32
    %dma_start3A_7 = arith.constant 0 : i32
    %dma_start3A_8 = tpu.memref_slice %arg2[%dma_start3A_6, %dma_start3A_7] : memref<8192x3072xf32, #tpu.memory_space<hbm>> -> memref<8192x3072xf32, #tpu.memory_space<hbm>>
    tpu.enqueue_indirect_dma source(%dma_start3A_8 : memref<8192x3072xf32, #tpu.memory_space<hbm>>) target(%arg6 : memref<16x3072xf32, #tpu.memory_space<vmem>>) offsets(%dma_start3A_5 : memref<16xi32, #tpu.memory_space<vmem>>) semaphore(%arg7 : memref<!tpu.dma_semaphore, #tpu.memory_space<semaphore_mem>>)
    %dma_wait3A = arith.constant 0 : i32
    %dma_wait3A_9 = arith.constant 0 : i32
    %dma_wait3A_10 = tpu.memref_slice %arg5[%dma_wait3A, %dma_wait3A_9] : memref<17x16xi32, #tpu.memory_space<vmem>> -> memref<1x16xi32, #tpu.memory_space<vmem>>
    %dma_wait3A_11 = tpu.memref_squeeze %dma_wait3A_10 : memref<1x16xi32, #tpu.memory_space<vmem>> -> memref<16xi32, #tpu.memory_space<vmem>>
    %dma_wait3A_12 = arith.constant 0 : i32
    %dma_wait3A_13 = arith.constant 0 : i32
    %dma_wait3A_14 = tpu.memref_slice %arg2[%dma_wait3A_12, %dma_wait3A_13] : memref<8192x3072xf32, #tpu.memory_space<hbm>> -> memref<8192x3072xf32, #tpu.memory_space<hbm>>
    tpu.wait_indirect_dma semaphore(%arg7 : memref<!tpu.dma_semaphore, #tpu.memory_space<semaphore_mem>>) src(%dma_wait3A_14 : memref<8192x3072xf32, #tpu.memory_space<hbm>>) dst(%arg6 : memref<16x3072xf32, #tpu.memory_space<vmem>>)
    %add3A_15 = arith.constant 0 : i32
    %add3A_16 = arith.addi %mul3A_2, %add3A_15 : i32
    "tpu.region"() ({
      %run_scoped3A = tpu.sem_alloc : memref<!tpu.dma_semaphore, #tpu.memory_space<semaphore_mem>>
      %dma_start3A_273 = arith.constant 0 : i32
      %dma_start3A_274 = tpu.memref_slice %arg4[%add3A_16, %dma_start3A_273] : memref<8704x3072xf32, #tpu.memory_space<hbm>> -> memref<16x3072xf32, #tpu.memory_space<hbm>>
      %dma_start3A_275 = arith.constant 0 : i32
      %dma_start3A_276 = tpu.memref_slice %arg4[%add3A_16, %dma_start3A_275] : memref<8704x3072xf32, #tpu.memory_space<hbm>> -> memref<16x3072xf32, #tpu.memory_space<hbm>>
      tpu.enqueue_dma source(%arg6 : memref<16x3072xf32, #tpu.memory_space<vmem>>) target(%dma_start3A_276 : memref<16x3072xf32, #tpu.memory_space<hbm>>) target_semaphore(%run_scoped3A : memref<!tpu.dma_semaphore, #tpu.memory_space<semaphore_mem>>)
      %dma_wait3A_277 = arith.constant 0 : i32
      %dma_wait3A_278 = tpu.memref_slice %arg4[%add3A_16, %dma_wait3A_277] : memref<8704x3072xf32, #tpu.memory_space<hbm>> -> memref<16x3072xf32, #tpu.memory_space<hbm>>
      %dma_wait3A_279 = arith.constant 0 : i32
      %dma_wait3A_280 = tpu.memref_slice %arg4[%add3A_16, %dma_wait3A_279] : memref<8704x3072xf32, #tpu.memory_space<hbm>> -> memref<16x3072xf32, #tpu.memory_space<hbm>>
      tpu.wait_dma2 semaphore(%run_scoped3A : memref<!tpu.dma_semaphore, #tpu.memory_space<semaphore_mem>>) src(%arg6 : memref<16x3072xf32, #tpu.memory_space<vmem>>) dst(%dma_wait3A_280 : memref<16x3072xf32, #tpu.memory_space<hbm>>)
      tpu.yield
    }) : () -> ()
    %dma_start3A_17 = arith.constant 1 : i32
    %dma_start3A_18 = arith.constant 0 : i32
    %dma_start3A_19 = tpu.memref_slice %arg5[%dma_start3A_17, %dma_start3A_18] : memref<17x16xi32, #tpu.memory_space<vmem>> -> memref<1x16xi32, #tpu.memory_space<vmem>>
    %dma_start3A_20 = tpu.memref_squeeze %dma_start3A_19 : memref<1x16xi32, #tpu.memory_space<vmem>> -> memref<16xi32, #tpu.memory_space<vmem>>
    %dma_start3A_21 = arith.constant 0 : i32
    %dma_start3A_22 = arith.constant 0 : i32
    %dma_start3A_23 = tpu.memref_slice %arg2[%dma_start3A_21, %dma_start3A_22] : memref<8192x3072xf32, #tpu.memory_space<hbm>> -> memref<8192x3072xf32, #tpu.memory_space<hbm>>
    tpu.enqueue_indirect_dma source(%dma_start3A_23 : memref<8192x3072xf32, #tpu.memory_space<hbm>>) target(%arg6 : memref<16x3072xf32, #tpu.memory_space<vmem>>) offsets(%dma_start3A_20 : memref<16xi32, #tpu.memory_space<vmem>>) semaphore(%arg7 : memref<!tpu.dma_semaphore, #tpu.memory_space<semaphore_mem>>)
    %dma_wait3A_24 = arith.constant 1 : i32
    %dma_wait3A_25 = arith.constant 0 : i32
    %dma_wait3A_26 = tpu.memref_slice %arg5[%dma_wait3A_24, %dma_wait3A_25] : memref<17x16xi32, #tpu.memory_space<vmem>> -> memref<1x16xi32, #tpu.memory_space<vmem>>
    %dma_wait3A_27 = tpu.memref_squeeze %dma_wait3A_26 : memref<1x16xi32, #tpu.memory_space<vmem>> -> memref<16xi32, #tpu.memory_space<vmem>>
    %dma_wait3A_28 = arith.constant 0 : i32
    %dma_wait3A_29 = arith.constant 0 : i32
    %dma_wait3A_30 = tpu.memref_slice %arg2[%dma_wait3A_28, %dma_wait3A_29] : memref<8192x3072xf32, #tpu.memory_space<hbm>> -> memref<8192x3072xf32, #tpu.memory_space<hbm>>
    tpu.wait_indirect_dma semaphore(%arg7 : memref<!tpu.dma_semaphore, #tpu.memory_space<semaphore_mem>>) src(%dma_wait3A_30 : memref<8192x3072xf32, #tpu.memory_space<hbm>>) dst(%arg6 : memref<16x3072xf32, #tpu.memory_space<vmem>>)
    %add3A_31 = arith.constant 16 : i32
    %add3A_32 = arith.addi %mul3A_2, %add3A_31 : i32
    "tpu.region"() ({
      %run_scoped3A = tpu.sem_alloc : memref<!tpu.dma_semaphore, #tpu.memory_space<semaphore_mem>>
      %dma_start3A_273 = arith.constant 0 : i32
      %dma_start3A_274 = tpu.memref_slice %arg4[%add3A_32, %dma_start3A_273] : memref<8704x3072xf32, #tpu.memory_space<hbm>> -> memref<16x3072xf32, #tpu.memory_space<hbm>>
      %dma_start3A_275 = arith.constant 0 : i32
      %dma_start3A_276 = tpu.memref_slice %arg4[%add3A_32, %dma_start3A_275] : memref<8704x3072xf32, #tpu.memory_space<hbm>> -> memref<16x3072xf32, #tpu.memory_space<hbm>>
      tpu.enqueue_dma source(%arg6 : memref<16x3072xf32, #tpu.memory_space<vmem>>) target(%dma_start3A_276 : memref<16x3072xf32, #tpu.memory_space<hbm>>) target_semaphore(%run_scoped3A : memref<!tpu.dma_semaphore, #tpu.memory_space<semaphore_mem>>)
      %dma_wait3A_277 = arith.constant 0 : i32
      %dma_wait3A_278 = tpu.memref_slice %arg4[%add3A_32, %dma_wait3A_277] : memref<8704x3072xf32, #tpu.memory_space<hbm>> -> memref<16x3072xf32, #tpu.memory_space<hbm>>
      %dma_wait3A_279 = arith.constant 0 : i32
      %dma_wait3A_280 = tpu.memref_slice %arg4[%add3A_32, %dma_wait3A_279] : memref<8704x3072xf32, #tpu.memory_space<hbm>> -> memref<16x3072xf32, #tpu.memory_space<hbm>>
      tpu.wait_dma2 semaphore(%run_scoped3A : memref<!tpu.dma_semaphore, #tpu.memory_space<semaphore_mem>>) src(%arg6 : memref<16x3072xf32, #tpu.memory_space<vmem>>) dst(%dma_wait3A_280 : memref<16x3072xf32, #tpu.memory_space<hbm>>)
      tpu.yield
    }) : () -> ()
    %dma_start3A_33 = arith.constant 2 : i32
    %dma_start3A_34 = arith.constant 0 : i32
    %dma_start3A_35 = tpu.memref_slice %arg5[%dma_start3A_33, %dma_start3A_34] : memref<17x16xi32, #tpu.memory_space<vmem>> -> memref<1x16xi32, #tpu.memory_space<vmem>>
    %dma_start3A_36 = tpu.memref_squeeze %dma_start3A_35 : memref<1x16xi32, #tpu.memory_space<vmem>> -> memref<16xi32, #tpu.memory_space<vmem>>
    %dma_start3A_37 = arith.constant 0 : i32
    %dma_start3A_38 = arith.constant 0 : i32
    %dma_start3A_39 = tpu.memref_slice %arg2[%dma_start3A_37, %dma_start3A_38] : memref<8192x3072xf32, #tpu.memory_space<hbm>> -> memref<8192x3072xf32, #tpu.memory_space<hbm>>
    tpu.enqueue_indirect_dma source(%dma_start3A_39 : memref<8192x3072xf32, #tpu.memory_space<hbm>>) target(%arg6 : memref<16x3072xf32, #tpu.memory_space<vmem>>) offsets(%dma_start3A_36 : memref<16xi32, #tpu.memory_space<vmem>>) semaphore(%arg7 : memref<!tpu.dma_semaphore, #tpu.memory_space<semaphore_mem>>)
    %dma_wait3A_40 = arith.constant 2 : i32
    %dma_wait3A_41 = arith.constant 0 : i32
    %dma_wait3A_42 = tpu.memref_slice %arg5[%dma_wait3A_40, %dma_wait3A_41] : memref<17x16xi32, #tpu.memory_space<vmem>> -> memref<1x16xi32, #tpu.memory_space<vmem>>
    %dma_wait3A_43 = tpu.memref_squeeze %dma_wait3A_42 : memref<1x16xi32, #tpu.memory_space<vmem>> -> memref<16xi32, #tpu.memory_space<vmem>>
    %dma_wait3A_44 = arith.constant 0 : i32
    %dma_wait3A_45 = arith.constant 0 : i32
    %dma_wait3A_46 = tpu.memref_slice %arg2[%dma_wait3A_44, %dma_wait3A_45] : memref<8192x3072xf32, #tpu.memory_space<hbm>> -> memref<8192x3072xf32, #tpu.memory_space<hbm>>
    tpu.wait_indirect_dma semaphore(%arg7 : memref<!tpu.dma_semaphore, #tpu.memory_space<semaphore_mem>>) src(%dma_wait3A_46 : memref<8192x3072xf32, #tpu.memory_space<hbm>>) dst(%arg6 : memref<16x3072xf32, #tpu.memory_space<vmem>>)
    %add3A_47 = arith.constant 32 : i32
    %add3A_48 = arith.addi %mul3A_2, %add3A_47 : i32
    "tpu.region"() ({
      %run_scoped3A = tpu.sem_alloc : memref<!tpu.dma_semaphore, #tpu.memory_space<semaphore_mem>>
      %dma_start3A_273 = arith.constant 0 : i32
      %dma_start3A_274 = tpu.memref_slice %arg4[%add3A_48, %dma_start3A_273] : memref<8704x3072xf32, #tpu.memory_space<hbm>> -> memref<16x3072xf32, #tpu.memory_space<hbm>>
      %dma_start3A_275 = arith.constant 0 : i32
      %dma_start3A_276 = tpu.memref_slice %arg4[%add3A_48, %dma_start3A_275] : memref<8704x3072xf32, #tpu.memory_space<hbm>> -> memref<16x3072xf32, #tpu.memory_space<hbm>>
      tpu.enqueue_dma source(%arg6 : memref<16x3072xf32, #tpu.memory_space<vmem>>) target(%dma_start3A_276 : memref<16x3072xf32, #tpu.memory_space<hbm>>) target_semaphore(%run_scoped3A : memref<!tpu.dma_semaphore, #tpu.memory_space<semaphore_mem>>)
      %dma_wait3A_277 = arith.constant 0 : i32
      %dma_wait3A_278 = tpu.memref_slice %arg4[%add3A_48, %dma_wait3A_277] : memref<8704x3072xf32, #tpu.memory_space<hbm>> -> memref<16x3072xf32, #tpu.memory_space<hbm>>
      %dma_wait3A_279 = arith.constant 0 : i32
      %dma_wait3A_280 = tpu.memref_slice %arg4[%add3A_48, %dma_wait3A_279] : memref<8704x3072xf32, #tpu.memory_space<hbm>> -> memref<16x3072xf32, #tpu.memory_space<hbm>>
      tpu.wait_dma2 semaphore(%run_scoped3A : memref<!tpu.dma_semaphore, #tpu.memory_space<semaphore_mem>>) src(%arg6 : memref<16x3072xf32, #tpu.memory_space<vmem>>) dst(%dma_wait3A_280 : memref<16x3072xf32, #tpu.memory_space<hbm>>)
      tpu.yield
    }) : () -> ()
    %dma_start3A_49 = arith.constant 3 : i32
    %dma_start3A_50 = arith.constant 0 : i32
    %dma_start3A_51 = tpu.memref_slice %arg5[%dma_start3A_49, %dma_start3A_50] : memref<17x16xi32, #tpu.memory_space<vmem>> -> memref<1x16xi32, #tpu.memory_space<vmem>>
    %dma_start3A_52 = tpu.memref_squeeze %dma_start3A_51 : memref<1x16xi32, #tpu.memory_space<vmem>> -> memref<16xi32, #tpu.memory_space<vmem>>
    %dma_start3A_53 = arith.constant 0 : i32
    %dma_start3A_54 = arith.constant 0 : i32
    %dma_start3A_55 = tpu.memref_slice %arg2[%dma_start3A_53, %dma_start3A_54] : memref<8192x3072xf32, #tpu.memory_space<hbm>> -> memref<8192x3072xf32, #tpu.memory_space<hbm>>
    tpu.enqueue_indirect_dma source(%dma_start3A_55 : memref<8192x3072xf32, #tpu.memory_space<hbm>>) target(%arg6 : memref<16x3072xf32, #tpu.memory_space<vmem>>) offsets(%dma_start3A_52 : memref<16xi32, #tpu.memory_space<vmem>>) semaphore(%arg7 : memref<!tpu.dma_semaphore, #tpu.memory_space<semaphore_mem>>)
    %dma_wait3A_56 = arith.constant 3 : i32
    %dma_wait3A_57 = arith.constant 0 : i32
    %dma_wait3A_58 = tpu.memref_slice %arg5[%dma_wait3A_56, %dma_wait3A_57] : memref<17x16xi32, #tpu.memory_space<vmem>> -> memref<1x16xi32, #tpu.memory_space<vmem>>
    %dma_wait3A_59 = tpu.memref_squeeze %dma_wait3A_58 : memref<1x16xi32, #tpu.memory_space<vmem>> -> memref<16xi32, #tpu.memory_space<vmem>>
    %dma_wait3A_60 = arith.constant 0 : i32
    %dma_wait3A_61 = arith.constant 0 : i32
    %dma_wait3A_62 = tpu.memref_slice %arg2[%dma_wait3A_60, %dma_wait3A_61] : memref<8192x3072xf32, #tpu.memory_space<hbm>> -> memref<8192x3072xf32, #tpu.memory_space<hbm>>
    tpu.wait_indirect_dma semaphore(%arg7 : memref<!tpu.dma_semaphore, #tpu.memory_space<semaphore_mem>>) src(%dma_wait3A_62 : memref<8192x3072xf32, #tpu.memory_space<hbm>>) dst(%arg6 : memref<16x3072xf32, #tpu.memory_space<vmem>>)
    %add3A_63 = arith.constant 48 : i32
    %add3A_64 = arith.addi %mul3A_2, %add3A_63 : i32
    "tpu.region"() ({
      %run_scoped3A = tpu.sem_alloc : memref<!tpu.dma_semaphore, #tpu.memory_space<semaphore_mem>>
      %dma_start3A_273 = arith.constant 0 : i32
      %dma_start3A_274 = tpu.memref_slice %arg4[%add3A_64, %dma_start3A_273] : memref<8704x3072xf32, #tpu.memory_space<hbm>> -> memref<16x3072xf32, #tpu.memory_space<hbm>>
      %dma_start3A_275 = arith.constant 0 : i32
      %dma_start3A_276 = tpu.memref_slice %arg4[%add3A_64, %dma_start3A_275] : memref<8704x3072xf32, #tpu.memory_space<hbm>> -> memref<16x3072xf32, #tpu.memory_space<hbm>>
      tpu.enqueue_dma source(%arg6 : memref<16x3072xf32, #tpu.memory_space<vmem>>) target(%dma_start3A_276 : memref<16x3072xf32, #tpu.memory_space<hbm>>) target_semaphore(%run_scoped3A : memref<!tpu.dma_semaphore, #tpu.memory_space<semaphore_mem>>)
      %dma_wait3A_277 = arith.constant 0 : i32
      %dma_wait3A_278 = tpu.memref_slice %arg4[%add3A_64, %dma_wait3A_277] : memref<8704x3072xf32, #tpu.memory_space<hbm>> -> memref<16x3072xf32, #tpu.memory_space<hbm>>
      %dma_wait3A_279 = arith.constant 0 : i32
      %dma_wait3A_280 = tpu.memref_slice %arg4[%add3A_64, %dma_wait3A_279] : memref<8704x3072xf32, #tpu.memory_space<hbm>> -> memref<16x3072xf32, #tpu.memory_space<hbm>>
      tpu.wait_dma2 semaphore(%run_scoped3A : memref<!tpu.dma_semaphore, #tpu.memory_space<semaphore_mem>>) src(%arg6 : memref<16x3072xf32, #tpu.memory_space<vmem>>) dst(%dma_wait3A_280 : memref<16x3072xf32, #tpu.memory_space<hbm>>)
      tpu.yield
    }) : () -> ()
    %dma_start3A_65 = arith.constant 4 : i32
    %dma_start3A_66 = arith.constant 0 : i32
    %dma_start3A_67 = tpu.memref_slice %arg5[%dma_start3A_65, %dma_start3A_66] : memref<17x16xi32, #tpu.memory_space<vmem>> -> memref<1x16xi32, #tpu.memory_space<vmem>>
    %dma_start3A_68 = tpu.memref_squeeze %dma_start3A_67 : memref<1x16xi32, #tpu.memory_space<vmem>> -> memref<16xi32, #tpu.memory_space<vmem>>
    %dma_start3A_69 = arith.constant 0 : i32
    %dma_start3A_70 = arith.constant 0 : i32
    %dma_start3A_71 = tpu.memref_slice %arg2[%dma_start3A_69, %dma_start3A_70] : memref<8192x3072xf32, #tpu.memory_space<hbm>> -> memref<8192x3072xf32, #tpu.memory_space<hbm>>
    tpu.enqueue_indirect_dma source(%dma_start3A_71 : memref<8192x3072xf32, #tpu.memory_space<hbm>>) target(%arg6 : memref<16x3072xf32, #tpu.memory_space<vmem>>) offsets(%dma_start3A_68 : memref<16xi32, #tpu.memory_space<vmem>>) semaphore(%arg7 : memref<!tpu.dma_semaphore, #tpu.memory_space<semaphore_mem>>)
    %dma_wait3A_72 = arith.constant 4 : i32
    %dma_wait3A_73 = arith.constant 0 : i32
    %dma_wait3A_74 = tpu.memref_slice %arg5[%dma_wait3A_72, %dma_wait3A_73] : memref<17x16xi32, #tpu.memory_space<vmem>> -> memref<1x16xi32, #tpu.memory_space<vmem>>
    %dma_wait3A_75 = tpu.memref_squeeze %dma_wait3A_74 : memref<1x16xi32, #tpu.memory_space<vmem>> -> memref<16xi32, #tpu.memory_space<vmem>>
    %dma_wait3A_76 = arith.constant 0 : i32
    %dma_wait3A_77 = arith.constant 0 : i32
    %dma_wait3A_78 = tpu.memref_slice %arg2[%dma_wait3A_76, %dma_wait3A_77] : memref<8192x3072xf32, #tpu.memory_space<hbm>> -> memref<8192x3072xf32, #tpu.memory_space<hbm>>
    tpu.wait_indirect_dma semaphore(%arg7 : memref<!tpu.dma_semaphore, #tpu.memory_space<semaphore_mem>>) src(%dma_wait3A_78 : memref<8192x3072xf32, #tpu.memory_space<hbm>>) dst(%arg6 : memref<16x3072xf32, #tpu.memory_space<vmem>>)
    %add3A_79 = arith.constant 64 : i32
    %add3A_80 = arith.addi %mul3A_2, %add3A_79 : i32
    "tpu.region"() ({
      %run_scoped3A = tpu.sem_alloc : memref<!tpu.dma_semaphore, #tpu.memory_space<semaphore_mem>>
      %dma_start3A_273 = arith.constant 0 : i32
      %dma_start3A_274 = tpu.memref_slice %arg4[%add3A_80, %dma_start3A_273] : memref<8704x3072xf32, #tpu.memory_space<hbm>> -> memref<16x3072xf32, #tpu.memory_space<hbm>>
      %dma_start3A_275 = arith.constant 0 : i32
      %dma_start3A_276 = tpu.memref_slice %arg4[%add3A_80, %dma_start3A_275] : memref<8704x3072xf32, #tpu.memory_space<hbm>> -> memref<16x3072xf32, #tpu.memory_space<hbm>>
      tpu.enqueue_dma source(%arg6 : memref<16x3072xf32, #tpu.memory_space<vmem>>) target(%dma_start3A_276 : memref<16x3072xf32, #tpu.memory_space<hbm>>) target_semaphore(%run_scoped3A : memref<!tpu.dma_semaphore, #tpu.memory_space<semaphore_mem>>)
      %dma_wait3A_277 = arith.constant 0 : i32
      %dma_wait3A_278 = tpu.memref_slice %arg4[%add3A_80, %dma_wait3A_277] : memref<8704x3072xf32, #tpu.memory_space<hbm>> -> memref<16x3072xf32, #tpu.memory_space<hbm>>
      %dma_wait3A_279 = arith.constant 0 : i32
      %dma_wait3A_280 = tpu.memref_slice %arg4[%add3A_80, %dma_wait3A_279] : memref<8704x3072xf32, #tpu.memory_space<hbm>> -> memref<16x3072xf32, #tpu.memory_space<hbm>>
      tpu.wait_dma2 semaphore(%run_scoped3A : memref<!tpu.dma_semaphore, #tpu.memory_space<semaphore_mem>>) src(%arg6 : memref<16x3072xf32, #tpu.memory_space<vmem>>) dst(%dma_wait3A_280 : memref<16x3072xf32, #tpu.memory_space<hbm>>)
      tpu.yield
    }) : () -> ()
    %dma_start3A_81 = arith.constant 5 : i32
    %dma_start3A_82 = arith.constant 0 : i32
    %dma_start3A_83 = tpu.memref_slice %arg5[%dma_start3A_81, %dma_start3A_82] : memref<17x16xi32, #tpu.memory_space<vmem>> -> memref<1x16xi32, #tpu.memory_space<vmem>>
    %dma_start3A_84 = tpu.memref_squeeze %dma_start3A_83 : memref<1x16xi32, #tpu.memory_space<vmem>> -> memref<16xi32, #tpu.memory_space<vmem>>
    %dma_start3A_85 = arith.constant 0 : i32
    %dma_start3A_86 = arith.constant 0 : i32
    %dma_start3A_87 = tpu.memref_slice %arg2[%dma_start3A_85, %dma_start3A_86] : memref<8192x3072xf32, #tpu.memory_space<hbm>> -> memref<8192x3072xf32, #tpu.memory_space<hbm>>
    tpu.enqueue_indirect_dma source(%dma_start3A_87 : memref<8192x3072xf32, #tpu.memory_space<hbm>>) target(%arg6 : memref<16x3072xf32, #tpu.memory_space<vmem>>) offsets(%dma_start3A_84 : memref<16xi32, #tpu.memory_space<vmem>>) semaphore(%arg7 : memref<!tpu.dma_semaphore, #tpu.memory_space<semaphore_mem>>)
    %dma_wait3A_88 = arith.constant 5 : i32
    %dma_wait3A_89 = arith.constant 0 : i32
    %dma_wait3A_90 = tpu.memref_slice %arg5[%dma_wait3A_88, %dma_wait3A_89] : memref<17x16xi32, #tpu.memory_space<vmem>> -> memref<1x16xi32, #tpu.memory_space<vmem>>
    %dma_wait3A_91 = tpu.memref_squeeze %dma_wait3A_90 : memref<1x16xi32, #tpu.memory_space<vmem>> -> memref<16xi32, #tpu.memory_space<vmem>>
    %dma_wait3A_92 = arith.constant 0 : i32
    %dma_wait3A_93 = arith.constant 0 : i32
    %dma_wait3A_94 = tpu.memref_slice %arg2[%dma_wait3A_92, %dma_wait3A_93] : memref<8192x3072xf32, #tpu.memory_space<hbm>> -> memref<8192x3072xf32, #tpu.memory_space<hbm>>
    tpu.wait_indirect_dma semaphore(%arg7 : memref<!tpu.dma_semaphore, #tpu.memory_space<semaphore_mem>>) src(%dma_wait3A_94 : memref<8192x3072xf32, #tpu.memory_space<hbm>>) dst(%arg6 : memref<16x3072xf32, #tpu.memory_space<vmem>>)
    %add3A_95 = arith.constant 80 : i32
    %add3A_96 = arith.addi %mul3A_2, %add3A_95 : i32
    "tpu.region"() ({
      %run_scoped3A = tpu.sem_alloc : memref<!tpu.dma_semaphore, #tpu.memory_space<semaphore_mem>>
      %dma_start3A_273 = arith.constant 0 : i32
      %dma_start3A_274 = tpu.memref_slice %arg4[%add3A_96, %dma_start3A_273] : memref<8704x3072xf32, #tpu.memory_space<hbm>> -> memref<16x3072xf32, #tpu.memory_space<hbm>>
      %dma_start3A_275 = arith.constant 0 : i32
      %dma_start3A_276 = tpu.memref_slice %arg4[%add3A_96, %dma_start3A_275] : memref<8704x3072xf32, #tpu.memory_space<hbm>> -> memref<16x3072xf32, #tpu.memory_space<hbm>>
      tpu.enqueue_dma source(%arg6 : memref<16x3072xf32, #tpu.memory_space<vmem>>) target(%dma_start3A_276 : memref<16x3072xf32, #tpu.memory_space<hbm>>) target_semaphore(%run_scoped3A : memref<!tpu.dma_semaphore, #tpu.memory_space<semaphore_mem>>)
      %dma_wait3A_277 = arith.constant 0 : i32
      %dma_wait3A_278 = tpu.memref_slice %arg4[%add3A_96, %dma_wait3A_277] : memref<8704x3072xf32, #tpu.memory_space<hbm>> -> memref<16x3072xf32, #tpu.memory_space<hbm>>
      %dma_wait3A_279 = arith.constant 0 : i32
      %dma_wait3A_280 = tpu.memref_slice %arg4[%add3A_96, %dma_wait3A_279] : memref<8704x3072xf32, #tpu.memory_space<hbm>> -> memref<16x3072xf32, #tpu.memory_space<hbm>>
      tpu.wait_dma2 semaphore(%run_scoped3A : memref<!tpu.dma_semaphore, #tpu.memory_space<semaphore_mem>>) src(%arg6 : memref<16x3072xf32, #tpu.memory_space<vmem>>) dst(%dma_wait3A_280 : memref<16x3072xf32, #tpu.memory_space<hbm>>)
      tpu.yield
    }) : () -> ()
    %dma_start3A_97 = arith.constant 6 : i32
    %dma_start3A_98 = arith.constant 0 : i32
    %dma_start3A_99 = tpu.memref_slice %arg5[%dma_start3A_97, %dma_start3A_98] : memref<17x16xi32, #tpu.memory_space<vmem>> -> memref<1x16xi32, #tpu.memory_space<vmem>>
    %dma_start3A_100 = tpu.memref_squeeze %dma_start3A_99 : memref<1x16xi32, #tpu.memory_space<vmem>> -> memref<16xi32, #tpu.memory_space<vmem>>
    %dma_start3A_101 = arith.constant 0 : i32
    %dma_start3A_102 = arith.constant 0 : i32
    %dma_start3A_103 = tpu.memref_slice %arg2[%dma_start3A_101, %dma_start3A_102] : memref<8192x3072xf32, #tpu.memory_space<hbm>> -> memref<8192x3072xf32, #tpu.memory_space<hbm>>
    tpu.enqueue_indirect_dma source(%dma_start3A_103 : memref<8192x3072xf32, #tpu.memory_space<hbm>>) target(%arg6 : memref<16x3072xf32, #tpu.memory_space<vmem>>) offsets(%dma_start3A_100 : memref<16xi32, #tpu.memory_space<vmem>>) semaphore(%arg7 : memref<!tpu.dma_semaphore, #tpu.memory_space<semaphore_mem>>)
    %dma_wait3A_104 = arith.constant 6 : i32
    %dma_wait3A_105 = arith.constant 0 : i32
    %dma_wait3A_106 = tpu.memref_slice %arg5[%dma_wait3A_104, %dma_wait3A_105] : memref<17x16xi32, #tpu.memory_space<vmem>> -> memref<1x16xi32, #tpu.memory_space<vmem>>
    %dma_wait3A_107 = tpu.memref_squeeze %dma_wait3A_106 : memref<1x16xi32, #tpu.memory_space<vmem>> -> memref<16xi32, #tpu.memory_space<vmem>>
    %dma_wait3A_108 = arith.constant 0 : i32
    %dma_wait3A_109 = arith.constant 0 : i32
    %dma_wait3A_110 = tpu.memref_slice %arg2[%dma_wait3A_108, %dma_wait3A_109] : memref<8192x3072xf32, #tpu.memory_space<hbm>> -> memref<8192x3072xf32, #tpu.memory_space<hbm>>
    tpu.wait_indirect_dma semaphore(%arg7 : memref<!tpu.dma_semaphore, #tpu.memory_space<semaphore_mem>>) src(%dma_wait3A_110 : memref<8192x3072xf32, #tpu.memory_space<hbm>>) dst(%arg6 : memref<16x3072xf32, #tpu.memory_space<vmem>>)
    %add3A_111 = arith.constant 96 : i32
    %add3A_112 = arith.addi %mul3A_2, %add3A_111 : i32
    "tpu.region"() ({
      %run_scoped3A = tpu.sem_alloc : memref<!tpu.dma_semaphore, #tpu.memory_space<semaphore_mem>>
      %dma_start3A_273 = arith.constant 0 : i32
      %dma_start3A_274 = tpu.memref_slice %arg4[%add3A_112, %dma_start3A_273] : memref<8704x3072xf32, #tpu.memory_space<hbm>> -> memref<16x3072xf32, #tpu.memory_space<hbm>>
      %dma_start3A_275 = arith.constant 0 : i32
      %dma_start3A_276 = tpu.memref_slice %arg4[%add3A_112, %dma_start3A_275] : memref<8704x3072xf32, #tpu.memory_space<hbm>> -> memref<16x3072xf32, #tpu.memory_space<hbm>>
      tpu.enqueue_dma source(%arg6 : memref<16x3072xf32, #tpu.memory_space<vmem>>) target(%dma_start3A_276 : memref<16x3072xf32, #tpu.memory_space<hbm>>) target_semaphore(%run_scoped3A : memref<!tpu.dma_semaphore, #tpu.memory_space<semaphore_mem>>)
      %dma_wait3A_277 = arith.constant 0 : i32
      %dma_wait3A_278 = tpu.memref_slice %arg4[%add3A_112, %dma_wait3A_277] : memref<8704x3072xf32, #tpu.memory_space<hbm>> -> memref<16x3072xf32, #tpu.memory_space<hbm>>
      %dma_wait3A_279 = arith.constant 0 : i32
      %dma_wait3A_280 = tpu.memref_slice %arg4[%add3A_112, %dma_wait3A_279] : memref<8704x3072xf32, #tpu.memory_space<hbm>> -> memref<16x3072xf32, #tpu.memory_space<hbm>>
      tpu.wait_dma2 semaphore(%run_scoped3A : memref<!tpu.dma_semaphore, #tpu.memory_space<semaphore_mem>>) src(%arg6 : memref<16x3072xf32, #tpu.memory_space<vmem>>) dst(%dma_wait3A_280 : memref<16x3072xf32, #tpu.memory_space<hbm>>)
      tpu.yield
    }) : () -> ()
    %dma_start3A_113 = arith.constant 7 : i32
    %dma_start3A_114 = arith.constant 0 : i32
    %dma_start3A_115 = tpu.memref_slice %arg5[%dma_start3A_113, %dma_start3A_114] : memref<17x16xi32, #tpu.memory_space<vmem>> -> memref<1x16xi32, #tpu.memory_space<vmem>>
    %dma_start3A_116 = tpu.memref_squeeze %dma_start3A_115 : memref<1x16xi32, #tpu.memory_space<vmem>> -> memref<16xi32, #tpu.memory_space<vmem>>
    %dma_start3A_117 = arith.constant 0 : i32
    %dma_start3A_118 = arith.constant 0 : i32
    %dma_start3A_119 = tpu.memref_slice %arg2[%dma_start3A_117, %dma_start3A_118] : memref<8192x3072xf32, #tpu.memory_space<hbm>> -> memref<8192x3072xf32, #tpu.memory_space<hbm>>
    tpu.enqueue_indirect_dma source(%dma_start3A_119 : memref<8192x3072xf32, #tpu.memory_space<hbm>>) target(%arg6 : memref<16x3072xf32, #tpu.memory_space<vmem>>) offsets(%dma_start3A_116 : memref<16xi32, #tpu.memory_space<vmem>>) semaphore(%arg7 : memref<!tpu.dma_semaphore, #tpu.memory_space<semaphore_mem>>)
    %dma_wait3A_120 = arith.constant 7 : i32
    %dma_wait3A_121 = arith.constant 0 : i32
    %dma_wait3A_122 = tpu.memref_slice %arg5[%dma_wait3A_120, %dma_wait3A_121] : memref<17x16xi32, #tpu.memory_space<vmem>> -> memref<1x16xi32, #tpu.memory_space<vmem>>
    %dma_wait3A_123 = tpu.memref_squeeze %dma_wait3A_122 : memref<1x16xi32, #tpu.memory_space<vmem>> -> memref<16xi32, #tpu.memory_space<vmem>>
    %dma_wait3A_124 = arith.constant 0 : i32
    %dma_wait3A_125 = arith.constant 0 : i32
    %dma_wait3A_126 = tpu.memref_slice %arg2[%dma_wait3A_124, %dma_wait3A_125] : memref<8192x3072xf32, #tpu.memory_space<hbm>> -> memref<8192x3072xf32, #tpu.memory_space<hbm>>
    tpu.wait_indirect_dma semaphore(%arg7 : memref<!tpu.dma_semaphore, #tpu.memory_space<semaphore_mem>>) src(%dma_wait3A_126 : memref<8192x3072xf32, #tpu.memory_space<hbm>>) dst(%arg6 : memref<16x3072xf32, #tpu.memory_space<vmem>>)
    %add3A_127 = arith.constant 112 : i32
    %add3A_128 = arith.addi %mul3A_2, %add3A_127 : i32
    "tpu.region"() ({
      %run_scoped3A = tpu.sem_alloc : memref<!tpu.dma_semaphore, #tpu.memory_space<semaphore_mem>>
      %dma_start3A_273 = arith.constant 0 : i32
      %dma_start3A_274 = tpu.memref_slice %arg4[%add3A_128, %dma_start3A_273] : memref<8704x3072xf32, #tpu.memory_space<hbm>> -> memref<16x3072xf32, #tpu.memory_space<hbm>>
      %dma_start3A_275 = arith.constant 0 : i32
      %dma_start3A_276 = tpu.memref_slice %arg4[%add3A_128, %dma_start3A_275] : memref<8704x3072xf32, #tpu.memory_space<hbm>> -> memref<16x3072xf32, #tpu.memory_space<hbm>>
      tpu.enqueue_dma source(%arg6 : memref<16x3072xf32, #tpu.memory_space<vmem>>) target(%dma_start3A_276 : memref<16x3072xf32, #tpu.memory_space<hbm>>) target_semaphore(%run_scoped3A : memref<!tpu.dma_semaphore, #tpu.memory_space<semaphore_mem>>)
      %dma_wait3A_277 = arith.constant 0 : i32
      %dma_wait3A_278 = tpu.memref_slice %arg4[%add3A_128, %dma_wait3A_277] : memref<8704x3072xf32, #tpu.memory_space<hbm>> -> memref<16x3072xf32, #tpu.memory_space<hbm>>
      %dma_wait3A_279 = arith.constant 0 : i32
      %dma_wait3A_280 = tpu.memref_slice %arg4[%add3A_128, %dma_wait3A_279] : memref<8704x3072xf32, #tpu.memory_space<hbm>> -> memref<16x3072xf32, #tpu.memory_space<hbm>>
      tpu.wait_dma2 semaphore(%run_scoped3A : memref<!tpu.dma_semaphore, #tpu.memory_space<semaphore_mem>>) src(%arg6 : memref<16x3072xf32, #tpu.memory_space<vmem>>) dst(%dma_wait3A_280 : memref<16x3072xf32, #tpu.memory_space<hbm>>)
      tpu.yield
    }) : () -> ()
    %dma_start3A_129 = arith.constant 8 : i32
    %dma_start3A_130 = arith.constant 0 : i32
    %dma_start3A_131 = tpu.memref_slice %arg5[%dma_start3A_129, %dma_start3A_130] : memref<17x16xi32, #tpu.memory_space<vmem>> -> memref<1x16xi32, #tpu.memory_space<vmem>>
    %dma_start3A_132 = tpu.memref_squeeze %dma_start3A_131 : memref<1x16xi32, #tpu.memory_space<vmem>> -> memref<16xi32, #tpu.memory_space<vmem>>
    %dma_start3A_133 = arith.constant 0 : i32
    %dma_start3A_134 = arith.constant 0 : i32
    %dma_start3A_135 = tpu.memref_slice %arg2[%dma_start3A_133, %dma_start3A_134] : memref<8192x3072xf32, #tpu.memory_space<hbm>> -> memref<8192x3072xf32, #tpu.memory_space<hbm>>
    tpu.enqueue_indirect_dma source(%dma_start3A_135 : memref<8192x3072xf32, #tpu.memory_space<hbm>>) target(%arg6 : memref<16x3072xf32, #tpu.memory_space<vmem>>) offsets(%dma_start3A_132 : memref<16xi32, #tpu.memory_space<vmem>>) semaphore(%arg7 : memref<!tpu.dma_semaphore, #tpu.memory_space<semaphore_mem>>)
    %dma_wait3A_136 = arith.constant 8 : i32
    %dma_wait3A_137 = arith.constant 0 : i32
    %dma_wait3A_138 = tpu.memref_slice %arg5[%dma_wait3A_136, %dma_wait3A_137] : memref<17x16xi32, #tpu.memory_space<vmem>> -> memref<1x16xi32, #tpu.memory_space<vmem>>
    %dma_wait3A_139 = tpu.memref_squeeze %dma_wait3A_138 : memref<1x16xi32, #tpu.memory_space<vmem>> -> memref<16xi32, #tpu.memory_space<vmem>>
    %dma_wait3A_140 = arith.constant 0 : i32
    %dma_wait3A_141 = arith.constant 0 : i32
    %dma_wait3A_142 = tpu.memref_slice %arg2[%dma_wait3A_140, %dma_wait3A_141] : memref<8192x3072xf32, #tpu.memory_space<hbm>> -> memref<8192x3072xf32, #tpu.memory_space<hbm>>
    tpu.wait_indirect_dma semaphore(%arg7 : memref<!tpu.dma_semaphore, #tpu.memory_space<semaphore_mem>>) src(%dma_wait3A_142 : memref<8192x3072xf32, #tpu.memory_space<hbm>>) dst(%arg6 : memref<16x3072xf32, #tpu.memory_space<vmem>>)
    %add3A_143 = arith.constant 128 : i32
    %add3A_144 = arith.addi %mul3A_2, %add3A_143 : i32
    "tpu.region"() ({
      %run_scoped3A = tpu.sem_alloc : memref<!tpu.dma_semaphore, #tpu.memory_space<semaphore_mem>>
      %dma_start3A_273 = arith.constant 0 : i32
      %dma_start3A_274 = tpu.memref_slice %arg4[%add3A_144, %dma_start3A_273] : memref<8704x3072xf32, #tpu.memory_space<hbm>> -> memref<16x3072xf32, #tpu.memory_space<hbm>>
      %dma_start3A_275 = arith.constant 0 : i32
      %dma_start3A_276 = tpu.memref_slice %arg4[%add3A_144, %dma_start3A_275] : memref<8704x3072xf32, #tpu.memory_space<hbm>> -> memref<16x3072xf32, #tpu.memory_space<hbm>>
      tpu.enqueue_dma source(%arg6 : memref<16x3072xf32, #tpu.memory_space<vmem>>) target(%dma_start3A_276 : memref<16x3072xf32, #tpu.memory_space<hbm>>) target_semaphore(%run_scoped3A : memref<!tpu.dma_semaphore, #tpu.memory_space<semaphore_mem>>)
      %dma_wait3A_277 = arith.constant 0 : i32
      %dma_wait3A_278 = tpu.memref_slice %arg4[%add3A_144, %dma_wait3A_277] : memref<8704x3072xf32, #tpu.memory_space<hbm>> -> memref<16x3072xf32, #tpu.memory_space<hbm>>
      %dma_wait3A_279 = arith.constant 0 : i32
      %dma_wait3A_280 = tpu.memref_slice %arg4[%add3A_144, %dma_wait3A_279] : memref<8704x3072xf32, #tpu.memory_space<hbm>> -> memref<16x3072xf32, #tpu.memory_space<hbm>>
      tpu.wait_dma2 semaphore(%run_scoped3A : memref<!tpu.dma_semaphore, #tpu.memory_space<semaphore_mem>>) src(%arg6 : memref<16x3072xf32, #tpu.memory_space<vmem>>) dst(%dma_wait3A_280 : memref<16x3072xf32, #tpu.memory_space<hbm>>)
      tpu.yield
    }) : () -> ()
    %dma_start3A_145 = arith.constant 9 : i32
    %dma_start3A_146 = arith.constant 0 : i32
    %dma_start3A_147 = tpu.memref_slice %arg5[%dma_start3A_145, %dma_start3A_146] : memref<17x16xi32, #tpu.memory_space<vmem>> -> memref<1x16xi32, #tpu.memory_space<vmem>>
    %dma_start3A_148 = tpu.memref_squeeze %dma_start3A_147 : memref<1x16xi32, #tpu.memory_space<vmem>> -> memref<16xi32, #tpu.memory_space<vmem>>
    %dma_start3A_149 = arith.constant 0 : i32
    %dma_start3A_150 = arith.constant 0 : i32
    %dma_start3A_151 = tpu.memref_slice %arg2[%dma_start3A_149, %dma_start3A_150] : memref<8192x3072xf32, #tpu.memory_space<hbm>> -> memref<8192x3072xf32, #tpu.memory_space<hbm>>
    tpu.enqueue_indirect_dma source(%dma_start3A_151 : memref<8192x3072xf32, #tpu.memory_space<hbm>>) target(%arg6 : memref<16x3072xf32, #tpu.memory_space<vmem>>) offsets(%dma_start3A_148 : memref<16xi32, #tpu.memory_space<vmem>>) semaphore(%arg7 : memref<!tpu.dma_semaphore, #tpu.memory_space<semaphore_mem>>)
    %dma_wait3A_152 = arith.constant 9 : i32
    %dma_wait3A_153 = arith.constant 0 : i32
    %dma_wait3A_154 = tpu.memref_slice %arg5[%dma_wait3A_152, %dma_wait3A_153] : memref<17x16xi32, #tpu.memory_space<vmem>> -> memref<1x16xi32, #tpu.memory_space<vmem>>
    %dma_wait3A_155 = tpu.memref_squeeze %dma_wait3A_154 : memref<1x16xi32, #tpu.memory_space<vmem>> -> memref<16xi32, #tpu.memory_space<vmem>>
    %dma_wait3A_156 = arith.constant 0 : i32
    %dma_wait3A_157 = arith.constant 0 : i32
    %dma_wait3A_158 = tpu.memref_slice %arg2[%dma_wait3A_156, %dma_wait3A_157] : memref<8192x3072xf32, #tpu.memory_space<hbm>> -> memref<8192x3072xf32, #tpu.memory_space<hbm>>
    tpu.wait_indirect_dma semaphore(%arg7 : memref<!tpu.dma_semaphore, #tpu.memory_space<semaphore_mem>>) src(%dma_wait3A_158 : memref<8192x3072xf32, #tpu.memory_space<hbm>>) dst(%arg6 : memref<16x3072xf32, #tpu.memory_space<vmem>>)
    %add3A_159 = arith.constant 144 : i32
    %add3A_160 = arith.addi %mul3A_2, %add3A_159 : i32
    "tpu.region"() ({
      %run_scoped3A = tpu.sem_alloc : memref<!tpu.dma_semaphore, #tpu.memory_space<semaphore_mem>>
      %dma_start3A_273 = arith.constant 0 : i32
      %dma_start3A_274 = tpu.memref_slice %arg4[%add3A_160, %dma_start3A_273] : memref<8704x3072xf32, #tpu.memory_space<hbm>> -> memref<16x3072xf32, #tpu.memory_space<hbm>>
      %dma_start3A_275 = arith.constant 0 : i32
      %dma_start3A_276 = tpu.memref_slice %arg4[%add3A_160, %dma_start3A_275] : memref<8704x3072xf32, #tpu.memory_space<hbm>> -> memref<16x3072xf32, #tpu.memory_space<hbm>>
      tpu.enqueue_dma source(%arg6 : memref<16x3072xf32, #tpu.memory_space<vmem>>) target(%dma_start3A_276 : memref<16x3072xf32, #tpu.memory_space<hbm>>) target_semaphore(%run_scoped3A : memref<!tpu.dma_semaphore, #tpu.memory_space<semaphore_mem>>)
      %dma_wait3A_277 = arith.constant 0 : i32
      %dma_wait3A_278 = tpu.memref_slice %arg4[%add3A_160, %dma_wait3A_277] : memref<8704x3072xf32, #tpu.memory_space<hbm>> -> memref<16x3072xf32, #tpu.memory_space<hbm>>
      %dma_wait3A_279 = arith.constant 0 : i32
      %dma_wait3A_280 = tpu.memref_slice %arg4[%add3A_160, %dma_wait3A_279] : memref<8704x3072xf32, #tpu.memory_space<hbm>> -> memref<16x3072xf32, #tpu.memory_space<hbm>>
      tpu.wait_dma2 semaphore(%run_scoped3A : memref<!tpu.dma_semaphore, #tpu.memory_space<semaphore_mem>>) src(%arg6 : memref<16x3072xf32, #tpu.memory_space<vmem>>) dst(%dma_wait3A_280 : memref<16x3072xf32, #tpu.memory_space<hbm>>)
      tpu.yield
    }) : () -> ()
    %dma_start3A_161 = arith.constant 10 : i32
    %dma_start3A_162 = arith.constant 0 : i32
    %dma_start3A_163 = tpu.memref_slice %arg5[%dma_start3A_161, %dma_start3A_162] : memref<17x16xi32, #tpu.memory_space<vmem>> -> memref<1x16xi32, #tpu.memory_space<vmem>>
    %dma_start3A_164 = tpu.memref_squeeze %dma_start3A_163 : memref<1x16xi32, #tpu.memory_space<vmem>> -> memref<16xi32, #tpu.memory_space<vmem>>
    %dma_start3A_165 = arith.constant 0 : i32
    %dma_start3A_166 = arith.constant 0 : i32
    %dma_start3A_167 = tpu.memref_slice %arg2[%dma_start3A_165, %dma_start3A_166] : memref<8192x3072xf32, #tpu.memory_space<hbm>> -> memref<8192x3072xf32, #tpu.memory_space<hbm>>
    tpu.enqueue_indirect_dma source(%dma_start3A_167 : memref<8192x3072xf32, #tpu.memory_space<hbm>>) target(%arg6 : memref<16x3072xf32, #tpu.memory_space<vmem>>) offsets(%dma_start3A_164 : memref<16xi32, #tpu.memory_space<vmem>>) semaphore(%arg7 : memref<!tpu.dma_semaphore, #tpu.memory_space<semaphore_mem>>)
    %dma_wait3A_168 = arith.constant 10 : i32
    %dma_wait3A_169 = arith.constant 0 : i32
    %dma_wait3A_170 = tpu.memref_slice %arg5[%dma_wait3A_168, %dma_wait3A_169] : memref<17x16xi32, #tpu.memory_space<vmem>> -> memref<1x16xi32, #tpu.memory_space<vmem>>
    %dma_wait3A_171 = tpu.memref_squeeze %dma_wait3A_170 : memref<1x16xi32, #tpu.memory_space<vmem>> -> memref<16xi32, #tpu.memory_space<vmem>>
    %dma_wait3A_172 = arith.constant 0 : i32
    %dma_wait3A_173 = arith.constant 0 : i32
    %dma_wait3A_174 = tpu.memref_slice %arg2[%dma_wait3A_172, %dma_wait3A_173] : memref<8192x3072xf32, #tpu.memory_space<hbm>> -> memref<8192x3072xf32, #tpu.memory_space<hbm>>
    tpu.wait_indirect_dma semaphore(%arg7 : memref<!tpu.dma_semaphore, #tpu.memory_space<semaphore_mem>>) src(%dma_wait3A_174 : memref<8192x3072xf32, #tpu.memory_space<hbm>>) dst(%arg6 : memref<16x3072xf32, #tpu.memory_space<vmem>>)
    %add3A_175 = arith.constant 160 : i32
    %add3A_176 = arith.addi %mul3A_2, %add3A_175 : i32
    "tpu.region"() ({
      %run_scoped3A = tpu.sem_alloc : memref<!tpu.dma_semaphore, #tpu.memory_space<semaphore_mem>>
      %dma_start3A_273 = arith.constant 0 : i32
      %dma_start3A_274 = tpu.memref_slice %arg4[%add3A_176, %dma_start3A_273] : memref<8704x3072xf32, #tpu.memory_space<hbm>> -> memref<16x3072xf32, #tpu.memory_space<hbm>>
      %dma_start3A_275 = arith.constant 0 : i32
      %dma_start3A_276 = tpu.memref_slice %arg4[%add3A_176, %dma_start3A_275] : memref<8704x3072xf32, #tpu.memory_space<hbm>> -> memref<16x3072xf32, #tpu.memory_space<hbm>>
      tpu.enqueue_dma source(%arg6 : memref<16x3072xf32, #tpu.memory_space<vmem>>) target(%dma_start3A_276 : memref<16x3072xf32, #tpu.memory_space<hbm>>) target_semaphore(%run_scoped3A : memref<!tpu.dma_semaphore, #tpu.memory_space<semaphore_mem>>)
      %dma_wait3A_277 = arith.constant 0 : i32
      %dma_wait3A_278 = tpu.memref_slice %arg4[%add3A_176, %dma_wait3A_277] : memref<8704x3072xf32, #tpu.memory_space<hbm>> -> memref<16x3072xf32, #tpu.memory_space<hbm>>
      %dma_wait3A_279 = arith.constant 0 : i32
      %dma_wait3A_280 = tpu.memref_slice %arg4[%add3A_176, %dma_wait3A_279] : memref<8704x3072xf32, #tpu.memory_space<hbm>> -> memref<16x3072xf32, #tpu.memory_space<hbm>>
      tpu.wait_dma2 semaphore(%run_scoped3A : memref<!tpu.dma_semaphore, #tpu.memory_space<semaphore_mem>>) src(%arg6 : memref<16x3072xf32, #tpu.memory_space<vmem>>) dst(%dma_wait3A_280 : memref<16x3072xf32, #tpu.memory_space<hbm>>)
      tpu.yield
    }) : () -> ()
    %dma_start3A_177 = arith.constant 11 : i32
    %dma_start3A_178 = arith.constant 0 : i32
    %dma_start3A_179 = tpu.memref_slice %arg5[%dma_start3A_177, %dma_start3A_178] : memref<17x16xi32, #tpu.memory_space<vmem>> -> memref<1x16xi32, #tpu.memory_space<vmem>>
    %dma_start3A_180 = tpu.memref_squeeze %dma_start3A_179 : memref<1x16xi32, #tpu.memory_space<vmem>> -> memref<16xi32, #tpu.memory_space<vmem>>
    %dma_start3A_181 = arith.constant 0 : i32
    %dma_start3A_182 = arith.constant 0 : i32
    %dma_start3A_183 = tpu.memref_slice %arg2[%dma_start3A_181, %dma_start3A_182] : memref<8192x3072xf32, #tpu.memory_space<hbm>> -> memref<8192x3072xf32, #tpu.memory_space<hbm>>
    tpu.enqueue_indirect_dma source(%dma_start3A_183 : memref<8192x3072xf32, #tpu.memory_space<hbm>>) target(%arg6 : memref<16x3072xf32, #tpu.memory_space<vmem>>) offsets(%dma_start3A_180 : memref<16xi32, #tpu.memory_space<vmem>>) semaphore(%arg7 : memref<!tpu.dma_semaphore, #tpu.memory_space<semaphore_mem>>)
    %dma_wait3A_184 = arith.constant 11 : i32
    %dma_wait3A_185 = arith.constant 0 : i32
    %dma_wait3A_186 = tpu.memref_slice %arg5[%dma_wait3A_184, %dma_wait3A_185] : memref<17x16xi32, #tpu.memory_space<vmem>> -> memref<1x16xi32, #tpu.memory_space<vmem>>
    %dma_wait3A_187 = tpu.memref_squeeze %dma_wait3A_186 : memref<1x16xi32, #tpu.memory_space<vmem>> -> memref<16xi32, #tpu.memory_space<vmem>>
    %dma_wait3A_188 = arith.constant 0 : i32
    %dma_wait3A_189 = arith.constant 0 : i32
    %dma_wait3A_190 = tpu.memref_slice %arg2[%dma_wait3A_188, %dma_wait3A_189] : memref<8192x3072xf32, #tpu.memory_space<hbm>> -> memref<8192x3072xf32, #tpu.memory_space<hbm>>
    tpu.wait_indirect_dma semaphore(%arg7 : memref<!tpu.dma_semaphore, #tpu.memory_space<semaphore_mem>>) src(%dma_wait3A_190 : memref<8192x3072xf32, #tpu.memory_space<hbm>>) dst(%arg6 : memref<16x3072xf32, #tpu.memory_space<vmem>>)
    %add3A_191 = arith.constant 176 : i32
    %add3A_192 = arith.addi %mul3A_2, %add3A_191 : i32
    "tpu.region"() ({
      %run_scoped3A = tpu.sem_alloc : memref<!tpu.dma_semaphore, #tpu.memory_space<semaphore_mem>>
      %dma_start3A_273 = arith.constant 0 : i32
      %dma_start3A_274 = tpu.memref_slice %arg4[%add3A_192, %dma_start3A_273] : memref<8704x3072xf32, #tpu.memory_space<hbm>> -> memref<16x3072xf32, #tpu.memory_space<hbm>>
      %dma_start3A_275 = arith.constant 0 : i32
      %dma_start3A_276 = tpu.memref_slice %arg4[%add3A_192, %dma_start3A_275] : memref<8704x3072xf32, #tpu.memory_space<hbm>> -> memref<16x3072xf32, #tpu.memory_space<hbm>>
      tpu.enqueue_dma source(%arg6 : memref<16x3072xf32, #tpu.memory_space<vmem>>) target(%dma_start3A_276 : memref<16x3072xf32, #tpu.memory_space<hbm>>) target_semaphore(%run_scoped3A : memref<!tpu.dma_semaphore, #tpu.memory_space<semaphore_mem>>)
      %dma_wait3A_277 = arith.constant 0 : i32
      %dma_wait3A_278 = tpu.memref_slice %arg4[%add3A_192, %dma_wait3A_277] : memref<8704x3072xf32, #tpu.memory_space<hbm>> -> memref<16x3072xf32, #tpu.memory_space<hbm>>
      %dma_wait3A_279 = arith.constant 0 : i32
      %dma_wait3A_280 = tpu.memref_slice %arg4[%add3A_192, %dma_wait3A_279] : memref<8704x3072xf32, #tpu.memory_space<hbm>> -> memref<16x3072xf32, #tpu.memory_space<hbm>>
      tpu.wait_dma2 semaphore(%run_scoped3A : memref<!tpu.dma_semaphore, #tpu.memory_space<semaphore_mem>>) src(%arg6 : memref<16x3072xf32, #tpu.memory_space<vmem>>) dst(%dma_wait3A_280 : memref<16x3072xf32, #tpu.memory_space<hbm>>)
      tpu.yield
    }) : () -> ()
    %dma_start3A_193 = arith.constant 12 : i32
    %dma_start3A_194 = arith.constant 0 : i32
    %dma_start3A_195 = tpu.memref_slice %arg5[%dma_start3A_193, %dma_start3A_194] : memref<17x16xi32, #tpu.memory_space<vmem>> -> memref<1x16xi32, #tpu.memory_space<vmem>>
    %dma_start3A_196 = tpu.memref_squeeze %dma_start3A_195 : memref<1x16xi32, #tpu.memory_space<vmem>> -> memref<16xi32, #tpu.memory_space<vmem>>
    %dma_start3A_197 = arith.constant 0 : i32
    %dma_start3A_198 = arith.constant 0 : i32
    %dma_start3A_199 = tpu.memref_slice %arg2[%dma_start3A_197, %dma_start3A_198] : memref<8192x3072xf32, #tpu.memory_space<hbm>> -> memref<8192x3072xf32, #tpu.memory_space<hbm>>
    tpu.enqueue_indirect_dma source(%dma_start3A_199 : memref<8192x3072xf32, #tpu.memory_space<hbm>>) target(%arg6 : memref<16x3072xf32, #tpu.memory_space<vmem>>) offsets(%dma_start3A_196 : memref<16xi32, #tpu.memory_space<vmem>>) semaphore(%arg7 : memref<!tpu.dma_semaphore, #tpu.memory_space<semaphore_mem>>)
    %dma_wait3A_200 = arith.constant 12 : i32
    %dma_wait3A_201 = arith.constant 0 : i32
    %dma_wait3A_202 = tpu.memref_slice %arg5[%dma_wait3A_200, %dma_wait3A_201] : memref<17x16xi32, #tpu.memory_space<vmem>> -> memref<1x16xi32, #tpu.memory_space<vmem>>
    %dma_wait3A_203 = tpu.memref_squeeze %dma_wait3A_202 : memref<1x16xi32, #tpu.memory_space<vmem>> -> memref<16xi32, #tpu.memory_space<vmem>>
    %dma_wait3A_204 = arith.constant 0 : i32
    %dma_wait3A_205 = arith.constant 0 : i32
    %dma_wait3A_206 = tpu.memref_slice %arg2[%dma_wait3A_204, %dma_wait3A_205] : memref<8192x3072xf32, #tpu.memory_space<hbm>> -> memref<8192x3072xf32, #tpu.memory_space<hbm>>
    tpu.wait_indirect_dma semaphore(%arg7 : memref<!tpu.dma_semaphore, #tpu.memory_space<semaphore_mem>>) src(%dma_wait3A_206 : memref<8192x3072xf32, #tpu.memory_space<hbm>>) dst(%arg6 : memref<16x3072xf32, #tpu.memory_space<vmem>>)
    %add3A_207 = arith.constant 192 : i32
    %add3A_208 = arith.addi %mul3A_2, %add3A_207 : i32
    "tpu.region"() ({
      %run_scoped3A = tpu.sem_alloc : memref<!tpu.dma_semaphore, #tpu.memory_space<semaphore_mem>>
      %dma_start3A_273 = arith.constant 0 : i32
      %dma_start3A_274 = tpu.memref_slice %arg4[%add3A_208, %dma_start3A_273] : memref<8704x3072xf32, #tpu.memory_space<hbm>> -> memref<16x3072xf32, #tpu.memory_space<hbm>>
      %dma_start3A_275 = arith.constant 0 : i32
      %dma_start3A_276 = tpu.memref_slice %arg4[%add3A_208, %dma_start3A_275] : memref<8704x3072xf32, #tpu.memory_space<hbm>> -> memref<16x3072xf32, #tpu.memory_space<hbm>>
      tpu.enqueue_dma source(%arg6 : memref<16x3072xf32, #tpu.memory_space<vmem>>) target(%dma_start3A_276 : memref<16x3072xf32, #tpu.memory_space<hbm>>) target_semaphore(%run_scoped3A : memref<!tpu.dma_semaphore, #tpu.memory_space<semaphore_mem>>)
      %dma_wait3A_277 = arith.constant 0 : i32
      %dma_wait3A_278 = tpu.memref_slice %arg4[%add3A_208, %dma_wait3A_277] : memref<8704x3072xf32, #tpu.memory_space<hbm>> -> memref<16x3072xf32, #tpu.memory_space<hbm>>
      %dma_wait3A_279 = arith.constant 0 : i32
      %dma_wait3A_280 = tpu.memref_slice %arg4[%add3A_208, %dma_wait3A_279] : memref<8704x3072xf32, #tpu.memory_space<hbm>> -> memref<16x3072xf32, #tpu.memory_space<hbm>>
      tpu.wait_dma2 semaphore(%run_scoped3A : memref<!tpu.dma_semaphore, #tpu.memory_space<semaphore_mem>>) src(%arg6 : memref<16x3072xf32, #tpu.memory_space<vmem>>) dst(%dma_wait3A_280 : memref<16x3072xf32, #tpu.memory_space<hbm>>)
      tpu.yield
    }) : () -> ()
    %dma_start3A_209 = arith.constant 13 : i32
    %dma_start3A_210 = arith.constant 0 : i32
    %dma_start3A_211 = tpu.memref_slice %arg5[%dma_start3A_209, %dma_start3A_210] : memref<17x16xi32, #tpu.memory_space<vmem>> -> memref<1x16xi32, #tpu.memory_space<vmem>>
    %dma_start3A_212 = tpu.memref_squeeze %dma_start3A_211 : memref<1x16xi32, #tpu.memory_space<vmem>> -> memref<16xi32, #tpu.memory_space<vmem>>
    %dma_start3A_213 = arith.constant 0 : i32
    %dma_start3A_214 = arith.constant 0 : i32
    %dma_start3A_215 = tpu.memref_slice %arg2[%dma_start3A_213, %dma_start3A_214] : memref<8192x3072xf32, #tpu.memory_space<hbm>> -> memref<8192x3072xf32, #tpu.memory_space<hbm>>
    tpu.enqueue_indirect_dma source(%dma_start3A_215 : memref<8192x3072xf32, #tpu.memory_space<hbm>>) target(%arg6 : memref<16x3072xf32, #tpu.memory_space<vmem>>) offsets(%dma_start3A_212 : memref<16xi32, #tpu.memory_space<vmem>>) semaphore(%arg7 : memref<!tpu.dma_semaphore, #tpu.memory_space<semaphore_mem>>)
    %dma_wait3A_216 = arith.constant 13 : i32
    %dma_wait3A_217 = arith.constant 0 : i32
    %dma_wait3A_218 = tpu.memref_slice %arg5[%dma_wait3A_216, %dma_wait3A_217] : memref<17x16xi32, #tpu.memory_space<vmem>> -> memref<1x16xi32, #tpu.memory_space<vmem>>
    %dma_wait3A_219 = tpu.memref_squeeze %dma_wait3A_218 : memref<1x16xi32, #tpu.memory_space<vmem>> -> memref<16xi32, #tpu.memory_space<vmem>>
    %dma_wait3A_220 = arith.constant 0 : i32
    %dma_wait3A_221 = arith.constant 0 : i32
    %dma_wait3A_222 = tpu.memref_slice %arg2[%dma_wait3A_220, %dma_wait3A_221] : memref<8192x3072xf32, #tpu.memory_space<hbm>> -> memref<8192x3072xf32, #tpu.memory_space<hbm>>
    tpu.wait_indirect_dma semaphore(%arg7 : memref<!tpu.dma_semaphore, #tpu.memory_space<semaphore_mem>>) src(%dma_wait3A_222 : memref<8192x3072xf32, #tpu.memory_space<hbm>>) dst(%arg6 : memref<16x3072xf32, #tpu.memory_space<vmem>>)
    %add3A_223 = arith.constant 208 : i32
    %add3A_224 = arith.addi %mul3A_2, %add3A_223 : i32
    "tpu.region"() ({
      %run_scoped3A = tpu.sem_alloc : memref<!tpu.dma_semaphore, #tpu.memory_space<semaphore_mem>>
      %dma_start3A_273 = arith.constant 0 : i32
      %dma_start3A_274 = tpu.memref_slice %arg4[%add3A_224, %dma_start3A_273] : memref<8704x3072xf32, #tpu.memory_space<hbm>> -> memref<16x3072xf32, #tpu.memory_space<hbm>>
      %dma_start3A_275 = arith.constant 0 : i32
      %dma_start3A_276 = tpu.memref_slice %arg4[%add3A_224, %dma_start3A_275] : memref<8704x3072xf32, #tpu.memory_space<hbm>> -> memref<16x3072xf32, #tpu.memory_space<hbm>>
      tpu.enqueue_dma source(%arg6 : memref<16x3072xf32, #tpu.memory_space<vmem>>) target(%dma_start3A_276 : memref<16x3072xf32, #tpu.memory_space<hbm>>) target_semaphore(%run_scoped3A : memref<!tpu.dma_semaphore, #tpu.memory_space<semaphore_mem>>)
      %dma_wait3A_277 = arith.constant 0 : i32
      %dma_wait3A_278 = tpu.memref_slice %arg4[%add3A_224, %dma_wait3A_277] : memref<8704x3072xf32, #tpu.memory_space<hbm>> -> memref<16x3072xf32, #tpu.memory_space<hbm>>
      %dma_wait3A_279 = arith.constant 0 : i32
      %dma_wait3A_280 = tpu.memref_slice %arg4[%add3A_224, %dma_wait3A_279] : memref<8704x3072xf32, #tpu.memory_space<hbm>> -> memref<16x3072xf32, #tpu.memory_space<hbm>>
      tpu.wait_dma2 semaphore(%run_scoped3A : memref<!tpu.dma_semaphore, #tpu.memory_space<semaphore_mem>>) src(%arg6 : memref<16x3072xf32, #tpu.memory_space<vmem>>) dst(%dma_wait3A_280 : memref<16x3072xf32, #tpu.memory_space<hbm>>)
      tpu.yield
    }) : () -> ()
    %dma_start3A_225 = arith.constant 14 : i32
    %dma_start3A_226 = arith.constant 0 : i32
    %dma_start3A_227 = tpu.memref_slice %arg5[%dma_start3A_225, %dma_start3A_226] : memref<17x16xi32, #tpu.memory_space<vmem>> -> memref<1x16xi32, #tpu.memory_space<vmem>>
    %dma_start3A_228 = tpu.memref_squeeze %dma_start3A_227 : memref<1x16xi32, #tpu.memory_space<vmem>> -> memref<16xi32, #tpu.memory_space<vmem>>
    %dma_start3A_229 = arith.constant 0 : i32
    %dma_start3A_230 = arith.constant 0 : i32
    %dma_start3A_231 = tpu.memref_slice %arg2[%dma_start3A_229, %dma_start3A_230] : memref<8192x3072xf32, #tpu.memory_space<hbm>> -> memref<8192x3072xf32, #tpu.memory_space<hbm>>
    tpu.enqueue_indirect_dma source(%dma_start3A_231 : memref<8192x3072xf32, #tpu.memory_space<hbm>>) target(%arg6 : memref<16x3072xf32, #tpu.memory_space<vmem>>) offsets(%dma_start3A_228 : memref<16xi32, #tpu.memory_space<vmem>>) semaphore(%arg7 : memref<!tpu.dma_semaphore, #tpu.memory_space<semaphore_mem>>)
    %dma_wait3A_232 = arith.constant 14 : i32
    %dma_wait3A_233 = arith.constant 0 : i32
    %dma_wait3A_234 = tpu.memref_slice %arg5[%dma_wait3A_232, %dma_wait3A_233] : memref<17x16xi32, #tpu.memory_space<vmem>> -> memref<1x16xi32, #tpu.memory_space<vmem>>
    %dma_wait3A_235 = tpu.memref_squeeze %dma_wait3A_234 : memref<1x16xi32, #tpu.memory_space<vmem>> -> memref<16xi32, #tpu.memory_space<vmem>>
    %dma_wait3A_236 = arith.constant 0 : i32
    %dma_wait3A_237 = arith.constant 0 : i32
    %dma_wait3A_238 = tpu.memref_slice %arg2[%dma_wait3A_236, %dma_wait3A_237] : memref<8192x3072xf32, #tpu.memory_space<hbm>> -> memref<8192x3072xf32, #tpu.memory_space<hbm>>
    tpu.wait_indirect_dma semaphore(%arg7 : memref<!tpu.dma_semaphore, #tpu.memory_space<semaphore_mem>>) src(%dma_wait3A_238 : memref<8192x3072xf32, #tpu.memory_space<hbm>>) dst(%arg6 : memref<16x3072xf32, #tpu.memory_space<vmem>>)
    %add3A_239 = arith.constant 224 : i32
    %add3A_240 = arith.addi %mul3A_2, %add3A_239 : i32
    "tpu.region"() ({
      %run_scoped3A = tpu.sem_alloc : memref<!tpu.dma_semaphore, #tpu.memory_space<semaphore_mem>>
      %dma_start3A_273 = arith.constant 0 : i32
      %dma_start3A_274 = tpu.memref_slice %arg4[%add3A_240, %dma_start3A_273] : memref<8704x3072xf32, #tpu.memory_space<hbm>> -> memref<16x3072xf32, #tpu.memory_space<hbm>>
      %dma_start3A_275 = arith.constant 0 : i32
      %dma_start3A_276 = tpu.memref_slice %arg4[%add3A_240, %dma_start3A_275] : memref<8704x3072xf32, #tpu.memory_space<hbm>> -> memref<16x3072xf32, #tpu.memory_space<hbm>>
      tpu.enqueue_dma source(%arg6 : memref<16x3072xf32, #tpu.memory_space<vmem>>) target(%dma_start3A_276 : memref<16x3072xf32, #tpu.memory_space<hbm>>) target_semaphore(%run_scoped3A : memref<!tpu.dma_semaphore, #tpu.memory_space<semaphore_mem>>)
      %dma_wait3A_277 = arith.constant 0 : i32
      %dma_wait3A_278 = tpu.memref_slice %arg4[%add3A_240, %dma_wait3A_277] : memref<8704x3072xf32, #tpu.memory_space<hbm>> -> memref<16x3072xf32, #tpu.memory_space<hbm>>
      %dma_wait3A_279 = arith.constant 0 : i32
      %dma_wait3A_280 = tpu.memref_slice %arg4[%add3A_240, %dma_wait3A_279] : memref<8704x3072xf32, #tpu.memory_space<hbm>> -> memref<16x3072xf32, #tpu.memory_space<hbm>>
      tpu.wait_dma2 semaphore(%run_scoped3A : memref<!tpu.dma_semaphore, #tpu.memory_space<semaphore_mem>>) src(%arg6 : memref<16x3072xf32, #tpu.memory_space<vmem>>) dst(%dma_wait3A_280 : memref<16x3072xf32, #tpu.memory_space<hbm>>)
      tpu.yield
    }) : () -> ()
    %dma_start3A_241 = arith.constant 15 : i32
    %dma_start3A_242 = arith.constant 0 : i32
    %dma_start3A_243 = tpu.memref_slice %arg5[%dma_start3A_241, %dma_start3A_242] : memref<17x16xi32, #tpu.memory_space<vmem>> -> memref<1x16xi32, #tpu.memory_space<vmem>>
    %dma_start3A_244 = tpu.memref_squeeze %dma_start3A_243 : memref<1x16xi32, #tpu.memory_space<vmem>> -> memref<16xi32, #tpu.memory_space<vmem>>
    %dma_start3A_245 = arith.constant 0 : i32
    %dma_start3A_246 = arith.constant 0 : i32
    %dma_start3A_247 = tpu.memref_slice %arg2[%dma_start3A_245, %dma_start3A_246] : memref<8192x3072xf32, #tpu.memory_space<hbm>> -> memref<8192x3072xf32, #tpu.memory_space<hbm>>
    tpu.enqueue_indirect_dma source(%dma_start3A_247 : memref<8192x3072xf32, #tpu.memory_space<hbm>>) target(%arg6 : memref<16x3072xf32, #tpu.memory_space<vmem>>) offsets(%dma_start3A_244 : memref<16xi32, #tpu.memory_space<vmem>>) semaphore(%arg7 : memref<!tpu.dma_semaphore, #tpu.memory_space<semaphore_mem>>)
    %dma_wait3A_248 = arith.constant 15 : i32
    %dma_wait3A_249 = arith.constant 0 : i32
    %dma_wait3A_250 = tpu.memref_slice %arg5[%dma_wait3A_248, %dma_wait3A_249] : memref<17x16xi32, #tpu.memory_space<vmem>> -> memref<1x16xi32, #tpu.memory_space<vmem>>
    %dma_wait3A_251 = tpu.memref_squeeze %dma_wait3A_250 : memref<1x16xi32, #tpu.memory_space<vmem>> -> memref<16xi32, #tpu.memory_space<vmem>>
    %dma_wait3A_252 = arith.constant 0 : i32
    %dma_wait3A_253 = arith.constant 0 : i32
    %dma_wait3A_254 = tpu.memref_slice %arg2[%dma_wait3A_252, %dma_wait3A_253] : memref<8192x3072xf32, #tpu.memory_space<hbm>> -> memref<8192x3072xf32, #tpu.memory_space<hbm>>
    tpu.wait_indirect_dma semaphore(%arg7 : memref<!tpu.dma_semaphore, #tpu.memory_space<semaphore_mem>>) src(%dma_wait3A_254 : memref<8192x3072xf32, #tpu.memory_space<hbm>>) dst(%arg6 : memref<16x3072xf32, #tpu.memory_space<vmem>>)
    %add3A_255 = arith.constant 240 : i32
    %add3A_256 = arith.addi %mul3A_2, %add3A_255 : i32
    "tpu.region"() ({
      %run_scoped3A = tpu.sem_alloc : memref<!tpu.dma_semaphore, #tpu.memory_space<semaphore_mem>>
      %dma_start3A_273 = arith.constant 0 : i32
      %dma_start3A_274 = tpu.memref_slice %arg4[%add3A_256, %dma_start3A_273] : memref<8704x3072xf32, #tpu.memory_space<hbm>> -> memref<16x3072xf32, #tpu.memory_space<hbm>>
      %dma_start3A_275 = arith.constant 0 : i32
      %dma_start3A_276 = tpu.memref_slice %arg4[%add3A_256, %dma_start3A_275] : memref<8704x3072xf32, #tpu.memory_space<hbm>> -> memref<16x3072xf32, #tpu.memory_space<hbm>>
      tpu.enqueue_dma source(%arg6 : memref<16x3072xf32, #tpu.memory_space<vmem>>) target(%dma_start3A_276 : memref<16x3072xf32, #tpu.memory_space<hbm>>) target_semaphore(%run_scoped3A : memref<!tpu.dma_semaphore, #tpu.memory_space<semaphore_mem>>)
      %dma_wait3A_277 = arith.constant 0 : i32
      %dma_wait3A_278 = tpu.memref_slice %arg4[%add3A_256, %dma_wait3A_277] : memref<8704x3072xf32, #tpu.memory_space<hbm>> -> memref<16x3072xf32, #tpu.memory_space<hbm>>
      %dma_wait3A_279 = arith.constant 0 : i32
      %dma_wait3A_280 = tpu.memref_slice %arg4[%add3A_256, %dma_wait3A_279] : memref<8704x3072xf32, #tpu.memory_space<hbm>> -> memref<16x3072xf32, #tpu.memory_space<hbm>>
      tpu.wait_dma2 semaphore(%run_scoped3A : memref<!tpu.dma_semaphore, #tpu.memory_space<semaphore_mem>>) src(%arg6 : memref<16x3072xf32, #tpu.memory_space<vmem>>) dst(%dma_wait3A_280 : memref<16x3072xf32, #tpu.memory_space<hbm>>)
      tpu.yield
    }) : () -> ()
    %dma_start3A_257 = arith.constant 16 : i32
    %dma_start3A_258 = arith.constant 0 : i32
    %dma_start3A_259 = tpu.memref_slice %arg5[%dma_start3A_257, %dma_start3A_258] : memref<17x16xi32, #tpu.memory_space<vmem>> -> memref<1x16xi32, #tpu.memory_space<vmem>>
    %dma_start3A_260 = tpu.memref_squeeze %dma_start3A_259 : memref<1x16xi32, #tpu.memory_space<vmem>> -> memref<16xi32, #tpu.memory_space<vmem>>
    %dma_start3A_261 = arith.constant 0 : i32
    %dma_start3A_262 = arith.constant 0 : i32
    %dma_start3A_263 = tpu.memref_slice %arg2[%dma_start3A_261, %dma_start3A_262] : memref<8192x3072xf32, #tpu.memory_space<hbm>> -> memref<8192x3072xf32, #tpu.memory_space<hbm>>
    tpu.enqueue_indirect_dma source(%dma_start3A_263 : memref<8192x3072xf32, #tpu.memory_space<hbm>>) target(%arg6 : memref<16x3072xf32, #tpu.memory_space<vmem>>) offsets(%dma_start3A_260 : memref<16xi32, #tpu.memory_space<vmem>>) semaphore(%arg7 : memref<!tpu.dma_semaphore, #tpu.memory_space<semaphore_mem>>)
    %dma_wait3A_264 = arith.constant 16 : i32
    %dma_wait3A_265 = arith.constant 0 : i32
    %dma_wait3A_266 = tpu.memref_slice %arg5[%dma_wait3A_264, %dma_wait3A_265] : memref<17x16xi32, #tpu.memory_space<vmem>> -> memref<1x16xi32, #tpu.memory_space<vmem>>
    %dma_wait3A_267 = tpu.memref_squeeze %dma_wait3A_266 : memref<1x16xi32, #tpu.memory_space<vmem>> -> memref<16xi32, #tpu.memory_space<vmem>>
    %dma_wait3A_268 = arith.constant 0 : i32
    %dma_wait3A_269 = arith.constant 0 : i32
    %dma_wait3A_270 = tpu.memref_slice %arg2[%dma_wait3A_268, %dma_wait3A_269] : memref<8192x3072xf32, #tpu.memory_space<hbm>> -> memref<8192x3072xf32, #tpu.memory_space<hbm>>
    tpu.wait_indirect_dma semaphore(%arg7 : memref<!tpu.dma_semaphore, #tpu.memory_space<semaphore_mem>>) src(%dma_wait3A_270 : memref<8192x3072xf32, #tpu.memory_space<hbm>>) dst(%arg6 : memref<16x3072xf32, #tpu.memory_space<vmem>>)
    %add3A_271 = arith.constant 256 : i32
    %add3A_272 = arith.addi %mul3A_2, %add3A_271 : i32
    "tpu.region"() ({
      %run_scoped3A = tpu.sem_alloc : memref<!tpu.dma_semaphore, #tpu.memory_space<semaphore_mem>>
      %dma_start3A_273 = arith.constant 0 : i32
      %dma_start3A_274 = tpu.memref_slice %arg4[%add3A_272, %dma_start3A_273] : memref<8704x3072xf32, #tpu.memory_space<hbm>> -> memref<16x3072xf32, #tpu.memory_space<hbm>>
      %dma_start3A_275 = arith.constant 0 : i32
      %dma_start3A_276 = tpu.memref_slice %arg4[%add3A_272, %dma_start3A_275] : memref<8704x3072xf32, #tpu.memory_space<hbm>> -> memref<16x3072xf32, #tpu.memory_space<hbm>>
      tpu.enqueue_dma source(%arg6 : memref<16x3072xf32, #tpu.memory_space<vmem>>) target(%dma_start3A_276 : memref<16x3072xf32, #tpu.memory_space<hbm>>) target_semaphore(%run_scoped3A : memref<!tpu.dma_semaphore, #tpu.memory_space<semaphore_mem>>)
      %dma_wait3A_277 = arith.constant 0 : i32
      %dma_wait3A_278 = tpu.memref_slice %arg4[%add3A_272, %dma_wait3A_277] : memref<8704x3072xf32, #tpu.memory_space<hbm>> -> memref<16x3072xf32, #tpu.memory_space<hbm>>
      %dma_wait3A_279 = arith.constant 0 : i32
      %dma_wait3A_280 = tpu.memref_slice %arg4[%add3A_272, %dma_wait3A_279] : memref<8704x3072xf32, #tpu.memory_space<hbm>> -> memref<16x3072xf32, #tpu.memory_space<hbm>>
      tpu.wait_dma2 semaphore(%run_scoped3A : memref<!tpu.dma_semaphore, #tpu.memory_space<semaphore_mem>>) src(%arg6 : memref<16x3072xf32, #tpu.memory_space<vmem>>) dst(%dma_wait3A_280 : memref<16x3072xf32, #tpu.memory_space<hbm>>)
      tpu.yield
    }) : () -> ()
    return
  }
}

module attributes {stable_mosaic.version = 14 : i64} {
  func.func @body(%arg0: i32, %arg1: memref<256x3x32x32xf32, #tpu.memory_space<vmem>>, %arg2: memref<4x3xf32, #tpu.memory_space<vmem>>, %arg3: memref<4xf32, #tpu.memory_space<vmem>>, %arg4: memref<1x1x256xi32, #tpu.memory_space<vmem>>, %arg5: memref<256x32x96xf32, #tpu.memory_space<vmem>>) attributes {dimension_semantics = [#tpu.dimension_semantics<arbitrary>], iteration_bounds = array<i64: 32>, scalar_prefetch = 0 : i64, scratch_operands = 0 : i64, tpu.core_type = #tpu.core_type<tc>, window_params = [{transform_indices = @transform_0, window_bounds = array<i64: 256, 3, 32, 32>}, {pipeline_mode = #tpu.pipeline_mode<synchronous>, transform_indices = @transform_1, window_bounds = array<i64: 4, 3>}, {pipeline_mode = #tpu.pipeline_mode<synchronous>, transform_indices = @transform_2, window_bounds = array<i64: 4>}, {transform_indices = @transform_3, window_bounds = array<i64: 1, 1, 256>}, {transform_indices = @transform_4, window_bounds = array<i64: 256, 32, 96>}]} {
    %get3A = arith.constant 0 : index
    %get3A_0 = arith.constant 0 : index
    %get3A_1 = arith.constant 0 : index
    %get3A_2 = arith.constant 0 : index
    %get3A_3 = vector.load %arg1[%get3A, %get3A_0, %get3A_1, %get3A_2] : memref<256x3x32x32xf32, #tpu.memory_space<vmem>>, vector<256x3x32x32xf32>
    %reduce_sum3A = arith.constant dense<0.000000e+00> : vector<256x3xf32>
    %reduce_sum3A_4 = vector.multi_reduction <add>, %get3A_3, %reduce_sum3A [2, 3] : vector<256x3x32x32xf32> to vector<256x3xf32>
    %div3A = arith.constant 1.024000e+03 : f32
    %div3A_5 = vector.broadcast %div3A : f32 to vector<256x3xf32>
    %div3A_6 = arith.divf %reduce_sum3A_4, %div3A_5 : vector<256x3xf32>
    %get3A_7 = arith.constant 0 : index
    %get3A_8 = arith.constant 0 : index
    %get3A_9 = vector.load %arg2[%get3A_7, %get3A_8] : memref<4x3xf32, #tpu.memory_space<vmem>>, vector<4x3xf32>
    %transpose3A = tpu.transpose %get3A_9, [1, 0] : vector<4x3xf32> -> vector<3x4xf32>
    %dot_general3A = arith.constant dense<0.000000e+00> : vector<256x4xf32>
    %dot_general3A_10 = tpu.matmul %div3A_6, %transpose3A, %dot_general3A {dimension_numbers = #tpu.dot_dimension_numbers<[1], [0], [0], [1], [0, 0, 1, 1], [], []>, transpose_lhs_hint = false} : vector<256x3xf32>, vector<3x4xf32>, vector<256x4xf32> -> vector<256x4xf32>
    %get3A_11 = arith.constant 0 : index
    %get3A_12 = vector.load %arg3[%get3A_11] : memref<4xf32, #tpu.memory_space<vmem>>, vector<4xf32>
    %broadcast_in_dim3A = vector.shape_cast %get3A_12 : vector<4xf32> to vector<1x4xf32>
    %add3A = vector.broadcast %broadcast_in_dim3A : vector<1x4xf32> to vector<256x4xf32>
    %add3A_13 = arith.addf %dot_general3A_10, %add3A : vector<256x4xf32>
    %argmax3A = tpu.reduce_index %add3A_13 {axis = 1 : i32, kind = #tpu.reduction_kind<arg_max>} : vector<256x4xf32> -> vector<256xi32>
    %swap3A = arith.constant 0 : index
    %swap3A_14 = arith.constant 0 : index
    %swap3A_15 = arith.constant 0 : index
    %swap3A_16 = vector.load %arg4[%swap3A, %swap3A_14, %swap3A_15] : memref<1x1x256xi32, #tpu.memory_space<vmem>>, vector<1x1x256xi32>
    %swap3A_17 = vector.shape_cast %swap3A_16 : vector<1x1x256xi32> to vector<256xi32>
    %swap3A_18 = vector.shape_cast %argmax3A : vector<256xi32> to vector<1x1x256xi32>
    tpu.vector_store %arg4[%swap3A, %swap3A_14, %swap3A_15], %swap3A_18 {strides = array<i32>} : memref<1x1x256xi32, #tpu.memory_space<vmem>>, vector<1x1x256xi32>,
    %transpose3A_19 = tpu.transpose %get3A_3, [0, 2, 1, 3] : vector<256x3x32x32xf32> -> vector<256x32x3x32xf32>
    %reshape3A = vector.shape_cast %transpose3A_19 : vector<256x32x3x32xf32> to vector<256x32x96xf32>
    %swap3A_20 = arith.constant 0 : index
    %swap3A_21 = arith.constant 0 : index
    %swap3A_22 = arith.constant 0 : index
    %swap3A_23 = vector.load %arg5[%swap3A_20, %swap3A_21, %swap3A_22] : memref<256x32x96xf32, #tpu.memory_space<vmem>>, vector<256x32x96xf32>
    tpu.vector_store %arg5[%swap3A_20, %swap3A_21, %swap3A_22], %reshape3A {strides = array<i32>} : memref<256x32x96xf32, #tpu.memory_space<vmem>>, vector<256x32x96xf32>,
    return
  }
  func.func @transform_0(%arg0: i32) -> (i32, i32, i32, i32) {
    %c0_i32 = arith.constant 0 : i32
    %c0_i32_0 = arith.constant 0 : i32
    %c0_i32_1 = arith.constant 0 : i32
    %c0_i32_2 = arith.constant 0 : i32
    return %arg0, %c0_i32, %c0_i32_0, %c0_i32_1 : i32, i32, i32, i32
  }
  func.func @transform_1(%arg0: i32) -> (i32, i32) {
    %c0_i32 = arith.constant 0 : i32
    %c0_i32_0 = arith.constant 0 : i32
    %c0_i32_1 = arith.constant 0 : i32
    return %c0_i32, %c0_i32_0 : i32, i32
  }
  func.func @transform_2(%arg0: i32) -> i32 {
    %c0_i32 = arith.constant 0 : i32
    %c0_i32_0 = arith.constant 0 : i32
    return %c0_i32 : i32
  }
  func.func @transform_3(%arg0: i32) -> (i32, i32, i32) {
    %c0_i32 = arith.constant 0 : i32
    %c0_i32_0 = arith.constant 0 : i32
    %c0_i32_1 = arith.constant 0 : i32
    return %arg0, %c0_i32, %c0_i32_0 : i32, i32, i32
  }
  func.func @transform_4(%arg0: i32) -> (i32, i32, i32) {
    %c0_i32 = arith.constant 0 : i32
    %c0_i32_0 = arith.constant 0 : i32
    %c0_i32_1 = arith.constant 0 : i32
    return %arg0, %c0_i32, %c0_i32_0 : i32, i32, i32
  }
}

module attributes {stable_mosaic.version = 14 : i64} {
  func.func @body(%arg0: i32, %arg1: memref<68xi32, #tpu.memory_space<smem>>, %arg2: memref<128x32x96xf32, #tpu.memory_space<vmem>>, %arg3: memref<1x3x96x512xbf16, #tpu.memory_space<vmem>>, %arg4: memref<1x1x3x512x512xbf16, #tpu.memory_space<vmem>>, %arg5: memref<1x3x512x96xbf16, #tpu.memory_space<vmem>>, %arg6: memref<1x1x512xf32, #tpu.memory_space<vmem>>, %arg7: memref<1x1x1x512xf32, #tpu.memory_space<vmem>>, %arg8: memref<1x1x96xf32, #tpu.memory_space<vmem>>, %arg9: memref<1x1x128xf32, #tpu.memory_space<vmem>>, %arg10: memref<128x32x96xf32, #tpu.memory_space<vmem>>) attributes {dimension_semantics = [#tpu.dimension_semantics<arbitrary>], iteration_bounds = array<i64: 68>, scalar_prefetch = 1 : i64, scratch_operands = 0 : i64, tpu.core_type = #tpu.core_type<tc>, window_params = [{transform_indices = @transform_0, window_bounds = array<i64: 128, 32, 96>}, {transform_indices = @transform_1, window_bounds = array<i64: 1, 3, 96, 512>}, {transform_indices = @transform_2, window_bounds = array<i64: 1, 1, 3, 512, 512>}, {transform_indices = @transform_3, window_bounds = array<i64: 1, 3, 512, 96>}, {transform_indices = @transform_4, window_bounds = array<i64: 1, 1, 512>}, {transform_indices = @transform_5, window_bounds = array<i64: 1, 1, 1, 512>}, {transform_indices = @transform_6, window_bounds = array<i64: 1, 1, 96>}, {transform_indices = @transform_7, window_bounds = array<i64: 1, 1, 128>}, {transform_indices = @transform_8, window_bounds = array<i64: 128, 32, 96>}]} {
    %get3A = arith.constant 0 : index
    %get3A_0 = arith.constant 0 : index
    %get3A_1 = arith.constant 0 : index
    %get3A_2 = vector.load %arg2[%get3A, %get3A_0, %get3A_1] : memref<128x32x96xf32, #tpu.memory_space<vmem>>, vector<128x32x96xf32>
    %get3A_3 = arith.constant 0 : index
    %get3A_4 = arith.constant 0 : index
    %get3A_5 = arith.constant 0 : index
    %get3A_6 = arith.constant 0 : index
    %get3A_7 = vector.load %arg3[%get3A_3, %get3A_4, %get3A_5, %get3A_6] : memref<1x3x96x512xbf16, #tpu.memory_space<vmem>>, vector<1x3x96x512xbf16>
    %get3A_8 = vector.shape_cast %get3A_7 : vector<1x3x96x512xbf16> to vector<3x96x512xbf16>
    %get3A_9 = arith.constant 0 : index
    %get3A_10 = arith.constant 0 : index
    %get3A_11 = arith.constant 0 : index
    %get3A_12 = vector.load %arg6[%get3A_9, %get3A_10, %get3A_11] : memref<1x1x512xf32, #tpu.memory_space<vmem>>, vector<1x1x512xf32>
    %get3A_13 = vector.shape_cast %get3A_12 : vector<1x1x512xf32> to vector<512xf32>
    %broadcast_in_dim3A = arith.constant 0.000000e+00 : f32
    %broadcast_in_dim3A_14 = vector.broadcast %broadcast_in_dim3A : f32 to vector<128x1x96xf32>
    %concatenate3A = tpu.concatenate %broadcast_in_dim3A_14, %get3A_2, %broadcast_in_dim3A_14 in 1 : vector<128x1x96xf32>, vector<128x32x96xf32>, vector<128x1x96xf32> -> vector<128x34x96xf32>
    %slice3A = vector.extract_strided_slice %concatenate3A {offsets = [0, 0, 0], sizes = [128, 32, 96], strides = [1, 1, 1]} : vector<128x34x96xf32> to vector<128x32x96xf32>
    %reshape3A = vector.shape_cast %slice3A : vector<128x32x96xf32> to vector<4096x96xf32>
    %convert_element_type3A = arith.truncf %reshape3A : vector<4096x96xf32> to vector<4096x96xbf16>
    %slice3A_15 = vector.extract_strided_slice %get3A_8 {offsets = [0, 0, 0], sizes = [1, 96, 512], strides = [1, 1, 1]} : vector<3x96x512xbf16> to vector<1x96x512xbf16>
    %squeeze3A = vector.shape_cast %slice3A_15 : vector<1x96x512xbf16> to vector<96x512xbf16>
    %dot_general3A = arith.constant dense<0.000000e+00> : vector<4096x512xf32>
    %dot_general3A_16 = tpu.matmul %convert_element_type3A, %squeeze3A, %dot_general3A {dimension_numbers = #tpu.dot_dimension_numbers<[1], [0], [0], [1], [0, 0, 1, 1], [], []>, transpose_lhs_hint = false} : vector<4096x96xbf16>, vector<96x512xbf16>, vector<4096x512xf32> -> vector<4096x512xf32>
    %slice3A_17 = vector.extract_strided_slice %concatenate3A {offsets = [0, 1, 0], sizes = [128, 32, 96], strides = [1, 1, 1]} : vector<128x34x96xf32> to vector<128x32x96xf32>
    %reshape3A_18 = vector.shape_cast %slice3A_17 : vector<128x32x96xf32> to vector<4096x96xf32>
    %convert_element_type3A_19 = arith.truncf %reshape3A_18 : vector<4096x96xf32> to vector<4096x96xbf16>
    %slice3A_20 = vector.extract_strided_slice %get3A_8 {offsets = [1, 0, 0], sizes = [1, 96, 512], strides = [1, 1, 1]} : vector<3x96x512xbf16> to vector<1x96x512xbf16>
    %squeeze3A_21 = vector.shape_cast %slice3A_20 : vector<1x96x512xbf16> to vector<96x512xbf16>
    %dot_general3A_22 = arith.constant dense<0.000000e+00> : vector<4096x512xf32>
    %dot_general3A_23 = tpu.matmul %convert_element_type3A_19, %squeeze3A_21, %dot_general3A_22 {dimension_numbers = #tpu.dot_dimension_numbers<[1], [0], [0], [1], [0, 0, 1, 1], [], []>, transpose_lhs_hint = false} : vector<4096x96xbf16>, vector<96x512xbf16>, vector<4096x512xf32> -> vector<4096x512xf32>
    %add3A = arith.addf %dot_general3A_16, %dot_general3A_23 : vector<4096x512xf32>
    %slice3A_24 = vector.extract_strided_slice %concatenate3A {offsets = [0, 2, 0], sizes = [128, 32, 96], strides = [1, 1, 1]} : vector<128x34x96xf32> to vector<128x32x96xf32>
    %reshape3A_25 = vector.shape_cast %slice3A_24 : vector<128x32x96xf32> to vector<4096x96xf32>
    %convert_element_type3A_26 = arith.truncf %reshape3A_25 : vector<4096x96xf32> to vector<4096x96xbf16>
    %slice3A_27 = vector.extract_strided_slice %get3A_8 {offsets = [2, 0, 0], sizes = [1, 96, 512], strides = [1, 1, 1]} : vector<3x96x512xbf16> to vector<1x96x512xbf16>
    %squeeze3A_28 = vector.shape_cast %slice3A_27 : vector<1x96x512xbf16> to vector<96x512xbf16>
    %dot_general3A_29 = arith.constant dense<0.000000e+00> : vector<4096x512xf32>
    %dot_general3A_30 = tpu.matmul %convert_element_type3A_26, %squeeze3A_28, %dot_general3A_29 {dimension_numbers = #tpu.dot_dimension_numbers<[1], [0], [0], [1], [0, 0, 1, 1], [], []>, transpose_lhs_hint = false} : vector<4096x96xbf16>, vector<96x512xbf16>, vector<4096x512xf32> -> vector<4096x512xf32>
    %add3A_31 = arith.addf %add3A, %dot_general3A_30 : vector<4096x512xf32>
    %reshape3A_32 = vector.shape_cast %add3A_31 : vector<4096x512xf32> to vector<128x32x512xf32>
    %broadcast_in_dim3A_33 = vector.shape_cast %get3A_13 : vector<512xf32> to vector<1x1x512xf32>
    %add3A_34 = vector.broadcast %broadcast_in_dim3A_33 : vector<1x1x512xf32> to vector<128x32x512xf32>
    %add3A_35 = arith.addf %reshape3A_32, %add3A_34 : vector<128x32x512xf32>
    %max3A = arith.constant 0.000000e+00 : f32
    %max3A_36 = vector.broadcast %max3A : f32 to vector<128x32x512xf32>
    %max3A_37 = arith.maximumf %add3A_35, %max3A_36 : vector<128x32x512xf32>
    %get3A_38 = arith.constant 0 : index
    %get3A_39 = arith.constant 0 : index
    %get3A_40 = arith.constant 0 : index
    %get3A_41 = arith.constant 0 : index
    %get3A_42 = arith.constant 0 : index
    %get3A_43 = vector.load %arg4[%get3A_38, %get3A_39, %get3A_40, %get3A_41, %get3A_42] : memref<1x1x3x512x512xbf16, #tpu.memory_space<vmem>>, vector<1x1x3x512x512xbf16>
    %get3A_44 = vector.shape_cast %get3A_43 : vector<1x1x3x512x512xbf16> to vector<3x512x512xbf16>
    %get3A_45 = arith.constant 0 : index
    %get3A_46 = arith.constant 0 : index
    %get3A_47 = arith.constant 0 : index
    %get3A_48 = arith.constant 0 : index
    %get3A_49 = vector.load %arg7[%get3A_45, %get3A_46, %get3A_47, %get3A_48] : memref<1x1x1x512xf32, #tpu.memory_space<vmem>>, vector<1x1x1x512xf32>
    %get3A_50 = vector.shape_cast %get3A_49 : vector<1x1x1x512xf32> to vector<512xf32>
    %broadcast_in_dim3A_51 = arith.constant 0.000000e+00 : f32
    %broadcast_in_dim3A_52 = vector.broadcast %broadcast_in_dim3A_51 : f32 to vector<128x1x512xf32>
    %concatenate3A_53 = tpu.concatenate %broadcast_in_dim3A_52, %max3A_37, %broadcast_in_dim3A_52 in 1 : vector<128x1x512xf32>, vector<128x32x512xf32>, vector<128x1x512xf32> -> vector<128x34x512xf32>
    %slice3A_54 = vector.extract_strided_slice %concatenate3A_53 {offsets = [0, 0, 0], sizes = [128, 32, 512], strides = [1, 1, 1]} : vector<128x34x512xf32> to vector<128x32x512xf32>
    %reshape3A_55 = vector.shape_cast %slice3A_54 : vector<128x32x512xf32> to vector<4096x512xf32>
    %convert_element_type3A_56 = arith.truncf %reshape3A_55 : vector<4096x512xf32> to vector<4096x512xbf16>
    %slice3A_57 = vector.extract_strided_slice %get3A_44 {offsets = [0, 0, 0], sizes = [1, 512, 512], strides = [1, 1, 1]} : vector<3x512x512xbf16> to vector<1x512x512xbf16>
    %squeeze3A_58 = vector.shape_cast %slice3A_57 : vector<1x512x512xbf16> to vector<512x512xbf16>
    %dot_general3A_59 = arith.constant dense<0.000000e+00> : vector<4096x512xf32>
    %dot_general3A_60 = tpu.matmul %convert_element_type3A_56, %squeeze3A_58, %dot_general3A_59 {dimension_numbers = #tpu.dot_dimension_numbers<[1], [0], [0], [1], [0, 0, 1, 1], [], []>, transpose_lhs_hint = false} : vector<4096x512xbf16>, vector<512x512xbf16>, vector<4096x512xf32> -> vector<4096x512xf32>
    %slice3A_61 = vector.extract_strided_slice %concatenate3A_53 {offsets = [0, 1, 0], sizes = [128, 32, 512], strides = [1, 1, 1]} : vector<128x34x512xf32> to vector<128x32x512xf32>
    %reshape3A_62 = vector.shape_cast %slice3A_61 : vector<128x32x512xf32> to vector<4096x512xf32>
    %convert_element_type3A_63 = arith.truncf %reshape3A_62 : vector<4096x512xf32> to vector<4096x512xbf16>
    %slice3A_64 = vector.extract_strided_slice %get3A_44 {offsets = [1, 0, 0], sizes = [1, 512, 512], strides = [1, 1, 1]} : vector<3x512x512xbf16> to vector<1x512x512xbf16>
    %squeeze3A_65 = vector.shape_cast %slice3A_64 : vector<1x512x512xbf16> to vector<512x512xbf16>
    %dot_general3A_66 = arith.constant dense<0.000000e+00> : vector<4096x512xf32>
    %dot_general3A_67 = tpu.matmul %convert_element_type3A_63, %squeeze3A_65, %dot_general3A_66 {dimension_numbers = #tpu.dot_dimension_numbers<[1], [0], [0], [1], [0, 0, 1, 1], [], []>, transpose_lhs_hint = false} : vector<4096x512xbf16>, vector<512x512xbf16>, vector<4096x512xf32> -> vector<4096x512xf32>
    %add3A_68 = arith.addf %dot_general3A_60, %dot_general3A_67 : vector<4096x512xf32>
    %slice3A_69 = vector.extract_strided_slice %concatenate3A_53 {offsets = [0, 2, 0], sizes = [128, 32, 512], strides = [1, 1, 1]} : vector<128x34x512xf32> to vector<128x32x512xf32>
    %reshape3A_70 = vector.shape_cast %slice3A_69 : vector<128x32x512xf32> to vector<4096x512xf32>
    %convert_element_type3A_71 = arith.truncf %reshape3A_70 : vector<4096x512xf32> to vector<4096x512xbf16>
    %slice3A_72 = vector.extract_strided_slice %get3A_44 {offsets = [2, 0, 0], sizes = [1, 512, 512], strides = [1, 1, 1]} : vector<3x512x512xbf16> to vector<1x512x512xbf16>
    %squeeze3A_73 = vector.shape_cast %slice3A_72 : vector<1x512x512xbf16> to vector<512x512xbf16>
    %dot_general3A_74 = arith.constant dense<0.000000e+00> : vector<4096x512xf32>
    %dot_general3A_75 = tpu.matmul %convert_element_type3A_71, %squeeze3A_73, %dot_general3A_74 {dimension_numbers = #tpu.dot_dimension_numbers<[1], [0], [0], [1], [0, 0, 1, 1], [], []>, transpose_lhs_hint = false} : vector<4096x512xbf16>, vector<512x512xbf16>, vector<4096x512xf32> -> vector<4096x512xf32>
    %add3A_76 = arith.addf %add3A_68, %dot_general3A_75 : vector<4096x512xf32>
    %reshape3A_77 = vector.shape_cast %add3A_76 : vector<4096x512xf32> to vector<128x32x512xf32>
    %broadcast_in_dim3A_78 = vector.shape_cast %get3A_50 : vector<512xf32> to vector<1x1x512xf32>
    %add3A_79 = vector.broadcast %broadcast_in_dim3A_78 : vector<1x1x512xf32> to vector<128x32x512xf32>
    %add3A_80 = arith.addf %reshape3A_77, %add3A_79 : vector<128x32x512xf32>
    %max3A_81 = arith.constant 0.000000e+00 : f32
    %max3A_82 = vector.broadcast %max3A_81 : f32 to vector<128x32x512xf32>
    %max3A_83 = arith.maximumf %add3A_80, %max3A_82 : vector<128x32x512xf32>
    %add3A_84 = arith.addf %max3A_37, %max3A_83 : vector<128x32x512xf32>
    %get3A_85 = arith.constant 0 : index
    %get3A_86 = arith.constant 0 : index
    %get3A_87 = arith.constant 0 : index
    %get3A_88 = arith.constant 0 : index
    %get3A_89 = vector.load %arg5[%get3A_85, %get3A_86, %get3A_87, %get3A_88] : memref<1x3x512x96xbf16, #tpu.memory_space<vmem>>, vector<1x3x512x96xbf16>
    %get3A_90 = vector.shape_cast %get3A_89 : vector<1x3x512x96xbf16> to vector<3x512x96xbf16>
    %get3A_91 = arith.constant 0 : index
    %get3A_92 = arith.constant 0 : index
    %get3A_93 = arith.constant 0 : index
    %get3A_94 = vector.load %arg8[%get3A_91, %get3A_92, %get3A_93] : memref<1x1x96xf32, #tpu.memory_space<vmem>>, vector<1x1x96xf32>
    %get3A_95 = vector.shape_cast %get3A_94 : vector<1x1x96xf32> to vector<96xf32>
    %broadcast_in_dim3A_96 = arith.constant 0.000000e+00 : f32
    %broadcast_in_dim3A_97 = vector.broadcast %broadcast_in_dim3A_96 : f32 to vector<128x1x512xf32>
    %concatenate3A_98 = tpu.concatenate %broadcast_in_dim3A_97, %add3A_84, %broadcast_in_dim3A_97 in 1 : vector<128x1x512xf32>, vector<128x32x512xf32>, vector<128x1x512xf32> -> vector<128x34x512xf32>
    %slice3A_99 = vector.extract_strided_slice %concatenate3A_98 {offsets = [0, 0, 0], sizes = [128, 32, 512], strides = [1, 1, 1]} : vector<128x34x512xf32> to vector<128x32x512xf32>
    %reshape3A_100 = vector.shape_cast %slice3A_99 : vector<128x32x512xf32> to vector<4096x512xf32>
    %convert_element_type3A_101 = arith.truncf %reshape3A_100 : vector<4096x512xf32> to vector<4096x512xbf16>
    %slice3A_102 = vector.extract_strided_slice %get3A_90 {offsets = [0, 0, 0], sizes = [1, 512, 96], strides = [1, 1, 1]} : vector<3x512x96xbf16> to vector<1x512x96xbf16>
    %squeeze3A_103 = vector.shape_cast %slice3A_102 : vector<1x512x96xbf16> to vector<512x96xbf16>
    %dot_general3A_104 = arith.constant dense<0.000000e+00> : vector<4096x96xf32>
    %dot_general3A_105 = tpu.matmul %convert_element_type3A_101, %squeeze3A_103, %dot_general3A_104 {dimension_numbers = #tpu.dot_dimension_numbers<[1], [0], [0], [1], [0, 0, 1, 1], [], []>, transpose_lhs_hint = false} : vector<4096x512xbf16>, vector<512x96xbf16>, vector<4096x96xf32> -> vector<4096x96xf32>
    %slice3A_106 = vector.extract_strided_slice %concatenate3A_98 {offsets = [0, 1, 0], sizes = [128, 32, 512], strides = [1, 1, 1]} : vector<128x34x512xf32> to vector<128x32x512xf32>
    %reshape3A_107 = vector.shape_cast %slice3A_106 : vector<128x32x512xf32> to vector<4096x512xf32>
    %convert_element_type3A_108 = arith.truncf %reshape3A_107 : vector<4096x512xf32> to vector<4096x512xbf16>
    %slice3A_109 = vector.extract_strided_slice %get3A_90 {offsets = [1, 0, 0], sizes = [1, 512, 96], strides = [1, 1, 1]} : vector<3x512x96xbf16> to vector<1x512x96xbf16>
    %squeeze3A_110 = vector.shape_cast %slice3A_109 : vector<1x512x96xbf16> to vector<512x96xbf16>
    %dot_general3A_111 = arith.constant dense<0.000000e+00> : vector<4096x96xf32>
    %dot_general3A_112 = tpu.matmul %convert_element_type3A_108, %squeeze3A_110, %dot_general3A_111 {dimension_numbers = #tpu.dot_dimension_numbers<[1], [0], [0], [1], [0, 0, 1, 1], [], []>, transpose_lhs_hint = false} : vector<4096x512xbf16>, vector<512x96xbf16>, vector<4096x96xf32> -> vector<4096x96xf32>
    %add3A_113 = arith.addf %dot_general3A_105, %dot_general3A_112 : vector<4096x96xf32>
    %slice3A_114 = vector.extract_strided_slice %concatenate3A_98 {offsets = [0, 2, 0], sizes = [128, 32, 512], strides = [1, 1, 1]} : vector<128x34x512xf32> to vector<128x32x512xf32>
    %reshape3A_115 = vector.shape_cast %slice3A_114 : vector<128x32x512xf32> to vector<4096x512xf32>
    %convert_element_type3A_116 = arith.truncf %reshape3A_115 : vector<4096x512xf32> to vector<4096x512xbf16>
    %slice3A_117 = vector.extract_strided_slice %get3A_90 {offsets = [2, 0, 0], sizes = [1, 512, 96], strides = [1, 1, 1]} : vector<3x512x96xbf16> to vector<1x512x96xbf16>
    %squeeze3A_118 = vector.shape_cast %slice3A_117 : vector<1x512x96xbf16> to vector<512x96xbf16>
    %dot_general3A_119 = arith.constant dense<0.000000e+00> : vector<4096x96xf32>
    %dot_general3A_120 = tpu.matmul %convert_element_type3A_116, %squeeze3A_118, %dot_general3A_119 {dimension_numbers = #tpu.dot_dimension_numbers<[1], [0], [0], [1], [0, 0, 1, 1], [], []>, transpose_lhs_hint = false} : vector<4096x512xbf16>, vector<512x96xbf16>, vector<4096x96xf32> -> vector<4096x96xf32>
    %add3A_121 = arith.addf %add3A_113, %dot_general3A_120 : vector<4096x96xf32>
    %reshape3A_122 = vector.shape_cast %add3A_121 : vector<4096x96xf32> to vector<128x32x96xf32>
    %broadcast_in_dim3A_123 = vector.shape_cast %get3A_95 : vector<96xf32> to vector<1x1x96xf32>
    %add3A_124 = vector.broadcast %broadcast_in_dim3A_123 : vector<1x1x96xf32> to vector<128x32x96xf32>
    %add3A_125 = arith.addf %reshape3A_122, %add3A_124 : vector<128x32x96xf32>
    %get3A_126 = arith.constant 0 : index
    %get3A_127 = arith.constant 0 : index
    %get3A_128 = arith.constant 0 : index
    %get3A_129 = vector.load %arg9[%get3A_126, %get3A_127, %get3A_128] : memref<1x1x128xf32, #tpu.memory_space<vmem>>, vector<1x1x128xf32>
    %get3A_130 = vector.shape_cast %get3A_129 : vector<1x1x128xf32> to vector<128xf32>
    %broadcast_in_dim3A_131 = vector.shape_cast %get3A_130 : vector<128xf32> to vector<128x1x1xf32>
    %mul3A = vector.broadcast %broadcast_in_dim3A_131 : vector<128x1x1xf32> to vector<128x32x96xf32>
    %mul3A_132 = arith.mulf %add3A_125, %mul3A : vector<128x32x96xf32>
    %swap3A = arith.constant 0 : index
    %swap3A_133 = arith.constant 0 : index
    %swap3A_134 = arith.constant 0 : index
    %swap3A_135 = vector.load %arg10[%swap3A, %swap3A_133, %swap3A_134] : memref<128x32x96xf32, #tpu.memory_space<vmem>>, vector<128x32x96xf32>
    tpu.vector_store %arg10[%swap3A, %swap3A_133, %swap3A_134], %mul3A_132 {strides = array<i32>} : memref<128x32x96xf32, #tpu.memory_space<vmem>>, vector<128x32x96xf32>,
    return
  }
  func.func @transform_0(%arg0: i32, %arg1: memref<68xi32, #tpu.memory_space<smem>>) -> (i32, i32, i32) {
    %c0_i32 = arith.constant 0 : i32
    %c0_i32_0 = arith.constant 0 : i32
    %c0_i32_1 = arith.constant 0 : i32
    return %arg0, %c0_i32, %c0_i32_0 : i32, i32, i32
  }
  func.func @transform_1(%arg0: i32, %arg1: memref<68xi32, #tpu.memory_space<smem>>) -> (i32, i32, i32, i32) {
    %get3A = arith.index_cast %arg0 : i32 to index
    %get3A_0 = memref.load %arg1[%get3A] : memref<68xi32, #tpu.memory_space<smem>>
    %c0_i32 = arith.constant 0 : i32
    %c0_i32_1 = arith.constant 0 : i32
    %c0_i32_2 = arith.constant 0 : i32
    %c0_i32_3 = arith.constant 0 : i32
    return %get3A_0, %c0_i32, %c0_i32_1, %c0_i32_2 : i32, i32, i32, i32
  }
  func.func @transform_2(%arg0: i32, %arg1: memref<68xi32, #tpu.memory_space<smem>>) -> (i32, i32, i32, i32, i32) {
    %get3A = arith.index_cast %arg0 : i32 to index
    %get3A_0 = memref.load %arg1[%get3A] : memref<68xi32, #tpu.memory_space<smem>>
    %c0_i32 = arith.constant 0 : i32
    %c0_i32_1 = arith.constant 0 : i32
    %c0_i32_2 = arith.constant 0 : i32
    %c0_i32_3 = arith.constant 0 : i32
    %c0_i32_4 = arith.constant 0 : i32
    return %get3A_0, %c0_i32, %c0_i32_1, %c0_i32_2, %c0_i32_3 : i32, i32, i32, i32, i32
  }
  func.func @transform_3(%arg0: i32, %arg1: memref<68xi32, #tpu.memory_space<smem>>) -> (i32, i32, i32, i32) {
    %get3A = arith.index_cast %arg0 : i32 to index
    %get3A_0 = memref.load %arg1[%get3A] : memref<68xi32, #tpu.memory_space<smem>>
    %c0_i32 = arith.constant 0 : i32
    %c0_i32_1 = arith.constant 0 : i32
    %c0_i32_2 = arith.constant 0 : i32
    %c0_i32_3 = arith.constant 0 : i32
    return %get3A_0, %c0_i32, %c0_i32_1, %c0_i32_2 : i32, i32, i32, i32
  }
  func.func @transform_4(%arg0: i32, %arg1: memref<68xi32, #tpu.memory_space<smem>>) -> (i32, i32, i32) {
    %get3A = arith.index_cast %arg0 : i32 to index
    %get3A_0 = memref.load %arg1[%get3A] : memref<68xi32, #tpu.memory_space<smem>>
    %c0_i32 = arith.constant 0 : i32
    %c0_i32_1 = arith.constant 0 : i32
    %c0_i32_2 = arith.constant 0 : i32
    return %get3A_0, %c0_i32, %c0_i32_1 : i32, i32, i32
  }
  func.func @transform_5(%arg0: i32, %arg1: memref<68xi32, #tpu.memory_space<smem>>) -> (i32, i32, i32, i32) {
    %get3A = arith.index_cast %arg0 : i32 to index
    %get3A_0 = memref.load %arg1[%get3A] : memref<68xi32, #tpu.memory_space<smem>>
    %c0_i32 = arith.constant 0 : i32
    %c0_i32_1 = arith.constant 0 : i32
    %c0_i32_2 = arith.constant 0 : i32
    %c0_i32_3 = arith.constant 0 : i32
    return %get3A_0, %c0_i32, %c0_i32_1, %c0_i32_2 : i32, i32, i32, i32
  }
  func.func @transform_6(%arg0: i32, %arg1: memref<68xi32, #tpu.memory_space<smem>>) -> (i32, i32, i32) {
    %get3A = arith.index_cast %arg0 : i32 to index
    %get3A_0 = memref.load %arg1[%get3A] : memref<68xi32, #tpu.memory_space<smem>>
    %c0_i32 = arith.constant 0 : i32
    %c0_i32_1 = arith.constant 0 : i32
    %c0_i32_2 = arith.constant 0 : i32
    return %get3A_0, %c0_i32, %c0_i32_1 : i32, i32, i32
  }
  func.func @transform_7(%arg0: i32, %arg1: memref<68xi32, #tpu.memory_space<smem>>) -> (i32, i32, i32) {
    %c0_i32 = arith.constant 0 : i32
    %c0_i32_0 = arith.constant 0 : i32
    %c0_i32_1 = arith.constant 0 : i32
    return %arg0, %c0_i32, %c0_i32_0 : i32, i32, i32
  }
  func.func @transform_8(%arg0: i32, %arg1: memref<68xi32, #tpu.memory_space<smem>>) -> (i32, i32, i32) {
    %c0_i32 = arith.constant 0 : i32
    %c0_i32_0 = arith.constant 0 : i32
    %c0_i32_1 = arith.constant 0 : i32
    return %arg0, %c0_i32, %c0_i32_0 : i32, i32, i32
  }
}

</mosaic_0001>

<sc_bundles>
// kernel: gather_offload_async_start
scs
__scs_entry_jumppad:
0x0: {  	(pc) =	sbr.rel $0x88, $3  }
0x1: {  	(tag) =	ssettag $0x0;
	lr =	simm.s32 $0x1  }
0x2: {  	[smem:$0x3F98] =	sst lr;
	_ =	strace $0xD0000000  }
0x3: {  	_ = 	snop  }
0x4: {  	_ = 	snop  }
0x5: {  	_ = 	snop  }
0x6: {  	_ = 	snop  }
0x7: {  	_ = 	snop  }
__scs_overlays_trampoline_lowered:
0x8: {  	[smem:$0x3FA7] =	sst s0  }
0x9: {  	[smem:$0x3FA8] =	sst s1  }
0xa: {  	[smem:$0x3FA9] =	sst s2  }
0xb: {  	[smem:$0x3FAA] =	sst s3  }
0xc: {  	[smem:$0x3FAB] =	sst s4  }
0xd: {  	[smem:$0x3FAC] =	sst s5  }
0xe: {  	[smem:$0x3FAD] =	sst s6  }
0xf: {  	[smem:$0x3FAE] =	sst s7  }
0x10: {  	[smem:$0x3FAF] =	sst s8  }
0x11: {  	[smem:$0x3FB0] =	sst s9;
	s0 =	simm.s32 @!p0 $0x0  }
0x12: {  	s1 =	sld [smem:$0x3F96];
	s0 =	simm.s32 @p0 $0x1  }
0x13: {  	[smem:$0x3FB1] =	sst s0;
	s0 =	simm.s32 @!p1 $0x0  }
0x14: {  	s2 =	sld [smem:$0x3F95];
	s0 =	simm.s32 @p1 $0x1  }
0x15: {  	[smem:$0x3FB2] =	sst s0;
	s0 =	simm.s32 @!p2 $0x0  }
0x16: {  	s3 =	sld [smem:$0x3FDB];
	s0 =	simm.s32 @p2 $0x1  }
0x17: {  	s4 =	simm.s32 $0x1BF5;
	[smem:$0x3FB4] =	sst s0  }
0x18: {  	s0 =	sld [smem:$0x3F97];
	_ =	swait.ge [sflag:s4], $0x0  }
0x19: {  	s7 =	sld [smem:$0x3F98]  }
0x1a: {  	s8 =	sadd.s32 $0xFFFFE003, lr  }
0x1b: {  	s9 =	sadd.s32 $0xFFFFFEF7, lr;
	s5 =	simm.s32 $0xFFFFFFFF;
	p2 =	slt.u32 s8, $0xFFFFF086  }
0x1c: {  	p1 =	slt.u32 s9, $0xF7A;
	s5 =	simm.s32 @!p2 $0x0  }
0x1d: {  	s5 =	simm.s32 @p1 $0x1;
	p0 =	seq.s32 s7, s2  }
0x1e: {  	s7 =	smul.u32 @!p0 $0xF7A, s2;
	p2 =	seq.s32 @!p0 s5, $0x0  }
0x1f: {  	s9 =	smul.u32 $0xF7A, s1;
	s8 =	simm.s32 @!p0 $0x1BF5;
	p2 =	por !p2, p0  }
0x20: {  	[sflag:s8] =	ssyncset.s32 @!p0 $0xFFFFF086;
	s6 =	sadd.s32 @!p0 s3, s7;
	s7 =	simm.s32 @!p0 $0x108  }
0x21: {  	s3 =	sadd.s32 s3, s9;
	s6 =	sadd.s32 @!p0 $0x88, s6;
	s7 =	simm.s32 @p2 $0x1082  }
0x22: {  	[simem:s7], [sflag:s8] =	dma.local @!p0 [hbm:s6], $0xF7A  }
0x23: {  	s9 =	sor.u32 $0xD0000000, s2;
	s6 =	simm.s32 $0x108;
	_ =	swait.ge @!p0 [sflag:s8], $0x0  }
0x24: {  	s3 =	sadd.s32 $0x88, s3;
	s6 =	simm.s32 @!p1 $0x1082;
	[sflag:s4] =	ssyncset.s32 $0xFFFFF086  }
0x25: {  	[simem:s6], [sflag:s4] =	dma.local [hbm:s3], $0xF7A  }
0x26: {  	[smem:$0x3F98] =	sst s1;
	(tag) =	ssettag s2;
	_ =	strace s9  }
0x27: {  	s1 =	sld [smem:$0x3FA8]  }
0x28: {  	s2 =	sld [smem:$0x3FA9]  }
0x29: {  	s4 =	sld [smem:$0x3FAB]  }
0x2a: {  	p0 =	seq.s32 s5, $0x0;
	s5 =	sld [smem:$0x3FAC]  }
0x2b: {  	s6 =	sld [smem:$0x3FAD]  }
0x2c: {  	s7 =	sld [smem:$0x3FAE]  }
0x2d: {  	s3 =	simm.s32 $0x108;
	s8 =	sld [smem:$0x3FAF]  }
0x2e: {  	s3 =	simm.s32 @!p0 $0x1082;
	s9 =	sld [smem:$0x3FB0]  }
0x2f: {  	lr =	sadd.s32 s0, s3;
	s0 =	sld [smem:$0x3FA7]  }
0x30: {  	s3 =	sld [smem:$0x3FAA]  }
0x31: {  	[smem:$0x3FB3] =	sst s10  }
0x32: {  	s10 =	sld [smem:$0x3FB1];
	_ =	sdelay $0x3  }
0x33: {  	p0 =	seq.s32 s10, $0x1;
	s10 =	sld [smem:$0x3FB3];
	_ =	sdelay $0x3  }
0x34: {  	[smem:$0x3FB3] =	sst s10  }
0x35: {  	s10 =	sld [smem:$0x3FB2];
	_ =	sdelay $0x3  }
0x36: {  	p1 =	seq.s32 s10, $0x1;
	s10 =	sld [smem:$0x3FB3];
	_ =	sdelay $0x3  }
0x37: {  	[smem:$0x3FB3] =	sst s10  }
0x38: {  	s10 =	sld [smem:$0x3FB4]  }
0x39: {  	_ = 	snop;
	(pc) =	sbr.ind lr, $3  }
0x3a: {  	_ = 	snop  }
0x3b: {  	_ = 	snop  }
0x3c: {  	p2 =	seq.s32 s10, $0x1;
	s10 =	sld [smem:$0x3FB3]  }
0x3d: {  	_ =	shalt  }
0x3e: {  	_ =	shalt  }
0x3f: {  	_ =	shalt  }
0x40: {  	_ =	shalt  }
0x41: {  	_ =	shalt  }
0x42: {  	_ =	shalt  }
0x43: {  	_ =	shalt  }
0x44: {  	_ =	shalt  }
0x45: {  	_ =	shalt  }
0x46: {  	_ =	shalt  }
0x47: {  	_ =	shalt  }
0x48: {  	_ =	shalt  }
0x49: {  	_ =	shalt  }
0x4a: {  	_ =	shalt  }
0x4b: {  	_ =	shalt  }
0x4c: {  	_ =	shalt  }
0x4d: {  	_ =	shalt  }
0x4e: {  	_ =	shalt  }
0x4f: {  	_ =	shalt  }
0x50: {  	_ =	shalt  }
0x51: {  	_ =	shalt  }
0x52: {  	_ =	shalt  }
0x53: {  	_ =	shalt  }
0x54: {  	_ =	shalt  }
0x55: {  	_ =	shalt  }
0x56: {  	_ =	shalt  }
0x57: {  	_ =	shalt  }
0x58: {  	_ =	shalt  }
0x59: {  	_ =	shalt  }
0x5a: {  	_ =	shalt  }
0x5b: {  	_ =	shalt  }
0x5c: {  	_ =	shalt  }
0x5d: {  	_ =	shalt  }
0x5e: {  	_ =	shalt  }
0x5f: {  	_ =	shalt  }
0x60: {  	_ =	shalt  }
0x61: {  	_ =	shalt  }
0x62: {  	_ =	shalt  }
0x63: {  	_ =	shalt  }
0x64: {  	_ =	shalt  }
0x65: {  	_ =	shalt  }
0x66: {  	_ =	shalt  }
0x67: {  	_ =	shalt  }
0x68: {  	_ =	shalt  }
0x69: {  	_ =	shalt  }
0x6a: {  	_ =	shalt  }
0x6b: {  	_ =	shalt  }
0x6c: {  	_ =	shalt  }
0x6d: {  	_ =	shalt  }
0x6e: {  	_ =	shalt  }
0x6f: {  	_ =	shalt  }
0x70: {  	_ =	shalt  }
0x71: {  	_ =	shalt  }
0x72: {  	_ =	shalt  }
0x73: {  	_ =	shalt  }
0x74: {  	_ =	shalt  }
0x75: {  	_ =	shalt  }
0x76: {  	_ =	shalt  }
0x77: {  	_ =	shalt  }
0x78: {  	_ =	shalt  }
0x79: {  	_ =	shalt  }
0x7a: {  	_ =	shalt  }
0x7b: {  	_ =	shalt  }
0x7c: {  	_ =	shalt  }
0x7d: {  	_ =	shalt  }
0x7e: {  	_ =	shalt  }
0x7f: {  	_ =	shalt  }
0x80: {  	_ =	shalt  }
0x81: {  	_ =	shalt  }
0x82: {  	_ =	shalt  }
0x83: {  	_ =	shalt  }
0x84: {  	_ =	shalt  }
0x85: {  	_ =	shalt  }
0x86: {  	_ =	shalt  }
0x87: {  	_ =	shalt  }
.Lfunc_end0:
.L_simem_size_0:
called_computation.2_lowered:
.L_overlay_start_0:
0x88: {  	s2 =	sld [smem:$0x3FD9]  }
0x89: {  	s3 =	sld [smem:$0x3FFE];
	_ =	sdelay $0x1  }
0x8a: {  	s1 =	srdreg.scid  }
0x8b: {  	s0 =	sand.u32 $0x1, s1  }
0x8c: {  	s16 =	sshll.u32 s0, $0xA;
	s2 =	sadd.s32 s3, s2  }
0x8d: {  	s2 =	sadd.s32 s2, s16  }
0x8e: {  	[smem:$0x3FBF] =	sst s2  }
0x8f: {  	_ = 	snop  }
0x90: {  	(tm) =	ssettm $0x1  }
0x91: {  	s17 =	sld [smem:$0x3FFB];
	_ =	sdelay $0x3  }
0x92: {  	_ =	strace s17  }
0x93: {  	s2 =	sld [smem:$0x3FFC];
	_ =	sdelay $0x3  }
0x94: {  	_ =	strace s2  }
0x95: {  	s2 =	sld [smem:$0x3FFD];
	_ =	sdelay $0x3  }
0x96: {  	_ =	strace s2  }
0x97: {  	_ =	strace $0x8FFFFFFF  }
0x98: {  	s18 =	sld [smem:$0x3FDB];
	_ =	sdelay $0x1  }
0x99: {  	s19 =	simm.s32 $_scs_section_size  }
0x9a: {  	s4 =	simm.s32 $_size__tile_overlayer_lowered;
	s5 =	simm.s32 $_tile_overlayer_lowered  }
0x9b: {  	s22 =	simm.s32 $0x1BFF;
	s21 =	sshll.u32 s5, $0x1;
	s2 =	sadd.s32 s19, s18  }
0x9c: {  	s6 =	simm.s32 $0x0;
	s20 =	sshll.u32 s4, $0x1;
	s4 =	sadd.s32 s21, s2  }
0x9d: {  	[timem:s6], [sflag:s22] =	dma.local [hbm:s4], s20  }
0x9e: {  	_ =	swait.ge [sflag:s22], s20  }
0x9f: {  	s3 =	ssub.s32 $0x0, s20;
	[sflag:s22] =	ssyncset.done $0x0  }
0xa0: {  	[sflag:s22] =	ssyncadd.s32 s3;
	_ =	sdelay $0x1  }
0xa1: {  	s23 =	simm.s32 $0x1B8B  }
0xa2: {  	_ =	swait.ge [sflag:s23], $0x1  }
0xa3: {  	[sflag:s23] =	ssyncset.done $0x0  }
0xa4: {  	s25 =	simm.s32 $0x1B8E;
	s24 =	sld [smem:$0x3FFE];
	[sflag:s23] =	ssyncadd.s32 $0xFFFFFFFF  }
0xa5: {  	s26 =	simm.s32 $execute0_lowered;
	[smem:$0x3FD2] =	sst s25  }
0xa6: {  	s4 =	sshll.u32 s26, $0x1;
	_ =	strace $0x80000046;
	[dreg:$0x1] =	wrdreg $0xFFFFFFFF  }
0xa7: {  	s28 =	simm.s32 $_size_execute0_lowered;
	s2 =	sadd.s32 s2, s4;
	[dreg:$0x0] =	wrdreg $0x0  }
0xa8: {  	s4 =	sshll.u32 s28, $0x1;
	[dreg:$0x2] =	wrdreg s2  }
0xa9: {  	[dreg:$0x3] =	wrdreg s4  }
0xaa: {  	[dreg:$0x4] =	wrdreg $0xC0  }
0xab: {  	_ =	task [dreg:s6], $0x5FFFF  }
0xac: {  	[dreg:$0x1] =	wrdreg $0xFFFFFFFF  }
0xad: {  	[dreg:$0x0] =	wrdreg $0x60  }
0xae: {  	[dreg:$0x2] =	wrdreg s24  }
0xaf: {  	[dreg:$0x3] =	wrdreg $0x9  }
0xb0: {  	_ =	task.clear_ibuf [dreg:s6], $0x4FFFF;
	_ =	strace $0x90000046  }
0xb1: {  	s29 =	simm.s32 $0x9;
	_ =	strace $0x80000048  }
0xb2: {  	_ =	swait.ge [sflag:s29], $0x1  }
0xb3: {  	[sflag:s29] =	ssyncadd.s32 $0xFFFFFFFF  }
0xb4: {  	_ =	strace $0x90000048  }
0xb5: {  	_ =	sfence  }
0xb6: {  	s30 =	sld [smem:$0x0];
	_ =	sdelay $0x2  }
0xb7: {  	s31 =	sshll.u32 s1, $0xD;
	s1 =	sshrl.u32 s1, $0x2  }
0xb8: {  	s3 =	sand.u32 $0x4000, s31;
	s1 =	sadd.s32 s1, s30  }
0xb9: {  	s0 =	sor.u32 s3, s0;
	s1 =	sshll.u32 s1, $0x11  }
0xba: {  	s0 =	sor.u32 s1, s0  }
0xbb: {  	s0 =	sadd.s32 $0x8F2B, s0  }
0xbc: {  	[sflag:s0] =	ssyncadd.remote.s32 $0x1  }
0xbd: {  	_ =	sfence.sel $0xFFFF  }
0xbe: {  	[dreg:$0x0] =	wrdreg $0xFFFFFFFF;
	(pc) =	sbr.abs _section_cstart, $3  }
0xbf: {  	[dreg:$0x1] =	wrdreg $0xFFFFFFFF  }
0xc0: {  	_ =	task.clear_ibuf [dreg:s6], $0x2FFFF;
	_ =	strace $0x9FFFFFFF  }
0xc1: {  	(tm) =	ssettm $0x7FFFFFFF  }
tec
execute0_lowered:
.L_overlay_start_1:
0x0: {  	(tag) =	ssettag $0x1  }
0x1: {  	s0 =	srdreg.scid;
	s5 =	rddreg [dreg:$0x0]  }
0x2: {  	s1 =	stileid.u32;
	s6 =	simm.s32 $0x1;
	s9 =	simm.s32 $0x1  }
0x3: {  	s10 =	simm.s32 $0x3;
	s13 =	simm.s32 $0x0;
	s2 =	sshll.u32 s0, $0x7  }
0x4: {  	s12 =	simm.s32 $0x0;
	s3 =	sshll.u32 s1, $0x8;
	s2 =	sand.u32 $0x80, s2  }
0x5: {  	s0 =	rddreg [dreg:$0x1];
	_ =	strace $0x80000047;
	s2 =	sor.u32 s3, s2  }
0x6: {  	s4 =	sadd.s32 $0xE00, s5;
	[sflag:s6] =	ssyncpa.u1 $0x0;
	s8 =	ssub.s32 $0x2000, s2  }
.Ltmp0:
0x7: {  	s3 =	sadd.s32 $0x1000A00, s5;
	s7 =	sand.u32 $0xF80, s8;
	(pc) =	sbr.rel .LBB2_1-.Ltmp0, $4  }
0x8: {  	s5 =	sadd.s32 $0x2000, s5;
	s11 =	smov.u32 s2;
	p0 =	sne.s32 s7, $0x0  }
0x9: {  	s8 =	sshrl.u32 s8, $0xC;
	s7 =	simm.s32 $0x2;
	s9 =	simm.s32 @!p0 $0x0  }
0xa: {  	[sflag:s7] =	ssyncpa.u1 $0x0;
	p0 =	por $0x0, $0x0;
	s8 =	sadd.s32 s9, s8  }
0xb: {  	vm0 =	vmmov $0xffff;
	[sflag:s10] =	ssyncpa.u1 $0x0;
	s10 =	simm.s32 $0x0;
	s9 =	sadd.s32 $0x1, s8  }
.LBB2_4:
0xc: {  	v2 =	vnsel vm1, $0x0, v2  }
0xd: {  	vm1 =	vgt.s32 v0, $0x0;
	v2 =	vmin.u32 v2, $0x1FFF  }
0xe: {  	v0 =	vnsel vm1, $0x0, v0  }
0xf: {  	v0 =	vmin.u32 v0, $0x1FFF  }
0x10: {  	[tilespmem:s15], [sflag:$0x1] =	stream.indirect_vreg.gather [hbm4b:s3+s10], $0x1, v1, vm0, $0x4038;
	[tilespmem:$0x200] =	vst v63  }
0x11: {  	(ifvalue) =	ssetifvalue $0x7FFFFFFF  }
0x12: {  	[tilespmem:s16], [sflag:$0x1] =	stream.indirect_vreg.gather [hbm4b:s3+s10], $0x1, v2, vm0, $0x4038;
	[tilespmem:$0x200] =	vst v63  }
0x13: {  	s29 =	sadd.s32 $0x10, s16;
	(ifvalue) =	ssetifvalue $0x7FFFFFFF  }
0x14: {  	[tilespmem:s29], [sflag:$0x1] =	stream.indirect_vreg.gather [hbm4b:s3+s10], $0x1, v0, vm0, $0x4038;
	[tilespmem:$0x200] =	vst v63  }
0x15: {  	_ =	swait.ge [sflag:s6], $0x80  }
0x16: {  	s30 =	sshrl.u32 s13, $0x3;
	[sflag:s6] =	ssyncset.done $0x0  }
0x17: {  	s31 =	sand.u32 $0x7, s13;
	s15 =	sadd.s32 s5, s30;
	[sflag:s6] =	ssyncadd.s32 $0xFFFFFF80  }
0x18: {  	[hbm4b:s15+s31] =	stream.linear.scatter [tilespmem:s14], [sflag:$0x3], $0x80, $0x38;
	[tilespmem:$0x200] =	vst v63  }
.LBB2_5:
0x19: {  	s15 =	sadd.s32 $0x1000, s11  }
0x1a: {  	p2 =	sgt.s32 s15, $0x1FFF  }
0x1b: {  	s15 =	smov.u32 @p2 s2;
	p2 =	sne.s32 s12, s9  }
.Ltmp1:
0x1c: {  	p1 =	slt.u32 s12, $0x2;
	(pc) =	sbr.rel @!p2 .LBB2_6-.Ltmp1, $4  }
0x1d: {  	s14 =	simm.s32 @!p1 $0x3  }
0x1e: {  	s16 =	sadd.s32 $0x1, s12;
	_ =	swait.ge @!p1 [sflag:s14], $0x80  }
0x1f: {  	s13 =	smov.u32 s11;
	p0 =	por !p0, !p0;
	[sflag:s14] =	ssyncset.done @!p1 $0x0  }
0x20: {  	s12 =	smov.u32 s16;
	s11 =	smov.u32 s15;
	[sflag:s14] =	ssyncadd.s32 @!p1 $0xFFFFFF80  }
.LBB2_1:
0x21: {  	p1 =	sge.u32 s12, s8  }
0x22: {  	s14 =	sxor.u32 @!p1 $0xFFFFFFFF, s12  }
0x23: {  	s31 =	sadd.s32 $0xFFFFFFFF, s12;
	s15 =	sshrl.u32 @!p1 s11, $0x3;
	s14 =	sshll.u32 @!p1 s14, $0x7  }
0x24: {  	s16 =	sand.u32 @!p1 $0x7, s11;
	s15 =	sadd.s32 @!p1 s4, s15;
	s14 =	sand.u32 @!p1 $0x80, s14  }
0x25: {  	[tilespmem:s14], [sflag:$0x2] =	stream.linear.gather @!p1 [hbm4b:s15+s16], $0x80, $0x38;
	[tilespmem:$0x200] =	vst v63  }
0x26: {  	p1 =	sge.u32 s31, s8  }
.Ltmp2:
0x27: {  	_ = 	snop;
	(pc) =	sbr.rel @p1 .LBB2_5-.Ltmp2, $1  }
0x28: {  	_ =	sdelay $0x3  }
0x29: {  	s14 =	simm.s32 $0x1  }
0x2a: {  	_ =	swait.ge [sflag:s7], $0x80;
	s14 =	simm.s32 @!p0 $0x0  }
0x2b: {  	[sflag:s7] =	ssyncset.done $0x0;
	s14 =	sshll.u32 s14, $0x7  }
0x2c: {  	[sflag:s7] =	ssyncadd.s32 $0xFFFFFF80;
	(ifvalue) =	ssetifvalue $0x7FFFFFFF;
	v0 =	vld.msk [tilespmem:s14+$0x0 ss:$0x1], $0xffff;
	_ =	sdelay $0x4  }
0x2d: {  	s15 =	sadd.s32 $0x10, s14;
	vm1 =	vgt.s32 v0, $0x0  }
0x2e: {  	v2 =	vld.msk [tilespmem:s15+$0x0 ss:$0x1], $0xffff;
	v1 =	vnsel vm1, $0x0, v0  }
0x2f: {  	v1 =	vmin.u32 v1, $0x1FFF;
	_ =	sdelay $0x1  }
0x30: {  	s16 =	sshll.u32 s12, $0x7;
	s18 =	simm.s32 $0x20  }
0x31: {  	s16 =	sand.u32 $0x80, s16;
	s17 =	sadd.s32 $0x10, s15;
	s15 =	sor.u32 $0x100, s14  }
0x32: {  	s14 =	sor.u32 $0x100, s16;
	s16 =	sadd.s32 $0x10, s15;
	v0 =	vld.msk [tilespmem:s17+$0x0 ss:$0x1], $0xffff;
	vm1 =	vgt.s32 v2, $0x0;
	(ifvalue) =	ssetifvalue $0x7FFFFFFF  }
.LBB2_3:
0x33: {  	[tilespmem:s15], [sflag:$0x1] =	stream.indirect_vreg.gather [hbm4b:s3+s10], $0x1, v1, vm0, $0x4038;
	[tilespmem:$0x200] =	vst v63  }
0x34: {  	s18 =	sadd.s32 $0x10, s18  }
0x35: {  	v2 =	vnsel vm1, $0x0, v2;
	p1 =	slt.u32 s18, $0x70  }
.Ltmp3:
0x36: {  	s15 =	smov.u32 s16;
	v1 =	vmin.u32 v2, $0x1FFF;
	(pc) =	sbr.rel @p1 .LBB2_3-.Ltmp3, $3  }
0x37: {  	_ =	sdelay $0x1  }
0x38: {  	s17 =	sadd.s32 $0x10, s17  }
0x39: {  	vm1 =	vgt.s32 v0, $0x0;
	s16 =	sadd.s32 $0x10, s16;
	v2 =	vmov v0;
	(ifvalue) =	ssetifvalue $0x7FFFFFFF;
	v0 =	vld.msk [tilespmem:s17+$0x0 ss:$0x1], $0xffff  }
.Ltmp4:
0x3a: {  	_ = 	snop;
	(pc) =	sbr.rel .LBB2_4-.Ltmp4, $1  }
0x3b: {  	_ =	sdelay $0x3  }
.LBB2_6:
0x3c: {  	_ =	sfence.sel $0x180000  }
0x3d: {  	s2 =	simm.s32 $0x2;
	[bflag:$0x0] =	sbarrier.arrive $0xFFFF  }
0x3e: {  	s30 =	simm.s32 $0x3;
	[sflag:s2] =	ssyncpa.u1 $0x1  }
0x3f: {  	s31 =	simm.s32 $0x1;
	[sflag:s30] =	ssyncpa.u1 $0x1  }
0x40: {  	[sflag:s31] =	ssyncpa.u1 $0x1  }
0x41: {  	p0 =	sne.s32 s1, $0x0;
	_ =	strace $0x90000047  }
0x42: {  	s0 =	sadd.s32 @!p0 $0x100000, s0;
	[bflag:$0x2] =	sbarrier.arrive $0xFFFF  }
0x43: {  	[sflag:s0] =	ssyncadd.tile.s32 @!p0 $0x1;
	_ =	shalt  }
.Lfunc_end2:
_tile_overlayer_lowered:
.L_overlay_start_2:
0x44: {  	(tag) =	ssettag $0x2  }
0x45: {  	s0 =	rddreg [dreg:$0x0];
	s2 =	stileid.u32  }
0x46: {  	s1 =	rddreg [dreg:$0x1];
	p0 =	sne.s32 s2, $0x0  }
0x47: {  	s3 =	rddreg [dreg:$0x2];
	[bflag:$0x3] =	sbarrier.arrive $0xFFFF;
	s2 =	simm.s32 @!p0 $0x1C01  }
0x48: {  	[timem:s3], [sflag:s2] =	dma.local @!p0 [hbm:s0], s1  }
0x49: {  	s0 =	simm.s32 @!p0 $0x1  }
0x4a: {  	_ =	swait.ge @!p0 [sflag:s0], s1  }
0x4b: {  	s1 =	ssub.s32 @!p0 $0x0, s1;
	[sflag:s0] =	ssyncset.done @!p0 $0x0  }
0x4c: {  	[sflag:s0] =	ssyncadd.s32 @!p0 s1  }
0x4d: {  	[bflag:$0x3] =	sbarrier.arrive $0xFFFF  }
0x4e: {  	_ =	shalt  }

// kernel: kernel.6.cloned.1.call-start
scs
__scs_entry_jumppad:
0x0: {  	(pc) =	sbr.rel $0x88, $3  }
0x1: {  	(tag) =	ssettag $0x0;
	lr =	simm.s32 $0x1  }
0x2: {  	[smem:$0x3F98] =	sst lr;
	_ =	strace $0xD0000000  }
0x3: {  	_ = 	snop  }
0x4: {  	_ = 	snop  }
0x5: {  	_ = 	snop  }
0x6: {  	_ = 	snop  }
0x7: {  	_ = 	snop  }
__scs_overlays_trampoline_lowered:
0x8: {  	[smem:$0x3FA7] =	sst s0  }
0x9: {  	[smem:$0x3FA8] =	sst s1  }
0xa: {  	[smem:$0x3FA9] =	sst s2  }
0xb: {  	[smem:$0x3FAA] =	sst s3  }
0xc: {  	[smem:$0x3FAB] =	sst s4  }
0xd: {  	[smem:$0x3FAC] =	sst s5  }
0xe: {  	[smem:$0x3FAD] =	sst s6  }
0xf: {  	[smem:$0x3FAE] =	sst s7  }
0x10: {  	[smem:$0x3FAF] =	sst s8  }
0x11: {  	[smem:$0x3FB0] =	sst s9;
	s0 =	simm.s32 @!p0 $0x0  }
0x12: {  	s1 =	sld [smem:$0x3F96];
	s0 =	simm.s32 @p0 $0x1  }
0x13: {  	[smem:$0x3FB1] =	sst s0;
	s0 =	simm.s32 @!p1 $0x0  }
0x14: {  	s2 =	sld [smem:$0x3F95];
	s0 =	simm.s32 @p1 $0x1  }
0x15: {  	[smem:$0x3FB2] =	sst s0;
	s0 =	simm.s32 @!p2 $0x0  }
0x16: {  	s3 =	sld [smem:$0x3FDB];
	s0 =	simm.s32 @p2 $0x1  }
0x17: {  	s4 =	simm.s32 $0x1BF5;
	[smem:$0x3FB4] =	sst s0  }
0x18: {  	s0 =	sld [smem:$0x3F97];
	_ =	swait.ge [sflag:s4], $0x0  }
0x19: {  	s7 =	sld [smem:$0x3F98]  }
0x1a: {  	s8 =	sadd.s32 $0xFFFFE003, lr  }
0x1b: {  	s9 =	sadd.s32 $0xFFFFFEF7, lr;
	s5 =	simm.s32 $0xFFFFFFFF;
	p2 =	slt.u32 s8, $0xFFFFF086  }
0x1c: {  	p1 =	slt.u32 s9, $0xF7A;
	s5 =	simm.s32 @!p2 $0x0  }
0x1d: {  	s5 =	simm.s32 @p1 $0x1;
	p0 =	seq.s32 s7, s2  }
0x1e: {  	s7 =	smul.u32 @!p0 $0xF7A, s2;
	p2 =	seq.s32 @!p0 s5, $0x0  }
0x1f: {  	s9 =	smul.u32 $0xF7A, s1;
	s8 =	simm.s32 @!p0 $0x1BF5;
	p2 =	por !p2, p0  }
0x20: {  	[sflag:s8] =	ssyncset.s32 @!p0 $0xFFFFF086;
	s6 =	sadd.s32 @!p0 s3, s7;
	s7 =	simm.s32 @!p0 $0x108  }
0x21: {  	s3 =	sadd.s32 s3, s9;
	s6 =	sadd.s32 @!p0 $0x88, s6;
	s7 =	simm.s32 @p2 $0x1082  }
0x22: {  	[simem:s7], [sflag:s8] =	dma.local @!p0 [hbm:s6], $0xF7A  }
0x23: {  	s9 =	sor.u32 $0xD0000000, s2;
	s6 =	simm.s32 $0x108;
	_ =	swait.ge @!p0 [sflag:s8], $0x0  }
0x24: {  	s3 =	sadd.s32 $0x88, s3;
	s6 =	simm.s32 @!p1 $0x1082;
	[sflag:s4] =	ssyncset.s32 $0xFFFFF086  }
0x25: {  	[simem:s6], [sflag:s4] =	dma.local [hbm:s3], $0xF7A  }
0x26: {  	[smem:$0x3F98] =	sst s1;
	(tag) =	ssettag s2;
	_ =	strace s9  }
0x27: {  	s1 =	sld [smem:$0x3FA8]  }
0x28: {  	s2 =	sld [smem:$0x3FA9]  }
0x29: {  	s4 =	sld [smem:$0x3FAB]  }
0x2a: {  	p0 =	seq.s32 s5, $0x0;
	s5 =	sld [smem:$0x3FAC]  }
0x2b: {  	s6 =	sld [smem:$0x3FAD]  }
0x2c: {  	s7 =	sld [smem:$0x3FAE]  }
0x2d: {  	s3 =	simm.s32 $0x108;
	s8 =	sld [smem:$0x3FAF]  }
0x2e: {  	s3 =	simm.s32 @!p0 $0x1082;
	s9 =	sld [smem:$0x3FB0]  }
0x2f: {  	lr =	sadd.s32 s0, s3;
	s0 =	sld [smem:$0x3FA7]  }
0x30: {  	s3 =	sld [smem:$0x3FAA]  }
0x31: {  	[smem:$0x3FB3] =	sst s10  }
0x32: {  	s10 =	sld [smem:$0x3FB1];
	_ =	sdelay $0x3  }
0x33: {  	p0 =	seq.s32 s10, $0x1;
	s10 =	sld [smem:$0x3FB3];
	_ =	sdelay $0x3  }
0x34: {  	[smem:$0x3FB3] =	sst s10  }
0x35: {  	s10 =	sld [smem:$0x3FB2];
	_ =	sdelay $0x3  }
0x36: {  	p1 =	seq.s32 s10, $0x1;
	s10 =	sld [smem:$0x3FB3];
	_ =	sdelay $0x3  }
0x37: {  	[smem:$0x3FB3] =	sst s10  }
0x38: {  	s10 =	sld [smem:$0x3FB4]  }
0x39: {  	_ = 	snop;
	(pc) =	sbr.ind lr, $3  }
0x3a: {  	_ = 	snop  }
0x3b: {  	_ = 	snop  }
0x3c: {  	p2 =	seq.s32 s10, $0x1;
	s10 =	sld [smem:$0x3FB3]  }
0x3d: {  	_ =	shalt  }
0x3e: {  	_ =	shalt  }
0x3f: {  	_ =	shalt  }
0x40: {  	_ =	shalt  }
0x41: {  	_ =	shalt  }
0x42: {  	_ =	shalt  }
0x43: {  	_ =	shalt  }
0x44: {  	_ =	shalt  }
0x45: {  	_ =	shalt  }
0x46: {  	_ =	shalt  }
0x47: {  	_ =	shalt  }
0x48: {  	_ =	shalt  }
0x49: {  	_ =	shalt  }
0x4a: {  	_ =	shalt  }
0x4b: {  	_ =	shalt  }
0x4c: {  	_ =	shalt  }
0x4d: {  	_ =	shalt  }
0x4e: {  	_ =	shalt  }
0x4f: {  	_ =	shalt  }
0x50: {  	_ =	shalt  }
0x51: {  	_ =	shalt  }
0x52: {  	_ =	shalt  }
0x53: {  	_ =	shalt  }
0x54: {  	_ =	shalt  }
0x55: {  	_ =	shalt  }
0x56: {  	_ =	shalt  }
0x57: {  	_ =	shalt  }
0x58: {  	_ =	shalt  }
0x59: {  	_ =	shalt  }
0x5a: {  	_ =	shalt  }
0x5b: {  	_ =	shalt  }
0x5c: {  	_ =	shalt  }
0x5d: {  	_ =	shalt  }
0x5e: {  	_ =	shalt  }
0x5f: {  	_ =	shalt  }
0x60: {  	_ =	shalt  }
0x61: {  	_ =	shalt  }
0x62: {  	_ =	shalt  }
0x63: {  	_ =	shalt  }
0x64: {  	_ =	shalt  }
0x65: {  	_ =	shalt  }
0x66: {  	_ =	shalt  }
0x67: {  	_ =	shalt  }
0x68: {  	_ =	shalt  }
0x69: {  	_ =	shalt  }
0x6a: {  	_ =	shalt  }
0x6b: {  	_ =	shalt  }
0x6c: {  	_ =	shalt  }
0x6d: {  	_ =	shalt  }
0x6e: {  	_ =	shalt  }
0x6f: {  	_ =	shalt  }
0x70: {  	_ =	shalt  }
0x71: {  	_ =	shalt  }
0x72: {  	_ =	shalt  }
0x73: {  	_ =	shalt  }
0x74: {  	_ =	shalt  }
0x75: {  	_ =	shalt  }
0x76: {  	_ =	shalt  }
0x77: {  	_ =	shalt  }
0x78: {  	_ =	shalt  }
0x79: {  	_ =	shalt  }
0x7a: {  	_ =	shalt  }
0x7b: {  	_ =	shalt  }
0x7c: {  	_ =	shalt  }
0x7d: {  	_ =	shalt  }
0x7e: {  	_ =	shalt  }
0x7f: {  	_ =	shalt  }
0x80: {  	_ =	shalt  }
0x81: {  	_ =	shalt  }
0x82: {  	_ =	shalt  }
0x83: {  	_ =	shalt  }
0x84: {  	_ =	shalt  }
0x85: {  	_ =	shalt  }
0x86: {  	_ =	shalt  }
0x87: {  	_ =	shalt  }
.Lfunc_end0:
.L_simem_size_0:
called_computation.3_lowered:
.L_overlay_start_0:
0x88: {  	s2 =	sld [smem:$0x3FD9]  }
0x89: {  	s3 =	sld [smem:$0x3FFE];
	_ =	sdelay $0x1  }
0x8a: {  	s1 =	srdreg.scid  }
0x8b: {  	s0 =	sand.u32 $0x1, s1  }
0x8c: {  	s16 =	sshll.u32 s0, $0xA;
	s2 =	sadd.s32 s3, s2  }
0x8d: {  	s2 =	sadd.s32 s2, s16  }
0x8e: {  	[smem:$0x3FBF] =	sst s2  }
0x8f: {  	_ = 	snop  }
0x90: {  	(tm) =	ssettm $0x1  }
0x91: {  	s17 =	sld [smem:$0x3FFB];
	_ =	sdelay $0x3  }
0x92: {  	_ =	strace s17  }
0x93: {  	s2 =	sld [smem:$0x3FFC];
	_ =	sdelay $0x3  }
0x94: {  	_ =	strace s2  }
0x95: {  	s2 =	sld [smem:$0x3FFD];
	_ =	sdelay $0x3  }
0x96: {  	_ =	strace s2  }
0x97: {  	_ =	strace $0x8FFFFFFF  }
0x98: {  	s18 =	sld [smem:$0x3FDB];
	_ =	sdelay $0x1  }
0x99: {  	s19 =	simm.s32 $_scs_section_size  }
0x9a: {  	s4 =	simm.s32 $_size__tile_overlayer_lowered;
	s5 =	simm.s32 $_tile_overlayer_lowered  }
0x9b: {  	s22 =	simm.s32 $0x1BFF;
	s21 =	sshll.u32 s5, $0x1;
	s2 =	sadd.s32 s19, s18  }
0x9c: {  	s6 =	simm.s32 $0x0;
	s20 =	sshll.u32 s4, $0x1;
	s4 =	sadd.s32 s21, s2  }
0x9d: {  	[timem:s6], [sflag:s22] =	dma.local [hbm:s4], s20  }
0x9e: {  	_ =	swait.ge [sflag:s22], s20  }
0x9f: {  	s3 =	ssub.s32 $0x0, s20;
	[sflag:s22] =	ssyncset.done $0x0  }
0xa0: {  	[sflag:s22] =	ssyncadd.s32 s3;
	_ =	sdelay $0x1  }
0xa1: {  	s23 =	simm.s32 $0x1B8B  }
0xa2: {  	_ =	swait.ge [sflag:s23], $0x1  }
0xa3: {  	[sflag:s23] =	ssyncset.done $0x0  }
0xa4: {  	s25 =	simm.s32 $0x1B8E;
	s24 =	sld [smem:$0x3FFE];
	[sflag:s23] =	ssyncadd.s32 $0xFFFFFFFF  }
0xa5: {  	s26 =	simm.s32 $execute0_lowered;
	[smem:$0x3FD2] =	sst s25  }
0xa6: {  	s4 =	sshll.u32 s26, $0x1;
	_ =	strace $0x80000049;
	[dreg:$0x1] =	wrdreg $0xFFFFFFFF  }
0xa7: {  	s28 =	simm.s32 $_size_execute0_lowered;
	s2 =	sadd.s32 s2, s4;
	[dreg:$0x0] =	wrdreg $0x0  }
0xa8: {  	s4 =	sshll.u32 s28, $0x1;
	[dreg:$0x2] =	wrdreg s2  }
0xa9: {  	[dreg:$0x3] =	wrdreg s4  }
0xaa: {  	[dreg:$0x4] =	wrdreg $0xC0  }
0xab: {  	_ =	task [dreg:s6], $0x5FFFF  }
0xac: {  	[dreg:$0x1] =	wrdreg $0xFFFFFFFF  }
0xad: {  	[dreg:$0x0] =	wrdreg $0x60  }
0xae: {  	[dreg:$0x2] =	wrdreg s24  }
0xaf: {  	[dreg:$0x3] =	wrdreg $0x9  }
0xb0: {  	_ =	task.clear_ibuf [dreg:s6], $0x4FFFF;
	_ =	strace $0x90000049  }
0xb1: {  	s29 =	simm.s32 $0x9;
	_ =	strace $0x8000004B  }
0xb2: {  	_ =	swait.ge [sflag:s29], $0x1  }
0xb3: {  	[sflag:s29] =	ssyncadd.s32 $0xFFFFFFFF  }
0xb4: {  	_ =	strace $0x9000004B  }
0xb5: {  	_ =	sfence  }
0xb6: {  	s30 =	sld [smem:$0x0];
	_ =	sdelay $0x2  }
0xb7: {  	s31 =	sshll.u32 s1, $0xD;
	s1 =	sshrl.u32 s1, $0x2  }
0xb8: {  	s3 =	sand.u32 $0x4000, s31;
	s1 =	sadd.s32 s1, s30  }
0xb9: {  	s0 =	sor.u32 s3, s0;
	s1 =	sshll.u32 s1, $0x11  }
0xba: {  	s0 =	sor.u32 s1, s0  }
0xbb: {  	s0 =	sadd.s32 $0x8F2B, s0  }
0xbc: {  	[sflag:s0] =	ssyncadd.remote.s32 $0x1  }
0xbd: {  	_ =	sfence.sel $0xFFFF  }
0xbe: {  	[dreg:$0x0] =	wrdreg $0xFFFFFFFF;
	(pc) =	sbr.abs _section_cstart, $3  }
0xbf: {  	[dreg:$0x1] =	wrdreg $0xFFFFFFFF  }
0xc0: {  	_ =	task.clear_ibuf [dreg:s6], $0x2FFFF;
	_ =	strace $0x9FFFFFFF  }
0xc1: {  	(tm) =	ssettm $0x7FFFFFFF  }
tec
execute0_lowered:
.L_overlay_start_1:
0x0: {  	(tag) =	ssettag $0x1  }
0x1: {  	s0 =	srdreg.scid;
	s1 =	stileid.u32  }
0x2: {  	s0 =	sand.u32 $0x1, s0;
	s1 =	sshll.u32 s1, $0x1  }
0x3: {  	s1 =	sor.u32 s0, s1  }
0x4: {  	s2 =	smul.u32 $0x110, s1;
	_ =	sdelay $0x1  }
0x5: {  	s1 =	smul.u32 $0x180, s1;
	s3 =	sshrl.u32 s2, $0x3  }
0x6: {  	s14 =	rddreg [dreg:$0x0];
	s3 =	smul.u32 $0xC00, s3  }
0x7: {  	s2 =	simm.s32 $0x0;
	s1 =	sadd.s32 s1, s14  }
0x8: {  	[smem:$0x7FF] =	sst s2;
	s1 =	sadd.s32 $0x302400, s1;
	s13 =	sadd.s32 s3, s14  }
0x9: {  	_ =	strace $0x8000004A;
	[dreg:$0x2] =	wrdreg s1;
	s11 =	sadd.s32 $0x305400, s13  }
0xa: {  	s12 =	sadd.s32 $0x306C00, s13;
	[dreg:$0x3] =	wrdreg s11  }
0xb: {  	s15 =	sadd.s32 $0x308400, s13;
	[dreg:$0x4] =	wrdreg s12  }
0xc: {  	s29 =	simm.s32 $0xC00;
	s16 =	sadd.s32 $0x309C00, s13;
	[dreg:$0x5] =	wrdreg s15  }
0xd: {  	s5 =	sadd.s32 $0x2600, s14;
	s17 =	sadd.s32 $0x30B400, s13;
	[dreg:$0x6] =	wrdreg s16  }
0xe: {  	s6 =	sadd.s32 $0x2700, s14;
	s18 =	sadd.s32 $0x30CC00, s13;
	[dreg:$0x7] =	wrdreg s17  }
0xf: {  	s7 =	sadd.s32 $0x2800, s14;
	s19 =	sadd.s32 $0x30E400, s13;
	[dreg:$0x8] =	wrdreg s18  }
0x10: {  	s8 =	sadd.s32 $0x2900, s14;
	s20 =	sadd.s32 $0x30FC00, s13;
	[dreg:$0x9] =	wrdreg s19  }
0x11: {  	s9 =	sadd.s32 $0x2A00, s14;
	s21 =	sadd.s32 $0x311400, s13;
	[dreg:$0xa] =	wrdreg s20  }
0x12: {  	s10 =	sadd.s32 $0x2B00, s14;
	s22 =	sadd.s32 $0x312C00, s13;
	[dreg:$0xb] =	wrdreg s21  }
0x13: {  	s0 =	ssub.s32 $0x2, s0;
	s23 =	sadd.s32 $0x314400, s13;
	[dreg:$0xc] =	wrdreg s22  }
0x14: {  	s4 =	sshrl.u32 s0, $0x1;
	s24 =	sadd.s32 $0x315C00, s13;
	[dreg:$0xd] =	wrdreg s23  }
0x15: {  	s0 =	ssub.s32 s0, s4;
	s25 =	sadd.s32 $0x317400, s13;
	[dreg:$0xe] =	wrdreg s24  }
0x16: {  	s4 =	sadd.s32 $0x2500, s14;
	s26 =	sadd.s32 $0x318C00, s13;
	[dreg:$0xf] =	wrdreg s25  }
0x17: {  	s3 =	sadd.s32 $0x2400, s14;
	s28 =	sadd.s32 $0x31A400, s13;
	[dreg:$0x10] =	wrdreg s26  }
0x18: {  	s30 =	sadd.s32 $0x31BC00, s13;
	s31 =	sadd.s32 $0x31D400, s13;
	[dreg:$0x11] =	wrdreg s28  }
0x19: {  	v2 =	vlaneseq.u32;
	s13 =	sadd.s32 $0x2E00, s14;
	s11 =	sadd.s32 $0x2C00, s14;
	[dreg:$0x12] =	wrdreg s30  }
0x1a: {  	vm0 =	vmmov $0xffff;
	v1 =	vshrl.u32 v2, $0x3;
	s12 =	sadd.s32 $0x2D00, s14;
	s14 =	sadd.s32 $0x2F00, s14;
	[dreg:$0x13] =	wrdreg s31  }
0x1b: {  	v0 =	vand.u32 $0x7, v2;
	v2 =	vor.u32 $0x8, v2;
	v1 =	vmul.u32 $0x8, v1;
	s26 =	smax.u32 s0, $0x1;
	s16 =	simm.s32 $0x2;
	s25 =	simm.s32 $0x1  }
.LBB2_1:
0x1c: {  	[dreg:$0x14] =	wrdreg s26  }
0x1d: {  	s17 =	rddreg [dreg:$0x2]  }
0x1e: {  	[tilespmem:s2], [sflag:$0x2] =	stream.linear.gather [hbm4b:s17+s2], $0x880, $0x38;
	[tilespmem:$0xCC00] =	vst v63  }
0x1f: {  	_ =	swait.ge [sflag:s16], $0x880  }
0x20: {  	[sflag:s16] =	ssyncset.done $0x0  }
0x21: {  	[sflag:s16] =	ssyncadd.s32 $0xFFFFF780  }
0x22: {  	v3 =	vld [tilespmem:$0x0];
	_ =	sdelay $0x4  }
0x23: {  	v4 =	vshrl.u32 v3, $0x3  }
0x24: {  	v4 =	vmul.u32 $0xC0, v4  }
0x25: {  	v3 =	vand.u32 $0x7, v3  }
0x26: {  	v3 =	vor.u32 v3, v4  }
0x27: {  	v4 =	vperm.xlane v3, v0;
	_ =	sdelay $0x1  }
0x28: {  	v4 =	vadd.s32 v1, v4;
	_ =	sdelay $0x4  }
0x29: {  	[tilespmem:s29], [sflag:$0x1] =	stream.indirect_vreg.gather [hbm4b:s3+s2], $0x80, v4, vm0, $0xb8;
	[tilespmem:$0xCC00] =	vst v63  }
0x2a: {  	s0 =	simm.s32 $0x1400  }
0x2b: {  	[tilespmem:s0], [sflag:$0x1] =	stream.indirect_vreg.gather [hbm4b:s4+s2], $0x80, v4, vm0, $0xb8;
	[tilespmem:$0xCC00] =	vst v63  }
0x2c: {  	s18 =	simm.s32 $0x1C00  }
0x2d: {  	[tilespmem:s18], [sflag:$0x1] =	stream.indirect_vreg.gather [hbm4b:s5+s2], $0x80, v4, vm0, $0xb8;
	[tilespmem:$0xCC00] =	vst v63  }
0x2e: {  	s19 =	simm.s32 $0x2400  }
0x2f: {  	[tilespmem:s19], [sflag:$0x1] =	stream.indirect_vreg.gather [hbm4b:s6+s2], $0x80, v4, vm0, $0xb8;
	[tilespmem:$0xCC00] =	vst v63  }
0x30: {  	s20 =	simm.s32 $0x2C00  }
0x31: {  	[tilespmem:s20], [sflag:$0x1] =	stream.indirect_vreg.gather [hbm4b:s7+s2], $0x80, v4, vm0, $0xb8;
	[tilespmem:$0xCC00] =	vst v63  }
0x32: {  	s21 =	simm.s32 $0x3400  }
0x33: {  	[tilespmem:s21], [sflag:$0x1] =	stream.indirect_vreg.gather [hbm4b:s8+s2], $0x80, v4, vm0, $0xb8;
	[tilespmem:$0xCC00] =	vst v63  }
0x34: {  	s22 =	simm.s32 $0x3C00  }
0x35: {  	[tilespmem:s22], [sflag:$0x1] =	stream.indirect_vreg.gather [hbm4b:s9+s2], $0x80, v4, vm0, $0xb8;
	[tilespmem:$0xCC00] =	vst v63  }
0x36: {  	s23 =	simm.s32 $0x4400  }
0x37: {  	[tilespmem:s23], [sflag:$0x1] =	stream.indirect_vreg.gather [hbm4b:s10+s2], $0x80, v4, vm0, $0xb8;
	[tilespmem:$0xCC00] =	vst v63  }
0x38: {  	s24 =	simm.s32 $0x4C00  }
0x39: {  	[tilespmem:s24], [sflag:$0x1] =	stream.indirect_vreg.gather [hbm4b:s11+s2], $0x80, v4, vm0, $0xb8;
	[tilespmem:$0xCC00] =	vst v63  }
0x3a: {  	s26 =	simm.s32 $0x5400;
	v3 =	vperm.xlane v3, v2  }
0x3b: {  	[tilespmem:s26], [sflag:$0x1] =	stream.indirect_vreg.gather [hbm4b:s12+s2], $0x80, v4, vm0, $0xb8;
	[tilespmem:$0xCC00] =	vst v63  }
0x3c: {  	s28 =	simm.s32 $0x5C00;
	v3 =	vadd.s32 v1, v3  }
0x3d: {  	[tilespmem:s28], [sflag:$0x1] =	stream.indirect_vreg.gather [hbm4b:s13+s2], $0x80, v4, vm0, $0xb8;
	[tilespmem:$0xCC00] =	vst v63  }
0x3e: {  	s30 =	simm.s32 $0x6400  }
0x3f: {  	[tilespmem:s30], [sflag:$0x1] =	stream.indirect_vreg.gather [hbm4b:s14+s2], $0x80, v4, vm0, $0xb8;
	[tilespmem:$0xCC00] =	vst v63  }
0x40: {  	s31 =	simm.s32 $0x6C00  }
0x41: {  	[tilespmem:s31], [sflag:$0x1] =	stream.indirect_vreg.gather [hbm4b:s3+s2], $0x80, v3, vm0, $0xb8;
	[tilespmem:$0xCC00] =	vst v63  }
0x42: {  	s21 =	simm.s32 $0x7400  }
0x43: {  	[tilespmem:s21], [sflag:$0x1] =	stream.indirect_vreg.gather [hbm4b:s4+s2], $0x80, v3, vm0, $0xb8;
	[tilespmem:$0xCC00] =	vst v63  }
0x44: {  	s22 =	simm.s32 $0x7C00  }
0x45: {  	[tilespmem:s22], [sflag:$0x1] =	stream.indirect_vreg.gather [hbm4b:s5+s2], $0x80, v3, vm0, $0xb8;
	[tilespmem:$0xCC00] =	vst v63  }
0x46: {  	s23 =	simm.s32 $0x8400  }
0x47: {  	[tilespmem:s23], [sflag:$0x1] =	stream.indirect_vreg.gather [hbm4b:s6+s2], $0x80, v3, vm0, $0xb8;
	[tilespmem:$0xCC00] =	vst v63  }
0x48: {  	s24 =	simm.s32 $0x8C00  }
0x49: {  	[tilespmem:s24], [sflag:$0x1] =	stream.indirect_vreg.gather [hbm4b:s7+s2], $0x80, v3, vm0, $0xb8;
	[tilespmem:$0xCC00] =	vst v63  }
0x4a: {  	s28 =	simm.s32 $0x9400  }
0x4b: {  	[tilespmem:s28], [sflag:$0x1] =	stream.indirect_vreg.gather [hbm4b:s8+s2], $0x80, v3, vm0, $0xb8;
	[tilespmem:$0xCC00] =	vst v63  }
0x4c: {  	s30 =	simm.s32 $0x9C00  }
0x4d: {  	[tilespmem:s30], [sflag:$0x1] =	stream.indirect_vreg.gather [hbm4b:s9+s2], $0x80, v3, vm0, $0xb8;
	[tilespmem:$0xCC00] =	vst v63  }
0x4e: {  	s31 =	simm.s32 $0xA400  }
0x4f: {  	[tilespmem:s31], [sflag:$0x1] =	stream.indirect_vreg.gather [hbm4b:s10+s2], $0x80, v3, vm0, $0xb8;
	[tilespmem:$0xCC00] =	vst v63  }
0x50: {  	s0 =	simm.s32 $0xAC00  }
0x51: {  	[tilespmem:s0], [sflag:$0x1] =	stream.indirect_vreg.gather [hbm4b:s11+s2], $0x80, v3, vm0, $0xb8;
	[tilespmem:$0xCC00] =	vst v63  }
0x52: {  	s21 =	simm.s32 $0xB400  }
0x53: {  	[tilespmem:s21], [sflag:$0x1] =	stream.indirect_vreg.gather [hbm4b:s12+s2], $0x80, v3, vm0, $0xb8;
	[tilespmem:$0xCC00] =	vst v63  }
0x54: {  	s0 =	simm.s32 $0xBC00  }
0x55: {  	[tilespmem:s0], [sflag:$0x1] =	stream.indirect_vreg.gather [hbm4b:s13+s2], $0x80, v3, vm0, $0xb8;
	[tilespmem:$0xCC00] =	vst v63  }
0x56: {  	s21 =	simm.s32 $0xC400  }
0x57: {  	[tilespmem:s21], [sflag:$0x1] =	stream.indirect_vreg.gather [hbm4b:s14+s2], $0x80, v3, vm0, $0xb8;
	[tilespmem:$0xCC00] =	vst v63  }
0x58: {  	_ =	swait.ge [sflag:s25], $0xC000  }
0x59: {  	[sflag:s25] =	ssyncset.done $0x0  }
0x5a: {  	s0 =	rddreg [dreg:$0x3];
	[sflag:s25] =	ssyncadd.s32 $0xFFFF4000  }
0x5b: {  	[hbm4b:s0+s2] =	stream.linear.scatter [tilespmem:s29], [sflag:$0x2], $0xC000, $0x38;
	[tilespmem:$0xCC00] =	vst v63  }
0x5c: {  	_ =	swait.ge [sflag:s16], $0xC000  }
0x5d: {  	[sflag:s16] =	ssyncset.done $0x0  }
0x5e: {  	[sflag:s16] =	ssyncadd.s32 $0xFFFF4000  }
0x5f: {  	v3 =	vld [tilespmem:$0x80];
	_ =	sdelay $0x4  }
0x60: {  	v48 =	vshrl.u32 v3, $0x3  }
0x61: {  	v4 =	vmul.u32 $0xC0, v48  }
0x62: {  	v3 =	vand.u32 $0x7, v3  }
0x63: {  	v3 =	vor.u32 v3, v4  }
0x64: {  	v4 =	vperm.xlane v3, v0;
	_ =	sdelay $0x1  }
0x65: {  	v4 =	vadd.s32 v1, v4;
	_ =	sdelay $0x4  }
0x66: {  	[tilespmem:s29], [sflag:$0x1] =	stream.indirect_vreg.gather [hbm4b:s3+s2], $0x80, v4, vm0, $0xb8;
	[tilespmem:$0xCC00] =	vst v63  }
0x67: {  	s1 =	simm.s32 $0x1400  }
0x68: {  	[tilespmem:s1], [sflag:$0x1] =	stream.indirect_vreg.gather [hbm4b:s4+s2], $0x80, v4, vm0, $0xb8;
	[tilespmem:$0xCC00] =	vst v63  }
0x69: {  	s15 =	simm.s32 $0x1C00  }
0x6a: {  	[tilespmem:s15], [sflag:$0x1] =	stream.indirect_vreg.gather [hbm4b:s5+s2], $0x80, v4, vm0, $0xb8;
	[tilespmem:$0xCC00] =	vst v63  }
0x6b: {  	s17 =	simm.s32 $0x2400  }
0x6c: {  	[tilespmem:s17], [sflag:$0x1] =	stream.indirect_vreg.gather [hbm4b:s6+s2], $0x80, v4, vm0, $0xb8;
	[tilespmem:$0xCC00] =	vst v63  }
0x6d: {  	s18 =	simm.s32 $0x2C00  }
0x6e: {  	[tilespmem:s18], [sflag:$0x1] =	stream.indirect_vreg.gather [hbm4b:s7+s2], $0x80, v4, vm0, $0xb8;
	[tilespmem:$0xCC00] =	vst v63  }
0x6f: {  	s1 =	simm.s32 $0x3400  }
0x70: {  	[tilespmem:s1], [sflag:$0x1] =	stream.indirect_vreg.gather [hbm4b:s8+s2], $0x80, v4, vm0, $0xb8;
	[tilespmem:$0xCC00] =	vst v63  }
0x71: {  	s0 =	simm.s32 $0x3C00  }
0x72: {  	[tilespmem:s0], [sflag:$0x1] =	stream.indirect_vreg.gather [hbm4b:s9+s2], $0x80, v4, vm0, $0xb8;
	[tilespmem:$0xCC00] =	vst v63  }
0x73: {  	s15 =	simm.s32 $0x4400  }
0x74: {  	[tilespmem:s15], [sflag:$0x1] =	stream.indirect_vreg.gather [hbm4b:s10+s2], $0x80, v4, vm0, $0xb8;
	[tilespmem:$0xCC00] =	vst v63  }
0x75: {  	s19 =	simm.s32 $0x4C00  }
0x76: {  	[tilespmem:s19], [sflag:$0x1] =	stream.indirect_vreg.gather [hbm4b:s11+s2], $0x80, v4, vm0, $0xb8;
	[tilespmem:$0xCC00] =	vst v63  }
0x77: {  	s20 =	simm.s32 $0x5400;
	v3 =	vperm.xlane v3, v2  }
0x78: {  	[tilespmem:s20], [sflag:$0x1] =	stream.indirect_vreg.gather [hbm4b:s12+s2], $0x80, v4, vm0, $0xb8;
	[tilespmem:$0xCC00] =	vst v63  }
0x79: {  	v3 =	vadd.s32 v1, v3;
	s17 =	simm.s32 $0x5C00  }
0x7a: {  	[tilespmem:s17], [sflag:$0x1] =	stream.indirect_vreg.gather [hbm4b:s13+s2], $0x80, v4, vm0, $0xb8;
	[tilespmem:$0xCC00] =	vst v63  }
0x7b: {  	s18 =	simm.s32 $0x6400  }
0x7c: {  	[tilespmem:s18], [sflag:$0x1] =	stream.indirect_vreg.gather [hbm4b:s14+s2], $0x80, v4, vm0, $0xb8;
	[tilespmem:$0xCC00] =	vst v63  }
0x7d: {  	s19 =	simm.s32 $0x6C00  }
0x7e: {  	[tilespmem:s19], [sflag:$0x1] =	stream.indirect_vreg.gather [hbm4b:s3+s2], $0x80, v3, vm0, $0xb8;
	[tilespmem:$0xCC00] =	vst v63  }
0x7f: {  	s20 =	simm.s32 $0x7400  }
0x80: {  	[tilespmem:s20], [sflag:$0x1] =	stream.indirect_vreg.gather [hbm4b:s4+s2], $0x80, v3, vm0, $0xb8;
	[tilespmem:$0xCC00] =	vst v63  }
0x81: {  	s22 =	simm.s32 $0x7C00  }
0x82: {  	[tilespmem:s22], [sflag:$0x1] =	stream.indirect_vreg.gather [hbm4b:s5+s2], $0x80, v3, vm0, $0xb8;
	[tilespmem:$0xCC00] =	vst v63  }
0x83: {  	s23 =	simm.s32 $0x8400  }
0x84: {  	[tilespmem:s23], [sflag:$0x1] =	stream.indirect_vreg.gather [hbm4b:s6+s2], $0x80, v3, vm0, $0xb8;
	[tilespmem:$0xCC00] =	vst v63  }
0x85: {  	s24 =	simm.s32 $0x8C00  }
0x86: {  	[tilespmem:s24], [sflag:$0x1] =	stream.indirect_vreg.gather [hbm4b:s7+s2], $0x80, v3, vm0, $0xb8;
	[tilespmem:$0xCC00] =	vst v63  }
0x87: {  	s28 =	simm.s32 $0x9400  }
0x88: {  	[tilespmem:s28], [sflag:$0x1] =	stream.indirect_vreg.gather [hbm4b:s8+s2], $0x80, v3, vm0, $0xb8;
	[tilespmem:$0xCC00] =	vst v63  }
0x89: {  	s30 =	simm.s32 $0x9C00  }
0x8a: {  	[tilespmem:s30], [sflag:$0x1] =	stream.indirect_vreg.gather [hbm4b:s9+s2], $0x80, v3, vm0, $0xb8;
	[tilespmem:$0xCC00] =	vst v63  }
0x8b: {  	s31 =	simm.s32 $0xA400  }
0x8c: {  	[tilespmem:s31], [sflag:$0x1] =	stream.indirect_vreg.gather [hbm4b:s10+s2], $0x80, v3, vm0, $0xb8;
	[tilespmem:$0xCC00] =	vst v63  }
0x8d: {  	s31 =	simm.s32 $0xAC00  }
0x8e: {  	[tilespmem:s31], [sflag:$0x1] =	stream.indirect_vreg.gather [hbm4b:s11+s2], $0x80, v3, vm0, $0xb8;
	[tilespmem:$0xCC00] =	vst v63  }
0x8f: {  	s26 =	simm.s32 $0xB400  }
0x90: {  	[tilespmem:s26], [sflag:$0x1] =	stream.indirect_vreg.gather [hbm4b:s12+s2], $0x80, v3, vm0, $0xb8;
	[tilespmem:$0xCC00] =	vst v63  }
0x91: {  	s26 =	simm.s32 $0xBC00  }
0x92: {  	[tilespmem:s26], [sflag:$0x1] =	stream.indirect_vreg.gather [hbm4b:s13+s2], $0x80, v3, vm0, $0xb8;
	[tilespmem:$0xCC00] =	vst v63  }
0x93: {  	s21 =	simm.s32 $0xC400  }
0x94: {  	[tilespmem:s21], [sflag:$0x1] =	stream.indirect_vreg.gather [hbm4b:s14+s2], $0x80, v3, vm0, $0xb8;
	[tilespmem:$0xCC00] =	vst v63  }
0x95: {  	_ =	swait.ge [sflag:s25], $0xC000  }
0x96: {  	[sflag:s25] =	ssyncset.done $0x0  }
0x97: {  	s26 =	rddreg [dreg:$0x4];
	[sflag:s25] =	ssyncadd.s32 $0xFFFF4000  }
0x98: {  	[hbm4b:s26+s2] =	stream.linear.scatter [tilespmem:s29], [sflag:$0x2], $0xC000, $0x38;
	[tilespmem:$0xCC00] =	vst v63  }
0x99: {  	_ =	swait.ge [sflag:s16], $0xC000  }
0x9a: {  	[sflag:s16] =	ssyncset.done $0x0  }
0x9b: {  	[sflag:s16] =	ssyncadd.s32 $0xFFFF4000  }
0x9c: {  	v3 =	vld [tilespmem:$0x100];
	_ =	sdelay $0x4  }
0x9d: {  	v49 =	vshrl.u32 v3, $0x3  }
0x9e: {  	v4 =	vmul.u32 $0xC0, v49  }
0x9f: {  	v3 =	vand.u32 $0x7, v3  }
0xa0: {  	v3 =	vor.u32 v3, v4  }
0xa1: {  	v4 =	vperm.xlane v3, v0;
	_ =	sdelay $0x1  }
0xa2: {  	v4 =	vadd.s32 v1, v4;
	_ =	sdelay $0x4  }
0xa3: {  	[tilespmem:s29], [sflag:$0x1] =	stream.indirect_vreg.gather [hbm4b:s3+s2], $0x80, v4, vm0, $0xb8;
	[tilespmem:$0xCC00] =	vst v63  }
0xa4: {  	s26 =	simm.s32 $0x1400  }
0xa5: {  	[tilespmem:s26], [sflag:$0x1] =	stream.indirect_vreg.gather [hbm4b:s4+s2], $0x80, v4, vm0, $0xb8;
	[tilespmem:$0xCC00] =	vst v63  }
0xa6: {  	s26 =	simm.s32 $0x1C00  }
0xa7: {  	[tilespmem:s26], [sflag:$0x1] =	stream.indirect_vreg.gather [hbm4b:s5+s2], $0x80, v4, vm0, $0xb8;
	[tilespmem:$0xCC00] =	vst v63  }
0xa8: {  	s26 =	simm.s32 $0x2400  }
0xa9: {  	[tilespmem:s26], [sflag:$0x1] =	stream.indirect_vreg.gather [hbm4b:s6+s2], $0x80, v4, vm0, $0xb8;
	[tilespmem:$0xCC00] =	vst v63  }
0xaa: {  	s26 =	simm.s32 $0x2C00  }
0xab: {  	[tilespmem:s26], [sflag:$0x1] =	stream.indirect_vreg.gather [hbm4b:s7+s2], $0x80, v4, vm0, $0xb8;
	[tilespmem:$0xCC00] =	vst v63  }
0xac: {  	_ = 	snop  }
0xad: {  	[tilespmem:s1], [sflag:$0x1] =	stream.indirect_vreg.gather [hbm4b:s8+s2], $0x80, v4, vm0, $0xb8;
	[tilespmem:$0xCC00] =	vst v63  }
0xae: {  	_ = 	snop  }
0xaf: {  	[tilespmem:s0], [sflag:$0x1] =	stream.indirect_vreg.gather [hbm4b:s9+s2], $0x80, v4, vm0, $0xb8;
	[tilespmem:$0xCC00] =	vst v63  }
0xb0: {  	_ = 	snop  }
0xb1: {  	[tilespmem:s15], [sflag:$0x1] =	stream.indirect_vreg.gather [hbm4b:s10+s2], $0x80, v4, vm0, $0xb8;
	[tilespmem:$0xCC00] =	vst v63  }
0xb2: {  	s26 =	simm.s32 $0x4C00  }
0xb3: {  	[tilespmem:s26], [sflag:$0x1] =	stream.indirect_vreg.gather [hbm4b:s11+s2], $0x80, v4, vm0, $0xb8;
	[tilespmem:$0xCC00] =	vst v63  }
0xb4: {  	v3 =	vperm.xlane v3, v2;
	s26 =	simm.s32 $0x5400  }
0xb5: {  	[tilespmem:s26], [sflag:$0x1] =	stream.indirect_vreg.gather [hbm4b:s12+s2], $0x80, v4, vm0, $0xb8;
	[tilespmem:$0xCC00] =	vst v63  }
0xb6: {  	v3 =	vadd.s32 v1, v3  }
0xb7: {  	[tilespmem:s17], [sflag:$0x1] =	stream.indirect_vreg.gather [hbm4b:s13+s2], $0x80, v4, vm0, $0xb8;
	[tilespmem:$0xCC00] =	vst v63  }
0xb8: {  	_ = 	snop  }
0xb9: {  	[tilespmem:s18], [sflag:$0x1] =	stream.indirect_vreg.gather [hbm4b:s14+s2], $0x80, v4, vm0, $0xb8;
	[tilespmem:$0xCC00] =	vst v63  }
0xba: {  	_ = 	snop  }
0xbb: {  	[tilespmem:s19], [sflag:$0x1] =	stream.indirect_vreg.gather [hbm4b:s3+s2], $0x80, v3, vm0, $0xb8;
	[tilespmem:$0xCC00] =	vst v63  }
0xbc: {  	_ = 	snop  }
0xbd: {  	[tilespmem:s20], [sflag:$0x1] =	stream.indirect_vreg.gather [hbm4b:s4+s2], $0x80, v3, vm0, $0xb8;
	[tilespmem:$0xCC00] =	vst v63  }
0xbe: {  	s26 =	simm.s32 $0x7C00  }
0xbf: {  	[tilespmem:s26], [sflag:$0x1] =	stream.indirect_vreg.gather [hbm4b:s5+s2], $0x80, v3, vm0, $0xb8;
	[tilespmem:$0xCC00] =	vst v63  }
0xc0: {  	s22 =	simm.s32 $0x8400  }
0xc1: {  	[tilespmem:s22], [sflag:$0x1] =	stream.indirect_vreg.gather [hbm4b:s6+s2], $0x80, v3, vm0, $0xb8;
	[tilespmem:$0xCC00] =	vst v63  }
0xc2: {  	s23 =	simm.s32 $0x8C00  }
0xc3: {  	[tilespmem:s23], [sflag:$0x1] =	stream.indirect_vreg.gather [hbm4b:s7+s2], $0x80, v3, vm0, $0xb8;
	[tilespmem:$0xCC00] =	vst v63  }
0xc4: {  	s24 =	simm.s32 $0x9400  }
0xc5: {  	[tilespmem:s24], [sflag:$0x1] =	stream.indirect_vreg.gather [hbm4b:s8+s2], $0x80, v3, vm0, $0xb8;
	[tilespmem:$0xCC00] =	vst v63  }
0xc6: {  	s28 =	simm.s32 $0x9C00  }
0xc7: {  	[tilespmem:s28], [sflag:$0x1] =	stream.indirect_vreg.gather [hbm4b:s9+s2], $0x80, v3, vm0, $0xb8;
	[tilespmem:$0xCC00] =	vst v63  }
0xc8: {  	s30 =	simm.s32 $0xA400  }
0xc9: {  	[tilespmem:s30], [sflag:$0x1] =	stream.indirect_vreg.gather [hbm4b:s10+s2], $0x80, v3, vm0, $0xb8;
	[tilespmem:$0xCC00] =	vst v63  }
0xca: {  	s31 =	simm.s32 $0xAC00  }
0xcb: {  	[tilespmem:s31], [sflag:$0x1] =	stream.indirect_vreg.gather [hbm4b:s11+s2], $0x80, v3, vm0, $0xb8;
	[tilespmem:$0xCC00] =	vst v63  }
0xcc: {  	s26 =	simm.s32 $0xB400  }
0xcd: {  	[tilespmem:s26], [sflag:$0x1] =	stream.indirect_vreg.gather [hbm4b:s12+s2], $0x80, v3, vm0, $0xb8;
	[tilespmem:$0xCC00] =	vst v63  }
0xce: {  	s26 =	simm.s32 $0xBC00  }
0xcf: {  	[tilespmem:s26], [sflag:$0x1] =	stream.indirect_vreg.gather [hbm4b:s13+s2], $0x80, v3, vm0, $0xb8;
	[tilespmem:$0xCC00] =	vst v63  }
0xd0: {  	s21 =	simm.s32 $0xC400  }
0xd1: {  	[tilespmem:s21], [sflag:$0x1] =	stream.indirect_vreg.gather [hbm4b:s14+s2], $0x80, v3, vm0, $0xb8;
	[tilespmem:$0xCC00] =	vst v63  }
0xd2: {  	_ =	swait.ge [sflag:s25], $0xC000  }
0xd3: {  	[sflag:s25] =	ssyncset.done $0x0  }
0xd4: {  	s26 =	rddreg [dreg:$0x5];
	[sflag:s25] =	ssyncadd.s32 $0xFFFF4000  }
0xd5: {  	[hbm4b:s26+s2] =	stream.linear.scatter [tilespmem:s29], [sflag:$0x2], $0xC000, $0x38;
	[tilespmem:$0xCC00] =	vst v63  }
0xd6: {  	_ =	swait.ge [sflag:s16], $0xC000  }
0xd7: {  	[sflag:s16] =	ssyncset.done $0x0  }
0xd8: {  	[sflag:s16] =	ssyncadd.s32 $0xFFFF4000  }
0xd9: {  	v3 =	vld [tilespmem:$0x180];
	_ =	sdelay $0x4  }
0xda: {  	v50 =	vshrl.u32 v3, $0x3  }
0xdb: {  	v4 =	vmul.u32 $0xC0, v50  }
0xdc: {  	v3 =	vand.u32 $0x7, v3  }
0xdd: {  	v3 =	vor.u32 v3, v4  }
0xde: {  	v4 =	vperm.xlane v3, v0;
	_ =	sdelay $0x1  }
0xdf: {  	v4 =	vadd.s32 v1, v4;
	_ =	sdelay $0x4  }
0xe0: {  	[tilespmem:s29], [sflag:$0x1] =	stream.indirect_vreg.gather [hbm4b:s3+s2], $0x80, v4, vm0, $0xb8;
	[tilespmem:$0xCC00] =	vst v63  }
0xe1: {  	s26 =	simm.s32 $0x1400  }
0xe2: {  	[tilespmem:s26], [sflag:$0x1] =	stream.indirect_vreg.gather [hbm4b:s4+s2], $0x80, v4, vm0, $0xb8;
	[tilespmem:$0xCC00] =	vst v63  }
0xe3: {  	s26 =	simm.s32 $0x1C00  }
0xe4: {  	[tilespmem:s26], [sflag:$0x1] =	stream.indirect_vreg.gather [hbm4b:s5+s2], $0x80, v4, vm0, $0xb8;
	[tilespmem:$0xCC00] =	vst v63  }
0xe5: {  	s26 =	simm.s32 $0x2400  }
0xe6: {  	[tilespmem:s26], [sflag:$0x1] =	stream.indirect_vreg.gather [hbm4b:s6+s2], $0x80, v4, vm0, $0xb8;
	[tilespmem:$0xCC00] =	vst v63  }
0xe7: {  	s26 =	simm.s32 $0x2C00  }
0xe8: {  	[tilespmem:s26], [sflag:$0x1] =	stream.indirect_vreg.gather [hbm4b:s7+s2], $0x80, v4, vm0, $0xb8;
	[tilespmem:$0xCC00] =	vst v63  }
0xe9: {  	s1 =	simm.s32 $0x3400  }
0xea: {  	[tilespmem:s1], [sflag:$0x1] =	stream.indirect_vreg.gather [hbm4b:s8+s2], $0x80, v4, vm0, $0xb8;
	[tilespmem:$0xCC00] =	vst v63  }
0xeb: {  	s0 =	simm.s32 $0x3C00  }
0xec: {  	[tilespmem:s0], [sflag:$0x1] =	stream.indirect_vreg.gather [hbm4b:s9+s2], $0x80, v4, vm0, $0xb8;
	[tilespmem:$0xCC00] =	vst v63  }
0xed: {  	s15 =	simm.s32 $0x4400  }
0xee: {  	[tilespmem:s15], [sflag:$0x1] =	stream.indirect_vreg.gather [hbm4b:s10+s2], $0x80, v4, vm0, $0xb8;
	[tilespmem:$0xCC00] =	vst v63  }
0xef: {  	s26 =	simm.s32 $0x4C00  }
0xf0: {  	[tilespmem:s26], [sflag:$0x1] =	stream.indirect_vreg.gather [hbm4b:s11+s2], $0x80, v4, vm0, $0xb8;
	[tilespmem:$0xCC00] =	vst v63  }
0xf1: {  	v3 =	vperm.xlane v3, v2;
	s26 =	simm.s32 $0x5400  }
0xf2: {  	[tilespmem:s26], [sflag:$0x1] =	stream.indirect_vreg.gather [hbm4b:s12+s2], $0x80, v4, vm0, $0xb8;
	[tilespmem:$0xCC00] =	vst v63  }
0xf3: {  	s17 =	simm.s32 $0x5C00;
	v3 =	vadd.s32 v1, v3  }
0xf4: {  	[tilespmem:s17], [sflag:$0x1] =	stream.indirect_vreg.gather [hbm4b:s13+s2], $0x80, v4, vm0, $0xb8;
	[tilespmem:$0xCC00] =	vst v63  }
0xf5: {  	s18 =	simm.s32 $0x6400  }
0xf6: {  	[tilespmem:s18], [sflag:$0x1] =	stream.indirect_vreg.gather [hbm4b:s14+s2], $0x80, v4, vm0, $0xb8;
	[tilespmem:$0xCC00] =	vst v63  }
0xf7: {  	s19 =	simm.s32 $0x6C00  }
0xf8: {  	[tilespmem:s19], [sflag:$0x1] =	stream.indirect_vreg.gather [hbm4b:s3+s2], $0x80, v3, vm0, $0xb8;
	[tilespmem:$0xCC00] =	vst v63  }
0xf9: {  	s20 =	simm.s32 $0x7400  }
0xfa: {  	[tilespmem:s20], [sflag:$0x1] =	stream.indirect_vreg.gather [hbm4b:s4+s2], $0x80, v3, vm0, $0xb8;
	[tilespmem:$0xCC00] =	vst v63  }
0xfb: {  	s26 =	simm.s32 $0x7C00  }
0xfc: {  	[tilespmem:s26], [sflag:$0x1] =	stream.indirect_vreg.gather [hbm4b:s5+s2], $0x80, v3, vm0, $0xb8;
	[tilespmem:$0xCC00] =	vst v63  }
0xfd: {  	s22 =	simm.s32 $0x8400  }
0xfe: {  	[tilespmem:s22], [sflag:$0x1] =	stream.indirect_vreg.gather [hbm4b:s6+s2], $0x80, v3, vm0, $0xb8;
	[tilespmem:$0xCC00] =	vst v63  }
0xff: {  	s23 =	simm.s32 $0x8C00  }
0x100: {  	[tilespmem:s23], [sflag:$0x1] =	stream.indirect_vreg.gather [hbm4b:s7+s2], $0x80, v3, vm0, $0xb8;
	[tilespmem:$0xCC00] =	vst v63  }
0x101: {  	s24 =	simm.s32 $0x9400  }
0x102: {  	[tilespmem:s24], [sflag:$0x1] =	stream.indirect_vreg.gather [hbm4b:s8+s2], $0x80, v3, vm0, $0xb8;
	[tilespmem:$0xCC00] =	vst v63  }
0x103: {  	s28 =	simm.s32 $0x9C00  }
0x104: {  	[tilespmem:s28], [sflag:$0x1] =	stream.indirect_vreg.gather [hbm4b:s9+s2], $0x80, v3, vm0, $0xb8;
	[tilespmem:$0xCC00] =	vst v63  }
0x105: {  	s30 =	simm.s32 $0xA400  }
0x106: {  	[tilespmem:s30], [sflag:$0x1] =	stream.indirect_vreg.gather [hbm4b:s10+s2], $0x80, v3, vm0, $0xb8;
	[tilespmem:$0xCC00] =	vst v63  }
0x107: {  	s31 =	simm.s32 $0xAC00  }
0x108: {  	[tilespmem:s31], [sflag:$0x1] =	stream.indirect_vreg.gather [hbm4b:s11+s2], $0x80, v3, vm0, $0xb8;
	[tilespmem:$0xCC00] =	vst v63  }
0x109: {  	s31 =	simm.s32 $0xB400  }
0x10a: {  	[tilespmem:s31], [sflag:$0x1] =	stream.indirect_vreg.gather [hbm4b:s12+s2], $0x80, v3, vm0, $0xb8;
	[tilespmem:$0xCC00] =	vst v63  }
0x10b: {  	s26 =	simm.s32 $0xBC00  }
0x10c: {  	[tilespmem:s26], [sflag:$0x1] =	stream.indirect_vreg.gather [hbm4b:s13+s2], $0x80, v3, vm0, $0xb8;
	[tilespmem:$0xCC00] =	vst v63  }
0x10d: {  	s21 =	simm.s32 $0xC400  }
0x10e: {  	[tilespmem:s21], [sflag:$0x1] =	stream.indirect_vreg.gather [hbm4b:s14+s2], $0x80, v3, vm0, $0xb8;
	[tilespmem:$0xCC00] =	vst v63  }
0x10f: {  	_ =	swait.ge [sflag:s25], $0xC000  }
0x110: {  	[sflag:s25] =	ssyncset.done $0x0  }
0x111: {  	s26 =	rddreg [dreg:$0x6];
	[sflag:s25] =	ssyncadd.s32 $0xFFFF4000  }
0x112: {  	[hbm4b:s26+s2] =	stream.linear.scatter [tilespmem:s29], [sflag:$0x2], $0xC000, $0x38;
	[tilespmem:$0xCC00] =	vst v63  }
0x113: {  	_ =	swait.ge [sflag:s16], $0xC000  }
0x114: {  	[sflag:s16] =	ssyncset.done $0x0  }
0x115: {  	[sflag:s16] =	ssyncadd.s32 $0xFFFF4000  }
0x116: {  	v3 =	vld [tilespmem:$0x200];
	_ =	sdelay $0x4  }
0x117: {  	v51 =	vshrl.u32 v3, $0x3  }
0x118: {  	v4 =	vmul.u32 $0xC0, v51  }
0x119: {  	v3 =	vand.u32 $0x7, v3  }
0x11a: {  	v3 =	vor.u32 v3, v4  }
0x11b: {  	v4 =	vperm.xlane v3, v0;
	_ =	sdelay $0x1  }
0x11c: {  	v4 =	vadd.s32 v1, v4;
	_ =	sdelay $0x4  }
0x11d: {  	[tilespmem:s29], [sflag:$0x1] =	stream.indirect_vreg.gather [hbm4b:s3+s2], $0x80, v4, vm0, $0xb8;
	[tilespmem:$0xCC00] =	vst v63  }
0x11e: {  	s26 =	simm.s32 $0x1400  }
0x11f: {  	[tilespmem:s26], [sflag:$0x1] =	stream.indirect_vreg.gather [hbm4b:s4+s2], $0x80, v4, vm0, $0xb8;
	[tilespmem:$0xCC00] =	vst v63  }
0x120: {  	s26 =	simm.s32 $0x1C00  }
0x121: {  	[tilespmem:s26], [sflag:$0x1] =	stream.indirect_vreg.gather [hbm4b:s5+s2], $0x80, v4, vm0, $0xb8;
	[tilespmem:$0xCC00] =	vst v63  }
0x122: {  	s26 =	simm.s32 $0x2400  }
0x123: {  	[tilespmem:s26], [sflag:$0x1] =	stream.indirect_vreg.gather [hbm4b:s6+s2], $0x80, v4, vm0, $0xb8;
	[tilespmem:$0xCC00] =	vst v63  }
0x124: {  	s26 =	simm.s32 $0x2C00  }
0x125: {  	[tilespmem:s26], [sflag:$0x1] =	stream.indirect_vreg.gather [hbm4b:s7+s2], $0x80, v4, vm0, $0xb8;
	[tilespmem:$0xCC00] =	vst v63  }
0x126: {  	s26 =	simm.s32 $0x3400  }
0x127: {  	[tilespmem:s26], [sflag:$0x1] =	stream.indirect_vreg.gather [hbm4b:s8+s2], $0x80, v4, vm0, $0xb8;
	[tilespmem:$0xCC00] =	vst v63  }
0x128: {  	s0 =	simm.s32 $0x3C00  }
0x129: {  	[tilespmem:s0], [sflag:$0x1] =	stream.indirect_vreg.gather [hbm4b:s9+s2], $0x80, v4, vm0, $0xb8;
	[tilespmem:$0xCC00] =	vst v63  }
0x12a: {  	s1 =	simm.s32 $0x4400  }
0x12b: {  	[tilespmem:s1], [sflag:$0x1] =	stream.indirect_vreg.gather [hbm4b:s10+s2], $0x80, v4, vm0, $0xb8;
	[tilespmem:$0xCC00] =	vst v63  }
0x12c: {  	s26 =	simm.s32 $0x4C00  }
0x12d: {  	[tilespmem:s26], [sflag:$0x1] =	stream.indirect_vreg.gather [hbm4b:s11+s2], $0x80, v4, vm0, $0xb8;
	[tilespmem:$0xCC00] =	vst v63  }
0x12e: {  	v3 =	vperm.xlane v3, v2;
	s26 =	simm.s32 $0x5400  }
0x12f: {  	[tilespmem:s26], [sflag:$0x1] =	stream.indirect_vreg.gather [hbm4b:s12+s2], $0x80, v4, vm0, $0xb8;
	[tilespmem:$0xCC00] =	vst v63  }
0x130: {  	s15 =	simm.s32 $0x5C00;
	v3 =	vadd.s32 v1, v3  }
0x131: {  	[tilespmem:s15], [sflag:$0x1] =	stream.indirect_vreg.gather [hbm4b:s13+s2], $0x80, v4, vm0, $0xb8;
	[tilespmem:$0xCC00] =	vst v63  }
0x132: {  	s17 =	simm.s32 $0x6400  }
0x133: {  	[tilespmem:s17], [sflag:$0x1] =	stream.indirect_vreg.gather [hbm4b:s14+s2], $0x80, v4, vm0, $0xb8;
	[tilespmem:$0xCC00] =	vst v63  }
0x134: {  	s18 =	simm.s32 $0x6C00  }
0x135: {  	[tilespmem:s18], [sflag:$0x1] =	stream.indirect_vreg.gather [hbm4b:s3+s2], $0x80, v3, vm0, $0xb8;
	[tilespmem:$0xCC00] =	vst v63  }
0x136: {  	s19 =	simm.s32 $0x7400  }
0x137: {  	[tilespmem:s19], [sflag:$0x1] =	stream.indirect_vreg.gather [hbm4b:s4+s2], $0x80, v3, vm0, $0xb8;
	[tilespmem:$0xCC00] =	vst v63  }
0x138: {  	s26 =	simm.s32 $0x7C00  }
0x139: {  	[tilespmem:s26], [sflag:$0x1] =	stream.indirect_vreg.gather [hbm4b:s5+s2], $0x80, v3, vm0, $0xb8;
	[tilespmem:$0xCC00] =	vst v63  }
0x13a: {  	s20 =	simm.s32 $0x8400  }
0x13b: {  	[tilespmem:s20], [sflag:$0x1] =	stream.indirect_vreg.gather [hbm4b:s6+s2], $0x80, v3, vm0, $0xb8;
	[tilespmem:$0xCC00] =	vst v63  }
0x13c: {  	s22 =	simm.s32 $0x8C00  }
0x13d: {  	[tilespmem:s22], [sflag:$0x1] =	stream.indirect_vreg.gather [hbm4b:s7+s2], $0x80, v3, vm0, $0xb8;
	[tilespmem:$0xCC00] =	vst v63  }
0x13e: {  	s23 =	simm.s32 $0x9400  }
0x13f: {  	[tilespmem:s23], [sflag:$0x1] =	stream.indirect_vreg.gather [hbm4b:s8+s2], $0x80, v3, vm0, $0xb8;
	[tilespmem:$0xCC00] =	vst v63  }
0x140: {  	s24 =	simm.s32 $0x9C00  }
0x141: {  	[tilespmem:s24], [sflag:$0x1] =	stream.indirect_vreg.gather [hbm4b:s9+s2], $0x80, v3, vm0, $0xb8;
	[tilespmem:$0xCC00] =	vst v63  }
0x142: {  	s28 =	simm.s32 $0xA400  }
0x143: {  	[tilespmem:s28], [sflag:$0x1] =	stream.indirect_vreg.gather [hbm4b:s10+s2], $0x80, v3, vm0, $0xb8;
	[tilespmem:$0xCC00] =	vst v63  }
0x144: {  	s30 =	simm.s32 $0xAC00  }
0x145: {  	[tilespmem:s30], [sflag:$0x1] =	stream.indirect_vreg.gather [hbm4b:s11+s2], $0x80, v3, vm0, $0xb8;
	[tilespmem:$0xCC00] =	vst v63  }
0x146: {  	s31 =	simm.s32 $0xB400  }
0x147: {  	[tilespmem:s31], [sflag:$0x1] =	stream.indirect_vreg.gather [hbm4b:s12+s2], $0x80, v3, vm0, $0xb8;
	[tilespmem:$0xCC00] =	vst v63  }
0x148: {  	s26 =	simm.s32 $0xBC00  }
0x149: {  	[tilespmem:s26], [sflag:$0x1] =	stream.indirect_vreg.gather [hbm4b:s13+s2], $0x80, v3, vm0, $0xb8;
	[tilespmem:$0xCC00] =	vst v63  }
0x14a: {  	s21 =	simm.s32 $0xC400  }
0x14b: {  	[tilespmem:s21], [sflag:$0x1] =	stream.indirect_vreg.gather [hbm4b:s14+s2], $0x80, v3, vm0, $0xb8;
	[tilespmem:$0xCC00] =	vst v63  }
0x14c: {  	_ =	swait.ge [sflag:s25], $0xC000  }
0x14d: {  	[sflag:s25] =	ssyncset.done $0x0  }
0x14e: {  	s26 =	rddreg [dreg:$0x7];
	[sflag:s25] =	ssyncadd.s32 $0xFFFF4000  }
0x14f: {  	[hbm4b:s26+s2] =	stream.linear.scatter [tilespmem:s29], [sflag:$0x2], $0xC000, $0x38;
	[tilespmem:$0xCC00] =	vst v63  }
0x150: {  	_ =	swait.ge [sflag:s16], $0xC000  }
0x151: {  	[sflag:s16] =	ssyncset.done $0x0  }
0x152: {  	[sflag:s16] =	ssyncadd.s32 $0xFFFF4000  }
0x153: {  	v3 =	vld [tilespmem:$0x280];
	_ =	sdelay $0x4  }
0x154: {  	v52 =	vshrl.u32 v3, $0x3  }
0x155: {  	v4 =	vmul.u32 $0xC0, v52  }
0x156: {  	v3 =	vand.u32 $0x7, v3  }
0x157: {  	v3 =	vor.u32 v3, v4  }
0x158: {  	v4 =	vperm.xlane v3, v0;
	_ =	sdelay $0x1  }
0x159: {  	v4 =	vadd.s32 v1, v4;
	_ =	sdelay $0x4  }
0x15a: {  	[tilespmem:s29], [sflag:$0x1] =	stream.indirect_vreg.gather [hbm4b:s3+s2], $0x80, v4, vm0, $0xb8;
	[tilespmem:$0xCC00] =	vst v63  }
0x15b: {  	s26 =	simm.s32 $0x1400  }
0x15c: {  	[tilespmem:s26], [sflag:$0x1] =	stream.indirect_vreg.gather [hbm4b:s4+s2], $0x80, v4, vm0, $0xb8;
	[tilespmem:$0xCC00] =	vst v63  }
0x15d: {  	s26 =	simm.s32 $0x1C00  }
0x15e: {  	[tilespmem:s26], [sflag:$0x1] =	stream.indirect_vreg.gather [hbm4b:s5+s2], $0x80, v4, vm0, $0xb8;
	[tilespmem:$0xCC00] =	vst v63  }
0x15f: {  	s26 =	simm.s32 $0x2400  }
0x160: {  	[tilespmem:s26], [sflag:$0x1] =	stream.indirect_vreg.gather [hbm4b:s6+s2], $0x80, v4, vm0, $0xb8;
	[tilespmem:$0xCC00] =	vst v63  }
0x161: {  	s26 =	simm.s32 $0x2C00  }
0x162: {  	[tilespmem:s26], [sflag:$0x1] =	stream.indirect_vreg.gather [hbm4b:s7+s2], $0x80, v4, vm0, $0xb8;
	[tilespmem:$0xCC00] =	vst v63  }
0x163: {  	s26 =	simm.s32 $0x3400  }
0x164: {  	[tilespmem:s26], [sflag:$0x1] =	stream.indirect_vreg.gather [hbm4b:s8+s2], $0x80, v4, vm0, $0xb8;
	[tilespmem:$0xCC00] =	vst v63  }
0x165: {  	s0 =	simm.s32 $0x3C00  }
0x166: {  	[tilespmem:s0], [sflag:$0x1] =	stream.indirect_vreg.gather [hbm4b:s9+s2], $0x80, v4, vm0, $0xb8;
	[tilespmem:$0xCC00] =	vst v63  }
0x167: {  	s1 =	simm.s32 $0x4400  }
0x168: {  	[tilespmem:s1], [sflag:$0x1] =	stream.indirect_vreg.gather [hbm4b:s10+s2], $0x80, v4, vm0, $0xb8;
	[tilespmem:$0xCC00] =	vst v63  }
0x169: {  	s26 =	simm.s32 $0x4C00  }
0x16a: {  	[tilespmem:s26], [sflag:$0x1] =	stream.indirect_vreg.gather [hbm4b:s11+s2], $0x80, v4, vm0, $0xb8;
	[tilespmem:$0xCC00] =	vst v63  }
0x16b: {  	v3 =	vperm.xlane v3, v2;
	s26 =	simm.s32 $0x5400  }
0x16c: {  	[tilespmem:s26], [sflag:$0x1] =	stream.indirect_vreg.gather [hbm4b:s12+s2], $0x80, v4, vm0, $0xb8;
	[tilespmem:$0xCC00] =	vst v63  }
0x16d: {  	s15 =	simm.s32 $0x5C00;
	v3 =	vadd.s32 v1, v3  }
0x16e: {  	[tilespmem:s15], [sflag:$0x1] =	stream.indirect_vreg.gather [hbm4b:s13+s2], $0x80, v4, vm0, $0xb8;
	[tilespmem:$0xCC00] =	vst v63  }
0x16f: {  	s17 =	simm.s32 $0x6400  }
0x170: {  	[tilespmem:s17], [sflag:$0x1] =	stream.indirect_vreg.gather [hbm4b:s14+s2], $0x80, v4, vm0, $0xb8;
	[tilespmem:$0xCC00] =	vst v63  }
0x171: {  	s18 =	simm.s32 $0x6C00  }
0x172: {  	[tilespmem:s18], [sflag:$0x1] =	stream.indirect_vreg.gather [hbm4b:s3+s2], $0x80, v3, vm0, $0xb8;
	[tilespmem:$0xCC00] =	vst v63  }
0x173: {  	s19 =	simm.s32 $0x7400  }
0x174: {  	[tilespmem:s19], [sflag:$0x1] =	stream.indirect_vreg.gather [hbm4b:s4+s2], $0x80, v3, vm0, $0xb8;
	[tilespmem:$0xCC00] =	vst v63  }
0x175: {  	s26 =	simm.s32 $0x7C00  }
0x176: {  	[tilespmem:s26], [sflag:$0x1] =	stream.indirect_vreg.gather [hbm4b:s5+s2], $0x80, v3, vm0, $0xb8;
	[tilespmem:$0xCC00] =	vst v63  }
0x177: {  	s20 =	simm.s32 $0x8400  }
0x178: {  	[tilespmem:s20], [sflag:$0x1] =	stream.indirect_vreg.gather [hbm4b:s6+s2], $0x80, v3, vm0, $0xb8;
	[tilespmem:$0xCC00] =	vst v63  }
0x179: {  	s22 =	simm.s32 $0x8C00  }
0x17a: {  	[tilespmem:s22], [sflag:$0x1] =	stream.indirect_vreg.gather [hbm4b:s7+s2], $0x80, v3, vm0, $0xb8;
	[tilespmem:$0xCC00] =	vst v63  }
0x17b: {  	s23 =	simm.s32 $0x9400  }
0x17c: {  	[tilespmem:s23], [sflag:$0x1] =	stream.indirect_vreg.gather [hbm4b:s8+s2], $0x80, v3, vm0, $0xb8;
	[tilespmem:$0xCC00] =	vst v63  }
0x17d: {  	s24 =	simm.s32 $0x9C00  }
0x17e: {  	[tilespmem:s24], [sflag:$0x1] =	stream.indirect_vreg.gather [hbm4b:s9+s2], $0x80, v3, vm0, $0xb8;
	[tilespmem:$0xCC00] =	vst v63  }
0x17f: {  	s28 =	simm.s32 $0xA400  }
0x180: {  	[tilespmem:s28], [sflag:$0x1] =	stream.indirect_vreg.gather [hbm4b:s10+s2], $0x80, v3, vm0, $0xb8;
	[tilespmem:$0xCC00] =	vst v63  }
0x181: {  	s30 =	simm.s32 $0xAC00  }
0x182: {  	[tilespmem:s30], [sflag:$0x1] =	stream.indirect_vreg.gather [hbm4b:s11+s2], $0x80, v3, vm0, $0xb8;
	[tilespmem:$0xCC00] =	vst v63  }
0x183: {  	s31 =	simm.s32 $0xB400  }
0x184: {  	[tilespmem:s31], [sflag:$0x1] =	stream.indirect_vreg.gather [hbm4b:s12+s2], $0x80, v3, vm0, $0xb8;
	[tilespmem:$0xCC00] =	vst v63  }
0x185: {  	s26 =	simm.s32 $0xBC00  }
0x186: {  	[tilespmem:s26], [sflag:$0x1] =	stream.indirect_vreg.gather [hbm4b:s13+s2], $0x80, v3, vm0, $0xb8;
	[tilespmem:$0xCC00] =	vst v63  }
0x187: {  	s21 =	simm.s32 $0xC400  }
0x188: {  	[tilespmem:s21], [sflag:$0x1] =	stream.indirect_vreg.gather [hbm4b:s14+s2], $0x80, v3, vm0, $0xb8;
	[tilespmem:$0xCC00] =	vst v63  }
0x189: {  	_ =	swait.ge [sflag:s25], $0xC000  }
0x18a: {  	[sflag:s25] =	ssyncset.done $0x0  }
0x18b: {  	s26 =	rddreg [dreg:$0x8];
	[sflag:s25] =	ssyncadd.s32 $0xFFFF4000  }
0x18c: {  	[hbm4b:s26+s2] =	stream.linear.scatter [tilespmem:s29], [sflag:$0x2], $0xC000, $0x38;
	[tilespmem:$0xCC00] =	vst v63  }
0x18d: {  	_ =	swait.ge [sflag:s16], $0xC000  }
0x18e: {  	[sflag:s16] =	ssyncset.done $0x0  }
0x18f: {  	[sflag:s16] =	ssyncadd.s32 $0xFFFF4000  }
0x190: {  	v3 =	vld [tilespmem:$0x300];
	_ =	sdelay $0x4  }
0x191: {  	v53 =	vshrl.u32 v3, $0x3  }
0x192: {  	v4 =	vmul.u32 $0xC0, v53  }
0x193: {  	v3 =	vand.u32 $0x7, v3  }
0x194: {  	v3 =	vor.u32 v3, v4  }
0x195: {  	v4 =	vperm.xlane v3, v0;
	_ =	sdelay $0x1  }
0x196: {  	v4 =	vadd.s32 v1, v4;
	_ =	sdelay $0x4  }
0x197: {  	[tilespmem:s29], [sflag:$0x1] =	stream.indirect_vreg.gather [hbm4b:s3+s2], $0x80, v4, vm0, $0xb8;
	[tilespmem:$0xCC00] =	vst v63  }
0x198: {  	s26 =	simm.s32 $0x1400  }
0x199: {  	[tilespmem:s26], [sflag:$0x1] =	stream.indirect_vreg.gather [hbm4b:s4+s2], $0x80, v4, vm0, $0xb8;
	[tilespmem:$0xCC00] =	vst v63  }
0x19a: {  	s26 =	simm.s32 $0x1C00  }
0x19b: {  	[tilespmem:s26], [sflag:$0x1] =	stream.indirect_vreg.gather [hbm4b:s5+s2], $0x80, v4, vm0, $0xb8;
	[tilespmem:$0xCC00] =	vst v63  }
0x19c: {  	s26 =	simm.s32 $0x2400  }
0x19d: {  	[tilespmem:s26], [sflag:$0x1] =	stream.indirect_vreg.gather [hbm4b:s6+s2], $0x80, v4, vm0, $0xb8;
	[tilespmem:$0xCC00] =	vst v63  }
0x19e: {  	s26 =	simm.s32 $0x2C00  }
0x19f: {  	[tilespmem:s26], [sflag:$0x1] =	stream.indirect_vreg.gather [hbm4b:s7+s2], $0x80, v4, vm0, $0xb8;
	[tilespmem:$0xCC00] =	vst v63  }
0x1a0: {  	s26 =	simm.s32 $0x3400  }
0x1a1: {  	[tilespmem:s26], [sflag:$0x1] =	stream.indirect_vreg.gather [hbm4b:s8+s2], $0x80, v4, vm0, $0xb8;
	[tilespmem:$0xCC00] =	vst v63  }
0x1a2: {  	s0 =	simm.s32 $0x3C00  }
0x1a3: {  	[tilespmem:s0], [sflag:$0x1] =	stream.indirect_vreg.gather [hbm4b:s9+s2], $0x80, v4, vm0, $0xb8;
	[tilespmem:$0xCC00] =	vst v63  }
0x1a4: {  	s1 =	simm.s32 $0x4400  }
0x1a5: {  	[tilespmem:s1], [sflag:$0x1] =	stream.indirect_vreg.gather [hbm4b:s10+s2], $0x80, v4, vm0, $0xb8;
	[tilespmem:$0xCC00] =	vst v63  }
0x1a6: {  	s26 =	simm.s32 $0x4C00  }
0x1a7: {  	[tilespmem:s26], [sflag:$0x1] =	stream.indirect_vreg.gather [hbm4b:s11+s2], $0x80, v4, vm0, $0xb8;
	[tilespmem:$0xCC00] =	vst v63  }
0x1a8: {  	v3 =	vperm.xlane v3, v2;
	s26 =	simm.s32 $0x5400  }
0x1a9: {  	[tilespmem:s26], [sflag:$0x1] =	stream.indirect_vreg.gather [hbm4b:s12+s2], $0x80, v4, vm0, $0xb8;
	[tilespmem:$0xCC00] =	vst v63  }
0x1aa: {  	s15 =	simm.s32 $0x5C00;
	v3 =	vadd.s32 v1, v3  }
0x1ab: {  	[tilespmem:s15], [sflag:$0x1] =	stream.indirect_vreg.gather [hbm4b:s13+s2], $0x80, v4, vm0, $0xb8;
	[tilespmem:$0xCC00] =	vst v63  }
0x1ac: {  	s17 =	simm.s32 $0x6400  }
0x1ad: {  	[tilespmem:s17], [sflag:$0x1] =	stream.indirect_vreg.gather [hbm4b:s14+s2], $0x80, v4, vm0, $0xb8;
	[tilespmem:$0xCC00] =	vst v63  }
0x1ae: {  	s18 =	simm.s32 $0x6C00  }
0x1af: {  	[tilespmem:s18], [sflag:$0x1] =	stream.indirect_vreg.gather [hbm4b:s3+s2], $0x80, v3, vm0, $0xb8;
	[tilespmem:$0xCC00] =	vst v63  }
0x1b0: {  	s19 =	simm.s32 $0x7400  }
0x1b1: {  	[tilespmem:s19], [sflag:$0x1] =	stream.indirect_vreg.gather [hbm4b:s4+s2], $0x80, v3, vm0, $0xb8;
	[tilespmem:$0xCC00] =	vst v63  }
0x1b2: {  	s26 =	simm.s32 $0x7C00  }
0x1b3: {  	[tilespmem:s26], [sflag:$0x1] =	stream.indirect_vreg.gather [hbm4b:s5+s2], $0x80, v3, vm0, $0xb8;
	[tilespmem:$0xCC00] =	vst v63  }
0x1b4: {  	s20 =	simm.s32 $0x8400  }
0x1b5: {  	[tilespmem:s20], [sflag:$0x1] =	stream.indirect_vreg.gather [hbm4b:s6+s2], $0x80, v3, vm0, $0xb8;
	[tilespmem:$0xCC00] =	vst v63  }
0x1b6: {  	s22 =	simm.s32 $0x8C00  }
0x1b7: {  	[tilespmem:s22], [sflag:$0x1] =	stream.indirect_vreg.gather [hbm4b:s7+s2], $0x80, v3, vm0, $0xb8;
	[tilespmem:$0xCC00] =	vst v63  }
0x1b8: {  	s23 =	simm.s32 $0x9400  }
0x1b9: {  	[tilespmem:s23], [sflag:$0x1] =	stream.indirect_vreg.gather [hbm4b:s8+s2], $0x80, v3, vm0, $0xb8;
	[tilespmem:$0xCC00] =	vst v63  }
0x1ba: {  	s24 =	simm.s32 $0x9C00  }
0x1bb: {  	[tilespmem:s24], [sflag:$0x1] =	stream.indirect_vreg.gather [hbm4b:s9+s2], $0x80, v3, vm0, $0xb8;
	[tilespmem:$0xCC00] =	vst v63  }
0x1bc: {  	s28 =	simm.s32 $0xA400  }
0x1bd: {  	[tilespmem:s28], [sflag:$0x1] =	stream.indirect_vreg.gather [hbm4b:s10+s2], $0x80, v3, vm0, $0xb8;
	[tilespmem:$0xCC00] =	vst v63  }
0x1be: {  	s30 =	simm.s32 $0xAC00  }
0x1bf: {  	[tilespmem:s30], [sflag:$0x1] =	stream.indirect_vreg.gather [hbm4b:s11+s2], $0x80, v3, vm0, $0xb8;
	[tilespmem:$0xCC00] =	vst v63  }
0x1c0: {  	s31 =	simm.s32 $0xB400  }
0x1c1: {  	[tilespmem:s31], [sflag:$0x1] =	stream.indirect_vreg.gather [hbm4b:s12+s2], $0x80, v3, vm0, $0xb8;
	[tilespmem:$0xCC00] =	vst v63  }
0x1c2: {  	s26 =	simm.s32 $0xBC00  }
0x1c3: {  	[tilespmem:s26], [sflag:$0x1] =	stream.indirect_vreg.gather [hbm4b:s13+s2], $0x80, v3, vm0, $0xb8;
	[tilespmem:$0xCC00] =	vst v63  }
0x1c4: {  	s21 =	simm.s32 $0xC400  }
0x1c5: {  	[tilespmem:s21], [sflag:$0x1] =	stream.indirect_vreg.gather [hbm4b:s14+s2], $0x80, v3, vm0, $0xb8;
	[tilespmem:$0xCC00] =	vst v63  }
0x1c6: {  	_ =	swait.ge [sflag:s25], $0xC000  }
0x1c7: {  	[sflag:s25] =	ssyncset.done $0x0  }
0x1c8: {  	s26 =	rddreg [dreg:$0x9];
	[sflag:s25] =	ssyncadd.s32 $0xFFFF4000  }
0x1c9: {  	[hbm4b:s26+s2] =	stream.linear.scatter [tilespmem:s29], [sflag:$0x2], $0xC000, $0x38;
	[tilespmem:$0xCC00] =	vst v63  }
0x1ca: {  	_ =	swait.ge [sflag:s16], $0xC000  }
0x1cb: {  	[sflag:s16] =	ssyncset.done $0x0  }
0x1cc: {  	[sflag:s16] =	ssyncadd.s32 $0xFFFF4000  }
0x1cd: {  	v3 =	vld [tilespmem:$0x380];
	_ =	sdelay $0x4  }
0x1ce: {  	v54 =	vshrl.u32 v3, $0x3  }
0x1cf: {  	v4 =	vmul.u32 $0xC0, v54  }
0x1d0: {  	v3 =	vand.u32 $0x7, v3  }
0x1d1: {  	v3 =	vor.u32 v3, v4  }
0x1d2: {  	v4 =	vperm.xlane v3, v0;
	_ =	sdelay $0x1  }
0x1d3: {  	v4 =	vadd.s32 v1, v4;
	_ =	sdelay $0x4  }
0x1d4: {  	[tilespmem:s29], [sflag:$0x1] =	stream.indirect_vreg.gather [hbm4b:s3+s2], $0x80, v4, vm0, $0xb8;
	[tilespmem:$0xCC00] =	vst v63  }
0x1d5: {  	s26 =	simm.s32 $0x1400  }
0x1d6: {  	[tilespmem:s26], [sflag:$0x1] =	stream.indirect_vreg.gather [hbm4b:s4+s2], $0x80, v4, vm0, $0xb8;
	[tilespmem:$0xCC00] =	vst v63  }
0x1d7: {  	s26 =	simm.s32 $0x1C00  }
0x1d8: {  	[tilespmem:s26], [sflag:$0x1] =	stream.indirect_vreg.gather [hbm4b:s5+s2], $0x80, v4, vm0, $0xb8;
	[tilespmem:$0xCC00] =	vst v63  }
0x1d9: {  	s26 =	simm.s32 $0x2400  }
0x1da: {  	[tilespmem:s26], [sflag:$0x1] =	stream.indirect_vreg.gather [hbm4b:s6+s2], $0x80, v4, vm0, $0xb8;
	[tilespmem:$0xCC00] =	vst v63  }
0x1db: {  	s26 =	simm.s32 $0x2C00  }
0x1dc: {  	[tilespmem:s26], [sflag:$0x1] =	stream.indirect_vreg.gather [hbm4b:s7+s2], $0x80, v4, vm0, $0xb8;
	[tilespmem:$0xCC00] =	vst v63  }
0x1dd: {  	s26 =	simm.s32 $0x3400  }
0x1de: {  	[tilespmem:s26], [sflag:$0x1] =	stream.indirect_vreg.gather [hbm4b:s8+s2], $0x80, v4, vm0, $0xb8;
	[tilespmem:$0xCC00] =	vst v63  }
0x1df: {  	s0 =	simm.s32 $0x3C00  }
0x1e0: {  	[tilespmem:s0], [sflag:$0x1] =	stream.indirect_vreg.gather [hbm4b:s9+s2], $0x80, v4, vm0, $0xb8;
	[tilespmem:$0xCC00] =	vst v63  }
0x1e1: {  	s1 =	simm.s32 $0x4400  }
0x1e2: {  	[tilespmem:s1], [sflag:$0x1] =	stream.indirect_vreg.gather [hbm4b:s10+s2], $0x80, v4, vm0, $0xb8;
	[tilespmem:$0xCC00] =	vst v63  }
0x1e3: {  	s26 =	simm.s32 $0x4C00  }
0x1e4: {  	[tilespmem:s26], [sflag:$0x1] =	stream.indirect_vreg.gather [hbm4b:s11+s2], $0x80, v4, vm0, $0xb8;
	[tilespmem:$0xCC00] =	vst v63  }
0x1e5: {  	v3 =	vperm.xlane v3, v2;
	s26 =	simm.s32 $0x5400  }
0x1e6: {  	[tilespmem:s26], [sflag:$0x1] =	stream.indirect_vreg.gather [hbm4b:s12+s2], $0x80, v4, vm0, $0xb8;
	[tilespmem:$0xCC00] =	vst v63  }
0x1e7: {  	s15 =	simm.s32 $0x5C00;
	v3 =	vadd.s32 v1, v3  }
0x1e8: {  	[tilespmem:s15], [sflag:$0x1] =	stream.indirect_vreg.gather [hbm4b:s13+s2], $0x80, v4, vm0, $0xb8;
	[tilespmem:$0xCC00] =	vst v63  }
0x1e9: {  	s17 =	simm.s32 $0x6400  }
0x1ea: {  	[tilespmem:s17], [sflag:$0x1] =	stream.indirect_vreg.gather [hbm4b:s14+s2], $0x80, v4, vm0, $0xb8;
	[tilespmem:$0xCC00] =	vst v63  }
0x1eb: {  	s18 =	simm.s32 $0x6C00  }
0x1ec: {  	[tilespmem:s18], [sflag:$0x1] =	stream.indirect_vreg.gather [hbm4b:s3+s2], $0x80, v3, vm0, $0xb8;
	[tilespmem:$0xCC00] =	vst v63  }
0x1ed: {  	s19 =	simm.s32 $0x7400  }
0x1ee: {  	[tilespmem:s19], [sflag:$0x1] =	stream.indirect_vreg.gather [hbm4b:s4+s2], $0x80, v3, vm0, $0xb8;
	[tilespmem:$0xCC00] =	vst v63  }
0x1ef: {  	s26 =	simm.s32 $0x7C00  }
0x1f0: {  	[tilespmem:s26], [sflag:$0x1] =	stream.indirect_vreg.gather [hbm4b:s5+s2], $0x80, v3, vm0, $0xb8;
	[tilespmem:$0xCC00] =	vst v63  }
0x1f1: {  	s20 =	simm.s32 $0x8400  }
0x1f2: {  	[tilespmem:s20], [sflag:$0x1] =	stream.indirect_vreg.gather [hbm4b:s6+s2], $0x80, v3, vm0, $0xb8;
	[tilespmem:$0xCC00] =	vst v63  }
0x1f3: {  	s22 =	simm.s32 $0x8C00  }
0x1f4: {  	[tilespmem:s22], [sflag:$0x1] =	stream.indirect_vreg.gather [hbm4b:s7+s2], $0x80, v3, vm0, $0xb8;
	[tilespmem:$0xCC00] =	vst v63  }
0x1f5: {  	s23 =	simm.s32 $0x9400  }
0x1f6: {  	[tilespmem:s23], [sflag:$0x1] =	stream.indirect_vreg.gather [hbm4b:s8+s2], $0x80, v3, vm0, $0xb8;
	[tilespmem:$0xCC00] =	vst v63  }
0x1f7: {  	s24 =	simm.s32 $0x9C00  }
0x1f8: {  	[tilespmem:s24], [sflag:$0x1] =	stream.indirect_vreg.gather [hbm4b:s9+s2], $0x80, v3, vm0, $0xb8;
	[tilespmem:$0xCC00] =	vst v63  }
0x1f9: {  	s28 =	simm.s32 $0xA400  }
0x1fa: {  	[tilespmem:s28], [sflag:$0x1] =	stream.indirect_vreg.gather [hbm4b:s10+s2], $0x80, v3, vm0, $0xb8;
	[tilespmem:$0xCC00] =	vst v63  }
0x1fb: {  	s30 =	simm.s32 $0xAC00  }
0x1fc: {  	[tilespmem:s30], [sflag:$0x1] =	stream.indirect_vreg.gather [hbm4b:s11+s2], $0x80, v3, vm0, $0xb8;
	[tilespmem:$0xCC00] =	vst v63  }
0x1fd: {  	s31 =	simm.s32 $0xB400  }
0x1fe: {  	[tilespmem:s31], [sflag:$0x1] =	stream.indirect_vreg.gather [hbm4b:s12+s2], $0x80, v3, vm0, $0xb8;
	[tilespmem:$0xCC00] =	vst v63  }
0x1ff: {  	s26 =	simm.s32 $0xBC00  }
0x200: {  	[tilespmem:s26], [sflag:$0x1] =	stream.indirect_vreg.gather [hbm4b:s13+s2], $0x80, v3, vm0, $0xb8;
	[tilespmem:$0xCC00] =	vst v63  }
0x201: {  	s21 =	simm.s32 $0xC400  }
0x202: {  	[tilespmem:s21], [sflag:$0x1] =	stream.indirect_vreg.gather [hbm4b:s14+s2], $0x80, v3, vm0, $0xb8;
	[tilespmem:$0xCC00] =	vst v63  }
0x203: {  	_ =	swait.ge [sflag:s25], $0xC000  }
0x204: {  	[sflag:s25] =	ssyncset.done $0x0  }
0x205: {  	s26 =	rddreg [dreg:$0xa];
	[sflag:s25] =	ssyncadd.s32 $0xFFFF4000  }
0x206: {  	[hbm4b:s26+s2] =	stream.linear.scatter [tilespmem:s29], [sflag:$0x2], $0xC000, $0x38;
	[tilespmem:$0xCC00] =	vst v63  }
0x207: {  	_ =	swait.ge [sflag:s16], $0xC000  }
0x208: {  	[sflag:s16] =	ssyncset.done $0x0  }
0x209: {  	[sflag:s16] =	ssyncadd.s32 $0xFFFF4000  }
0x20a: {  	v3 =	vld [tilespmem:$0x400];
	_ =	sdelay $0x4  }
0x20b: {  	v55 =	vshrl.u32 v3, $0x3  }
0x20c: {  	v4 =	vmul.u32 $0xC0, v55  }
0x20d: {  	v3 =	vand.u32 $0x7, v3  }
0x20e: {  	v3 =	vor.u32 v3, v4  }
0x20f: {  	v4 =	vperm.xlane v3, v0;
	_ =	sdelay $0x1  }
0x210: {  	v4 =	vadd.s32 v1, v4;
	_ =	sdelay $0x4  }
0x211: {  	[tilespmem:s29], [sflag:$0x1] =	stream.indirect_vreg.gather [hbm4b:s3+s2], $0x80, v4, vm0, $0xb8;
	[tilespmem:$0xCC00] =	vst v63  }
0x212: {  	s26 =	simm.s32 $0x1400  }
0x213: {  	[tilespmem:s26], [sflag:$0x1] =	stream.indirect_vreg.gather [hbm4b:s4+s2], $0x80, v4, vm0, $0xb8;
	[tilespmem:$0xCC00] =	vst v63  }
0x214: {  	s26 =	simm.s32 $0x1C00  }
0x215: {  	[tilespmem:s26], [sflag:$0x1] =	stream.indirect_vreg.gather [hbm4b:s5+s2], $0x80, v4, vm0, $0xb8;
	[tilespmem:$0xCC00] =	vst v63  }
0x216: {  	s26 =	simm.s32 $0x2400  }
0x217: {  	[tilespmem:s26], [sflag:$0x1] =	stream.indirect_vreg.gather [hbm4b:s6+s2], $0x80, v4, vm0, $0xb8;
	[tilespmem:$0xCC00] =	vst v63  }
0x218: {  	s26 =	simm.s32 $0x2C00  }
0x219: {  	[tilespmem:s26], [sflag:$0x1] =	stream.indirect_vreg.gather [hbm4b:s7+s2], $0x80, v4, vm0, $0xb8;
	[tilespmem:$0xCC00] =	vst v63  }
0x21a: {  	s26 =	simm.s32 $0x3400  }
0x21b: {  	[tilespmem:s26], [sflag:$0x1] =	stream.indirect_vreg.gather [hbm4b:s8+s2], $0x80, v4, vm0, $0xb8;
	[tilespmem:$0xCC00] =	vst v63  }
0x21c: {  	s0 =	simm.s32 $0x3C00  }
0x21d: {  	[tilespmem:s0], [sflag:$0x1] =	stream.indirect_vreg.gather [hbm4b:s9+s2], $0x80, v4, vm0, $0xb8;
	[tilespmem:$0xCC00] =	vst v63  }
0x21e: {  	s1 =	simm.s32 $0x4400  }
0x21f: {  	[tilespmem:s1], [sflag:$0x1] =	stream.indirect_vreg.gather [hbm4b:s10+s2], $0x80, v4, vm0, $0xb8;
	[tilespmem:$0xCC00] =	vst v63  }
0x220: {  	s26 =	simm.s32 $0x4C00  }
0x221: {  	[tilespmem:s26], [sflag:$0x1] =	stream.indirect_vreg.gather [hbm4b:s11+s2], $0x80, v4, vm0, $0xb8;
	[tilespmem:$0xCC00] =	vst v63  }
0x222: {  	v3 =	vperm.xlane v3, v2;
	s26 =	simm.s32 $0x5400  }
0x223: {  	[tilespmem:s26], [sflag:$0x1] =	stream.indirect_vreg.gather [hbm4b:s12+s2], $0x80, v4, vm0, $0xb8;
	[tilespmem:$0xCC00] =	vst v63  }
0x224: {  	s15 =	simm.s32 $0x5C00;
	v3 =	vadd.s32 v1, v3  }
0x225: {  	[tilespmem:s15], [sflag:$0x1] =	stream.indirect_vreg.gather [hbm4b:s13+s2], $0x80, v4, vm0, $0xb8;
	[tilespmem:$0xCC00] =	vst v63  }
0x226: {  	s17 =	simm.s32 $0x6400  }
0x227: {  	[tilespmem:s17], [sflag:$0x1] =	stream.indirect_vreg.gather [hbm4b:s14+s2], $0x80, v4, vm0, $0xb8;
	[tilespmem:$0xCC00] =	vst v63  }
0x228: {  	s18 =	simm.s32 $0x6C00  }
0x229: {  	[tilespmem:s18], [sflag:$0x1] =	stream.indirect_vreg.gather [hbm4b:s3+s2], $0x80, v3, vm0, $0xb8;
	[tilespmem:$0xCC00] =	vst v63  }
0x22a: {  	s19 =	simm.s32 $0x7400  }
0x22b: {  	[tilespmem:s19], [sflag:$0x1] =	stream.indirect_vreg.gather [hbm4b:s4+s2], $0x80, v3, vm0, $0xb8;
	[tilespmem:$0xCC00] =	vst v63  }
0x22c: {  	s26 =	simm.s32 $0x7C00  }
0x22d: {  	[tilespmem:s26], [sflag:$0x1] =	stream.indirect_vreg.gather [hbm4b:s5+s2], $0x80, v3, vm0, $0xb8;
	[tilespmem:$0xCC00] =	vst v63  }
0x22e: {  	s20 =	simm.s32 $0x8400  }
0x22f: {  	[tilespmem:s20], [sflag:$0x1] =	stream.indirect_vreg.gather [hbm4b:s6+s2], $0x80, v3, vm0, $0xb8;
	[tilespmem:$0xCC00] =	vst v63  }
0x230: {  	s22 =	simm.s32 $0x8C00  }
0x231: {  	[tilespmem:s22], [sflag:$0x1] =	stream.indirect_vreg.gather [hbm4b:s7+s2], $0x80, v3, vm0, $0xb8;
	[tilespmem:$0xCC00] =	vst v63  }
0x232: {  	s23 =	simm.s32 $0x9400  }
0x233: {  	[tilespmem:s23], [sflag:$0x1] =	stream.indirect_vreg.gather [hbm4b:s8+s2], $0x80, v3, vm0, $0xb8;
	[tilespmem:$0xCC00] =	vst v63  }
0x234: {  	s24 =	simm.s32 $0x9C00  }
0x235: {  	[tilespmem:s24], [sflag:$0x1] =	stream.indirect_vreg.gather [hbm4b:s9+s2], $0x80, v3, vm0, $0xb8;
	[tilespmem:$0xCC00] =	vst v63  }
0x236: {  	s28 =	simm.s32 $0xA400  }
0x237: {  	[tilespmem:s28], [sflag:$0x1] =	stream.indirect_vreg.gather [hbm4b:s10+s2], $0x80, v3, vm0, $0xb8;
	[tilespmem:$0xCC00] =	vst v63  }
0x238: {  	s30 =	simm.s32 $0xAC00  }
0x239: {  	[tilespmem:s30], [sflag:$0x1] =	stream.indirect_vreg.gather [hbm4b:s11+s2], $0x80, v3, vm0, $0xb8;
	[tilespmem:$0xCC00] =	vst v63  }
0x23a: {  	s31 =	simm.s32 $0xB400  }
0x23b: {  	[tilespmem:s31], [sflag:$0x1] =	stream.indirect_vreg.gather [hbm4b:s12+s2], $0x80, v3, vm0, $0xb8;
	[tilespmem:$0xCC00] =	vst v63  }
0x23c: {  	s26 =	simm.s32 $0xBC00  }
0x23d: {  	[tilespmem:s26], [sflag:$0x1] =	stream.indirect_vreg.gather [hbm4b:s13+s2], $0x80, v3, vm0, $0xb8;
	[tilespmem:$0xCC00] =	vst v63  }
0x23e: {  	s21 =	simm.s32 $0xC400  }
0x23f: {  	[tilespmem:s21], [sflag:$0x1] =	stream.indirect_vreg.gather [hbm4b:s14+s2], $0x80, v3, vm0, $0xb8;
	[tilespmem:$0xCC00] =	vst v63  }
0x240: {  	_ =	swait.ge [sflag:s25], $0xC000  }
0x241: {  	[sflag:s25] =	ssyncset.done $0x0  }
0x242: {  	s26 =	rddreg [dreg:$0xb];
	[sflag:s25] =	ssyncadd.s32 $0xFFFF4000  }
0x243: {  	[hbm4b:s26+s2] =	stream.linear.scatter [tilespmem:s29], [sflag:$0x2], $0xC000, $0x38;
	[tilespmem:$0xCC00] =	vst v63  }
0x244: {  	_ =	swait.ge [sflag:s16], $0xC000  }
0x245: {  	[sflag:s16] =	ssyncset.done $0x0  }
0x246: {  	[sflag:s16] =	ssyncadd.s32 $0xFFFF4000  }
0x247: {  	v3 =	vld [tilespmem:$0x480];
	_ =	sdelay $0x4  }
0x248: {  	v56 =	vshrl.u32 v3, $0x3  }
0x249: {  	v4 =	vmul.u32 $0xC0, v56  }
0x24a: {  	v3 =	vand.u32 $0x7, v3  }
0x24b: {  	v3 =	vor.u32 v3, v4  }
0x24c: {  	v4 =	vperm.xlane v3, v0;
	_ =	sdelay $0x1  }
0x24d: {  	v4 =	vadd.s32 v1, v4;
	_ =	sdelay $0x4  }
0x24e: {  	[tilespmem:s29], [sflag:$0x1] =	stream.indirect_vreg.gather [hbm4b:s3+s2], $0x80, v4, vm0, $0xb8;
	[tilespmem:$0xCC00] =	vst v63  }
0x24f: {  	s26 =	simm.s32 $0x1400  }
0x250: {  	[tilespmem:s26], [sflag:$0x1] =	stream.indirect_vreg.gather [hbm4b:s4+s2], $0x80, v4, vm0, $0xb8;
	[tilespmem:$0xCC00] =	vst v63  }
0x251: {  	s26 =	simm.s32 $0x1C00  }
0x252: {  	[tilespmem:s26], [sflag:$0x1] =	stream.indirect_vreg.gather [hbm4b:s5+s2], $0x80, v4, vm0, $0xb8;
	[tilespmem:$0xCC00] =	vst v63  }
0x253: {  	s26 =	simm.s32 $0x2400  }
0x254: {  	[tilespmem:s26], [sflag:$0x1] =	stream.indirect_vreg.gather [hbm4b:s6+s2], $0x80, v4, vm0, $0xb8;
	[tilespmem:$0xCC00] =	vst v63  }
0x255: {  	s26 =	simm.s32 $0x2C00  }
0x256: {  	[tilespmem:s26], [sflag:$0x1] =	stream.indirect_vreg.gather [hbm4b:s7+s2], $0x80, v4, vm0, $0xb8;
	[tilespmem:$0xCC00] =	vst v63  }
0x257: {  	s26 =	simm.s32 $0x3400  }
0x258: {  	[tilespmem:s26], [sflag:$0x1] =	stream.indirect_vreg.gather [hbm4b:s8+s2], $0x80, v4, vm0, $0xb8;
	[tilespmem:$0xCC00] =	vst v63  }
0x259: {  	s0 =	simm.s32 $0x3C00  }
0x25a: {  	[tilespmem:s0], [sflag:$0x1] =	stream.indirect_vreg.gather [hbm4b:s9+s2], $0x80, v4, vm0, $0xb8;
	[tilespmem:$0xCC00] =	vst v63  }
0x25b: {  	s1 =	simm.s32 $0x4400  }
0x25c: {  	[tilespmem:s1], [sflag:$0x1] =	stream.indirect_vreg.gather [hbm4b:s10+s2], $0x80, v4, vm0, $0xb8;
	[tilespmem:$0xCC00] =	vst v63  }
0x25d: {  	s26 =	simm.s32 $0x4C00  }
0x25e: {  	[tilespmem:s26], [sflag:$0x1] =	stream.indirect_vreg.gather [hbm4b:s11+s2], $0x80, v4, vm0, $0xb8;
	[tilespmem:$0xCC00] =	vst v63  }
0x25f: {  	v3 =	vperm.xlane v3, v2;
	s26 =	simm.s32 $0x5400  }
0x260: {  	[tilespmem:s26], [sflag:$0x1] =	stream.indirect_vreg.gather [hbm4b:s12+s2], $0x80, v4, vm0, $0xb8;
	[tilespmem:$0xCC00] =	vst v63  }
0x261: {  	s15 =	simm.s32 $0x5C00;
	v3 =	vadd.s32 v1, v3  }
0x262: {  	[tilespmem:s15], [sflag:$0x1] =	stream.indirect_vreg.gather [hbm4b:s13+s2], $0x80, v4, vm0, $0xb8;
	[tilespmem:$0xCC00] =	vst v63  }
0x263: {  	s17 =	simm.s32 $0x6400  }
0x264: {  	[tilespmem:s17], [sflag:$0x1] =	stream.indirect_vreg.gather [hbm4b:s14+s2], $0x80, v4, vm0, $0xb8;
	[tilespmem:$0xCC00] =	vst v63  }
0x265: {  	s18 =	simm.s32 $0x6C00  }
0x266: {  	[tilespmem:s18], [sflag:$0x1] =	stream.indirect_vreg.gather [hbm4b:s3+s2], $0x80, v3, vm0, $0xb8;
	[tilespmem:$0xCC00] =	vst v63  }
0x267: {  	s19 =	simm.s32 $0x7400  }
0x268: {  	[tilespmem:s19], [sflag:$0x1] =	stream.indirect_vreg.gather [hbm4b:s4+s2], $0x80, v3, vm0, $0xb8;
	[tilespmem:$0xCC00] =	vst v63  }
0x269: {  	s26 =	simm.s32 $0x7C00  }
0x26a: {  	[tilespmem:s26], [sflag:$0x1] =	stream.indirect_vreg.gather [hbm4b:s5+s2], $0x80, v3, vm0, $0xb8;
	[tilespmem:$0xCC00] =	vst v63  }
0x26b: {  	s20 =	simm.s32 $0x8400  }
0x26c: {  	[tilespmem:s20], [sflag:$0x1] =	stream.indirect_vreg.gather [hbm4b:s6+s2], $0x80, v3, vm0, $0xb8;
	[tilespmem:$0xCC00] =	vst v63  }
0x26d: {  	s22 =	simm.s32 $0x8C00  }
0x26e: {  	[tilespmem:s22], [sflag:$0x1] =	stream.indirect_vreg.gather [hbm4b:s7+s2], $0x80, v3, vm0, $0xb8;
	[tilespmem:$0xCC00] =	vst v63  }
0x26f: {  	s23 =	simm.s32 $0x9400  }
0x270: {  	[tilespmem:s23], [sflag:$0x1] =	stream.indirect_vreg.gather [hbm4b:s8+s2], $0x80, v3, vm0, $0xb8;
	[tilespmem:$0xCC00] =	vst v63  }
0x271: {  	s24 =	simm.s32 $0x9C00  }
0x272: {  	[tilespmem:s24], [sflag:$0x1] =	stream.indirect_vreg.gather [hbm4b:s9+s2], $0x80, v3, vm0, $0xb8;
	[tilespmem:$0xCC00] =	vst v63  }
0x273: {  	s28 =	simm.s32 $0xA400  }
0x274: {  	[tilespmem:s28], [sflag:$0x1] =	stream.indirect_vreg.gather [hbm4b:s10+s2], $0x80, v3, vm0, $0xb8;
	[tilespmem:$0xCC00] =	vst v63  }
0x275: {  	s30 =	simm.s32 $0xAC00  }
0x276: {  	[tilespmem:s30], [sflag:$0x1] =	stream.indirect_vreg.gather [hbm4b:s11+s2], $0x80, v3, vm0, $0xb8;
	[tilespmem:$0xCC00] =	vst v63  }
0x277: {  	s31 =	simm.s32 $0xB400  }
0x278: {  	[tilespmem:s31], [sflag:$0x1] =	stream.indirect_vreg.gather [hbm4b:s12+s2], $0x80, v3, vm0, $0xb8;
	[tilespmem:$0xCC00] =	vst v63  }
0x279: {  	s26 =	simm.s32 $0xBC00  }
0x27a: {  	[tilespmem:s26], [sflag:$0x1] =	stream.indirect_vreg.gather [hbm4b:s13+s2], $0x80, v3, vm0, $0xb8;
	[tilespmem:$0xCC00] =	vst v63  }
0x27b: {  	s21 =	simm.s32 $0xC400  }
0x27c: {  	[tilespmem:s21], [sflag:$0x1] =	stream.indirect_vreg.gather [hbm4b:s14+s2], $0x80, v3, vm0, $0xb8;
	[tilespmem:$0xCC00] =	vst v63  }
0x27d: {  	_ =	swait.ge [sflag:s25], $0xC000  }
0x27e: {  	[sflag:s25] =	ssyncset.done $0x0  }
0x27f: {  	s26 =	rddreg [dreg:$0xc];
	[sflag:s25] =	ssyncadd.s32 $0xFFFF4000  }
0x280: {  	[hbm4b:s26+s2] =	stream.linear.scatter [tilespmem:s29], [sflag:$0x2], $0xC000, $0x38;
	[tilespmem:$0xCC00] =	vst v63  }
0x281: {  	_ =	swait.ge [sflag:s16], $0xC000  }
0x282: {  	[sflag:s16] =	ssyncset.done $0x0  }
0x283: {  	[sflag:s16] =	ssyncadd.s32 $0xFFFF4000  }
0x284: {  	v3 =	vld [tilespmem:$0x500];
	_ =	sdelay $0x4  }
0x285: {  	v57 =	vshrl.u32 v3, $0x3  }
0x286: {  	v4 =	vmul.u32 $0xC0, v57  }
0x287: {  	v3 =	vand.u32 $0x7, v3  }
0x288: {  	v3 =	vor.u32 v3, v4  }
0x289: {  	v4 =	vperm.xlane v3, v0;
	_ =	sdelay $0x1  }
0x28a: {  	v4 =	vadd.s32 v1, v4;
	_ =	sdelay $0x4  }
0x28b: {  	[tilespmem:s29], [sflag:$0x1] =	stream.indirect_vreg.gather [hbm4b:s3+s2], $0x80, v4, vm0, $0xb8;
	[tilespmem:$0xCC00] =	vst v63  }
0x28c: {  	s26 =	simm.s32 $0x1400  }
0x28d: {  	[tilespmem:s26], [sflag:$0x1] =	stream.indirect_vreg.gather [hbm4b:s4+s2], $0x80, v4, vm0, $0xb8;
	[tilespmem:$0xCC00] =	vst v63  }
0x28e: {  	s26 =	simm.s32 $0x1C00  }
0x28f: {  	[tilespmem:s26], [sflag:$0x1] =	stream.indirect_vreg.gather [hbm4b:s5+s2], $0x80, v4, vm0, $0xb8;
	[tilespmem:$0xCC00] =	vst v63  }
0x290: {  	s26 =	simm.s32 $0x2400  }
0x291: {  	[tilespmem:s26], [sflag:$0x1] =	stream.indirect_vreg.gather [hbm4b:s6+s2], $0x80, v4, vm0, $0xb8;
	[tilespmem:$0xCC00] =	vst v63  }
0x292: {  	s26 =	simm.s32 $0x2C00  }
0x293: {  	[tilespmem:s26], [sflag:$0x1] =	stream.indirect_vreg.gather [hbm4b:s7+s2], $0x80, v4, vm0, $0xb8;
	[tilespmem:$0xCC00] =	vst v63  }
0x294: {  	s26 =	simm.s32 $0x3400  }
0x295: {  	[tilespmem:s26], [sflag:$0x1] =	stream.indirect_vreg.gather [hbm4b:s8+s2], $0x80, v4, vm0, $0xb8;
	[tilespmem:$0xCC00] =	vst v63  }
0x296: {  	s0 =	simm.s32 $0x3C00  }
0x297: {  	[tilespmem:s0], [sflag:$0x1] =	stream.indirect_vreg.gather [hbm4b:s9+s2], $0x80, v4, vm0, $0xb8;
	[tilespmem:$0xCC00] =	vst v63  }
0x298: {  	s1 =	simm.s32 $0x4400  }
0x299: {  	[tilespmem:s1], [sflag:$0x1] =	stream.indirect_vreg.gather [hbm4b:s10+s2], $0x80, v4, vm0, $0xb8;
	[tilespmem:$0xCC00] =	vst v63  }
0x29a: {  	s26 =	simm.s32 $0x4C00  }
0x29b: {  	[tilespmem:s26], [sflag:$0x1] =	stream.indirect_vreg.gather [hbm4b:s11+s2], $0x80, v4, vm0, $0xb8;
	[tilespmem:$0xCC00] =	vst v63  }
0x29c: {  	v3 =	vperm.xlane v3, v2;
	s26 =	simm.s32 $0x5400  }
0x29d: {  	[tilespmem:s26], [sflag:$0x1] =	stream.indirect_vreg.gather [hbm4b:s12+s2], $0x80, v4, vm0, $0xb8;
	[tilespmem:$0xCC00] =	vst v63  }
0x29e: {  	s15 =	simm.s32 $0x5C00;
	v3 =	vadd.s32 v1, v3  }
0x29f: {  	[tilespmem:s15], [sflag:$0x1] =	stream.indirect_vreg.gather [hbm4b:s13+s2], $0x80, v4, vm0, $0xb8;
	[tilespmem:$0xCC00] =	vst v63  }
0x2a0: {  	s17 =	simm.s32 $0x6400  }
0x2a1: {  	[tilespmem:s17], [sflag:$0x1] =	stream.indirect_vreg.gather [hbm4b:s14+s2], $0x80, v4, vm0, $0xb8;
	[tilespmem:$0xCC00] =	vst v63  }
0x2a2: {  	s18 =	simm.s32 $0x6C00  }
0x2a3: {  	[tilespmem:s18], [sflag:$0x1] =	stream.indirect_vreg.gather [hbm4b:s3+s2], $0x80, v3, vm0, $0xb8;
	[tilespmem:$0xCC00] =	vst v63  }
0x2a4: {  	s19 =	simm.s32 $0x7400  }
0x2a5: {  	[tilespmem:s19], [sflag:$0x1] =	stream.indirect_vreg.gather [hbm4b:s4+s2], $0x80, v3, vm0, $0xb8;
	[tilespmem:$0xCC00] =	vst v63  }
0x2a6: {  	s26 =	simm.s32 $0x7C00  }
0x2a7: {  	[tilespmem:s26], [sflag:$0x1] =	stream.indirect_vreg.gather [hbm4b:s5+s2], $0x80, v3, vm0, $0xb8;
	[tilespmem:$0xCC00] =	vst v63  }
0x2a8: {  	s20 =	simm.s32 $0x8400  }
0x2a9: {  	[tilespmem:s20], [sflag:$0x1] =	stream.indirect_vreg.gather [hbm4b:s6+s2], $0x80, v3, vm0, $0xb8;
	[tilespmem:$0xCC00] =	vst v63  }
0x2aa: {  	s22 =	simm.s32 $0x8C00  }
0x2ab: {  	[tilespmem:s22], [sflag:$0x1] =	stream.indirect_vreg.gather [hbm4b:s7+s2], $0x80, v3, vm0, $0xb8;
	[tilespmem:$0xCC00] =	vst v63  }
0x2ac: {  	s23 =	simm.s32 $0x9400  }
0x2ad: {  	[tilespmem:s23], [sflag:$0x1] =	stream.indirect_vreg.gather [hbm4b:s8+s2], $0x80, v3, vm0, $0xb8;
	[tilespmem:$0xCC00] =	vst v63  }
0x2ae: {  	s24 =	simm.s32 $0x9C00  }
0x2af: {  	[tilespmem:s24], [sflag:$0x1] =	stream.indirect_vreg.gather [hbm4b:s9+s2], $0x80, v3, vm0, $0xb8;
	[tilespmem:$0xCC00] =	vst v63  }
0x2b0: {  	s28 =	simm.s32 $0xA400  }
0x2b1: {  	[tilespmem:s28], [sflag:$0x1] =	stream.indirect_vreg.gather [hbm4b:s10+s2], $0x80, v3, vm0, $0xb8;
	[tilespmem:$0xCC00] =	vst v63  }
0x2b2: {  	s30 =	simm.s32 $0xAC00  }
0x2b3: {  	[tilespmem:s30], [sflag:$0x1] =	stream.indirect_vreg.gather [hbm4b:s11+s2], $0x80, v3, vm0, $0xb8;
	[tilespmem:$0xCC00] =	vst v63  }
0x2b4: {  	s31 =	simm.s32 $0xB400  }
0x2b5: {  	[tilespmem:s31], [sflag:$0x1] =	stream.indirect_vreg.gather [hbm4b:s12+s2], $0x80, v3, vm0, $0xb8;
	[tilespmem:$0xCC00] =	vst v63  }
0x2b6: {  	s26 =	simm.s32 $0xBC00  }
0x2b7: {  	[tilespmem:s26], [sflag:$0x1] =	stream.indirect_vreg.gather [hbm4b:s13+s2], $0x80, v3, vm0, $0xb8;
	[tilespmem:$0xCC00] =	vst v63  }
0x2b8: {  	s21 =	simm.s32 $0xC400  }
0x2b9: {  	[tilespmem:s21], [sflag:$0x1] =	stream.indirect_vreg.gather [hbm4b:s14+s2], $0x80, v3, vm0, $0xb8;
	[tilespmem:$0xCC00] =	vst v63  }
0x2ba: {  	_ =	swait.ge [sflag:s25], $0xC000  }
0x2bb: {  	[sflag:s25] =	ssyncset.done $0x0  }
0x2bc: {  	s26 =	rddreg [dreg:$0xd];
	[sflag:s25] =	ssyncadd.s32 $0xFFFF4000  }
0x2bd: {  	[hbm4b:s26+s2] =	stream.linear.scatter [tilespmem:s29], [sflag:$0x2], $0xC000, $0x38;
	[tilespmem:$0xCC00] =	vst v63  }
0x2be: {  	_ =	swait.ge [sflag:s16], $0xC000  }
0x2bf: {  	[sflag:s16] =	ssyncset.done $0x0  }
0x2c0: {  	[sflag:s16] =	ssyncadd.s32 $0xFFFF4000  }
0x2c1: {  	v3 =	vld [tilespmem:$0x580];
	_ =	sdelay $0x4  }
0x2c2: {  	v58 =	vshrl.u32 v3, $0x3  }
0x2c3: {  	v4 =	vmul.u32 $0xC0, v58  }
0x2c4: {  	v3 =	vand.u32 $0x7, v3  }
0x2c5: {  	v3 =	vor.u32 v3, v4  }
0x2c6: {  	v4 =	vperm.xlane v3, v0;
	_ =	sdelay $0x1  }
0x2c7: {  	v4 =	vadd.s32 v1, v4;
	_ =	sdelay $0x4  }
0x2c8: {  	[tilespmem:s29], [sflag:$0x1] =	stream.indirect_vreg.gather [hbm4b:s3+s2], $0x80, v4, vm0, $0xb8;
	[tilespmem:$0xCC00] =	vst v63  }
0x2c9: {  	s26 =	simm.s32 $0x1400  }
0x2ca: {  	[tilespmem:s26], [sflag:$0x1] =	stream.indirect_vreg.gather [hbm4b:s4+s2], $0x80, v4, vm0, $0xb8;
	[tilespmem:$0xCC00] =	vst v63  }
0x2cb: {  	s26 =	simm.s32 $0x1C00  }
0x2cc: {  	[tilespmem:s26], [sflag:$0x1] =	stream.indirect_vreg.gather [hbm4b:s5+s2], $0x80, v4, vm0, $0xb8;
	[tilespmem:$0xCC00] =	vst v63  }
0x2cd: {  	s26 =	simm.s32 $0x2400  }
0x2ce: {  	[tilespmem:s26], [sflag:$0x1] =	stream.indirect_vreg.gather [hbm4b:s6+s2], $0x80, v4, vm0, $0xb8;
	[tilespmem:$0xCC00] =	vst v63  }
0x2cf: {  	s26 =	simm.s32 $0x2C00  }
0x2d0: {  	[tilespmem:s26], [sflag:$0x1] =	stream.indirect_vreg.gather [hbm4b:s7+s2], $0x80, v4, vm0, $0xb8;
	[tilespmem:$0xCC00] =	vst v63  }
0x2d1: {  	s26 =	simm.s32 $0x3400  }
0x2d2: {  	[tilespmem:s26], [sflag:$0x1] =	stream.indirect_vreg.gather [hbm4b:s8+s2], $0x80, v4, vm0, $0xb8;
	[tilespmem:$0xCC00] =	vst v63  }
0x2d3: {  	s0 =	simm.s32 $0x3C00  }
0x2d4: {  	[tilespmem:s0], [sflag:$0x1] =	stream.indirect_vreg.gather [hbm4b:s9+s2], $0x80, v4, vm0, $0xb8;
	[tilespmem:$0xCC00] =	vst v63  }
0x2d5: {  	s1 =	simm.s32 $0x4400  }
0x2d6: {  	[tilespmem:s1], [sflag:$0x1] =	stream.indirect_vreg.gather [hbm4b:s10+s2], $0x80, v4, vm0, $0xb8;
	[tilespmem:$0xCC00] =	vst v63  }
0x2d7: {  	s26 =	simm.s32 $0x4C00  }
0x2d8: {  	[tilespmem:s26], [sflag:$0x1] =	stream.indirect_vreg.gather [hbm4b:s11+s2], $0x80, v4, vm0, $0xb8;
	[tilespmem:$0xCC00] =	vst v63  }
0x2d9: {  	v3 =	vperm.xlane v3, v2;
	s26 =	simm.s32 $0x5400  }
0x2da: {  	[tilespmem:s26], [sflag:$0x1] =	stream.indirect_vreg.gather [hbm4b:s12+s2], $0x80, v4, vm0, $0xb8;
	[tilespmem:$0xCC00] =	vst v63  }
0x2db: {  	s15 =	simm.s32 $0x5C00;
	v3 =	vadd.s32 v1, v3  }
0x2dc: {  	[tilespmem:s15], [sflag:$0x1] =	stream.indirect_vreg.gather [hbm4b:s13+s2], $0x80, v4, vm0, $0xb8;
	[tilespmem:$0xCC00] =	vst v63  }
0x2dd: {  	s17 =	simm.s32 $0x6400  }
0x2de: {  	[tilespmem:s17], [sflag:$0x1] =	stream.indirect_vreg.gather [hbm4b:s14+s2], $0x80, v4, vm0, $0xb8;
	[tilespmem:$0xCC00] =	vst v63  }
0x2df: {  	s18 =	simm.s32 $0x6C00  }
0x2e0: {  	[tilespmem:s18], [sflag:$0x1] =	stream.indirect_vreg.gather [hbm4b:s3+s2], $0x80, v3, vm0, $0xb8;
	[tilespmem:$0xCC00] =	vst v63  }
0x2e1: {  	s19 =	simm.s32 $0x7400  }
0x2e2: {  	[tilespmem:s19], [sflag:$0x1] =	stream.indirect_vreg.gather [hbm4b:s4+s2], $0x80, v3, vm0, $0xb8;
	[tilespmem:$0xCC00] =	vst v63  }
0x2e3: {  	s26 =	simm.s32 $0x7C00  }
0x2e4: {  	[tilespmem:s26], [sflag:$0x1] =	stream.indirect_vreg.gather [hbm4b:s5+s2], $0x80, v3, vm0, $0xb8;
	[tilespmem:$0xCC00] =	vst v63  }
0x2e5: {  	s20 =	simm.s32 $0x8400  }
0x2e6: {  	[tilespmem:s20], [sflag:$0x1] =	stream.indirect_vreg.gather [hbm4b:s6+s2], $0x80, v3, vm0, $0xb8;
	[tilespmem:$0xCC00] =	vst v63  }
0x2e7: {  	s22 =	simm.s32 $0x8C00  }
0x2e8: {  	[tilespmem:s22], [sflag:$0x1] =	stream.indirect_vreg.gather [hbm4b:s7+s2], $0x80, v3, vm0, $0xb8;
	[tilespmem:$0xCC00] =	vst v63  }
0x2e9: {  	s23 =	simm.s32 $0x9400  }
0x2ea: {  	[tilespmem:s23], [sflag:$0x1] =	stream.indirect_vreg.gather [hbm4b:s8+s2], $0x80, v3, vm0, $0xb8;
	[tilespmem:$0xCC00] =	vst v63  }
0x2eb: {  	s24 =	simm.s32 $0x9C00  }
0x2ec: {  	[tilespmem:s24], [sflag:$0x1] =	stream.indirect_vreg.gather [hbm4b:s9+s2], $0x80, v3, vm0, $0xb8;
	[tilespmem:$0xCC00] =	vst v63  }
0x2ed: {  	s28 =	simm.s32 $0xA400  }
0x2ee: {  	[tilespmem:s28], [sflag:$0x1] =	stream.indirect_vreg.gather [hbm4b:s10+s2], $0x80, v3, vm0, $0xb8;
	[tilespmem:$0xCC00] =	vst v63  }
0x2ef: {  	s30 =	simm.s32 $0xAC00  }
0x2f0: {  	[tilespmem:s30], [sflag:$0x1] =	stream.indirect_vreg.gather [hbm4b:s11+s2], $0x80, v3, vm0, $0xb8;
	[tilespmem:$0xCC00] =	vst v63  }
0x2f1: {  	s31 =	simm.s32 $0xB400  }
0x2f2: {  	[tilespmem:s31], [sflag:$0x1] =	stream.indirect_vreg.gather [hbm4b:s12+s2], $0x80, v3, vm0, $0xb8;
	[tilespmem:$0xCC00] =	vst v63  }
0x2f3: {  	s26 =	simm.s32 $0xBC00  }
0x2f4: {  	[tilespmem:s26], [sflag:$0x1] =	stream.indirect_vreg.gather [hbm4b:s13+s2], $0x80, v3, vm0, $0xb8;
	[tilespmem:$0xCC00] =	vst v63  }
0x2f5: {  	s21 =	simm.s32 $0xC400  }
0x2f6: {  	[tilespmem:s21], [sflag:$0x1] =	stream.indirect_vreg.gather [hbm4b:s14+s2], $0x80, v3, vm0, $0xb8;
	[tilespmem:$0xCC00] =	vst v63  }
0x2f7: {  	_ =	swait.ge [sflag:s25], $0xC000  }
0x2f8: {  	[sflag:s25] =	ssyncset.done $0x0  }
0x2f9: {  	s26 =	rddreg [dreg:$0xe];
	[sflag:s25] =	ssyncadd.s32 $0xFFFF4000  }
0x2fa: {  	[hbm4b:s26+s2] =	stream.linear.scatter [tilespmem:s29], [sflag:$0x2], $0xC000, $0x38;
	[tilespmem:$0xCC00] =	vst v63  }
0x2fb: {  	_ =	swait.ge [sflag:s16], $0xC000  }
0x2fc: {  	[sflag:s16] =	ssyncset.done $0x0  }
0x2fd: {  	[sflag:s16] =	ssyncadd.s32 $0xFFFF4000  }
0x2fe: {  	v3 =	vld [tilespmem:$0x600];
	_ =	sdelay $0x4  }
0x2ff: {  	v59 =	vshrl.u32 v3, $0x3  }
0x300: {  	v4 =	vmul.u32 $0xC0, v59  }
0x301: {  	v3 =	vand.u32 $0x7, v3  }
0x302: {  	v3 =	vor.u32 v3, v4  }
0x303: {  	v4 =	vperm.xlane v3, v0;
	_ =	sdelay $0x1  }
0x304: {  	v4 =	vadd.s32 v1, v4;
	_ =	sdelay $0x4  }
0x305: {  	[tilespmem:s29], [sflag:$0x1] =	stream.indirect_vreg.gather [hbm4b:s3+s2], $0x80, v4, vm0, $0xb8;
	[tilespmem:$0xCC00] =	vst v63  }
0x306: {  	s26 =	simm.s32 $0x1400  }
0x307: {  	[tilespmem:s26], [sflag:$0x1] =	stream.indirect_vreg.gather [hbm4b:s4+s2], $0x80, v4, vm0, $0xb8;
	[tilespmem:$0xCC00] =	vst v63  }
0x308: {  	s26 =	simm.s32 $0x1C00  }
0x309: {  	[tilespmem:s26], [sflag:$0x1] =	stream.indirect_vreg.gather [hbm4b:s5+s2], $0x80, v4, vm0, $0xb8;
	[tilespmem:$0xCC00] =	vst v63  }
0x30a: {  	s26 =	simm.s32 $0x2400  }
0x30b: {  	[tilespmem:s26], [sflag:$0x1] =	stream.indirect_vreg.gather [hbm4b:s6+s2], $0x80, v4, vm0, $0xb8;
	[tilespmem:$0xCC00] =	vst v63  }
0x30c: {  	s26 =	simm.s32 $0x2C00  }
0x30d: {  	[tilespmem:s26], [sflag:$0x1] =	stream.indirect_vreg.gather [hbm4b:s7+s2], $0x80, v4, vm0, $0xb8;
	[tilespmem:$0xCC00] =	vst v63  }
0x30e: {  	s26 =	simm.s32 $0x3400  }
0x30f: {  	[tilespmem:s26], [sflag:$0x1] =	stream.indirect_vreg.gather [hbm4b:s8+s2], $0x80, v4, vm0, $0xb8;
	[tilespmem:$0xCC00] =	vst v63  }
0x310: {  	s0 =	simm.s32 $0x3C00  }
0x311: {  	[tilespmem:s0], [sflag:$0x1] =	stream.indirect_vreg.gather [hbm4b:s9+s2], $0x80, v4, vm0, $0xb8;
	[tilespmem:$0xCC00] =	vst v63  }
0x312: {  	s1 =	simm.s32 $0x4400  }
0x313: {  	[tilespmem:s1], [sflag:$0x1] =	stream.indirect_vreg.gather [hbm4b:s10+s2], $0x80, v4, vm0, $0xb8;
	[tilespmem:$0xCC00] =	vst v63  }
0x314: {  	s26 =	simm.s32 $0x4C00  }
0x315: {  	[tilespmem:s26], [sflag:$0x1] =	stream.indirect_vreg.gather [hbm4b:s11+s2], $0x80, v4, vm0, $0xb8;
	[tilespmem:$0xCC00] =	vst v63  }
0x316: {  	v3 =	vperm.xlane v3, v2;
	s26 =	simm.s32 $0x5400  }
0x317: {  	[tilespmem:s26], [sflag:$0x1] =	stream.indirect_vreg.gather [hbm4b:s12+s2], $0x80, v4, vm0, $0xb8;
	[tilespmem:$0xCC00] =	vst v63  }
0x318: {  	s15 =	simm.s32 $0x5C00;
	v3 =	vadd.s32 v1, v3  }
0x319: {  	[tilespmem:s15], [sflag:$0x1] =	stream.indirect_vreg.gather [hbm4b:s13+s2], $0x80, v4, vm0, $0xb8;
	[tilespmem:$0xCC00] =	vst v63  }
0x31a: {  	s17 =	simm.s32 $0x6400  }
0x31b: {  	[tilespmem:s17], [sflag:$0x1] =	stream.indirect_vreg.gather [hbm4b:s14+s2], $0x80, v4, vm0, $0xb8;
	[tilespmem:$0xCC00] =	vst v63  }
0x31c: {  	s18 =	simm.s32 $0x6C00  }
0x31d: {  	[tilespmem:s18], [sflag:$0x1] =	stream.indirect_vreg.gather [hbm4b:s3+s2], $0x80, v3, vm0, $0xb8;
	[tilespmem:$0xCC00] =	vst v63  }
0x31e: {  	s19 =	simm.s32 $0x7400  }
0x31f: {  	[tilespmem:s19], [sflag:$0x1] =	stream.indirect_vreg.gather [hbm4b:s4+s2], $0x80, v3, vm0, $0xb8;
	[tilespmem:$0xCC00] =	vst v63  }
0x320: {  	s26 =	simm.s32 $0x7C00  }
0x321: {  	[tilespmem:s26], [sflag:$0x1] =	stream.indirect_vreg.gather [hbm4b:s5+s2], $0x80, v3, vm0, $0xb8;
	[tilespmem:$0xCC00] =	vst v63  }
0x322: {  	s20 =	simm.s32 $0x8400  }
0x323: {  	[tilespmem:s20], [sflag:$0x1] =	stream.indirect_vreg.gather [hbm4b:s6+s2], $0x80, v3, vm0, $0xb8;
	[tilespmem:$0xCC00] =	vst v63  }
0x324: {  	s22 =	simm.s32 $0x8C00  }
0x325: {  	[tilespmem:s22], [sflag:$0x1] =	stream.indirect_vreg.gather [hbm4b:s7+s2], $0x80, v3, vm0, $0xb8;
	[tilespmem:$0xCC00] =	vst v63  }
0x326: {  	s23 =	simm.s32 $0x9400  }
0x327: {  	[tilespmem:s23], [sflag:$0x1] =	stream.indirect_vreg.gather [hbm4b:s8+s2], $0x80, v3, vm0, $0xb8;
	[tilespmem:$0xCC00] =	vst v63  }
0x328: {  	s24 =	simm.s32 $0x9C00  }
0x329: {  	[tilespmem:s24], [sflag:$0x1] =	stream.indirect_vreg.gather [hbm4b:s9+s2], $0x80, v3, vm0, $0xb8;
	[tilespmem:$0xCC00] =	vst v63  }
0x32a: {  	s28 =	simm.s32 $0xA400  }
0x32b: {  	[tilespmem:s28], [sflag:$0x1] =	stream.indirect_vreg.gather [hbm4b:s10+s2], $0x80, v3, vm0, $0xb8;
	[tilespmem:$0xCC00] =	vst v63  }
0x32c: {  	s30 =	simm.s32 $0xAC00  }
0x32d: {  	[tilespmem:s30], [sflag:$0x1] =	stream.indirect_vreg.gather [hbm4b:s11+s2], $0x80, v3, vm0, $0xb8;
	[tilespmem:$0xCC00] =	vst v63  }
0x32e: {  	s31 =	simm.s32 $0xB400  }
0x32f: {  	[tilespmem:s31], [sflag:$0x1] =	stream.indirect_vreg.gather [hbm4b:s12+s2], $0x80, v3, vm0, $0xb8;
	[tilespmem:$0xCC00] =	vst v63  }
0x330: {  	s26 =	simm.s32 $0xBC00  }
0x331: {  	[tilespmem:s26], [sflag:$0x1] =	stream.indirect_vreg.gather [hbm4b:s13+s2], $0x80, v3, vm0, $0xb8;
	[tilespmem:$0xCC00] =	vst v63  }
0x332: {  	s21 =	simm.s32 $0xC400  }
0x333: {  	[tilespmem:s21], [sflag:$0x1] =	stream.indirect_vreg.gather [hbm4b:s14+s2], $0x80, v3, vm0, $0xb8;
	[tilespmem:$0xCC00] =	vst v63  }
0x334: {  	_ =	swait.ge [sflag:s25], $0xC000  }
0x335: {  	[sflag:s25] =	ssyncset.done $0x0  }
0x336: {  	s26 =	rddreg [dreg:$0xf];
	[sflag:s25] =	ssyncadd.s32 $0xFFFF4000  }
0x337: {  	[hbm4b:s26+s2] =	stream.linear.scatter [tilespmem:s29], [sflag:$0x2], $0xC000, $0x38;
	[tilespmem:$0xCC00] =	vst v63  }
0x338: {  	_ =	swait.ge [sflag:s16], $0xC000  }
0x339: {  	[sflag:s16] =	ssyncset.done $0x0  }
0x33a: {  	[sflag:s16] =	ssyncadd.s32 $0xFFFF4000  }
0x33b: {  	v3 =	vld [tilespmem:$0x680];
	_ =	sdelay $0x4  }
0x33c: {  	v60 =	vshrl.u32 v3, $0x3  }
0x33d: {  	v4 =	vmul.u32 $0xC0, v60  }
0x33e: {  	v3 =	vand.u32 $0x7, v3  }
0x33f: {  	v3 =	vor.u32 v3, v4  }
0x340: {  	v4 =	vperm.xlane v3, v0;
	_ =	sdelay $0x1  }
0x341: {  	v4 =	vadd.s32 v1, v4;
	_ =	sdelay $0x4  }
0x342: {  	[tilespmem:s29], [sflag:$0x1] =	stream.indirect_vreg.gather [hbm4b:s3+s2], $0x80, v4, vm0, $0xb8;
	[tilespmem:$0xCC00] =	vst v63  }
0x343: {  	s26 =	simm.s32 $0x1400  }
0x344: {  	[tilespmem:s26], [sflag:$0x1] =	stream.indirect_vreg.gather [hbm4b:s4+s2], $0x80, v4, vm0, $0xb8;
	[tilespmem:$0xCC00] =	vst v63  }
0x345: {  	s26 =	simm.s32 $0x1C00  }
0x346: {  	[tilespmem:s26], [sflag:$0x1] =	stream.indirect_vreg.gather [hbm4b:s5+s2], $0x80, v4, vm0, $0xb8;
	[tilespmem:$0xCC00] =	vst v63  }
0x347: {  	s26 =	simm.s32 $0x2400  }
0x348: {  	[tilespmem:s26], [sflag:$0x1] =	stream.indirect_vreg.gather [hbm4b:s6+s2], $0x80, v4, vm0, $0xb8;
	[tilespmem:$0xCC00] =	vst v63  }
0x349: {  	s26 =	simm.s32 $0x2C00  }
0x34a: {  	[tilespmem:s26], [sflag:$0x1] =	stream.indirect_vreg.gather [hbm4b:s7+s2], $0x80, v4, vm0, $0xb8;
	[tilespmem:$0xCC00] =	vst v63  }
0x34b: {  	s26 =	simm.s32 $0x3400  }
0x34c: {  	[tilespmem:s26], [sflag:$0x1] =	stream.indirect_vreg.gather [hbm4b:s8+s2], $0x80, v4, vm0, $0xb8;
	[tilespmem:$0xCC00] =	vst v63  }
0x34d: {  	s0 =	simm.s32 $0x3C00  }
0x34e: {  	[tilespmem:s0], [sflag:$0x1] =	stream.indirect_vreg.gather [hbm4b:s9+s2], $0x80, v4, vm0, $0xb8;
	[tilespmem:$0xCC00] =	vst v63  }
0x34f: {  	s1 =	simm.s32 $0x4400  }
0x350: {  	[tilespmem:s1], [sflag:$0x1] =	stream.indirect_vreg.gather [hbm4b:s10+s2], $0x80, v4, vm0, $0xb8;
	[tilespmem:$0xCC00] =	vst v63  }
0x351: {  	s26 =	simm.s32 $0x4C00  }
0x352: {  	[tilespmem:s26], [sflag:$0x1] =	stream.indirect_vreg.gather [hbm4b:s11+s2], $0x80, v4, vm0, $0xb8;
	[tilespmem:$0xCC00] =	vst v63  }
0x353: {  	v3 =	vperm.xlane v3, v2;
	s26 =	simm.s32 $0x5400  }
0x354: {  	[tilespmem:s26], [sflag:$0x1] =	stream.indirect_vreg.gather [hbm4b:s12+s2], $0x80, v4, vm0, $0xb8;
	[tilespmem:$0xCC00] =	vst v63  }
0x355: {  	s15 =	simm.s32 $0x5C00;
	v3 =	vadd.s32 v1, v3  }
0x356: {  	[tilespmem:s15], [sflag:$0x1] =	stream.indirect_vreg.gather [hbm4b:s13+s2], $0x80, v4, vm0, $0xb8;
	[tilespmem:$0xCC00] =	vst v63  }
0x357: {  	s17 =	simm.s32 $0x6400  }
0x358: {  	[tilespmem:s17], [sflag:$0x1] =	stream.indirect_vreg.gather [hbm4b:s14+s2], $0x80, v4, vm0, $0xb8;
	[tilespmem:$0xCC00] =	vst v63  }
0x359: {  	s18 =	simm.s32 $0x6C00  }
0x35a: {  	[tilespmem:s18], [sflag:$0x1] =	stream.indirect_vreg.gather [hbm4b:s3+s2], $0x80, v3, vm0, $0xb8;
	[tilespmem:$0xCC00] =	vst v63  }
0x35b: {  	s19 =	simm.s32 $0x7400  }
0x35c: {  	[tilespmem:s19], [sflag:$0x1] =	stream.indirect_vreg.gather [hbm4b:s4+s2], $0x80, v3, vm0, $0xb8;
	[tilespmem:$0xCC00] =	vst v63  }
0x35d: {  	s26 =	simm.s32 $0x7C00  }
0x35e: {  	[tilespmem:s26], [sflag:$0x1] =	stream.indirect_vreg.gather [hbm4b:s5+s2], $0x80, v3, vm0, $0xb8;
	[tilespmem:$0xCC00] =	vst v63  }
0x35f: {  	s20 =	simm.s32 $0x8400  }
0x360: {  	[tilespmem:s20], [sflag:$0x1] =	stream.indirect_vreg.gather [hbm4b:s6+s2], $0x80, v3, vm0, $0xb8;
	[tilespmem:$0xCC00] =	vst v63  }
0x361: {  	s22 =	simm.s32 $0x8C00  }
0x362: {  	[tilespmem:s22], [sflag:$0x1] =	stream.indirect_vreg.gather [hbm4b:s7+s2], $0x80, v3, vm0, $0xb8;
	[tilespmem:$0xCC00] =	vst v63  }
0x363: {  	s23 =	simm.s32 $0x9400  }
0x364: {  	[tilespmem:s23], [sflag:$0x1] =	stream.indirect_vreg.gather [hbm4b:s8+s2], $0x80, v3, vm0, $0xb8;
	[tilespmem:$0xCC00] =	vst v63  }
0x365: {  	s24 =	simm.s32 $0x9C00  }
0x366: {  	[tilespmem:s24], [sflag:$0x1] =	stream.indirect_vreg.gather [hbm4b:s9+s2], $0x80, v3, vm0, $0xb8;
	[tilespmem:$0xCC00] =	vst v63  }
0x367: {  	s28 =	simm.s32 $0xA400  }
0x368: {  	[tilespmem:s28], [sflag:$0x1] =	stream.indirect_vreg.gather [hbm4b:s10+s2], $0x80, v3, vm0, $0xb8;
	[tilespmem:$0xCC00] =	vst v63  }
0x369: {  	s30 =	simm.s32 $0xAC00  }
0x36a: {  	[tilespmem:s30], [sflag:$0x1] =	stream.indirect_vreg.gather [hbm4b:s11+s2], $0x80, v3, vm0, $0xb8;
	[tilespmem:$0xCC00] =	vst v63  }
0x36b: {  	s31 =	simm.s32 $0xB400  }
0x36c: {  	[tilespmem:s31], [sflag:$0x1] =	stream.indirect_vreg.gather [hbm4b:s12+s2], $0x80, v3, vm0, $0xb8;
	[tilespmem:$0xCC00] =	vst v63  }
0x36d: {  	s26 =	simm.s32 $0xBC00  }
0x36e: {  	[tilespmem:s26], [sflag:$0x1] =	stream.indirect_vreg.gather [hbm4b:s13+s2], $0x80, v3, vm0, $0xb8;
	[tilespmem:$0xCC00] =	vst v63  }
0x36f: {  	s21 =	simm.s32 $0xC400  }
0x370: {  	[tilespmem:s21], [sflag:$0x1] =	stream.indirect_vreg.gather [hbm4b:s14+s2], $0x80, v3, vm0, $0xb8;
	[tilespmem:$0xCC00] =	vst v63  }
0x371: {  	_ =	swait.ge [sflag:s25], $0xC000  }
0x372: {  	[sflag:s25] =	ssyncset.done $0x0  }
0x373: {  	s26 =	rddreg [dreg:$0x10];
	[sflag:s25] =	ssyncadd.s32 $0xFFFF4000  }
0x374: {  	[hbm4b:s26+s2] =	stream.linear.scatter [tilespmem:s29], [sflag:$0x2], $0xC000, $0x38;
	[tilespmem:$0xCC00] =	vst v63  }
0x375: {  	_ =	swait.ge [sflag:s16], $0xC000  }
0x376: {  	[sflag:s16] =	ssyncset.done $0x0  }
0x377: {  	[sflag:s16] =	ssyncadd.s32 $0xFFFF4000  }
0x378: {  	v3 =	vld [tilespmem:$0x700];
	_ =	sdelay $0x4  }
0x379: {  	v61 =	vshrl.u32 v3, $0x3  }
0x37a: {  	v4 =	vmul.u32 $0xC0, v61  }
0x37b: {  	v3 =	vand.u32 $0x7, v3  }
0x37c: {  	v3 =	vor.u32 v3, v4  }
0x37d: {  	v4 =	vperm.xlane v3, v0;
	_ =	sdelay $0x1  }
0x37e: {  	v4 =	vadd.s32 v1, v4;
	_ =	sdelay $0x4  }
0x37f: {  	[tilespmem:s29], [sflag:$0x1] =	stream.indirect_vreg.gather [hbm4b:s3+s2], $0x80, v4, vm0, $0xb8;
	[tilespmem:$0xCC00] =	vst v63  }
0x380: {  	s26 =	simm.s32 $0x1400  }
0x381: {  	[tilespmem:s26], [sflag:$0x1] =	stream.indirect_vreg.gather [hbm4b:s4+s2], $0x80, v4, vm0, $0xb8;
	[tilespmem:$0xCC00] =	vst v63  }
0x382: {  	s26 =	simm.s32 $0x1C00  }
0x383: {  	[tilespmem:s26], [sflag:$0x1] =	stream.indirect_vreg.gather [hbm4b:s5+s2], $0x80, v4, vm0, $0xb8;
	[tilespmem:$0xCC00] =	vst v63  }
0x384: {  	s26 =	simm.s32 $0x2400  }
0x385: {  	[tilespmem:s26], [sflag:$0x1] =	stream.indirect_vreg.gather [hbm4b:s6+s2], $0x80, v4, vm0, $0xb8;
	[tilespmem:$0xCC00] =	vst v63  }
0x386: {  	s26 =	simm.s32 $0x2C00  }
0x387: {  	[tilespmem:s26], [sflag:$0x1] =	stream.indirect_vreg.gather [hbm4b:s7+s2], $0x80, v4, vm0, $0xb8;
	[tilespmem:$0xCC00] =	vst v63  }
0x388: {  	s26 =	simm.s32 $0x3400  }
0x389: {  	[tilespmem:s26], [sflag:$0x1] =	stream.indirect_vreg.gather [hbm4b:s8+s2], $0x80, v4, vm0, $0xb8;
	[tilespmem:$0xCC00] =	vst v63  }
0x38a: {  	s0 =	simm.s32 $0x3C00  }
0x38b: {  	[tilespmem:s0], [sflag:$0x1] =	stream.indirect_vreg.gather [hbm4b:s9+s2], $0x80, v4, vm0, $0xb8;
	[tilespmem:$0xCC00] =	vst v63  }
0x38c: {  	s1 =	simm.s32 $0x4400  }
0x38d: {  	[tilespmem:s1], [sflag:$0x1] =	stream.indirect_vreg.gather [hbm4b:s10+s2], $0x80, v4, vm0, $0xb8;
	[tilespmem:$0xCC00] =	vst v63  }
0x38e: {  	s26 =	simm.s32 $0x4C00  }
0x38f: {  	[tilespmem:s26], [sflag:$0x1] =	stream.indirect_vreg.gather [hbm4b:s11+s2], $0x80, v4, vm0, $0xb8;
	[tilespmem:$0xCC00] =	vst v63  }
0x390: {  	v3 =	vperm.xlane v3, v2;
	s26 =	simm.s32 $0x5400  }
0x391: {  	[tilespmem:s26], [sflag:$0x1] =	stream.indirect_vreg.gather [hbm4b:s12+s2], $0x80, v4, vm0, $0xb8;
	[tilespmem:$0xCC00] =	vst v63  }
0x392: {  	s15 =	simm.s32 $0x5C00;
	v3 =	vadd.s32 v1, v3  }
0x393: {  	[tilespmem:s15], [sflag:$0x1] =	stream.indirect_vreg.gather [hbm4b:s13+s2], $0x80, v4, vm0, $0xb8;
	[tilespmem:$0xCC00] =	vst v63  }
0x394: {  	s17 =	simm.s32 $0x6400  }
0x395: {  	[tilespmem:s17], [sflag:$0x1] =	stream.indirect_vreg.gather [hbm4b:s14+s2], $0x80, v4, vm0, $0xb8;
	[tilespmem:$0xCC00] =	vst v63  }
0x396: {  	s18 =	simm.s32 $0x6C00  }
0x397: {  	[tilespmem:s18], [sflag:$0x1] =	stream.indirect_vreg.gather [hbm4b:s3+s2], $0x80, v3, vm0, $0xb8;
	[tilespmem:$0xCC00] =	vst v63  }
0x398: {  	s19 =	simm.s32 $0x7400  }
0x399: {  	[tilespmem:s19], [sflag:$0x1] =	stream.indirect_vreg.gather [hbm4b:s4+s2], $0x80, v3, vm0, $0xb8;
	[tilespmem:$0xCC00] =	vst v63  }
0x39a: {  	s26 =	simm.s32 $0x7C00  }
0x39b: {  	[tilespmem:s26], [sflag:$0x1] =	stream.indirect_vreg.gather [hbm4b:s5+s2], $0x80, v3, vm0, $0xb8;
	[tilespmem:$0xCC00] =	vst v63  }
0x39c: {  	s20 =	simm.s32 $0x8400  }
0x39d: {  	[tilespmem:s20], [sflag:$0x1] =	stream.indirect_vreg.gather [hbm4b:s6+s2], $0x80, v3, vm0, $0xb8;
	[tilespmem:$0xCC00] =	vst v63  }
0x39e: {  	s22 =	simm.s32 $0x8C00  }
0x39f: {  	[tilespmem:s22], [sflag:$0x1] =	stream.indirect_vreg.gather [hbm4b:s7+s2], $0x80, v3, vm0, $0xb8;
	[tilespmem:$0xCC00] =	vst v63  }
0x3a0: {  	s23 =	simm.s32 $0x9400  }
0x3a1: {  	[tilespmem:s23], [sflag:$0x1] =	stream.indirect_vreg.gather [hbm4b:s8+s2], $0x80, v3, vm0, $0xb8;
	[tilespmem:$0xCC00] =	vst v63  }
0x3a2: {  	s24 =	simm.s32 $0x9C00  }
0x3a3: {  	[tilespmem:s24], [sflag:$0x1] =	stream.indirect_vreg.gather [hbm4b:s9+s2], $0x80, v3, vm0, $0xb8;
	[tilespmem:$0xCC00] =	vst v63  }
0x3a4: {  	s28 =	simm.s32 $0xA400  }
0x3a5: {  	[tilespmem:s28], [sflag:$0x1] =	stream.indirect_vreg.gather [hbm4b:s10+s2], $0x80, v3, vm0, $0xb8;
	[tilespmem:$0xCC00] =	vst v63  }
0x3a6: {  	s30 =	simm.s32 $0xAC00  }
0x3a7: {  	[tilespmem:s30], [sflag:$0x1] =	stream.indirect_vreg.gather [hbm4b:s11+s2], $0x80, v3, vm0, $0xb8;
	[tilespmem:$0xCC00] =	vst v63  }
0x3a8: {  	s31 =	simm.s32 $0xB400  }
0x3a9: {  	[tilespmem:s31], [sflag:$0x1] =	stream.indirect_vreg.gather [hbm4b:s12+s2], $0x80, v3, vm0, $0xb8;
	[tilespmem:$0xCC00] =	vst v63  }
0x3aa: {  	s26 =	simm.s32 $0xBC00  }
0x3ab: {  	[tilespmem:s26], [sflag:$0x1] =	stream.indirect_vreg.gather [hbm4b:s13+s2], $0x80, v3, vm0, $0xb8;
	[tilespmem:$0xCC00] =	vst v63  }
0x3ac: {  	s21 =	simm.s32 $0xC400  }
0x3ad: {  	[tilespmem:s21], [sflag:$0x1] =	stream.indirect_vreg.gather [hbm4b:s14+s2], $0x80, v3, vm0, $0xb8;
	[tilespmem:$0xCC00] =	vst v63  }
0x3ae: {  	_ =	swait.ge [sflag:s25], $0xC000  }
0x3af: {  	[sflag:s25] =	ssyncset.done $0x0  }
0x3b0: {  	s21 =	rddreg [dreg:$0x11];
	[sflag:s25] =	ssyncadd.s32 $0xFFFF4000  }
0x3b1: {  	[hbm4b:s21+s2] =	stream.linear.scatter [tilespmem:s29], [sflag:$0x2], $0xC000, $0x38;
	[tilespmem:$0xCC00] =	vst v63  }
0x3b2: {  	_ =	swait.ge [sflag:s16], $0xC000  }
0x3b3: {  	[sflag:s16] =	ssyncset.done $0x0  }
0x3b4: {  	[sflag:s16] =	ssyncadd.s32 $0xFFFF4000  }
0x3b5: {  	v3 =	vld [tilespmem:$0x780];
	_ =	sdelay $0x4  }
0x3b6: {  	v62 =	vshrl.u32 v3, $0x3  }
0x3b7: {  	v4 =	vmul.u32 $0xC0, v62  }
0x3b8: {  	v3 =	vand.u32 $0x7, v3  }
0x3b9: {  	v3 =	vor.u32 v3, v4  }
0x3ba: {  	v4 =	vperm.xlane v3, v0;
	_ =	sdelay $0x1  }
0x3bb: {  	v4 =	vadd.s32 v1, v4;
	_ =	sdelay $0x4  }
0x3bc: {  	[tilespmem:s29], [sflag:$0x1] =	stream.indirect_vreg.gather [hbm4b:s3+s2], $0x80, v4, vm0, $0xb8;
	[tilespmem:$0xCC00] =	vst v63  }
0x3bd: {  	s26 =	simm.s32 $0x1400  }
0x3be: {  	[tilespmem:s26], [sflag:$0x1] =	stream.indirect_vreg.gather [hbm4b:s4+s2], $0x80, v4, vm0, $0xb8;
	[tilespmem:$0xCC00] =	vst v63  }
0x3bf: {  	s26 =	simm.s32 $0x1C00  }
0x3c0: {  	[tilespmem:s26], [sflag:$0x1] =	stream.indirect_vreg.gather [hbm4b:s5+s2], $0x80, v4, vm0, $0xb8;
	[tilespmem:$0xCC00] =	vst v63  }
0x3c1: {  	s26 =	simm.s32 $0x2400  }
0x3c2: {  	[tilespmem:s26], [sflag:$0x1] =	stream.indirect_vreg.gather [hbm4b:s6+s2], $0x80, v4, vm0, $0xb8;
	[tilespmem:$0xCC00] =	vst v63  }
0x3c3: {  	s26 =	simm.s32 $0x2C00  }
0x3c4: {  	[tilespmem:s26], [sflag:$0x1] =	stream.indirect_vreg.gather [hbm4b:s7+s2], $0x80, v4, vm0, $0xb8;
	[tilespmem:$0xCC00] =	vst v63  }
0x3c5: {  	s26 =	simm.s32 $0x3400  }
0x3c6: {  	[tilespmem:s26], [sflag:$0x1] =	stream.indirect_vreg.gather [hbm4b:s8+s2], $0x80, v4, vm0, $0xb8;
	[tilespmem:$0xCC00] =	vst v63  }
0x3c7: {  	s0 =	simm.s32 $0x3C00  }
0x3c8: {  	[tilespmem:s0], [sflag:$0x1] =	stream.indirect_vreg.gather [hbm4b:s9+s2], $0x80, v4, vm0, $0xb8;
	[tilespmem:$0xCC00] =	vst v63  }
0x3c9: {  	s1 =	simm.s32 $0x4400  }
0x3ca: {  	[tilespmem:s1], [sflag:$0x1] =	stream.indirect_vreg.gather [hbm4b:s10+s2], $0x80, v4, vm0, $0xb8;
	[tilespmem:$0xCC00] =	vst v63  }
0x3cb: {  	s26 =	simm.s32 $0x4C00  }
0x3cc: {  	[tilespmem:s26], [sflag:$0x1] =	stream.indirect_vreg.gather [hbm4b:s11+s2], $0x80, v4, vm0, $0xb8;
	[tilespmem:$0xCC00] =	vst v63  }
0x3cd: {  	v3 =	vperm.xlane v3, v2;
	s26 =	simm.s32 $0x5400  }
0x3ce: {  	[tilespmem:s26], [sflag:$0x1] =	stream.indirect_vreg.gather [hbm4b:s12+s2], $0x80, v4, vm0, $0xb8;
	[tilespmem:$0xCC00] =	vst v63  }
0x3cf: {  	s15 =	simm.s32 $0x5C00;
	v3 =	vadd.s32 v1, v3  }
0x3d0: {  	[tilespmem:s15], [sflag:$0x1] =	stream.indirect_vreg.gather [hbm4b:s13+s2], $0x80, v4, vm0, $0xb8;
	[tilespmem:$0xCC00] =	vst v63  }
0x3d1: {  	s17 =	simm.s32 $0x6400  }
0x3d2: {  	[tilespmem:s17], [sflag:$0x1] =	stream.indirect_vreg.gather [hbm4b:s14+s2], $0x80, v4, vm0, $0xb8;
	[tilespmem:$0xCC00] =	vst v63  }
0x3d3: {  	s18 =	simm.s32 $0x6C00  }
0x3d4: {  	[tilespmem:s18], [sflag:$0x1] =	stream.indirect_vreg.gather [hbm4b:s3+s2], $0x80, v3, vm0, $0xb8;
	[tilespmem:$0xCC00] =	vst v63  }
0x3d5: {  	s19 =	simm.s32 $0x7400  }
0x3d6: {  	[tilespmem:s19], [sflag:$0x1] =	stream.indirect_vreg.gather [hbm4b:s4+s2], $0x80, v3, vm0, $0xb8;
	[tilespmem:$0xCC00] =	vst v63  }
0x3d7: {  	s26 =	simm.s32 $0x7C00  }
0x3d8: {  	[tilespmem:s26], [sflag:$0x1] =	stream.indirect_vreg.gather [hbm4b:s5+s2], $0x80, v3, vm0, $0xb8;
	[tilespmem:$0xCC00] =	vst v63  }
0x3d9: {  	s20 =	simm.s32 $0x8400  }
0x3da: {  	[tilespmem:s20], [sflag:$0x1] =	stream.indirect_vreg.gather [hbm4b:s6+s2], $0x80, v3, vm0, $0xb8;
	[tilespmem:$0xCC00] =	vst v63  }
0x3db: {  	s22 =	simm.s32 $0x8C00  }
0x3dc: {  	[tilespmem:s22], [sflag:$0x1] =	stream.indirect_vreg.gather [hbm4b:s7+s2], $0x80, v3, vm0, $0xb8;
	[tilespmem:$0xCC00] =	vst v63  }
0x3dd: {  	s23 =	simm.s32 $0x9400  }
0x3de: {  	[tilespmem:s23], [sflag:$0x1] =	stream.indirect_vreg.gather [hbm4b:s8+s2], $0x80, v3, vm0, $0xb8;
	[tilespmem:$0xCC00] =	vst v63  }
0x3df: {  	s24 =	simm.s32 $0x9C00  }
0x3e0: {  	[tilespmem:s24], [sflag:$0x1] =	stream.indirect_vreg.gather [hbm4b:s9+s2], $0x80, v3, vm0, $0xb8;
	[tilespmem:$0xCC00] =	vst v63  }
0x3e1: {  	s28 =	simm.s32 $0xA400  }
0x3e2: {  	[tilespmem:s28], [sflag:$0x1] =	stream.indirect_vreg.gather [hbm4b:s10+s2], $0x80, v3, vm0, $0xb8;
	[tilespmem:$0xCC00] =	vst v63  }
0x3e3: {  	s30 =	simm.s32 $0xAC00  }
0x3e4: {  	[tilespmem:s30], [sflag:$0x1] =	stream.indirect_vreg.gather [hbm4b:s11+s2], $0x80, v3, vm0, $0xb8;
	[tilespmem:$0xCC00] =	vst v63  }
0x3e5: {  	s31 =	simm.s32 $0xB400  }
0x3e6: {  	[tilespmem:s31], [sflag:$0x1] =	stream.indirect_vreg.gather [hbm4b:s12+s2], $0x80, v3, vm0, $0xb8;
	[tilespmem:$0xCC00] =	vst v63  }
0x3e7: {  	s26 =	simm.s32 $0xBC00  }
0x3e8: {  	[tilespmem:s26], [sflag:$0x1] =	stream.indirect_vreg.gather [hbm4b:s13+s2], $0x80, v3, vm0, $0xb8;
	[tilespmem:$0xCC00] =	vst v63  }
0x3e9: {  	s26 =	simm.s32 $0xC400  }
0x3ea: {  	[tilespmem:s26], [sflag:$0x1] =	stream.indirect_vreg.gather [hbm4b:s14+s2], $0x80, v3, vm0, $0xb8;
	[tilespmem:$0xCC00] =	vst v63  }
0x3eb: {  	_ =	swait.ge [sflag:s25], $0xC000  }
0x3ec: {  	[sflag:s25] =	ssyncset.done $0x0  }
0x3ed: {  	s26 =	rddreg [dreg:$0x12];
	[sflag:s25] =	ssyncadd.s32 $0xFFFF4000  }
0x3ee: {  	[hbm4b:s26+s2] =	stream.linear.scatter [tilespmem:s29], [sflag:$0x2], $0xC000, $0x38;
	[tilespmem:$0xCC00] =	vst v63  }
0x3ef: {  	_ =	swait.ge [sflag:s16], $0xC000  }
0x3f0: {  	[sflag:s16] =	ssyncset.done $0x0  }
0x3f1: {  	[sflag:s16] =	ssyncadd.s32 $0xFFFF4000  }
0x3f2: {  	v3 =	vld [tilespmem:$0x800];
	_ =	sdelay $0x4  }
0x3f3: {  	v63 =	vshrl.u32 v3, $0x3  }
0x3f4: {  	v4 =	vmul.u32 $0xC0, v63  }
0x3f5: {  	v3 =	vand.u32 $0x7, v3  }
0x3f6: {  	v3 =	vor.u32 v3, v4  }
0x3f7: {  	v4 =	vperm.xlane v3, v0;
	_ =	sdelay $0x1  }
0x3f8: {  	v4 =	vadd.s32 v1, v4;
	_ =	sdelay $0x4  }
0x3f9: {  	[tilespmem:s29], [sflag:$0x1] =	stream.indirect_vreg.gather [hbm4b:s3+s2], $0x80, v4, vm0, $0xb8;
	[tilespmem:$0xCC00] =	vst v63  }
0x3fa: {  	s26 =	simm.s32 $0x1400  }
0x3fb: {  	[tilespmem:s26], [sflag:$0x1] =	stream.indirect_vreg.gather [hbm4b:s4+s2], $0x80, v4, vm0, $0xb8;
	[tilespmem:$0xCC00] =	vst v63  }
0x3fc: {  	s26 =	simm.s32 $0x1C00  }
0x3fd: {  	[tilespmem:s26], [sflag:$0x1] =	stream.indirect_vreg.gather [hbm4b:s5+s2], $0x80, v4, vm0, $0xb8;
	[tilespmem:$0xCC00] =	vst v63  }
0x3fe: {  	s26 =	simm.s32 $0x2400  }
0x3ff: {  	[tilespmem:s26], [sflag:$0x1] =	stream.indirect_vreg.gather [hbm4b:s6+s2], $0x80, v4, vm0, $0xb8;
	[tilespmem:$0xCC00] =	vst v63  }
0x400: {  	s26 =	simm.s32 $0x2C00  }
0x401: {  	[tilespmem:s26], [sflag:$0x1] =	stream.indirect_vreg.gather [hbm4b:s7+s2], $0x80, v4, vm0, $0xb8;
	[tilespmem:$0xCC00] =	vst v63  }
0x402: {  	s21 =	simm.s32 $0x3400  }
0x403: {  	[tilespmem:s21], [sflag:$0x1] =	stream.indirect_vreg.gather [hbm4b:s8+s2], $0x80, v4, vm0, $0xb8;
	[tilespmem:$0xCC00] =	vst v63  }
0x404: {  	s0 =	simm.s32 $0x3C00  }
0x405: {  	[tilespmem:s0], [sflag:$0x1] =	stream.indirect_vreg.gather [hbm4b:s9+s2], $0x80, v4, vm0, $0xb8;
	[tilespmem:$0xCC00] =	vst v63  }
0x406: {  	s1 =	simm.s32 $0x4400  }
0x407: {  	[tilespmem:s1], [sflag:$0x1] =	stream.indirect_vreg.gather [hbm4b:s10+s2], $0x80, v4, vm0, $0xb8;
	[tilespmem:$0xCC00] =	vst v63  }
0x408: {  	s26 =	simm.s32 $0x4C00  }
0x409: {  	[tilespmem:s26], [sflag:$0x1] =	stream.indirect_vreg.gather [hbm4b:s11+s2], $0x80, v4, vm0, $0xb8;
	[tilespmem:$0xCC00] =	vst v63  }
0x40a: {  	v3 =	vperm.xlane v3, v2;
	s1 =	simm.s32 $0x5400  }
0x40b: {  	[tilespmem:s1], [sflag:$0x1] =	stream.indirect_vreg.gather [hbm4b:s12+s2], $0x80, v4, vm0, $0xb8;
	[tilespmem:$0xCC00] =	vst v63  }
0x40c: {  	s15 =	simm.s32 $0x5C00;
	v3 =	vadd.s32 v1, v3  }
0x40d: {  	[tilespmem:s15], [sflag:$0x1] =	stream.indirect_vreg.gather [hbm4b:s13+s2], $0x80, v4, vm0, $0xb8;
	[tilespmem:$0xCC00] =	vst v63  }
0x40e: {  	s17 =	simm.s32 $0x6400  }
0x40f: {  	[tilespmem:s17], [sflag:$0x1] =	stream.indirect_vreg.gather [hbm4b:s14+s2], $0x80, v4, vm0, $0xb8;
	[tilespmem:$0xCC00] =	vst v63  }
0x410: {  	s18 =	simm.s32 $0x6C00  }
0x411: {  	[tilespmem:s18], [sflag:$0x1] =	stream.indirect_vreg.gather [hbm4b:s3+s2], $0x80, v3, vm0, $0xb8;
	[tilespmem:$0xCC00] =	vst v63  }
0x412: {  	s19 =	simm.s32 $0x7400  }
0x413: {  	[tilespmem:s19], [sflag:$0x1] =	stream.indirect_vreg.gather [hbm4b:s4+s2], $0x80, v3, vm0, $0xb8;
	[tilespmem:$0xCC00] =	vst v63  }
0x414: {  	s21 =	simm.s32 $0x7C00  }
0x415: {  	[tilespmem:s21], [sflag:$0x1] =	stream.indirect_vreg.gather [hbm4b:s5+s2], $0x80, v3, vm0, $0xb8;
	[tilespmem:$0xCC00] =	vst v63  }
0x416: {  	s20 =	simm.s32 $0x8400  }
0x417: {  	[tilespmem:s20], [sflag:$0x1] =	stream.indirect_vreg.gather [hbm4b:s6+s2], $0x80, v3, vm0, $0xb8;
	[tilespmem:$0xCC00] =	vst v63  }
0x418: {  	s22 =	simm.s32 $0x8C00  }
0x419: {  	[tilespmem:s22], [sflag:$0x1] =	stream.indirect_vreg.gather [hbm4b:s7+s2], $0x80, v3, vm0, $0xb8;
	[tilespmem:$0xCC00] =	vst v63  }
0x41a: {  	s23 =	simm.s32 $0x9400  }
0x41b: {  	[tilespmem:s23], [sflag:$0x1] =	stream.indirect_vreg.gather [hbm4b:s8+s2], $0x80, v3, vm0, $0xb8;
	[tilespmem:$0xCC00] =	vst v63  }
0x41c: {  	s24 =	simm.s32 $0x9C00  }
0x41d: {  	[tilespmem:s24], [sflag:$0x1] =	stream.indirect_vreg.gather [hbm4b:s9+s2], $0x80, v3, vm0, $0xb8;
	[tilespmem:$0xCC00] =	vst v63  }
0x41e: {  	s28 =	simm.s32 $0xA400  }
0x41f: {  	[tilespmem:s28], [sflag:$0x1] =	stream.indirect_vreg.gather [hbm4b:s10+s2], $0x80, v3, vm0, $0xb8;
	[tilespmem:$0xCC00] =	vst v63  }
0x420: {  	s30 =	simm.s32 $0xAC00  }
0x421: {  	[tilespmem:s30], [sflag:$0x1] =	stream.indirect_vreg.gather [hbm4b:s11+s2], $0x80, v3, vm0, $0xb8;
	[tilespmem:$0xCC00] =	vst v63  }
0x422: {  	s31 =	simm.s32 $0xB400  }
0x423: {  	[tilespmem:s31], [sflag:$0x1] =	stream.indirect_vreg.gather [hbm4b:s12+s2], $0x80, v3, vm0, $0xb8;
	[tilespmem:$0xCC00] =	vst v63  }
0x424: {  	s26 =	simm.s32 $0xBC00  }
0x425: {  	[tilespmem:s26], [sflag:$0x1] =	stream.indirect_vreg.gather [hbm4b:s13+s2], $0x80, v3, vm0, $0xb8;
	[tilespmem:$0xCC00] =	vst v63  }
0x426: {  	s28 =	simm.s32 $0xC400  }
0x427: {  	[tilespmem:s28], [sflag:$0x1] =	stream.indirect_vreg.gather [hbm4b:s14+s2], $0x80, v3, vm0, $0xb8;
	[tilespmem:$0xCC00] =	vst v63  }
0x428: {  	_ =	swait.ge [sflag:s25], $0xC000  }
0x429: {  	s31 =	rddreg [dreg:$0x14]  }
0x42a: {  	[sflag:s25] =	ssyncset.done $0x0;
	p0 =	sne.s32 s31, $0x1  }
.Ltmp0:
0x42b: {  	s30 =	rddreg [dreg:$0x13];
	[sflag:s25] =	ssyncadd.s32 $0xFFFF4000;
	(pc) =	sbr.rel @p0 .LBB2_1-.Ltmp0, $4  }
0x42c: {  	[hbm4b:s30+s2] =	stream.linear.scatter [tilespmem:s29], [sflag:$0x2], $0xC000, $0x38;
	[tilespmem:$0xCC00] =	vst v63  }
0x42d: {  	_ =	swait.ge [sflag:s16], $0xC000  }
0x42e: {  	[sflag:s16] =	ssyncset.done $0x0  }
0x42f: {  	s26 =	sadd.s32 $0xFFFFFFFF, s31;
	[sflag:s16] =	ssyncadd.s32 $0xFFFF4000  }
0x430: {  	_ =	sfence.sel $0x180000  }
0x431: {  	[bflag:$0x0] =	sbarrier.arrive $0xFFFF  }
0x432: {  	_ =	strace $0x9000004A  }
0x433: {  	s0 =	stileid.u32;
	[bflag:$0x2] =	sbarrier.arrive $0xFFFF  }
0x434: {  	p0 =	sne.s32 s0, $0x0;
	s0 =	rddreg [dreg:$0x1]  }
0x435: {  	s0 =	sadd.s32 @!p0 $0x100000, s0  }
0x436: {  	[sflag:s0] =	ssyncadd.tile.s32 @!p0 $0x1;
	_ =	shalt  }
.Lfunc_end2:
_tile_overlayer_lowered:
.L_overlay_start_2:
0x437: {  	(tag) =	ssettag $0x2  }
0x438: {  	s0 =	rddreg [dreg:$0x0];
	s2 =	stileid.u32  }
0x439: {  	s1 =	rddreg [dreg:$0x1];
	p0 =	sne.s32 s2, $0x0  }
0x43a: {  	s3 =	rddreg [dreg:$0x2];
	[bflag:$0x3] =	sbarrier.arrive $0xFFFF;
	s2 =	simm.s32 @!p0 $0x1C02  }
0x43b: {  	[timem:s3], [sflag:s2] =	dma.local @!p0 [hbm:s0], s1  }
0x43c: {  	s0 =	simm.s32 @!p0 $0x2  }
0x43d: {  	_ =	swait.ge @!p0 [sflag:s0], s1  }
0x43e: {  	s1 =	ssub.s32 @!p0 $0x0, s1;
	[sflag:s0] =	ssyncset.done @!p0 $0x0  }
0x43f: {  	[sflag:s0] =	ssyncadd.s32 @!p0 s1  }
0x440: {  	[bflag:$0x3] =	sbarrier.arrive $0xFFFF  }
0x441: {  	_ =	shalt  }

// kernel: kernel.9.cloned.1.call-start
scs
__scs_entry_jumppad:
0x0: {  	(pc) =	sbr.rel $0x88, $3  }
0x1: {  	(tag) =	ssettag $0x0;
	lr =	simm.s32 $0x1  }
0x2: {  	[smem:$0x3F98] =	sst lr;
	_ =	strace $0xD0000000  }
0x3: {  	_ = 	snop  }
0x4: {  	_ = 	snop  }
0x5: {  	_ = 	snop  }
0x6: {  	_ = 	snop  }
0x7: {  	_ = 	snop  }
__scs_overlays_trampoline_lowered:
0x8: {  	[smem:$0x3FA7] =	sst s0  }
0x9: {  	[smem:$0x3FA8] =	sst s1  }
0xa: {  	[smem:$0x3FA9] =	sst s2  }
0xb: {  	[smem:$0x3FAA] =	sst s3  }
0xc: {  	[smem:$0x3FAB] =	sst s4  }
0xd: {  	[smem:$0x3FAC] =	sst s5  }
0xe: {  	[smem:$0x3FAD] =	sst s6  }
0xf: {  	[smem:$0x3FAE] =	sst s7  }
0x10: {  	[smem:$0x3FAF] =	sst s8  }
0x11: {  	[smem:$0x3FB0] =	sst s9;
	s0 =	simm.s32 @!p0 $0x0  }
0x12: {  	s1 =	sld [smem:$0x3F96];
	s0 =	simm.s32 @p0 $0x1  }
0x13: {  	[smem:$0x3FB1] =	sst s0;
	s0 =	simm.s32 @!p1 $0x0  }
0x14: {  	s2 =	sld [smem:$0x3F95];
	s0 =	simm.s32 @p1 $0x1  }
0x15: {  	[smem:$0x3FB2] =	sst s0;
	s0 =	simm.s32 @!p2 $0x0  }
0x16: {  	s3 =	sld [smem:$0x3FDB];
	s0 =	simm.s32 @p2 $0x1  }
0x17: {  	s4 =	simm.s32 $0x1BF5;
	[smem:$0x3FB4] =	sst s0  }
0x18: {  	s0 =	sld [smem:$0x3F97];
	_ =	swait.ge [sflag:s4], $0x0  }
0x19: {  	s7 =	sld [smem:$0x3F98]  }
0x1a: {  	s8 =	sadd.s32 $0xFFFFE003, lr  }
0x1b: {  	s9 =	sadd.s32 $0xFFFFFEF7, lr;
	s5 =	simm.s32 $0xFFFFFFFF;
	p2 =	slt.u32 s8, $0xFFFFF086  }
0x1c: {  	p1 =	slt.u32 s9, $0xF7A;
	s5 =	simm.s32 @!p2 $0x0  }
0x1d: {  	s5 =	simm.s32 @p1 $0x1;
	p0 =	seq.s32 s7, s2  }
0x1e: {  	s7 =	smul.u32 @!p0 $0xF7A, s2;
	p2 =	seq.s32 @!p0 s5, $0x0  }
0x1f: {  	s9 =	smul.u32 $0xF7A, s1;
	s8 =	simm.s32 @!p0 $0x1BF5;
	p2 =	por !p2, p0  }
0x20: {  	[sflag:s8] =	ssyncset.s32 @!p0 $0xFFFFF086;
	s6 =	sadd.s32 @!p0 s3, s7;
	s7 =	simm.s32 @!p0 $0x108  }
0x21: {  	s3 =	sadd.s32 s3, s9;
	s6 =	sadd.s32 @!p0 $0x88, s6;
	s7 =	simm.s32 @p2 $0x1082  }
0x22: {  	[simem:s7], [sflag:s8] =	dma.local @!p0 [hbm:s6], $0xF7A  }
0x23: {  	s9 =	sor.u32 $0xD0000000, s2;
	s6 =	simm.s32 $0x108;
	_ =	swait.ge @!p0 [sflag:s8], $0x0  }
0x24: {  	s3 =	sadd.s32 $0x88, s3;
	s6 =	simm.s32 @!p1 $0x1082;
	[sflag:s4] =	ssyncset.s32 $0xFFFFF086  }
0x25: {  	[simem:s6], [sflag:s4] =	dma.local [hbm:s3], $0xF7A  }
0x26: {  	[smem:$0x3F98] =	sst s1;
	(tag) =	ssettag s2;
	_ =	strace s9  }
0x27: {  	s1 =	sld [smem:$0x3FA8]  }
0x28: {  	s2 =	sld [smem:$0x3FA9]  }
0x29: {  	s4 =	sld [smem:$0x3FAB]  }
0x2a: {  	p0 =	seq.s32 s5, $0x0;
	s5 =	sld [smem:$0x3FAC]  }
0x2b: {  	s6 =	sld [smem:$0x3FAD]  }
0x2c: {  	s7 =	sld [smem:$0x3FAE]  }
0x2d: {  	s3 =	simm.s32 $0x108;
	s8 =	sld [smem:$0x3FAF]  }
0x2e: {  	s3 =	simm.s32 @!p0 $0x1082;
	s9 =	sld [smem:$0x3FB0]  }
0x2f: {  	lr =	sadd.s32 s0, s3;
	s0 =	sld [smem:$0x3FA7]  }
0x30: {  	s3 =	sld [smem:$0x3FAA]  }
0x31: {  	[smem:$0x3FB3] =	sst s10  }
0x32: {  	s10 =	sld [smem:$0x3FB1];
	_ =	sdelay $0x3  }
0x33: {  	p0 =	seq.s32 s10, $0x1;
	s10 =	sld [smem:$0x3FB3];
	_ =	sdelay $0x3  }
0x34: {  	[smem:$0x3FB3] =	sst s10  }
0x35: {  	s10 =	sld [smem:$0x3FB2];
	_ =	sdelay $0x3  }
0x36: {  	p1 =	seq.s32 s10, $0x1;
	s10 =	sld [smem:$0x3FB3];
	_ =	sdelay $0x3  }
0x37: {  	[smem:$0x3FB3] =	sst s10  }
0x38: {  	s10 =	sld [smem:$0x3FB4]  }
0x39: {  	_ = 	snop;
	(pc) =	sbr.ind lr, $3  }
0x3a: {  	_ = 	snop  }
0x3b: {  	_ = 	snop  }
0x3c: {  	p2 =	seq.s32 s10, $0x1;
	s10 =	sld [smem:$0x3FB3]  }
0x3d: {  	_ =	shalt  }
0x3e: {  	_ =	shalt  }
0x3f: {  	_ =	shalt  }
0x40: {  	_ =	shalt  }
0x41: {  	_ =	shalt  }
0x42: {  	_ =	shalt  }
0x43: {  	_ =	shalt  }
0x44: {  	_ =	shalt  }
0x45: {  	_ =	shalt  }
0x46: {  	_ =	shalt  }
0x47: {  	_ =	shalt  }
0x48: {  	_ =	shalt  }
0x49: {  	_ =	shalt  }
0x4a: {  	_ =	shalt  }
0x4b: {  	_ =	shalt  }
0x4c: {  	_ =	shalt  }
0x4d: {  	_ =	shalt  }
0x4e: {  	_ =	shalt  }
0x4f: {  	_ =	shalt  }
0x50: {  	_ =	shalt  }
0x51: {  	_ =	shalt  }
0x52: {  	_ =	shalt  }
0x53: {  	_ =	shalt  }
0x54: {  	_ =	shalt  }
0x55: {  	_ =	shalt  }
0x56: {  	_ =	shalt  }
0x57: {  	_ =	shalt  }
0x58: {  	_ =	shalt  }
0x59: {  	_ =	shalt  }
0x5a: {  	_ =	shalt  }
0x5b: {  	_ =	shalt  }
0x5c: {  	_ =	shalt  }
0x5d: {  	_ =	shalt  }
0x5e: {  	_ =	shalt  }
0x5f: {  	_ =	shalt  }
0x60: {  	_ =	shalt  }
0x61: {  	_ =	shalt  }
0x62: {  	_ =	shalt  }
0x63: {  	_ =	shalt  }
0x64: {  	_ =	shalt  }
0x65: {  	_ =	shalt  }
0x66: {  	_ =	shalt  }
0x67: {  	_ =	shalt  }
0x68: {  	_ =	shalt  }
0x69: {  	_ =	shalt  }
0x6a: {  	_ =	shalt  }
0x6b: {  	_ =	shalt  }
0x6c: {  	_ =	shalt  }
0x6d: {  	_ =	shalt  }
0x6e: {  	_ =	shalt  }
0x6f: {  	_ =	shalt  }
0x70: {  	_ =	shalt  }
0x71: {  	_ =	shalt  }
0x72: {  	_ =	shalt  }
0x73: {  	_ =	shalt  }
0x74: {  	_ =	shalt  }
0x75: {  	_ =	shalt  }
0x76: {  	_ =	shalt  }
0x77: {  	_ =	shalt  }
0x78: {  	_ =	shalt  }
0x79: {  	_ =	shalt  }
0x7a: {  	_ =	shalt  }
0x7b: {  	_ =	shalt  }
0x7c: {  	_ =	shalt  }
0x7d: {  	_ =	shalt  }
0x7e: {  	_ =	shalt  }
0x7f: {  	_ =	shalt  }
0x80: {  	_ =	shalt  }
0x81: {  	_ =	shalt  }
0x82: {  	_ =	shalt  }
0x83: {  	_ =	shalt  }
0x84: {  	_ =	shalt  }
0x85: {  	_ =	shalt  }
0x86: {  	_ =	shalt  }
0x87: {  	_ =	shalt  }
.Lfunc_end0:
.L_simem_size_0:
called_computation.4_lowered:
.L_overlay_start_0:
0x88: {  	s2 =	sld [smem:$0x3FD9]  }
0x89: {  	s3 =	sld [smem:$0x3FFE];
	_ =	sdelay $0x1  }
0x8a: {  	s1 =	srdreg.scid  }
0x8b: {  	s0 =	sand.u32 $0x1, s1  }
0x8c: {  	s16 =	sshll.u32 s0, $0xA;
	s2 =	sadd.s32 s3, s2  }
0x8d: {  	s2 =	sadd.s32 s2, s16  }
0x8e: {  	[smem:$0x3FBF] =	sst s2  }
0x8f: {  	_ = 	snop  }
0x90: {  	(tm) =	ssettm $0x1  }
0x91: {  	s17 =	sld [smem:$0x3FFB];
	_ =	sdelay $0x3  }
0x92: {  	_ =	strace s17  }
0x93: {  	s2 =	sld [smem:$0x3FFC];
	_ =	sdelay $0x3  }
0x94: {  	_ =	strace s2  }
0x95: {  	s2 =	sld [smem:$0x3FFD];
	_ =	sdelay $0x3  }
0x96: {  	_ =	strace s2  }
0x97: {  	_ =	strace $0x8FFFFFFF  }
0x98: {  	s18 =	sld [smem:$0x3FDB];
	_ =	sdelay $0x1  }
0x99: {  	s19 =	simm.s32 $_scs_section_size  }
0x9a: {  	s4 =	simm.s32 $_size__tile_overlayer_lowered;
	s5 =	simm.s32 $_tile_overlayer_lowered  }
0x9b: {  	s22 =	simm.s32 $0x1BFF;
	s21 =	sshll.u32 s5, $0x1;
	s2 =	sadd.s32 s19, s18  }
0x9c: {  	s6 =	simm.s32 $0x0;
	s20 =	sshll.u32 s4, $0x1;
	s4 =	sadd.s32 s21, s2  }
0x9d: {  	[timem:s6], [sflag:s22] =	dma.local [hbm:s4], s20  }
0x9e: {  	_ =	swait.ge [sflag:s22], s20  }
0x9f: {  	s3 =	ssub.s32 $0x0, s20;
	[sflag:s22] =	ssyncset.done $0x0  }
0xa0: {  	[sflag:s22] =	ssyncadd.s32 s3;
	_ =	sdelay $0x1  }
0xa1: {  	s23 =	simm.s32 $0x1B8B  }
0xa2: {  	_ =	swait.ge [sflag:s23], $0x1  }
0xa3: {  	[sflag:s23] =	ssyncset.done $0x0  }
0xa4: {  	s25 =	simm.s32 $0x1B8E;
	s24 =	sld [smem:$0x3FFE];
	[sflag:s23] =	ssyncadd.s32 $0xFFFFFFFF  }
0xa5: {  	s26 =	simm.s32 $execute0_lowered;
	[smem:$0x3FD2] =	sst s25  }
0xa6: {  	s4 =	sshll.u32 s26, $0x1;
	_ =	strace $0x8000004C;
	[dreg:$0x1] =	wrdreg $0xFFFFFFFF  }
0xa7: {  	s28 =	simm.s32 $_size_execute0_lowered;
	s2 =	sadd.s32 s2, s4;
	[dreg:$0x0] =	wrdreg $0x0  }
0xa8: {  	s4 =	sshll.u32 s28, $0x1;
	[dreg:$0x2] =	wrdreg s2  }
0xa9: {  	[dreg:$0x3] =	wrdreg s4  }
0xaa: {  	[dreg:$0x4] =	wrdreg $0xC0  }
0xab: {  	_ =	task [dreg:s6], $0x5FFFF  }
0xac: {  	[dreg:$0x1] =	wrdreg $0xFFFFFFFF  }
0xad: {  	[dreg:$0x0] =	wrdreg $0x60  }
0xae: {  	[dreg:$0x2] =	wrdreg s24  }
0xaf: {  	[dreg:$0x3] =	wrdreg $0x9  }
0xb0: {  	_ =	task.clear_ibuf [dreg:s6], $0x4FFFF;
	_ =	strace $0x9000004C  }
0xb1: {  	s29 =	simm.s32 $0x9;
	_ =	strace $0x8000004E  }
0xb2: {  	_ =	swait.ge [sflag:s29], $0x1  }
0xb3: {  	[sflag:s29] =	ssyncadd.s32 $0xFFFFFFFF  }
0xb4: {  	_ =	strace $0x9000004E  }
0xb5: {  	_ =	sfence  }
0xb6: {  	s30 =	sld [smem:$0x0];
	_ =	sdelay $0x2  }
0xb7: {  	s31 =	sshll.u32 s1, $0xD;
	s1 =	sshrl.u32 s1, $0x2  }
0xb8: {  	s3 =	sand.u32 $0x4000, s31;
	s1 =	sadd.s32 s1, s30  }
0xb9: {  	s0 =	sor.u32 s3, s0;
	s1 =	sshll.u32 s1, $0x11  }
0xba: {  	s0 =	sor.u32 s1, s0  }
0xbb: {  	s0 =	sadd.s32 $0x8F2B, s0  }
0xbc: {  	[sflag:s0] =	ssyncadd.remote.s32 $0x1  }
0xbd: {  	_ =	sfence.sel $0xFFFF  }
0xbe: {  	[dreg:$0x0] =	wrdreg $0xFFFFFFFF;
	(pc) =	sbr.abs _section_cstart, $3  }
0xbf: {  	[dreg:$0x1] =	wrdreg $0xFFFFFFFF  }
0xc0: {  	_ =	task.clear_ibuf [dreg:s6], $0x2FFFF;
	_ =	strace $0x9FFFFFFF  }
0xc1: {  	(tm) =	ssettm $0x7FFFFFFF  }
tec
execute0_lowered:
.L_overlay_start_1:
0x0: {  	(tag) =	ssettag $0x1  }
0x1: {  	s0 =	srdreg.scid;
	s1 =	stileid.u32  }
0x2: {  	s0 =	sand.u32 $0x1, s0;
	s1 =	sshll.u32 s1, $0x1  }
0x3: {  	s1 =	sor.u32 s0, s1  }
0x4: {  	s2 =	smul.u32 $0x110, s1;
	_ =	sdelay $0x1  }
0x5: {  	s1 =	smul.u32 $0x180, s1;
	s3 =	sshrl.u32 s2, $0x3  }
0x6: {  	s14 =	rddreg [dreg:$0x0];
	s3 =	smul.u32 $0xC00, s3  }
0x7: {  	s2 =	simm.s32 $0x0;
	s1 =	sadd.s32 s1, s14  }
0x8: {  	[smem:$0x7FF] =	sst s2;
	s1 =	sadd.s32 $0x66EA00, s1;
	s13 =	sadd.s32 s3, s14  }
0x9: {  	_ =	strace $0x8000004D;
	[dreg:$0x2] =	wrdreg s1;
	s11 =	sadd.s32 $0x330A00, s13  }
0xa: {  	s12 =	sadd.s32 $0x332200, s13;
	[dreg:$0x3] =	wrdreg s11  }
0xb: {  	s15 =	sadd.s32 $0x333A00, s13;
	[dreg:$0x4] =	wrdreg s12  }
0xc: {  	s29 =	simm.s32 $0xC00;
	s16 =	sadd.s32 $0x335200, s13;
	[dreg:$0x5] =	wrdreg s15  }
0xd: {  	s5 =	sadd.s32 $0xC00, s14;
	s17 =	sadd.s32 $0x336A00, s13;
	[dreg:$0x6] =	wrdreg s16  }
0xe: {  	s6 =	sadd.s32 $0xD00, s14;
	s18 =	sadd.s32 $0x338200, s13;
	[dreg:$0x7] =	wrdreg s17  }
0xf: {  	s7 =	sadd.s32 $0xE00, s14;
	s19 =	sadd.s32 $0x339A00, s13;
	[dreg:$0x8] =	wrdreg s18  }
0x10: {  	s8 =	sadd.s32 $0xF00, s14;
	s20 =	sadd.s32 $0x33B200, s13;
	[dreg:$0x9] =	wrdreg s19  }
0x11: {  	s9 =	sadd.s32 $0x1000, s14;
	s21 =	sadd.s32 $0x33CA00, s13;
	[dreg:$0xa] =	wrdreg s20  }
0x12: {  	s10 =	sadd.s32 $0x1100, s14;
	s22 =	sadd.s32 $0x33E200, s13;
	[dreg:$0xb] =	wrdreg s21  }
0x13: {  	s0 =	ssub.s32 $0x2, s0;
	s23 =	sadd.s32 $0x33FA00, s13;
	[dreg:$0xc] =	wrdreg s22  }
0x14: {  	s4 =	sshrl.u32 s0, $0x1;
	s24 =	sadd.s32 $0x341200, s13;
	[dreg:$0xd] =	wrdreg s23  }
0x15: {  	s0 =	ssub.s32 s0, s4;
	s25 =	sadd.s32 $0x342A00, s13;
	[dreg:$0xe] =	wrdreg s24  }
0x16: {  	s4 =	sadd.s32 $0xB00, s14;
	s26 =	sadd.s32 $0x344200, s13;
	[dreg:$0xf] =	wrdreg s25  }
0x17: {  	s3 =	sadd.s32 $0xA00, s14;
	s28 =	sadd.s32 $0x345A00, s13;
	[dreg:$0x10] =	wrdreg s26  }
0x18: {  	s30 =	sadd.s32 $0x347200, s13;
	s31 =	sadd.s32 $0x348A00, s13;
	[dreg:$0x11] =	wrdreg s28  }
0x19: {  	v2 =	vlaneseq.u32;
	s13 =	sadd.s32 $0x1400, s14;
	s11 =	sadd.s32 $0x1200, s14;
	[dreg:$0x12] =	wrdreg s30  }
0x1a: {  	vm0 =	vmmov $0xffff;
	v1 =	vshrl.u32 v2, $0x3;
	s12 =	sadd.s32 $0x1300, s14;
	s14 =	sadd.s32 $0x1500, s14;
	[dreg:$0x13] =	wrdreg s31  }
0x1b: {  	v0 =	vand.u32 $0x7, v2;
	v2 =	vor.u32 $0x8, v2;
	v1 =	vmul.u32 $0x8, v1;
	s26 =	smax.u32 s0, $0x1;
	s16 =	simm.s32 $0x2;
	s25 =	simm.s32 $0x1  }
.LBB2_1:
0x1c: {  	[dreg:$0x14] =	wrdreg s26  }
0x1d: {  	s15 =	rddreg [dreg:$0x2]  }
0x1e: {  	[tilespmem:s2], [sflag:$0x2] =	stream.linear.gather [hbm4b:s15+s2], $0x880, $0x38;
	[tilespmem:$0xCC00] =	vst v63  }
0x1f: {  	_ =	swait.ge [sflag:s16], $0x880  }
0x20: {  	[sflag:s16] =	ssyncset.done $0x0  }
0x21: {  	s17 =	rddreg [dreg:$0x3];
	[sflag:s16] =	ssyncadd.s32 $0xFFFFF780  }
0x22: {  	[tilespmem:s29], [sflag:$0x2] =	stream.linear.gather [hbm4b:s17+s2], $0xC000, $0x38;
	[tilespmem:$0xCC00] =	vst v63  }
0x23: {  	_ =	swait.ge [sflag:s16], $0xC000  }
0x24: {  	[sflag:s16] =	ssyncset.done $0x0  }
0x25: {  	[sflag:s16] =	ssyncadd.s32 $0xFFFF4000  }
0x26: {  	v3 =	vld [tilespmem:$0x0];
	_ =	sdelay $0x4  }
0x27: {  	v4 =	vshrl.u32 v3, $0x3  }
0x28: {  	v4 =	vmul.u32 $0xC0, v4  }
0x29: {  	v3 =	vand.u32 $0x7, v3  }
0x2a: {  	v3 =	vor.u32 v3, v4  }
0x2b: {  	v4 =	vperm.xlane v3, v0;
	_ =	sdelay $0x1  }
0x2c: {  	v4 =	vadd.s32 v1, v4;
	_ =	sdelay $0x4  }
0x2d: {  	[hbm4b:s3+s2] =	stream.indirect_vreg.scatter [tilespmem:s29], [sflag:$0x1], $0x80, v4, vm0, $0xb8;
	[tilespmem:$0xCC00] =	vst v63  }
0x2e: {  	s0 =	simm.s32 $0x1400  }
0x2f: {  	[hbm4b:s4+s2] =	stream.indirect_vreg.scatter [tilespmem:s0], [sflag:$0x1], $0x80, v4, vm0, $0xb8;
	[tilespmem:$0xCC00] =	vst v63  }
0x30: {  	s18 =	simm.s32 $0x1C00  }
0x31: {  	[hbm4b:s5+s2] =	stream.indirect_vreg.scatter [tilespmem:s18], [sflag:$0x1], $0x80, v4, vm0, $0xb8;
	[tilespmem:$0xCC00] =	vst v63  }
0x32: {  	s19 =	simm.s32 $0x2400  }
0x33: {  	[hbm4b:s6+s2] =	stream.indirect_vreg.scatter [tilespmem:s19], [sflag:$0x1], $0x80, v4, vm0, $0xb8;
	[tilespmem:$0xCC00] =	vst v63  }
0x34: {  	s20 =	simm.s32 $0x2C00  }
0x35: {  	[hbm4b:s7+s2] =	stream.indirect_vreg.scatter [tilespmem:s20], [sflag:$0x1], $0x80, v4, vm0, $0xb8;
	[tilespmem:$0xCC00] =	vst v63  }
0x36: {  	s21 =	simm.s32 $0x3400  }
0x37: {  	[hbm4b:s8+s2] =	stream.indirect_vreg.scatter [tilespmem:s21], [sflag:$0x1], $0x80, v4, vm0, $0xb8;
	[tilespmem:$0xCC00] =	vst v63  }
0x38: {  	s22 =	simm.s32 $0x3C00  }
0x39: {  	[hbm4b:s9+s2] =	stream.indirect_vreg.scatter [tilespmem:s22], [sflag:$0x1], $0x80, v4, vm0, $0xb8;
	[tilespmem:$0xCC00] =	vst v63  }
0x3a: {  	s23 =	simm.s32 $0x4400  }
0x3b: {  	[hbm4b:s10+s2] =	stream.indirect_vreg.scatter [tilespmem:s23], [sflag:$0x1], $0x80, v4, vm0, $0xb8;
	[tilespmem:$0xCC00] =	vst v63  }
0x3c: {  	s24 =	simm.s32 $0x4C00  }
0x3d: {  	[hbm4b:s11+s2] =	stream.indirect_vreg.scatter [tilespmem:s24], [sflag:$0x1], $0x80, v4, vm0, $0xb8;
	[tilespmem:$0xCC00] =	vst v63  }
0x3e: {  	s26 =	simm.s32 $0x5400;
	v3 =	vperm.xlane v3, v2  }
0x3f: {  	[hbm4b:s12+s2] =	stream.indirect_vreg.scatter [tilespmem:s26], [sflag:$0x1], $0x80, v4, vm0, $0xb8;
	[tilespmem:$0xCC00] =	vst v63  }
0x40: {  	s28 =	simm.s32 $0x5C00;
	v3 =	vadd.s32 v1, v3  }
0x41: {  	[hbm4b:s13+s2] =	stream.indirect_vreg.scatter [tilespmem:s28], [sflag:$0x1], $0x80, v4, vm0, $0xb8;
	[tilespmem:$0xCC00] =	vst v63  }
0x42: {  	s30 =	simm.s32 $0x6400  }
0x43: {  	[hbm4b:s14+s2] =	stream.indirect_vreg.scatter [tilespmem:s30], [sflag:$0x1], $0x80, v4, vm0, $0xb8;
	[tilespmem:$0xCC00] =	vst v63  }
0x44: {  	s31 =	simm.s32 $0x6C00  }
0x45: {  	[hbm4b:s3+s2] =	stream.indirect_vreg.scatter [tilespmem:s31], [sflag:$0x1], $0x80, v3, vm0, $0xb8;
	[tilespmem:$0xCC00] =	vst v63  }
0x46: {  	s21 =	simm.s32 $0x7400  }
0x47: {  	[hbm4b:s4+s2] =	stream.indirect_vreg.scatter [tilespmem:s21], [sflag:$0x1], $0x80, v3, vm0, $0xb8;
	[tilespmem:$0xCC00] =	vst v63  }
0x48: {  	s22 =	simm.s32 $0x7C00  }
0x49: {  	[hbm4b:s5+s2] =	stream.indirect_vreg.scatter [tilespmem:s22], [sflag:$0x1], $0x80, v3, vm0, $0xb8;
	[tilespmem:$0xCC00] =	vst v63  }
0x4a: {  	s23 =	simm.s32 $0x8400  }
0x4b: {  	[hbm4b:s6+s2] =	stream.indirect_vreg.scatter [tilespmem:s23], [sflag:$0x1], $0x80, v3, vm0, $0xb8;
	[tilespmem:$0xCC00] =	vst v63  }
0x4c: {  	s24 =	simm.s32 $0x8C00  }
0x4d: {  	[hbm4b:s7+s2] =	stream.indirect_vreg.scatter [tilespmem:s24], [sflag:$0x1], $0x80, v3, vm0, $0xb8;
	[tilespmem:$0xCC00] =	vst v63  }
0x4e: {  	s28 =	simm.s32 $0x9400  }
0x4f: {  	[hbm4b:s8+s2] =	stream.indirect_vreg.scatter [tilespmem:s28], [sflag:$0x1], $0x80, v3, vm0, $0xb8;
	[tilespmem:$0xCC00] =	vst v63  }
0x50: {  	s30 =	simm.s32 $0x9C00  }
0x51: {  	[hbm4b:s9+s2] =	stream.indirect_vreg.scatter [tilespmem:s30], [sflag:$0x1], $0x80, v3, vm0, $0xb8;
	[tilespmem:$0xCC00] =	vst v63  }
0x52: {  	s31 =	simm.s32 $0xA400  }
0x53: {  	[hbm4b:s10+s2] =	stream.indirect_vreg.scatter [tilespmem:s31], [sflag:$0x1], $0x80, v3, vm0, $0xb8;
	[tilespmem:$0xCC00] =	vst v63  }
0x54: {  	s0 =	simm.s32 $0xAC00  }
0x55: {  	[hbm4b:s11+s2] =	stream.indirect_vreg.scatter [tilespmem:s0], [sflag:$0x1], $0x80, v3, vm0, $0xb8;
	[tilespmem:$0xCC00] =	vst v63  }
0x56: {  	s21 =	simm.s32 $0xB400  }
0x57: {  	[hbm4b:s12+s2] =	stream.indirect_vreg.scatter [tilespmem:s21], [sflag:$0x1], $0x80, v3, vm0, $0xb8;
	[tilespmem:$0xCC00] =	vst v63  }
0x58: {  	s0 =	simm.s32 $0xBC00  }
0x59: {  	[hbm4b:s13+s2] =	stream.indirect_vreg.scatter [tilespmem:s0], [sflag:$0x1], $0x80, v3, vm0, $0xb8;
	[tilespmem:$0xCC00] =	vst v63  }
0x5a: {  	s21 =	simm.s32 $0xC400  }
0x5b: {  	[hbm4b:s14+s2] =	stream.indirect_vreg.scatter [tilespmem:s21], [sflag:$0x1], $0x80, v3, vm0, $0xb8;
	[tilespmem:$0xCC00] =	vst v63  }
0x5c: {  	_ =	swait.ge [sflag:s25], $0xC000  }
0x5d: {  	[sflag:s25] =	ssyncset.done $0x0  }
0x5e: {  	s0 =	rddreg [dreg:$0x4];
	[sflag:s25] =	ssyncadd.s32 $0xFFFF4000  }
0x5f: {  	[tilespmem:s29], [sflag:$0x2] =	stream.linear.gather [hbm4b:s0+s2], $0xC000, $0x38;
	[tilespmem:$0xCC00] =	vst v63  }
0x60: {  	_ =	swait.ge [sflag:s16], $0xC000  }
0x61: {  	[sflag:s16] =	ssyncset.done $0x0  }
0x62: {  	[sflag:s16] =	ssyncadd.s32 $0xFFFF4000  }
0x63: {  	v3 =	vld [tilespmem:$0x80];
	_ =	sdelay $0x4  }
0x64: {  	v48 =	vshrl.u32 v3, $0x3  }
0x65: {  	v4 =	vmul.u32 $0xC0, v48  }
0x66: {  	v3 =	vand.u32 $0x7, v3  }
0x67: {  	v3 =	vor.u32 v3, v4  }
0x68: {  	v4 =	vperm.xlane v3, v0;
	_ =	sdelay $0x1  }
0x69: {  	v4 =	vadd.s32 v1, v4;
	_ =	sdelay $0x4  }
0x6a: {  	[hbm4b:s3+s2] =	stream.indirect_vreg.scatter [tilespmem:s29], [sflag:$0x1], $0x80, v4, vm0, $0xb8;
	[tilespmem:$0xCC00] =	vst v63  }
0x6b: {  	s1 =	simm.s32 $0x1400  }
0x6c: {  	[hbm4b:s4+s2] =	stream.indirect_vreg.scatter [tilespmem:s1], [sflag:$0x1], $0x80, v4, vm0, $0xb8;
	[tilespmem:$0xCC00] =	vst v63  }
0x6d: {  	s15 =	simm.s32 $0x1C00  }
0x6e: {  	[hbm4b:s5+s2] =	stream.indirect_vreg.scatter [tilespmem:s15], [sflag:$0x1], $0x80, v4, vm0, $0xb8;
	[tilespmem:$0xCC00] =	vst v63  }
0x6f: {  	s17 =	simm.s32 $0x2400  }
0x70: {  	[hbm4b:s6+s2] =	stream.indirect_vreg.scatter [tilespmem:s17], [sflag:$0x1], $0x80, v4, vm0, $0xb8;
	[tilespmem:$0xCC00] =	vst v63  }
0x71: {  	s18 =	simm.s32 $0x2C00  }
0x72: {  	[hbm4b:s7+s2] =	stream.indirect_vreg.scatter [tilespmem:s18], [sflag:$0x1], $0x80, v4, vm0, $0xb8;
	[tilespmem:$0xCC00] =	vst v63  }
0x73: {  	s1 =	simm.s32 $0x3400  }
0x74: {  	[hbm4b:s8+s2] =	stream.indirect_vreg.scatter [tilespmem:s1], [sflag:$0x1], $0x80, v4, vm0, $0xb8;
	[tilespmem:$0xCC00] =	vst v63  }
0x75: {  	s0 =	simm.s32 $0x3C00  }
0x76: {  	[hbm4b:s9+s2] =	stream.indirect_vreg.scatter [tilespmem:s0], [sflag:$0x1], $0x80, v4, vm0, $0xb8;
	[tilespmem:$0xCC00] =	vst v63  }
0x77: {  	s15 =	simm.s32 $0x4400  }
0x78: {  	[hbm4b:s10+s2] =	stream.indirect_vreg.scatter [tilespmem:s15], [sflag:$0x1], $0x80, v4, vm0, $0xb8;
	[tilespmem:$0xCC00] =	vst v63  }
0x79: {  	s19 =	simm.s32 $0x4C00  }
0x7a: {  	[hbm4b:s11+s2] =	stream.indirect_vreg.scatter [tilespmem:s19], [sflag:$0x1], $0x80, v4, vm0, $0xb8;
	[tilespmem:$0xCC00] =	vst v63  }
0x7b: {  	s20 =	simm.s32 $0x5400;
	v3 =	vperm.xlane v3, v2  }
0x7c: {  	[hbm4b:s12+s2] =	stream.indirect_vreg.scatter [tilespmem:s20], [sflag:$0x1], $0x80, v4, vm0, $0xb8;
	[tilespmem:$0xCC00] =	vst v63  }
0x7d: {  	v3 =	vadd.s32 v1, v3;
	s17 =	simm.s32 $0x5C00  }
0x7e: {  	[hbm4b:s13+s2] =	stream.indirect_vreg.scatter [tilespmem:s17], [sflag:$0x1], $0x80, v4, vm0, $0xb8;
	[tilespmem:$0xCC00] =	vst v63  }
0x7f: {  	s18 =	simm.s32 $0x6400  }
0x80: {  	[hbm4b:s14+s2] =	stream.indirect_vreg.scatter [tilespmem:s18], [sflag:$0x1], $0x80, v4, vm0, $0xb8;
	[tilespmem:$0xCC00] =	vst v63  }
0x81: {  	s19 =	simm.s32 $0x6C00  }
0x82: {  	[hbm4b:s3+s2] =	stream.indirect_vreg.scatter [tilespmem:s19], [sflag:$0x1], $0x80, v3, vm0, $0xb8;
	[tilespmem:$0xCC00] =	vst v63  }
0x83: {  	s20 =	simm.s32 $0x7400  }
0x84: {  	[hbm4b:s4+s2] =	stream.indirect_vreg.scatter [tilespmem:s20], [sflag:$0x1], $0x80, v3, vm0, $0xb8;
	[tilespmem:$0xCC00] =	vst v63  }
0x85: {  	s22 =	simm.s32 $0x7C00  }
0x86: {  	[hbm4b:s5+s2] =	stream.indirect_vreg.scatter [tilespmem:s22], [sflag:$0x1], $0x80, v3, vm0, $0xb8;
	[tilespmem:$0xCC00] =	vst v63  }
0x87: {  	s23 =	simm.s32 $0x8400  }
0x88: {  	[hbm4b:s6+s2] =	stream.indirect_vreg.scatter [tilespmem:s23], [sflag:$0x1], $0x80, v3, vm0, $0xb8;
	[tilespmem:$0xCC00] =	vst v63  }
0x89: {  	s24 =	simm.s32 $0x8C00  }
0x8a: {  	[hbm4b:s7+s2] =	stream.indirect_vreg.scatter [tilespmem:s24], [sflag:$0x1], $0x80, v3, vm0, $0xb8;
	[tilespmem:$0xCC00] =	vst v63  }
0x8b: {  	s28 =	simm.s32 $0x9400  }
0x8c: {  	[hbm4b:s8+s2] =	stream.indirect_vreg.scatter [tilespmem:s28], [sflag:$0x1], $0x80, v3, vm0, $0xb8;
	[tilespmem:$0xCC00] =	vst v63  }
0x8d: {  	s30 =	simm.s32 $0x9C00  }
0x8e: {  	[hbm4b:s9+s2] =	stream.indirect_vreg.scatter [tilespmem:s30], [sflag:$0x1], $0x80, v3, vm0, $0xb8;
	[tilespmem:$0xCC00] =	vst v63  }
0x8f: {  	s31 =	simm.s32 $0xA400  }
0x90: {  	[hbm4b:s10+s2] =	stream.indirect_vreg.scatter [tilespmem:s31], [sflag:$0x1], $0x80, v3, vm0, $0xb8;
	[tilespmem:$0xCC00] =	vst v63  }
0x91: {  	s31 =	simm.s32 $0xAC00  }
0x92: {  	[hbm4b:s11+s2] =	stream.indirect_vreg.scatter [tilespmem:s31], [sflag:$0x1], $0x80, v3, vm0, $0xb8;
	[tilespmem:$0xCC00] =	vst v63  }
0x93: {  	s26 =	simm.s32 $0xB400  }
0x94: {  	[hbm4b:s12+s2] =	stream.indirect_vreg.scatter [tilespmem:s26], [sflag:$0x1], $0x80, v3, vm0, $0xb8;
	[tilespmem:$0xCC00] =	vst v63  }
0x95: {  	s26 =	simm.s32 $0xBC00  }
0x96: {  	[hbm4b:s13+s2] =	stream.indirect_vreg.scatter [tilespmem:s26], [sflag:$0x1], $0x80, v3, vm0, $0xb8;
	[tilespmem:$0xCC00] =	vst v63  }
0x97: {  	s21 =	simm.s32 $0xC400  }
0x98: {  	[hbm4b:s14+s2] =	stream.indirect_vreg.scatter [tilespmem:s21], [sflag:$0x1], $0x80, v3, vm0, $0xb8;
	[tilespmem:$0xCC00] =	vst v63  }
0x99: {  	_ =	swait.ge [sflag:s25], $0xC000  }
0x9a: {  	[sflag:s25] =	ssyncset.done $0x0  }
0x9b: {  	s26 =	rddreg [dreg:$0x5];
	[sflag:s25] =	ssyncadd.s32 $0xFFFF4000  }
0x9c: {  	[tilespmem:s29], [sflag:$0x2] =	stream.linear.gather [hbm4b:s26+s2], $0xC000, $0x38;
	[tilespmem:$0xCC00] =	vst v63  }
0x9d: {  	_ =	swait.ge [sflag:s16], $0xC000  }
0x9e: {  	[sflag:s16] =	ssyncset.done $0x0  }
0x9f: {  	[sflag:s16] =	ssyncadd.s32 $0xFFFF4000  }
0xa0: {  	v3 =	vld [tilespmem:$0x100];
	_ =	sdelay $0x4  }
0xa1: {  	v49 =	vshrl.u32 v3, $0x3  }
0xa2: {  	v4 =	vmul.u32 $0xC0, v49  }
0xa3: {  	v3 =	vand.u32 $0x7, v3  }
0xa4: {  	v3 =	vor.u32 v3, v4  }
0xa5: {  	v4 =	vperm.xlane v3, v0;
	_ =	sdelay $0x1  }
0xa6: {  	v4 =	vadd.s32 v1, v4;
	_ =	sdelay $0x4  }
0xa7: {  	[hbm4b:s3+s2] =	stream.indirect_vreg.scatter [tilespmem:s29], [sflag:$0x1], $0x80, v4, vm0, $0xb8;
	[tilespmem:$0xCC00] =	vst v63  }
0xa8: {  	s26 =	simm.s32 $0x1400  }
0xa9: {  	[hbm4b:s4+s2] =	stream.indirect_vreg.scatter [tilespmem:s26], [sflag:$0x1], $0x80, v4, vm0, $0xb8;
	[tilespmem:$0xCC00] =	vst v63  }
0xaa: {  	s26 =	simm.s32 $0x1C00  }
0xab: {  	[hbm4b:s5+s2] =	stream.indirect_vreg.scatter [tilespmem:s26], [sflag:$0x1], $0x80, v4, vm0, $0xb8;
	[tilespmem:$0xCC00] =	vst v63  }
0xac: {  	s26 =	simm.s32 $0x2400  }
0xad: {  	[hbm4b:s6+s2] =	stream.indirect_vreg.scatter [tilespmem:s26], [sflag:$0x1], $0x80, v4, vm0, $0xb8;
	[tilespmem:$0xCC00] =	vst v63  }
0xae: {  	s26 =	simm.s32 $0x2C00  }
0xaf: {  	[hbm4b:s7+s2] =	stream.indirect_vreg.scatter [tilespmem:s26], [sflag:$0x1], $0x80, v4, vm0, $0xb8;
	[tilespmem:$0xCC00] =	vst v63  }
0xb0: {  	_ = 	snop  }
0xb1: {  	[hbm4b:s8+s2] =	stream.indirect_vreg.scatter [tilespmem:s1], [sflag:$0x1], $0x80, v4, vm0, $0xb8;
	[tilespmem:$0xCC00] =	vst v63  }
0xb2: {  	_ = 	snop  }
0xb3: {  	[hbm4b:s9+s2] =	stream.indirect_vreg.scatter [tilespmem:s0], [sflag:$0x1], $0x80, v4, vm0, $0xb8;
	[tilespmem:$0xCC00] =	vst v63  }
0xb4: {  	_ = 	snop  }
0xb5: {  	[hbm4b:s10+s2] =	stream.indirect_vreg.scatter [tilespmem:s15], [sflag:$0x1], $0x80, v4, vm0, $0xb8;
	[tilespmem:$0xCC00] =	vst v63  }
0xb6: {  	s26 =	simm.s32 $0x4C00  }
0xb7: {  	[hbm4b:s11+s2] =	stream.indirect_vreg.scatter [tilespmem:s26], [sflag:$0x1], $0x80, v4, vm0, $0xb8;
	[tilespmem:$0xCC00] =	vst v63  }
0xb8: {  	v3 =	vperm.xlane v3, v2;
	s26 =	simm.s32 $0x5400  }
0xb9: {  	[hbm4b:s12+s2] =	stream.indirect_vreg.scatter [tilespmem:s26], [sflag:$0x1], $0x80, v4, vm0, $0xb8;
	[tilespmem:$0xCC00] =	vst v63  }
0xba: {  	v3 =	vadd.s32 v1, v3  }
0xbb: {  	[hbm4b:s13+s2] =	stream.indirect_vreg.scatter [tilespmem:s17], [sflag:$0x1], $0x80, v4, vm0, $0xb8;
	[tilespmem:$0xCC00] =	vst v63  }
0xbc: {  	_ = 	snop  }
0xbd: {  	[hbm4b:s14+s2] =	stream.indirect_vreg.scatter [tilespmem:s18], [sflag:$0x1], $0x80, v4, vm0, $0xb8;
	[tilespmem:$0xCC00] =	vst v63  }
0xbe: {  	_ = 	snop  }
0xbf: {  	[hbm4b:s3+s2] =	stream.indirect_vreg.scatter [tilespmem:s19], [sflag:$0x1], $0x80, v3, vm0, $0xb8;
	[tilespmem:$0xCC00] =	vst v63  }
0xc0: {  	_ = 	snop  }
0xc1: {  	[hbm4b:s4+s2] =	stream.indirect_vreg.scatter [tilespmem:s20], [sflag:$0x1], $0x80, v3, vm0, $0xb8;
	[tilespmem:$0xCC00] =	vst v63  }
0xc2: {  	s26 =	simm.s32 $0x7C00  }
0xc3: {  	[hbm4b:s5+s2] =	stream.indirect_vreg.scatter [tilespmem:s26], [sflag:$0x1], $0x80, v3, vm0, $0xb8;
	[tilespmem:$0xCC00] =	vst v63  }
0xc4: {  	s22 =	simm.s32 $0x8400  }
0xc5: {  	[hbm4b:s6+s2] =	stream.indirect_vreg.scatter [tilespmem:s22], [sflag:$0x1], $0x80, v3, vm0, $0xb8;
	[tilespmem:$0xCC00] =	vst v63  }
0xc6: {  	s23 =	simm.s32 $0x8C00  }
0xc7: {  	[hbm4b:s7+s2] =	stream.indirect_vreg.scatter [tilespmem:s23], [sflag:$0x1], $0x80, v3, vm0, $0xb8;
	[tilespmem:$0xCC00] =	vst v63  }
0xc8: {  	s24 =	simm.s32 $0x9400  }
0xc9: {  	[hbm4b:s8+s2] =	stream.indirect_vreg.scatter [tilespmem:s24], [sflag:$0x1], $0x80, v3, vm0, $0xb8;
	[tilespmem:$0xCC00] =	vst v63  }
0xca: {  	s28 =	simm.s32 $0x9C00  }
0xcb: {  	[hbm4b:s9+s2] =	stream.indirect_vreg.scatter [tilespmem:s28], [sflag:$0x1], $0x80, v3, vm0, $0xb8;
	[tilespmem:$0xCC00] =	vst v63  }
0xcc: {  	s30 =	simm.s32 $0xA400  }
0xcd: {  	[hbm4b:s10+s2] =	stream.indirect_vreg.scatter [tilespmem:s30], [sflag:$0x1], $0x80, v3, vm0, $0xb8;
	[tilespmem:$0xCC00] =	vst v63  }
0xce: {  	s31 =	simm.s32 $0xAC00  }
0xcf: {  	[hbm4b:s11+s2] =	stream.indirect_vreg.scatter [tilespmem:s31], [sflag:$0x1], $0x80, v3, vm0, $0xb8;
	[tilespmem:$0xCC00] =	vst v63  }
0xd0: {  	s26 =	simm.s32 $0xB400  }
0xd1: {  	[hbm4b:s12+s2] =	stream.indirect_vreg.scatter [tilespmem:s26], [sflag:$0x1], $0x80, v3, vm0, $0xb8;
	[tilespmem:$0xCC00] =	vst v63  }
0xd2: {  	s26 =	simm.s32 $0xBC00  }
0xd3: {  	[hbm4b:s13+s2] =	stream.indirect_vreg.scatter [tilespmem:s26], [sflag:$0x1], $0x80, v3, vm0, $0xb8;
	[tilespmem:$0xCC00] =	vst v63  }
0xd4: {  	s21 =	simm.s32 $0xC400  }
0xd5: {  	[hbm4b:s14+s2] =	stream.indirect_vreg.scatter [tilespmem:s21], [sflag:$0x1], $0x80, v3, vm0, $0xb8;
	[tilespmem:$0xCC00] =	vst v63  }
0xd6: {  	_ =	swait.ge [sflag:s25], $0xC000  }
0xd7: {  	[sflag:s25] =	ssyncset.done $0x0  }
0xd8: {  	s26 =	rddreg [dreg:$0x6];
	[sflag:s25] =	ssyncadd.s32 $0xFFFF4000  }
0xd9: {  	[tilespmem:s29], [sflag:$0x2] =	stream.linear.gather [hbm4b:s26+s2], $0xC000, $0x38;
	[tilespmem:$0xCC00] =	vst v63  }
0xda: {  	_ =	swait.ge [sflag:s16], $0xC000  }
0xdb: {  	[sflag:s16] =	ssyncset.done $0x0  }
0xdc: {  	[sflag:s16] =	ssyncadd.s32 $0xFFFF4000  }
0xdd: {  	v3 =	vld [tilespmem:$0x180];
	_ =	sdelay $0x4  }
0xde: {  	v50 =	vshrl.u32 v3, $0x3  }
0xdf: {  	v4 =	vmul.u32 $0xC0, v50  }
0xe0: {  	v3 =	vand.u32 $0x7, v3  }
0xe1: {  	v3 =	vor.u32 v3, v4  }
0xe2: {  	v4 =	vperm.xlane v3, v0;
	_ =	sdelay $0x1  }
0xe3: {  	v4 =	vadd.s32 v1, v4;
	_ =	sdelay $0x4  }
0xe4: {  	[hbm4b:s3+s2] =	stream.indirect_vreg.scatter [tilespmem:s29], [sflag:$0x1], $0x80, v4, vm0, $0xb8;
	[tilespmem:$0xCC00] =	vst v63  }
0xe5: {  	s26 =	simm.s32 $0x1400  }
0xe6: {  	[hbm4b:s4+s2] =	stream.indirect_vreg.scatter [tilespmem:s26], [sflag:$0x1], $0x80, v4, vm0, $0xb8;
	[tilespmem:$0xCC00] =	vst v63  }
0xe7: {  	s26 =	simm.s32 $0x1C00  }
0xe8: {  	[hbm4b:s5+s2] =	stream.indirect_vreg.scatter [tilespmem:s26], [sflag:$0x1], $0x80, v4, vm0, $0xb8;
	[tilespmem:$0xCC00] =	vst v63  }
0xe9: {  	s26 =	simm.s32 $0x2400  }
0xea: {  	[hbm4b:s6+s2] =	stream.indirect_vreg.scatter [tilespmem:s26], [sflag:$0x1], $0x80, v4, vm0, $0xb8;
	[tilespmem:$0xCC00] =	vst v63  }
0xeb: {  	s26 =	simm.s32 $0x2C00  }
0xec: {  	[hbm4b:s7+s2] =	stream.indirect_vreg.scatter [tilespmem:s26], [sflag:$0x1], $0x80, v4, vm0, $0xb8;
	[tilespmem:$0xCC00] =	vst v63  }
0xed: {  	s1 =	simm.s32 $0x3400  }
0xee: {  	[hbm4b:s8+s2] =	stream.indirect_vreg.scatter [tilespmem:s1], [sflag:$0x1], $0x80, v4, vm0, $0xb8;
	[tilespmem:$0xCC00] =	vst v63  }
0xef: {  	s0 =	simm.s32 $0x3C00  }
0xf0: {  	[hbm4b:s9+s2] =	stream.indirect_vreg.scatter [tilespmem:s0], [sflag:$0x1], $0x80, v4, vm0, $0xb8;
	[tilespmem:$0xCC00] =	vst v63  }
0xf1: {  	s15 =	simm.s32 $0x4400  }
0xf2: {  	[hbm4b:s10+s2] =	stream.indirect_vreg.scatter [tilespmem:s15], [sflag:$0x1], $0x80, v4, vm0, $0xb8;
	[tilespmem:$0xCC00] =	vst v63  }
0xf3: {  	s26 =	simm.s32 $0x4C00  }
0xf4: {  	[hbm4b:s11+s2] =	stream.indirect_vreg.scatter [tilespmem:s26], [sflag:$0x1], $0x80, v4, vm0, $0xb8;
	[tilespmem:$0xCC00] =	vst v63  }
0xf5: {  	v3 =	vperm.xlane v3, v2;
	s26 =	simm.s32 $0x5400  }
0xf6: {  	[hbm4b:s12+s2] =	stream.indirect_vreg.scatter [tilespmem:s26], [sflag:$0x1], $0x80, v4, vm0, $0xb8;
	[tilespmem:$0xCC00] =	vst v63  }
0xf7: {  	s17 =	simm.s32 $0x5C00;
	v3 =	vadd.s32 v1, v3  }
0xf8: {  	[hbm4b:s13+s2] =	stream.indirect_vreg.scatter [tilespmem:s17], [sflag:$0x1], $0x80, v4, vm0, $0xb8;
	[tilespmem:$0xCC00] =	vst v63  }
0xf9: {  	s18 =	simm.s32 $0x6400  }
0xfa: {  	[hbm4b:s14+s2] =	stream.indirect_vreg.scatter [tilespmem:s18], [sflag:$0x1], $0x80, v4, vm0, $0xb8;
	[tilespmem:$0xCC00] =	vst v63  }
0xfb: {  	s19 =	simm.s32 $0x6C00  }
0xfc: {  	[hbm4b:s3+s2] =	stream.indirect_vreg.scatter [tilespmem:s19], [sflag:$0x1], $0x80, v3, vm0, $0xb8;
	[tilespmem:$0xCC00] =	vst v63  }
0xfd: {  	s20 =	simm.s32 $0x7400  }
0xfe: {  	[hbm4b:s4+s2] =	stream.indirect_vreg.scatter [tilespmem:s20], [sflag:$0x1], $0x80, v3, vm0, $0xb8;
	[tilespmem:$0xCC00] =	vst v63  }
0xff: {  	s26 =	simm.s32 $0x7C00  }
0x100: {  	[hbm4b:s5+s2] =	stream.indirect_vreg.scatter [tilespmem:s26], [sflag:$0x1], $0x80, v3, vm0, $0xb8;
	[tilespmem:$0xCC00] =	vst v63  }
0x101: {  	s22 =	simm.s32 $0x8400  }
0x102: {  	[hbm4b:s6+s2] =	stream.indirect_vreg.scatter [tilespmem:s22], [sflag:$0x1], $0x80, v3, vm0, $0xb8;
	[tilespmem:$0xCC00] =	vst v63  }
0x103: {  	s23 =	simm.s32 $0x8C00  }
0x104: {  	[hbm4b:s7+s2] =	stream.indirect_vreg.scatter [tilespmem:s23], [sflag:$0x1], $0x80, v3, vm0, $0xb8;
	[tilespmem:$0xCC00] =	vst v63  }
0x105: {  	s24 =	simm.s32 $0x9400  }
0x106: {  	[hbm4b:s8+s2] =	stream.indirect_vreg.scatter [tilespmem:s24], [sflag:$0x1], $0x80, v3, vm0, $0xb8;
	[tilespmem:$0xCC00] =	vst v63  }
0x107: {  	s28 =	simm.s32 $0x9C00  }
0x108: {  	[hbm4b:s9+s2] =	stream.indirect_vreg.scatter [tilespmem:s28], [sflag:$0x1], $0x80, v3, vm0, $0xb8;
	[tilespmem:$0xCC00] =	vst v63  }
0x109: {  	s30 =	simm.s32 $0xA400  }
0x10a: {  	[hbm4b:s10+s2] =	stream.indirect_vreg.scatter [tilespmem:s30], [sflag:$0x1], $0x80, v3, vm0, $0xb8;
	[tilespmem:$0xCC00] =	vst v63  }
0x10b: {  	s31 =	simm.s32 $0xAC00  }
0x10c: {  	[hbm4b:s11+s2] =	stream.indirect_vreg.scatter [tilespmem:s31], [sflag:$0x1], $0x80, v3, vm0, $0xb8;
	[tilespmem:$0xCC00] =	vst v63  }
0x10d: {  	s31 =	simm.s32 $0xB400  }
0x10e: {  	[hbm4b:s12+s2] =	stream.indirect_vreg.scatter [tilespmem:s31], [sflag:$0x1], $0x80, v3, vm0, $0xb8;
	[tilespmem:$0xCC00] =	vst v63  }
0x10f: {  	s26 =	simm.s32 $0xBC00  }
0x110: {  	[hbm4b:s13+s2] =	stream.indirect_vreg.scatter [tilespmem:s26], [sflag:$0x1], $0x80, v3, vm0, $0xb8;
	[tilespmem:$0xCC00] =	vst v63  }
0x111: {  	s21 =	simm.s32 $0xC400  }
0x112: {  	[hbm4b:s14+s2] =	stream.indirect_vreg.scatter [tilespmem:s21], [sflag:$0x1], $0x80, v3, vm0, $0xb8;
	[tilespmem:$0xCC00] =	vst v63  }
0x113: {  	_ =	swait.ge [sflag:s25], $0xC000  }
0x114: {  	[sflag:s25] =	ssyncset.done $0x0  }
0x115: {  	s26 =	rddreg [dreg:$0x7];
	[sflag:s25] =	ssyncadd.s32 $0xFFFF4000  }
0x116: {  	[tilespmem:s29], [sflag:$0x2] =	stream.linear.gather [hbm4b:s26+s2], $0xC000, $0x38;
	[tilespmem:$0xCC00] =	vst v63  }
0x117: {  	_ =	swait.ge [sflag:s16], $0xC000  }
0x118: {  	[sflag:s16] =	ssyncset.done $0x0  }
0x119: {  	[sflag:s16] =	ssyncadd.s32 $0xFFFF4000  }
0x11a: {  	v3 =	vld [tilespmem:$0x200];
	_ =	sdelay $0x4  }
0x11b: {  	v51 =	vshrl.u32 v3, $0x3  }
0x11c: {  	v4 =	vmul.u32 $0xC0, v51  }
0x11d: {  	v3 =	vand.u32 $0x7, v3  }
0x11e: {  	v3 =	vor.u32 v3, v4  }
0x11f: {  	v4 =	vperm.xlane v3, v0;
	_ =	sdelay $0x1  }
0x120: {  	v4 =	vadd.s32 v1, v4;
	_ =	sdelay $0x4  }
0x121: {  	[hbm4b:s3+s2] =	stream.indirect_vreg.scatter [tilespmem:s29], [sflag:$0x1], $0x80, v4, vm0, $0xb8;
	[tilespmem:$0xCC00] =	vst v63  }
0x122: {  	s26 =	simm.s32 $0x1400  }
0x123: {  	[hbm4b:s4+s2] =	stream.indirect_vreg.scatter [tilespmem:s26], [sflag:$0x1], $0x80, v4, vm0, $0xb8;
	[tilespmem:$0xCC00] =	vst v63  }
0x124: {  	s26 =	simm.s32 $0x1C00  }
0x125: {  	[hbm4b:s5+s2] =	stream.indirect_vreg.scatter [tilespmem:s26], [sflag:$0x1], $0x80, v4, vm0, $0xb8;
	[tilespmem:$0xCC00] =	vst v63  }
0x126: {  	s26 =	simm.s32 $0x2400  }
0x127: {  	[hbm4b:s6+s2] =	stream.indirect_vreg.scatter [tilespmem:s26], [sflag:$0x1], $0x80, v4, vm0, $0xb8;
	[tilespmem:$0xCC00] =	vst v63  }
0x128: {  	s26 =	simm.s32 $0x2C00  }
0x129: {  	[hbm4b:s7+s2] =	stream.indirect_vreg.scatter [tilespmem:s26], [sflag:$0x1], $0x80, v4, vm0, $0xb8;
	[tilespmem:$0xCC00] =	vst v63  }
0x12a: {  	s26 =	simm.s32 $0x3400  }
0x12b: {  	[hbm4b:s8+s2] =	stream.indirect_vreg.scatter [tilespmem:s26], [sflag:$0x1], $0x80, v4, vm0, $0xb8;
	[tilespmem:$0xCC00] =	vst v63  }
0x12c: {  	s0 =	simm.s32 $0x3C00  }
0x12d: {  	[hbm4b:s9+s2] =	stream.indirect_vreg.scatter [tilespmem:s0], [sflag:$0x1], $0x80, v4, vm0, $0xb8;
	[tilespmem:$0xCC00] =	vst v63  }
0x12e: {  	s1 =	simm.s32 $0x4400  }
0x12f: {  	[hbm4b:s10+s2] =	stream.indirect_vreg.scatter [tilespmem:s1], [sflag:$0x1], $0x80, v4, vm0, $0xb8;
	[tilespmem:$0xCC00] =	vst v63  }
0x130: {  	s26 =	simm.s32 $0x4C00  }
0x131: {  	[hbm4b:s11+s2] =	stream.indirect_vreg.scatter [tilespmem:s26], [sflag:$0x1], $0x80, v4, vm0, $0xb8;
	[tilespmem:$0xCC00] =	vst v63  }
0x132: {  	v3 =	vperm.xlane v3, v2;
	s26 =	simm.s32 $0x5400  }
0x133: {  	[hbm4b:s12+s2] =	stream.indirect_vreg.scatter [tilespmem:s26], [sflag:$0x1], $0x80, v4, vm0, $0xb8;
	[tilespmem:$0xCC00] =	vst v63  }
0x134: {  	s15 =	simm.s32 $0x5C00;
	v3 =	vadd.s32 v1, v3  }
0x135: {  	[hbm4b:s13+s2] =	stream.indirect_vreg.scatter [tilespmem:s15], [sflag:$0x1], $0x80, v4, vm0, $0xb8;
	[tilespmem:$0xCC00] =	vst v63  }
0x136: {  	s17 =	simm.s32 $0x6400  }
0x137: {  	[hbm4b:s14+s2] =	stream.indirect_vreg.scatter [tilespmem:s17], [sflag:$0x1], $0x80, v4, vm0, $0xb8;
	[tilespmem:$0xCC00] =	vst v63  }
0x138: {  	s18 =	simm.s32 $0x6C00  }
0x139: {  	[hbm4b:s3+s2] =	stream.indirect_vreg.scatter [tilespmem:s18], [sflag:$0x1], $0x80, v3, vm0, $0xb8;
	[tilespmem:$0xCC00] =	vst v63  }
0x13a: {  	s19 =	simm.s32 $0x7400  }
0x13b: {  	[hbm4b:s4+s2] =	stream.indirect_vreg.scatter [tilespmem:s19], [sflag:$0x1], $0x80, v3, vm0, $0xb8;
	[tilespmem:$0xCC00] =	vst v63  }
0x13c: {  	s26 =	simm.s32 $0x7C00  }
0x13d: {  	[hbm4b:s5+s2] =	stream.indirect_vreg.scatter [tilespmem:s26], [sflag:$0x1], $0x80, v3, vm0, $0xb8;
	[tilespmem:$0xCC00] =	vst v63  }
0x13e: {  	s20 =	simm.s32 $0x8400  }
0x13f: {  	[hbm4b:s6+s2] =	stream.indirect_vreg.scatter [tilespmem:s20], [sflag:$0x1], $0x80, v3, vm0, $0xb8;
	[tilespmem:$0xCC00] =	vst v63  }
0x140: {  	s22 =	simm.s32 $0x8C00  }
0x141: {  	[hbm4b:s7+s2] =	stream.indirect_vreg.scatter [tilespmem:s22], [sflag:$0x1], $0x80, v3, vm0, $0xb8;
	[tilespmem:$0xCC00] =	vst v63  }
0x142: {  	s23 =	simm.s32 $0x9400  }
0x143: {  	[hbm4b:s8+s2] =	stream.indirect_vreg.scatter [tilespmem:s23], [sflag:$0x1], $0x80, v3, vm0, $0xb8;
	[tilespmem:$0xCC00] =	vst v63  }
0x144: {  	s24 =	simm.s32 $0x9C00  }
0x145: {  	[hbm4b:s9+s2] =	stream.indirect_vreg.scatter [tilespmem:s24], [sflag:$0x1], $0x80, v3, vm0, $0xb8;
	[tilespmem:$0xCC00] =	vst v63  }
0x146: {  	s28 =	simm.s32 $0xA400  }
0x147: {  	[hbm4b:s10+s2] =	stream.indirect_vreg.scatter [tilespmem:s28], [sflag:$0x1], $0x80, v3, vm0, $0xb8;
	[tilespmem:$0xCC00] =	vst v63  }
0x148: {  	s30 =	simm.s32 $0xAC00  }
0x149: {  	[hbm4b:s11+s2] =	stream.indirect_vreg.scatter [tilespmem:s30], [sflag:$0x1], $0x80, v3, vm0, $0xb8;
	[tilespmem:$0xCC00] =	vst v63  }
0x14a: {  	s31 =	simm.s32 $0xB400  }
0x14b: {  	[hbm4b:s12+s2] =	stream.indirect_vreg.scatter [tilespmem:s31], [sflag:$0x1], $0x80, v3, vm0, $0xb8;
	[tilespmem:$0xCC00] =	vst v63  }
0x14c: {  	s26 =	simm.s32 $0xBC00  }
0x14d: {  	[hbm4b:s13+s2] =	stream.indirect_vreg.scatter [tilespmem:s26], [sflag:$0x1], $0x80, v3, vm0, $0xb8;
	[tilespmem:$0xCC00] =	vst v63  }
0x14e: {  	s21 =	simm.s32 $0xC400  }
0x14f: {  	[hbm4b:s14+s2] =	stream.indirect_vreg.scatter [tilespmem:s21], [sflag:$0x1], $0x80, v3, vm0, $0xb8;
	[tilespmem:$0xCC00] =	vst v63  }
0x150: {  	_ =	swait.ge [sflag:s25], $0xC000  }
0x151: {  	[sflag:s25] =	ssyncset.done $0x0  }
0x152: {  	s26 =	rddreg [dreg:$0x8];
	[sflag:s25] =	ssyncadd.s32 $0xFFFF4000  }
0x153: {  	[tilespmem:s29], [sflag:$0x2] =	stream.linear.gather [hbm4b:s26+s2], $0xC000, $0x38;
	[tilespmem:$0xCC00] =	vst v63  }
0x154: {  	_ =	swait.ge [sflag:s16], $0xC000  }
0x155: {  	[sflag:s16] =	ssyncset.done $0x0  }
0x156: {  	[sflag:s16] =	ssyncadd.s32 $0xFFFF4000  }
0x157: {  	v3 =	vld [tilespmem:$0x280];
	_ =	sdelay $0x4  }
0x158: {  	v52 =	vshrl.u32 v3, $0x3  }
0x159: {  	v4 =	vmul.u32 $0xC0, v52  }
0x15a: {  	v3 =	vand.u32 $0x7, v3  }
0x15b: {  	v3 =	vor.u32 v3, v4  }
0x15c: {  	v4 =	vperm.xlane v3, v0;
	_ =	sdelay $0x1  }
0x15d: {  	v4 =	vadd.s32 v1, v4;
	_ =	sdelay $0x4  }
0x15e: {  	[hbm4b:s3+s2] =	stream.indirect_vreg.scatter [tilespmem:s29], [sflag:$0x1], $0x80, v4, vm0, $0xb8;
	[tilespmem:$0xCC00] =	vst v63  }
0x15f: {  	s26 =	simm.s32 $0x1400  }
0x160: {  	[hbm4b:s4+s2] =	stream.indirect_vreg.scatter [tilespmem:s26], [sflag:$0x1], $0x80, v4, vm0, $0xb8;
	[tilespmem:$0xCC00] =	vst v63  }
0x161: {  	s26 =	simm.s32 $0x1C00  }
0x162: {  	[hbm4b:s5+s2] =	stream.indirect_vreg.scatter [tilespmem:s26], [sflag:$0x1], $0x80, v4, vm0, $0xb8;
	[tilespmem:$0xCC00] =	vst v63  }
0x163: {  	s26 =	simm.s32 $0x2400  }
0x164: {  	[hbm4b:s6+s2] =	stream.indirect_vreg.scatter [tilespmem:s26], [sflag:$0x1], $0x80, v4, vm0, $0xb8;
	[tilespmem:$0xCC00] =	vst v63  }
0x165: {  	s26 =	simm.s32 $0x2C00  }
0x166: {  	[hbm4b:s7+s2] =	stream.indirect_vreg.scatter [tilespmem:s26], [sflag:$0x1], $0x80, v4, vm0, $0xb8;
	[tilespmem:$0xCC00] =	vst v63  }
0x167: {  	s26 =	simm.s32 $0x3400  }
0x168: {  	[hbm4b:s8+s2] =	stream.indirect_vreg.scatter [tilespmem:s26], [sflag:$0x1], $0x80, v4, vm0, $0xb8;
	[tilespmem:$0xCC00] =	vst v63  }
0x169: {  	s0 =	simm.s32 $0x3C00  }
0x16a: {  	[hbm4b:s9+s2] =	stream.indirect_vreg.scatter [tilespmem:s0], [sflag:$0x1], $0x80, v4, vm0, $0xb8;
	[tilespmem:$0xCC00] =	vst v63  }
0x16b: {  	s1 =	simm.s32 $0x4400  }
0x16c: {  	[hbm4b:s10+s2] =	stream.indirect_vreg.scatter [tilespmem:s1], [sflag:$0x1], $0x80, v4, vm0, $0xb8;
	[tilespmem:$0xCC00] =	vst v63  }
0x16d: {  	s26 =	simm.s32 $0x4C00  }
0x16e: {  	[hbm4b:s11+s2] =	stream.indirect_vreg.scatter [tilespmem:s26], [sflag:$0x1], $0x80, v4, vm0, $0xb8;
	[tilespmem:$0xCC00] =	vst v63  }
0x16f: {  	v3 =	vperm.xlane v3, v2;
	s26 =	simm.s32 $0x5400  }
0x170: {  	[hbm4b:s12+s2] =	stream.indirect_vreg.scatter [tilespmem:s26], [sflag:$0x1], $0x80, v4, vm0, $0xb8;
	[tilespmem:$0xCC00] =	vst v63  }
0x171: {  	s15 =	simm.s32 $0x5C00;
	v3 =	vadd.s32 v1, v3  }
0x172: {  	[hbm4b:s13+s2] =	stream.indirect_vreg.scatter [tilespmem:s15], [sflag:$0x1], $0x80, v4, vm0, $0xb8;
	[tilespmem:$0xCC00] =	vst v63  }
0x173: {  	s17 =	simm.s32 $0x6400  }
0x174: {  	[hbm4b:s14+s2] =	stream.indirect_vreg.scatter [tilespmem:s17], [sflag:$0x1], $0x80, v4, vm0, $0xb8;
	[tilespmem:$0xCC00] =	vst v63  }
0x175: {  	s18 =	simm.s32 $0x6C00  }
0x176: {  	[hbm4b:s3+s2] =	stream.indirect_vreg.scatter [tilespmem:s18], [sflag:$0x1], $0x80, v3, vm0, $0xb8;
	[tilespmem:$0xCC00] =	vst v63  }
0x177: {  	s19 =	simm.s32 $0x7400  }
0x178: {  	[hbm4b:s4+s2] =	stream.indirect_vreg.scatter [tilespmem:s19], [sflag:$0x1], $0x80, v3, vm0, $0xb8;
	[tilespmem:$0xCC00] =	vst v63  }
0x179: {  	s26 =	simm.s32 $0x7C00  }
0x17a: {  	[hbm4b:s5+s2] =	stream.indirect_vreg.scatter [tilespmem:s26], [sflag:$0x1], $0x80, v3, vm0, $0xb8;
	[tilespmem:$0xCC00] =	vst v63  }
0x17b: {  	s20 =	simm.s32 $0x8400  }
0x17c: {  	[hbm4b:s6+s2] =	stream.indirect_vreg.scatter [tilespmem:s20], [sflag:$0x1], $0x80, v3, vm0, $0xb8;
	[tilespmem:$0xCC00] =	vst v63  }
0x17d: {  	s22 =	simm.s32 $0x8C00  }
0x17e: {  	[hbm4b:s7+s2] =	stream.indirect_vreg.scatter [tilespmem:s22], [sflag:$0x1], $0x80, v3, vm0, $0xb8;
	[tilespmem:$0xCC00] =	vst v63  }
0x17f: {  	s23 =	simm.s32 $0x9400  }
0x180: {  	[hbm4b:s8+s2] =	stream.indirect_vreg.scatter [tilespmem:s23], [sflag:$0x1], $0x80, v3, vm0, $0xb8;
	[tilespmem:$0xCC00] =	vst v63  }
0x181: {  	s24 =	simm.s32 $0x9C00  }
0x182: {  	[hbm4b:s9+s2] =	stream.indirect_vreg.scatter [tilespmem:s24], [sflag:$0x1], $0x80, v3, vm0, $0xb8;
	[tilespmem:$0xCC00] =	vst v63  }
0x183: {  	s28 =	simm.s32 $0xA400  }
0x184: {  	[hbm4b:s10+s2] =	stream.indirect_vreg.scatter [tilespmem:s28], [sflag:$0x1], $0x80, v3, vm0, $0xb8;
	[tilespmem:$0xCC00] =	vst v63  }
0x185: {  	s30 =	simm.s32 $0xAC00  }
0x186: {  	[hbm4b:s11+s2] =	stream.indirect_vreg.scatter [tilespmem:s30], [sflag:$0x1], $0x80, v3, vm0, $0xb8;
	[tilespmem:$0xCC00] =	vst v63  }
0x187: {  	s31 =	simm.s32 $0xB400  }
0x188: {  	[hbm4b:s12+s2] =	stream.indirect_vreg.scatter [tilespmem:s31], [sflag:$0x1], $0x80, v3, vm0, $0xb8;
	[tilespmem:$0xCC00] =	vst v63  }
0x189: {  	s26 =	simm.s32 $0xBC00  }
0x18a: {  	[hbm4b:s13+s2] =	stream.indirect_vreg.scatter [tilespmem:s26], [sflag:$0x1], $0x80, v3, vm0, $0xb8;
	[tilespmem:$0xCC00] =	vst v63  }
0x18b: {  	s21 =	simm.s32 $0xC400  }
0x18c: {  	[hbm4b:s14+s2] =	stream.indirect_vreg.scatter [tilespmem:s21], [sflag:$0x1], $0x80, v3, vm0, $0xb8;
	[tilespmem:$0xCC00] =	vst v63  }
0x18d: {  	_ =	swait.ge [sflag:s25], $0xC000  }
0x18e: {  	[sflag:s25] =	ssyncset.done $0x0  }
0x18f: {  	s26 =	rddreg [dreg:$0x9];
	[sflag:s25] =	ssyncadd.s32 $0xFFFF4000  }
0x190: {  	[tilespmem:s29], [sflag:$0x2] =	stream.linear.gather [hbm4b:s26+s2], $0xC000, $0x38;
	[tilespmem:$0xCC00] =	vst v63  }
0x191: {  	_ =	swait.ge [sflag:s16], $0xC000  }
0x192: {  	[sflag:s16] =	ssyncset.done $0x0  }
0x193: {  	[sflag:s16] =	ssyncadd.s32 $0xFFFF4000  }
0x194: {  	v3 =	vld [tilespmem:$0x300];
	_ =	sdelay $0x4  }
0x195: {  	v53 =	vshrl.u32 v3, $0x3  }
0x196: {  	v4 =	vmul.u32 $0xC0, v53  }
0x197: {  	v3 =	vand.u32 $0x7, v3  }
0x198: {  	v3 =	vor.u32 v3, v4  }
0x199: {  	v4 =	vperm.xlane v3, v0;
	_ =	sdelay $0x1  }
0x19a: {  	v4 =	vadd.s32 v1, v4;
	_ =	sdelay $0x4  }
0x19b: {  	[hbm4b:s3+s2] =	stream.indirect_vreg.scatter [tilespmem:s29], [sflag:$0x1], $0x80, v4, vm0, $0xb8;
	[tilespmem:$0xCC00] =	vst v63  }
0x19c: {  	s26 =	simm.s32 $0x1400  }
0x19d: {  	[hbm4b:s4+s2] =	stream.indirect_vreg.scatter [tilespmem:s26], [sflag:$0x1], $0x80, v4, vm0, $0xb8;
	[tilespmem:$0xCC00] =	vst v63  }
0x19e: {  	s26 =	simm.s32 $0x1C00  }
0x19f: {  	[hbm4b:s5+s2] =	stream.indirect_vreg.scatter [tilespmem:s26], [sflag:$0x1], $0x80, v4, vm0, $0xb8;
	[tilespmem:$0xCC00] =	vst v63  }
0x1a0: {  	s26 =	simm.s32 $0x2400  }
0x1a1: {  	[hbm4b:s6+s2] =	stream.indirect_vreg.scatter [tilespmem:s26], [sflag:$0x1], $0x80, v4, vm0, $0xb8;
	[tilespmem:$0xCC00] =	vst v63  }
0x1a2: {  	s26 =	simm.s32 $0x2C00  }
0x1a3: {  	[hbm4b:s7+s2] =	stream.indirect_vreg.scatter [tilespmem:s26], [sflag:$0x1], $0x80, v4, vm0, $0xb8;
	[tilespmem:$0xCC00] =	vst v63  }
0x1a4: {  	s26 =	simm.s32 $0x3400  }
0x1a5: {  	[hbm4b:s8+s2] =	stream.indirect_vreg.scatter [tilespmem:s26], [sflag:$0x1], $0x80, v4, vm0, $0xb8;
	[tilespmem:$0xCC00] =	vst v63  }
0x1a6: {  	s0 =	simm.s32 $0x3C00  }
0x1a7: {  	[hbm4b:s9+s2] =	stream.indirect_vreg.scatter [tilespmem:s0], [sflag:$0x1], $0x80, v4, vm0, $0xb8;
	[tilespmem:$0xCC00] =	vst v63  }
0x1a8: {  	s1 =	simm.s32 $0x4400  }
0x1a9: {  	[hbm4b:s10+s2] =	stream.indirect_vreg.scatter [tilespmem:s1], [sflag:$0x1], $0x80, v4, vm0, $0xb8;
	[tilespmem:$0xCC00] =	vst v63  }
0x1aa: {  	s26 =	simm.s32 $0x4C00  }
0x1ab: {  	[hbm4b:s11+s2] =	stream.indirect_vreg.scatter [tilespmem:s26], [sflag:$0x1], $0x80, v4, vm0, $0xb8;
	[tilespmem:$0xCC00] =	vst v63  }
0x1ac: {  	v3 =	vperm.xlane v3, v2;
	s26 =	simm.s32 $0x5400  }
0x1ad: {  	[hbm4b:s12+s2] =	stream.indirect_vreg.scatter [tilespmem:s26], [sflag:$0x1], $0x80, v4, vm0, $0xb8;
	[tilespmem:$0xCC00] =	vst v63  }
0x1ae: {  	s15 =	simm.s32 $0x5C00;
	v3 =	vadd.s32 v1, v3  }
0x1af: {  	[hbm4b:s13+s2] =	stream.indirect_vreg.scatter [tilespmem:s15], [sflag:$0x1], $0x80, v4, vm0, $0xb8;
	[tilespmem:$0xCC00] =	vst v63  }
0x1b0: {  	s17 =	simm.s32 $0x6400  }
0x1b1: {  	[hbm4b:s14+s2] =	stream.indirect_vreg.scatter [tilespmem:s17], [sflag:$0x1], $0x80, v4, vm0, $0xb8;
	[tilespmem:$0xCC00] =	vst v63  }
0x1b2: {  	s18 =	simm.s32 $0x6C00  }
0x1b3: {  	[hbm4b:s3+s2] =	stream.indirect_vreg.scatter [tilespmem:s18], [sflag:$0x1], $0x80, v3, vm0, $0xb8;
	[tilespmem:$0xCC00] =	vst v63  }
0x1b4: {  	s19 =	simm.s32 $0x7400  }
0x1b5: {  	[hbm4b:s4+s2] =	stream.indirect_vreg.scatter [tilespmem:s19], [sflag:$0x1], $0x80, v3, vm0, $0xb8;
	[tilespmem:$0xCC00] =	vst v63  }
0x1b6: {  	s26 =	simm.s32 $0x7C00  }
0x1b7: {  	[hbm4b:s5+s2] =	stream.indirect_vreg.scatter [tilespmem:s26], [sflag:$0x1], $0x80, v3, vm0, $0xb8;
	[tilespmem:$0xCC00] =	vst v63  }
0x1b8: {  	s20 =	simm.s32 $0x8400  }
0x1b9: {  	[hbm4b:s6+s2] =	stream.indirect_vreg.scatter [tilespmem:s20], [sflag:$0x1], $0x80, v3, vm0, $0xb8;
	[tilespmem:$0xCC00] =	vst v63  }
0x1ba: {  	s22 =	simm.s32 $0x8C00  }
0x1bb: {  	[hbm4b:s7+s2] =	stream.indirect_vreg.scatter [tilespmem:s22], [sflag:$0x1], $0x80, v3, vm0, $0xb8;
	[tilespmem:$0xCC00] =	vst v63  }
0x1bc: {  	s23 =	simm.s32 $0x9400  }
0x1bd: {  	[hbm4b:s8+s2] =	stream.indirect_vreg.scatter [tilespmem:s23], [sflag:$0x1], $0x80, v3, vm0, $0xb8;
	[tilespmem:$0xCC00] =	vst v63  }
0x1be: {  	s24 =	simm.s32 $0x9C00  }
0x1bf: {  	[hbm4b:s9+s2] =	stream.indirect_vreg.scatter [tilespmem:s24], [sflag:$0x1], $0x80, v3, vm0, $0xb8;
	[tilespmem:$0xCC00] =	vst v63  }
0x1c0: {  	s28 =	simm.s32 $0xA400  }
0x1c1: {  	[hbm4b:s10+s2] =	stream.indirect_vreg.scatter [tilespmem:s28], [sflag:$0x1], $0x80, v3, vm0, $0xb8;
	[tilespmem:$0xCC00] =	vst v63  }
0x1c2: {  	s30 =	simm.s32 $0xAC00  }
0x1c3: {  	[hbm4b:s11+s2] =	stream.indirect_vreg.scatter [tilespmem:s30], [sflag:$0x1], $0x80, v3, vm0, $0xb8;
	[tilespmem:$0xCC00] =	vst v63  }
0x1c4: {  	s31 =	simm.s32 $0xB400  }
0x1c5: {  	[hbm4b:s12+s2] =	stream.indirect_vreg.scatter [tilespmem:s31], [sflag:$0x1], $0x80, v3, vm0, $0xb8;
	[tilespmem:$0xCC00] =	vst v63  }
0x1c6: {  	s26 =	simm.s32 $0xBC00  }
0x1c7: {  	[hbm4b:s13+s2] =	stream.indirect_vreg.scatter [tilespmem:s26], [sflag:$0x1], $0x80, v3, vm0, $0xb8;
	[tilespmem:$0xCC00] =	vst v63  }
0x1c8: {  	s21 =	simm.s32 $0xC400  }
0x1c9: {  	[hbm4b:s14+s2] =	stream.indirect_vreg.scatter [tilespmem:s21], [sflag:$0x1], $0x80, v3, vm0, $0xb8;
	[tilespmem:$0xCC00] =	vst v63  }
0x1ca: {  	_ =	swait.ge [sflag:s25], $0xC000  }
0x1cb: {  	[sflag:s25] =	ssyncset.done $0x0  }
0x1cc: {  	s26 =	rddreg [dreg:$0xa];
	[sflag:s25] =	ssyncadd.s32 $0xFFFF4000  }
0x1cd: {  	[tilespmem:s29], [sflag:$0x2] =	stream.linear.gather [hbm4b:s26+s2], $0xC000, $0x38;
	[tilespmem:$0xCC00] =	vst v63  }
0x1ce: {  	_ =	swait.ge [sflag:s16], $0xC000  }
0x1cf: {  	[sflag:s16] =	ssyncset.done $0x0  }
0x1d0: {  	[sflag:s16] =	ssyncadd.s32 $0xFFFF4000  }
0x1d1: {  	v3 =	vld [tilespmem:$0x380];
	_ =	sdelay $0x4  }
0x1d2: {  	v54 =	vshrl.u32 v3, $0x3  }
0x1d3: {  	v4 =	vmul.u32 $0xC0, v54  }
0x1d4: {  	v3 =	vand.u32 $0x7, v3  }
0x1d5: {  	v3 =	vor.u32 v3, v4  }
0x1d6: {  	v4 =	vperm.xlane v3, v0;
	_ =	sdelay $0x1  }
0x1d7: {  	v4 =	vadd.s32 v1, v4;
	_ =	sdelay $0x4  }
0x1d8: {  	[hbm4b:s3+s2] =	stream.indirect_vreg.scatter [tilespmem:s29], [sflag:$0x1], $0x80, v4, vm0, $0xb8;
	[tilespmem:$0xCC00] =	vst v63  }
0x1d9: {  	s26 =	simm.s32 $0x1400  }
0x1da: {  	[hbm4b:s4+s2] =	stream.indirect_vreg.scatter [tilespmem:s26], [sflag:$0x1], $0x80, v4, vm0, $0xb8;
	[tilespmem:$0xCC00] =	vst v63  }
0x1db: {  	s26 =	simm.s32 $0x1C00  }
0x1dc: {  	[hbm4b:s5+s2] =	stream.indirect_vreg.scatter [tilespmem:s26], [sflag:$0x1], $0x80, v4, vm0, $0xb8;
	[tilespmem:$0xCC00] =	vst v63  }
0x1dd: {  	s26 =	simm.s32 $0x2400  }
0x1de: {  	[hbm4b:s6+s2] =	stream.indirect_vreg.scatter [tilespmem:s26], [sflag:$0x1], $0x80, v4, vm0, $0xb8;
	[tilespmem:$0xCC00] =	vst v63  }
0x1df: {  	s26 =	simm.s32 $0x2C00  }
0x1e0: {  	[hbm4b:s7+s2] =	stream.indirect_vreg.scatter [tilespmem:s26], [sflag:$0x1], $0x80, v4, vm0, $0xb8;
	[tilespmem:$0xCC00] =	vst v63  }
0x1e1: {  	s26 =	simm.s32 $0x3400  }
0x1e2: {  	[hbm4b:s8+s2] =	stream.indirect_vreg.scatter [tilespmem:s26], [sflag:$0x1], $0x80, v4, vm0, $0xb8;
	[tilespmem:$0xCC00] =	vst v63  }
0x1e3: {  	s0 =	simm.s32 $0x3C00  }
0x1e4: {  	[hbm4b:s9+s2] =	stream.indirect_vreg.scatter [tilespmem:s0], [sflag:$0x1], $0x80, v4, vm0, $0xb8;
	[tilespmem:$0xCC00] =	vst v63  }
0x1e5: {  	s1 =	simm.s32 $0x4400  }
0x1e6: {  	[hbm4b:s10+s2] =	stream.indirect_vreg.scatter [tilespmem:s1], [sflag:$0x1], $0x80, v4, vm0, $0xb8;
	[tilespmem:$0xCC00] =	vst v63  }
0x1e7: {  	s26 =	simm.s32 $0x4C00  }
0x1e8: {  	[hbm4b:s11+s2] =	stream.indirect_vreg.scatter [tilespmem:s26], [sflag:$0x1], $0x80, v4, vm0, $0xb8;
	[tilespmem:$0xCC00] =	vst v63  }
0x1e9: {  	v3 =	vperm.xlane v3, v2;
	s26 =	simm.s32 $0x5400  }
0x1ea: {  	[hbm4b:s12+s2] =	stream.indirect_vreg.scatter [tilespmem:s26], [sflag:$0x1], $0x80, v4, vm0, $0xb8;
	[tilespmem:$0xCC00] =	vst v63  }
0x1eb: {  	s15 =	simm.s32 $0x5C00;
	v3 =	vadd.s32 v1, v3  }
0x1ec: {  	[hbm4b:s13+s2] =	stream.indirect_vreg.scatter [tilespmem:s15], [sflag:$0x1], $0x80, v4, vm0, $0xb8;
	[tilespmem:$0xCC00] =	vst v63  }
0x1ed: {  	s17 =	simm.s32 $0x6400  }
0x1ee: {  	[hbm4b:s14+s2] =	stream.indirect_vreg.scatter [tilespmem:s17], [sflag:$0x1], $0x80, v4, vm0, $0xb8;
	[tilespmem:$0xCC00] =	vst v63  }
0x1ef: {  	s18 =	simm.s32 $0x6C00  }
0x1f0: {  	[hbm4b:s3+s2] =	stream.indirect_vreg.scatter [tilespmem:s18], [sflag:$0x1], $0x80, v3, vm0, $0xb8;
	[tilespmem:$0xCC00] =	vst v63  }
0x1f1: {  	s19 =	simm.s32 $0x7400  }
0x1f2: {  	[hbm4b:s4+s2] =	stream.indirect_vreg.scatter [tilespmem:s19], [sflag:$0x1], $0x80, v3, vm0, $0xb8;
	[tilespmem:$0xCC00] =	vst v63  }
0x1f3: {  	s26 =	simm.s32 $0x7C00  }
0x1f4: {  	[hbm4b:s5+s2] =	stream.indirect_vreg.scatter [tilespmem:s26], [sflag:$0x1], $0x80, v3, vm0, $0xb8;
	[tilespmem:$0xCC00] =	vst v63  }
0x1f5: {  	s20 =	simm.s32 $0x8400  }
0x1f6: {  	[hbm4b:s6+s2] =	stream.indirect_vreg.scatter [tilespmem:s20], [sflag:$0x1], $0x80, v3, vm0, $0xb8;
	[tilespmem:$0xCC00] =	vst v63  }
0x1f7: {  	s22 =	simm.s32 $0x8C00  }
0x1f8: {  	[hbm4b:s7+s2] =	stream.indirect_vreg.scatter [tilespmem:s22], [sflag:$0x1], $0x80, v3, vm0, $0xb8;
	[tilespmem:$0xCC00] =	vst v63  }
0x1f9: {  	s23 =	simm.s32 $0x9400  }
0x1fa: {  	[hbm4b:s8+s2] =	stream.indirect_vreg.scatter [tilespmem:s23], [sflag:$0x1], $0x80, v3, vm0, $0xb8;
	[tilespmem:$0xCC00] =	vst v63  }
0x1fb: {  	s24 =	simm.s32 $0x9C00  }
0x1fc: {  	[hbm4b:s9+s2] =	stream.indirect_vreg.scatter [tilespmem:s24], [sflag:$0x1], $0x80, v3, vm0, $0xb8;
	[tilespmem:$0xCC00] =	vst v63  }
0x1fd: {  	s28 =	simm.s32 $0xA400  }
0x1fe: {  	[hbm4b:s10+s2] =	stream.indirect_vreg.scatter [tilespmem:s28], [sflag:$0x1], $0x80, v3, vm0, $0xb8;
	[tilespmem:$0xCC00] =	vst v63  }
0x1ff: {  	s30 =	simm.s32 $0xAC00  }
0x200: {  	[hbm4b:s11+s2] =	stream.indirect_vreg.scatter [tilespmem:s30], [sflag:$0x1], $0x80, v3, vm0, $0xb8;
	[tilespmem:$0xCC00] =	vst v63  }
0x201: {  	s31 =	simm.s32 $0xB400  }
0x202: {  	[hbm4b:s12+s2] =	stream.indirect_vreg.scatter [tilespmem:s31], [sflag:$0x1], $0x80, v3, vm0, $0xb8;
	[tilespmem:$0xCC00] =	vst v63  }
0x203: {  	s26 =	simm.s32 $0xBC00  }
0x204: {  	[hbm4b:s13+s2] =	stream.indirect_vreg.scatter [tilespmem:s26], [sflag:$0x1], $0x80, v3, vm0, $0xb8;
	[tilespmem:$0xCC00] =	vst v63  }
0x205: {  	s21 =	simm.s32 $0xC400  }
0x206: {  	[hbm4b:s14+s2] =	stream.indirect_vreg.scatter [tilespmem:s21], [sflag:$0x1], $0x80, v3, vm0, $0xb8;
	[tilespmem:$0xCC00] =	vst v63  }
0x207: {  	_ =	swait.ge [sflag:s25], $0xC000  }
0x208: {  	[sflag:s25] =	ssyncset.done $0x0  }
0x209: {  	s26 =	rddreg [dreg:$0xb];
	[sflag:s25] =	ssyncadd.s32 $0xFFFF4000  }
0x20a: {  	[tilespmem:s29], [sflag:$0x2] =	stream.linear.gather [hbm4b:s26+s2], $0xC000, $0x38;
	[tilespmem:$0xCC00] =	vst v63  }
0x20b: {  	_ =	swait.ge [sflag:s16], $0xC000  }
0x20c: {  	[sflag:s16] =	ssyncset.done $0x0  }
0x20d: {  	[sflag:s16] =	ssyncadd.s32 $0xFFFF4000  }
0x20e: {  	v3 =	vld [tilespmem:$0x400];
	_ =	sdelay $0x4  }
0x20f: {  	v55 =	vshrl.u32 v3, $0x3  }
0x210: {  	v4 =	vmul.u32 $0xC0, v55  }
0x211: {  	v3 =	vand.u32 $0x7, v3  }
0x212: {  	v3 =	vor.u32 v3, v4  }
0x213: {  	v4 =	vperm.xlane v3, v0;
	_ =	sdelay $0x1  }
0x214: {  	v4 =	vadd.s32 v1, v4;
	_ =	sdelay $0x4  }
0x215: {  	[hbm4b:s3+s2] =	stream.indirect_vreg.scatter [tilespmem:s29], [sflag:$0x1], $0x80, v4, vm0, $0xb8;
	[tilespmem:$0xCC00] =	vst v63  }
0x216: {  	s26 =	simm.s32 $0x1400  }
0x217: {  	[hbm4b:s4+s2] =	stream.indirect_vreg.scatter [tilespmem:s26], [sflag:$0x1], $0x80, v4, vm0, $0xb8;
	[tilespmem:$0xCC00] =	vst v63  }
0x218: {  	s26 =	simm.s32 $0x1C00  }
0x219: {  	[hbm4b:s5+s2] =	stream.indirect_vreg.scatter [tilespmem:s26], [sflag:$0x1], $0x80, v4, vm0, $0xb8;
	[tilespmem:$0xCC00] =	vst v63  }
0x21a: {  	s26 =	simm.s32 $0x2400  }
0x21b: {  	[hbm4b:s6+s2] =	stream.indirect_vreg.scatter [tilespmem:s26], [sflag:$0x1], $0x80, v4, vm0, $0xb8;
	[tilespmem:$0xCC00] =	vst v63  }
0x21c: {  	s26 =	simm.s32 $0x2C00  }
0x21d: {  	[hbm4b:s7+s2] =	stream.indirect_vreg.scatter [tilespmem:s26], [sflag:$0x1], $0x80, v4, vm0, $0xb8;
	[tilespmem:$0xCC00] =	vst v63  }
0x21e: {  	s26 =	simm.s32 $0x3400  }
0x21f: {  	[hbm4b:s8+s2] =	stream.indirect_vreg.scatter [tilespmem:s26], [sflag:$0x1], $0x80, v4, vm0, $0xb8;
	[tilespmem:$0xCC00] =	vst v63  }
0x220: {  	s0 =	simm.s32 $0x3C00  }
0x221: {  	[hbm4b:s9+s2] =	stream.indirect_vreg.scatter [tilespmem:s0], [sflag:$0x1], $0x80, v4, vm0, $0xb8;
	[tilespmem:$0xCC00] =	vst v63  }
0x222: {  	s1 =	simm.s32 $0x4400  }
0x223: {  	[hbm4b:s10+s2] =	stream.indirect_vreg.scatter [tilespmem:s1], [sflag:$0x1], $0x80, v4, vm0, $0xb8;
	[tilespmem:$0xCC00] =	vst v63  }
0x224: {  	s26 =	simm.s32 $0x4C00  }
0x225: {  	[hbm4b:s11+s2] =	stream.indirect_vreg.scatter [tilespmem:s26], [sflag:$0x1], $0x80, v4, vm0, $0xb8;
	[tilespmem:$0xCC00] =	vst v63  }
0x226: {  	v3 =	vperm.xlane v3, v2;
	s26 =	simm.s32 $0x5400  }
0x227: {  	[hbm4b:s12+s2] =	stream.indirect_vreg.scatter [tilespmem:s26], [sflag:$0x1], $0x80, v4, vm0, $0xb8;
	[tilespmem:$0xCC00] =	vst v63  }
0x228: {  	s15 =	simm.s32 $0x5C00;
	v3 =	vadd.s32 v1, v3  }
0x229: {  	[hbm4b:s13+s2] =	stream.indirect_vreg.scatter [tilespmem:s15], [sflag:$0x1], $0x80, v4, vm0, $0xb8;
	[tilespmem:$0xCC00] =	vst v63  }
0x22a: {  	s17 =	simm.s32 $0x6400  }
0x22b: {  	[hbm4b:s14+s2] =	stream.indirect_vreg.scatter [tilespmem:s17], [sflag:$0x1], $0x80, v4, vm0, $0xb8;
	[tilespmem:$0xCC00] =	vst v63  }
0x22c: {  	s18 =	simm.s32 $0x6C00  }
0x22d: {  	[hbm4b:s3+s2] =	stream.indirect_vreg.scatter [tilespmem:s18], [sflag:$0x1], $0x80, v3, vm0, $0xb8;
	[tilespmem:$0xCC00] =	vst v63  }
0x22e: {  	s19 =	simm.s32 $0x7400  }
0x22f: {  	[hbm4b:s4+s2] =	stream.indirect_vreg.scatter [tilespmem:s19], [sflag:$0x1], $0x80, v3, vm0, $0xb8;
	[tilespmem:$0xCC00] =	vst v63  }
0x230: {  	s26 =	simm.s32 $0x7C00  }
0x231: {  	[hbm4b:s5+s2] =	stream.indirect_vreg.scatter [tilespmem:s26], [sflag:$0x1], $0x80, v3, vm0, $0xb8;
	[tilespmem:$0xCC00] =	vst v63  }
0x232: {  	s20 =	simm.s32 $0x8400  }
0x233: {  	[hbm4b:s6+s2] =	stream.indirect_vreg.scatter [tilespmem:s20], [sflag:$0x1], $0x80, v3, vm0, $0xb8;
	[tilespmem:$0xCC00] =	vst v63  }
0x234: {  	s22 =	simm.s32 $0x8C00  }
0x235: {  	[hbm4b:s7+s2] =	stream.indirect_vreg.scatter [tilespmem:s22], [sflag:$0x1], $0x80, v3, vm0, $0xb8;
	[tilespmem:$0xCC00] =	vst v63  }
0x236: {  	s23 =	simm.s32 $0x9400  }
0x237: {  	[hbm4b:s8+s2] =	stream.indirect_vreg.scatter [tilespmem:s23], [sflag:$0x1], $0x80, v3, vm0, $0xb8;
	[tilespmem:$0xCC00] =	vst v63  }
0x238: {  	s24 =	simm.s32 $0x9C00  }
0x239: {  	[hbm4b:s9+s2] =	stream.indirect_vreg.scatter [tilespmem:s24], [sflag:$0x1], $0x80, v3, vm0, $0xb8;
	[tilespmem:$0xCC00] =	vst v63  }
0x23a: {  	s28 =	simm.s32 $0xA400  }
0x23b: {  	[hbm4b:s10+s2] =	stream.indirect_vreg.scatter [tilespmem:s28], [sflag:$0x1], $0x80, v3, vm0, $0xb8;
	[tilespmem:$0xCC00] =	vst v63  }
0x23c: {  	s30 =	simm.s32 $0xAC00  }
0x23d: {  	[hbm4b:s11+s2] =	stream.indirect_vreg.scatter [tilespmem:s30], [sflag:$0x1], $0x80, v3, vm0, $0xb8;
	[tilespmem:$0xCC00] =	vst v63  }
0x23e: {  	s31 =	simm.s32 $0xB400  }
0x23f: {  	[hbm4b:s12+s2] =	stream.indirect_vreg.scatter [tilespmem:s31], [sflag:$0x1], $0x80, v3, vm0, $0xb8;
	[tilespmem:$0xCC00] =	vst v63  }
0x240: {  	s26 =	simm.s32 $0xBC00  }
0x241: {  	[hbm4b:s13+s2] =	stream.indirect_vreg.scatter [tilespmem:s26], [sflag:$0x1], $0x80, v3, vm0, $0xb8;
	[tilespmem:$0xCC00] =	vst v63  }
0x242: {  	s21 =	simm.s32 $0xC400  }
0x243: {  	[hbm4b:s14+s2] =	stream.indirect_vreg.scatter [tilespmem:s21], [sflag:$0x1], $0x80, v3, vm0, $0xb8;
	[tilespmem:$0xCC00] =	vst v63  }
0x244: {  	_ =	swait.ge [sflag:s25], $0xC000  }
0x245: {  	[sflag:s25] =	ssyncset.done $0x0  }
0x246: {  	s26 =	rddreg [dreg:$0xc];
	[sflag:s25] =	ssyncadd.s32 $0xFFFF4000  }
0x247: {  	[tilespmem:s29], [sflag:$0x2] =	stream.linear.gather [hbm4b:s26+s2], $0xC000, $0x38;
	[tilespmem:$0xCC00] =	vst v63  }
0x248: {  	_ =	swait.ge [sflag:s16], $0xC000  }
0x249: {  	[sflag:s16] =	ssyncset.done $0x0  }
0x24a: {  	[sflag:s16] =	ssyncadd.s32 $0xFFFF4000  }
0x24b: {  	v3 =	vld [tilespmem:$0x480];
	_ =	sdelay $0x4  }
0x24c: {  	v56 =	vshrl.u32 v3, $0x3  }
0x24d: {  	v4 =	vmul.u32 $0xC0, v56  }
0x24e: {  	v3 =	vand.u32 $0x7, v3  }
0x24f: {  	v3 =	vor.u32 v3, v4  }
0x250: {  	v4 =	vperm.xlane v3, v0;
	_ =	sdelay $0x1  }
0x251: {  	v4 =	vadd.s32 v1, v4;
	_ =	sdelay $0x4  }
0x252: {  	[hbm4b:s3+s2] =	stream.indirect_vreg.scatter [tilespmem:s29], [sflag:$0x1], $0x80, v4, vm0, $0xb8;
	[tilespmem:$0xCC00] =	vst v63  }
0x253: {  	s26 =	simm.s32 $0x1400  }
0x254: {  	[hbm4b:s4+s2] =	stream.indirect_vreg.scatter [tilespmem:s26], [sflag:$0x1], $0x80, v4, vm0, $0xb8;
	[tilespmem:$0xCC00] =	vst v63  }
0x255: {  	s26 =	simm.s32 $0x1C00  }
0x256: {  	[hbm4b:s5+s2] =	stream.indirect_vreg.scatter [tilespmem:s26], [sflag:$0x1], $0x80, v4, vm0, $0xb8;
	[tilespmem:$0xCC00] =	vst v63  }
0x257: {  	s26 =	simm.s32 $0x2400  }
0x258: {  	[hbm4b:s6+s2] =	stream.indirect_vreg.scatter [tilespmem:s26], [sflag:$0x1], $0x80, v4, vm0, $0xb8;
	[tilespmem:$0xCC00] =	vst v63  }
0x259: {  	s26 =	simm.s32 $0x2C00  }
0x25a: {  	[hbm4b:s7+s2] =	stream.indirect_vreg.scatter [tilespmem:s26], [sflag:$0x1], $0x80, v4, vm0, $0xb8;
	[tilespmem:$0xCC00] =	vst v63  }
0x25b: {  	s26 =	simm.s32 $0x3400  }
0x25c: {  	[hbm4b:s8+s2] =	stream.indirect_vreg.scatter [tilespmem:s26], [sflag:$0x1], $0x80, v4, vm0, $0xb8;
	[tilespmem:$0xCC00] =	vst v63  }
0x25d: {  	s0 =	simm.s32 $0x3C00  }
0x25e: {  	[hbm4b:s9+s2] =	stream.indirect_vreg.scatter [tilespmem:s0], [sflag:$0x1], $0x80, v4, vm0, $0xb8;
	[tilespmem:$0xCC00] =	vst v63  }
0x25f: {  	s1 =	simm.s32 $0x4400  }
0x260: {  	[hbm4b:s10+s2] =	stream.indirect_vreg.scatter [tilespmem:s1], [sflag:$0x1], $0x80, v4, vm0, $0xb8;
	[tilespmem:$0xCC00] =	vst v63  }
0x261: {  	s26 =	simm.s32 $0x4C00  }
0x262: {  	[hbm4b:s11+s2] =	stream.indirect_vreg.scatter [tilespmem:s26], [sflag:$0x1], $0x80, v4, vm0, $0xb8;
	[tilespmem:$0xCC00] =	vst v63  }
0x263: {  	v3 =	vperm.xlane v3, v2;
	s26 =	simm.s32 $0x5400  }
0x264: {  	[hbm4b:s12+s2] =	stream.indirect_vreg.scatter [tilespmem:s26], [sflag:$0x1], $0x80, v4, vm0, $0xb8;
	[tilespmem:$0xCC00] =	vst v63  }
0x265: {  	s15 =	simm.s32 $0x5C00;
	v3 =	vadd.s32 v1, v3  }
0x266: {  	[hbm4b:s13+s2] =	stream.indirect_vreg.scatter [tilespmem:s15], [sflag:$0x1], $0x80, v4, vm0, $0xb8;
	[tilespmem:$0xCC00] =	vst v63  }
0x267: {  	s17 =	simm.s32 $0x6400  }
0x268: {  	[hbm4b:s14+s2] =	stream.indirect_vreg.scatter [tilespmem:s17], [sflag:$0x1], $0x80, v4, vm0, $0xb8;
	[tilespmem:$0xCC00] =	vst v63  }
0x269: {  	s18 =	simm.s32 $0x6C00  }
0x26a: {  	[hbm4b:s3+s2] =	stream.indirect_vreg.scatter [tilespmem:s18], [sflag:$0x1], $0x80, v3, vm0, $0xb8;
	[tilespmem:$0xCC00] =	vst v63  }
0x26b: {  	s19 =	simm.s32 $0x7400  }
0x26c: {  	[hbm4b:s4+s2] =	stream.indirect_vreg.scatter [tilespmem:s19], [sflag:$0x1], $0x80, v3, vm0, $0xb8;
	[tilespmem:$0xCC00] =	vst v63  }
0x26d: {  	s26 =	simm.s32 $0x7C00  }
0x26e: {  	[hbm4b:s5+s2] =	stream.indirect_vreg.scatter [tilespmem:s26], [sflag:$0x1], $0x80, v3, vm0, $0xb8;
	[tilespmem:$0xCC00] =	vst v63  }
0x26f: {  	s20 =	simm.s32 $0x8400  }
0x270: {  	[hbm4b:s6+s2] =	stream.indirect_vreg.scatter [tilespmem:s20], [sflag:$0x1], $0x80, v3, vm0, $0xb8;
	[tilespmem:$0xCC00] =	vst v63  }
0x271: {  	s22 =	simm.s32 $0x8C00  }
0x272: {  	[hbm4b:s7+s2] =	stream.indirect_vreg.scatter [tilespmem:s22], [sflag:$0x1], $0x80, v3, vm0, $0xb8;
	[tilespmem:$0xCC00] =	vst v63  }
0x273: {  	s23 =	simm.s32 $0x9400  }
0x274: {  	[hbm4b:s8+s2] =	stream.indirect_vreg.scatter [tilespmem:s23], [sflag:$0x1], $0x80, v3, vm0, $0xb8;
	[tilespmem:$0xCC00] =	vst v63  }
0x275: {  	s24 =	simm.s32 $0x9C00  }
0x276: {  	[hbm4b:s9+s2] =	stream.indirect_vreg.scatter [tilespmem:s24], [sflag:$0x1], $0x80, v3, vm0, $0xb8;
	[tilespmem:$0xCC00] =	vst v63  }
0x277: {  	s28 =	simm.s32 $0xA400  }
0x278: {  	[hbm4b:s10+s2] =	stream.indirect_vreg.scatter [tilespmem:s28], [sflag:$0x1], $0x80, v3, vm0, $0xb8;
	[tilespmem:$0xCC00] =	vst v63  }
0x279: {  	s30 =	simm.s32 $0xAC00  }
0x27a: {  	[hbm4b:s11+s2] =	stream.indirect_vreg.scatter [tilespmem:s30], [sflag:$0x1], $0x80, v3, vm0, $0xb8;
	[tilespmem:$0xCC00] =	vst v63  }
0x27b: {  	s31 =	simm.s32 $0xB400  }
0x27c: {  	[hbm4b:s12+s2] =	stream.indirect_vreg.scatter [tilespmem:s31], [sflag:$0x1], $0x80, v3, vm0, $0xb8;
	[tilespmem:$0xCC00] =	vst v63  }
0x27d: {  	s26 =	simm.s32 $0xBC00  }
0x27e: {  	[hbm4b:s13+s2] =	stream.indirect_vreg.scatter [tilespmem:s26], [sflag:$0x1], $0x80, v3, vm0, $0xb8;
	[tilespmem:$0xCC00] =	vst v63  }
0x27f: {  	s21 =	simm.s32 $0xC400  }
0x280: {  	[hbm4b:s14+s2] =	stream.indirect_vreg.scatter [tilespmem:s21], [sflag:$0x1], $0x80, v3, vm0, $0xb8;
	[tilespmem:$0xCC00] =	vst v63  }
0x281: {  	_ =	swait.ge [sflag:s25], $0xC000  }
0x282: {  	[sflag:s25] =	ssyncset.done $0x0  }
0x283: {  	s26 =	rddreg [dreg:$0xd];
	[sflag:s25] =	ssyncadd.s32 $0xFFFF4000  }
0x284: {  	[tilespmem:s29], [sflag:$0x2] =	stream.linear.gather [hbm4b:s26+s2], $0xC000, $0x38;
	[tilespmem:$0xCC00] =	vst v63  }
0x285: {  	_ =	swait.ge [sflag:s16], $0xC000  }
0x286: {  	[sflag:s16] =	ssyncset.done $0x0  }
0x287: {  	[sflag:s16] =	ssyncadd.s32 $0xFFFF4000  }
0x288: {  	v3 =	vld [tilespmem:$0x500];
	_ =	sdelay $0x4  }
0x289: {  	v57 =	vshrl.u32 v3, $0x3  }
0x28a: {  	v4 =	vmul.u32 $0xC0, v57  }
0x28b: {  	v3 =	vand.u32 $0x7, v3  }
0x28c: {  	v3 =	vor.u32 v3, v4  }
0x28d: {  	v4 =	vperm.xlane v3, v0;
	_ =	sdelay $0x1  }
0x28e: {  	v4 =	vadd.s32 v1, v4;
	_ =	sdelay $0x4  }
0x28f: {  	[hbm4b:s3+s2] =	stream.indirect_vreg.scatter [tilespmem:s29], [sflag:$0x1], $0x80, v4, vm0, $0xb8;
	[tilespmem:$0xCC00] =	vst v63  }
0x290: {  	s26 =	simm.s32 $0x1400  }
0x291: {  	[hbm4b:s4+s2] =	stream.indirect_vreg.scatter [tilespmem:s26], [sflag:$0x1], $0x80, v4, vm0, $0xb8;
	[tilespmem:$0xCC00] =	vst v63  }
0x292: {  	s26 =	simm.s32 $0x1C00  }
0x293: {  	[hbm4b:s5+s2] =	stream.indirect_vreg.scatter [tilespmem:s26], [sflag:$0x1], $0x80, v4, vm0, $0xb8;
	[tilespmem:$0xCC00] =	vst v63  }
0x294: {  	s26 =	simm.s32 $0x2400  }
0x295: {  	[hbm4b:s6+s2] =	stream.indirect_vreg.scatter [tilespmem:s26], [sflag:$0x1], $0x80, v4, vm0, $0xb8;
	[tilespmem:$0xCC00] =	vst v63  }
0x296: {  	s26 =	simm.s32 $0x2C00  }
0x297: {  	[hbm4b:s7+s2] =	stream.indirect_vreg.scatter [tilespmem:s26], [sflag:$0x1], $0x80, v4, vm0, $0xb8;
	[tilespmem:$0xCC00] =	vst v63  }
0x298: {  	s26 =	simm.s32 $0x3400  }
0x299: {  	[hbm4b:s8+s2] =	stream.indirect_vreg.scatter [tilespmem:s26], [sflag:$0x1], $0x80, v4, vm0, $0xb8;
	[tilespmem:$0xCC00] =	vst v63  }
0x29a: {  	s0 =	simm.s32 $0x3C00  }
0x29b: {  	[hbm4b:s9+s2] =	stream.indirect_vreg.scatter [tilespmem:s0], [sflag:$0x1], $0x80, v4, vm0, $0xb8;
	[tilespmem:$0xCC00] =	vst v63  }
0x29c: {  	s1 =	simm.s32 $0x4400  }
0x29d: {  	[hbm4b:s10+s2] =	stream.indirect_vreg.scatter [tilespmem:s1], [sflag:$0x1], $0x80, v4, vm0, $0xb8;
	[tilespmem:$0xCC00] =	vst v63  }
0x29e: {  	s26 =	simm.s32 $0x4C00  }
0x29f: {  	[hbm4b:s11+s2] =	stream.indirect_vreg.scatter [tilespmem:s26], [sflag:$0x1], $0x80, v4, vm0, $0xb8;
	[tilespmem:$0xCC00] =	vst v63  }
0x2a0: {  	v3 =	vperm.xlane v3, v2;
	s26 =	simm.s32 $0x5400  }
0x2a1: {  	[hbm4b:s12+s2] =	stream.indirect_vreg.scatter [tilespmem:s26], [sflag:$0x1], $0x80, v4, vm0, $0xb8;
	[tilespmem:$0xCC00] =	vst v63  }
0x2a2: {  	s15 =	simm.s32 $0x5C00;
	v3 =	vadd.s32 v1, v3  }
0x2a3: {  	[hbm4b:s13+s2] =	stream.indirect_vreg.scatter [tilespmem:s15], [sflag:$0x1], $0x80, v4, vm0, $0xb8;
	[tilespmem:$0xCC00] =	vst v63  }
0x2a4: {  	s17 =	simm.s32 $0x6400  }
0x2a5: {  	[hbm4b:s14+s2] =	stream.indirect_vreg.scatter [tilespmem:s17], [sflag:$0x1], $0x80, v4, vm0, $0xb8;
	[tilespmem:$0xCC00] =	vst v63  }
0x2a6: {  	s18 =	simm.s32 $0x6C00  }
0x2a7: {  	[hbm4b:s3+s2] =	stream.indirect_vreg.scatter [tilespmem:s18], [sflag:$0x1], $0x80, v3, vm0, $0xb8;
	[tilespmem:$0xCC00] =	vst v63  }
0x2a8: {  	s19 =	simm.s32 $0x7400  }
0x2a9: {  	[hbm4b:s4+s2] =	stream.indirect_vreg.scatter [tilespmem:s19], [sflag:$0x1], $0x80, v3, vm0, $0xb8;
	[tilespmem:$0xCC00] =	vst v63  }
0x2aa: {  	s26 =	simm.s32 $0x7C00  }
0x2ab: {  	[hbm4b:s5+s2] =	stream.indirect_vreg.scatter [tilespmem:s26], [sflag:$0x1], $0x80, v3, vm0, $0xb8;
	[tilespmem:$0xCC00] =	vst v63  }
0x2ac: {  	s20 =	simm.s32 $0x8400  }
0x2ad: {  	[hbm4b:s6+s2] =	stream.indirect_vreg.scatter [tilespmem:s20], [sflag:$0x1], $0x80, v3, vm0, $0xb8;
	[tilespmem:$0xCC00] =	vst v63  }
0x2ae: {  	s22 =	simm.s32 $0x8C00  }
0x2af: {  	[hbm4b:s7+s2] =	stream.indirect_vreg.scatter [tilespmem:s22], [sflag:$0x1], $0x80, v3, vm0, $0xb8;
	[tilespmem:$0xCC00] =	vst v63  }
0x2b0: {  	s23 =	simm.s32 $0x9400  }
0x2b1: {  	[hbm4b:s8+s2] =	stream.indirect_vreg.scatter [tilespmem:s23], [sflag:$0x1], $0x80, v3, vm0, $0xb8;
	[tilespmem:$0xCC00] =	vst v63  }
0x2b2: {  	s24 =	simm.s32 $0x9C00  }
0x2b3: {  	[hbm4b:s9+s2] =	stream.indirect_vreg.scatter [tilespmem:s24], [sflag:$0x1], $0x80, v3, vm0, $0xb8;
	[tilespmem:$0xCC00] =	vst v63  }
0x2b4: {  	s28 =	simm.s32 $0xA400  }
0x2b5: {  	[hbm4b:s10+s2] =	stream.indirect_vreg.scatter [tilespmem:s28], [sflag:$0x1], $0x80, v3, vm0, $0xb8;
	[tilespmem:$0xCC00] =	vst v63  }
0x2b6: {  	s30 =	simm.s32 $0xAC00  }
0x2b7: {  	[hbm4b:s11+s2] =	stream.indirect_vreg.scatter [tilespmem:s30], [sflag:$0x1], $0x80, v3, vm0, $0xb8;
	[tilespmem:$0xCC00] =	vst v63  }
0x2b8: {  	s31 =	simm.s32 $0xB400  }
0x2b9: {  	[hbm4b:s12+s2] =	stream.indirect_vreg.scatter [tilespmem:s31], [sflag:$0x1], $0x80, v3, vm0, $0xb8;
	[tilespmem:$0xCC00] =	vst v63  }
0x2ba: {  	s26 =	simm.s32 $0xBC00  }
0x2bb: {  	[hbm4b:s13+s2] =	stream.indirect_vreg.scatter [tilespmem:s26], [sflag:$0x1], $0x80, v3, vm0, $0xb8;
	[tilespmem:$0xCC00] =	vst v63  }
0x2bc: {  	s21 =	simm.s32 $0xC400  }
0x2bd: {  	[hbm4b:s14+s2] =	stream.indirect_vreg.scatter [tilespmem:s21], [sflag:$0x1], $0x80, v3, vm0, $0xb8;
	[tilespmem:$0xCC00] =	vst v63  }
0x2be: {  	_ =	swait.ge [sflag:s25], $0xC000  }
0x2bf: {  	[sflag:s25] =	ssyncset.done $0x0  }
0x2c0: {  	s26 =	rddreg [dreg:$0xe];
	[sflag:s25] =	ssyncadd.s32 $0xFFFF4000  }
0x2c1: {  	[tilespmem:s29], [sflag:$0x2] =	stream.linear.gather [hbm4b:s26+s2], $0xC000, $0x38;
	[tilespmem:$0xCC00] =	vst v63  }
0x2c2: {  	_ =	swait.ge [sflag:s16], $0xC000  }
0x2c3: {  	[sflag:s16] =	ssyncset.done $0x0  }
0x2c4: {  	[sflag:s16] =	ssyncadd.s32 $0xFFFF4000  }
0x2c5: {  	v3 =	vld [tilespmem:$0x580];
	_ =	sdelay $0x4  }
0x2c6: {  	v58 =	vshrl.u32 v3, $0x3  }
0x2c7: {  	v4 =	vmul.u32 $0xC0, v58  }
0x2c8: {  	v3 =	vand.u32 $0x7, v3  }
0x2c9: {  	v3 =	vor.u32 v3, v4  }
0x2ca: {  	v4 =	vperm.xlane v3, v0;
	_ =	sdelay $0x1  }
0x2cb: {  	v4 =	vadd.s32 v1, v4;
	_ =	sdelay $0x4  }
0x2cc: {  	[hbm4b:s3+s2] =	stream.indirect_vreg.scatter [tilespmem:s29], [sflag:$0x1], $0x80, v4, vm0, $0xb8;
	[tilespmem:$0xCC00] =	vst v63  }
0x2cd: {  	s26 =	simm.s32 $0x1400  }
0x2ce: {  	[hbm4b:s4+s2] =	stream.indirect_vreg.scatter [tilespmem:s26], [sflag:$0x1], $0x80, v4, vm0, $0xb8;
	[tilespmem:$0xCC00] =	vst v63  }
0x2cf: {  	s26 =	simm.s32 $0x1C00  }
0x2d0: {  	[hbm4b:s5+s2] =	stream.indirect_vreg.scatter [tilespmem:s26], [sflag:$0x1], $0x80, v4, vm0, $0xb8;
	[tilespmem:$0xCC00] =	vst v63  }
0x2d1: {  	s26 =	simm.s32 $0x2400  }
0x2d2: {  	[hbm4b:s6+s2] =	stream.indirect_vreg.scatter [tilespmem:s26], [sflag:$0x1], $0x80, v4, vm0, $0xb8;
	[tilespmem:$0xCC00] =	vst v63  }
0x2d3: {  	s26 =	simm.s32 $0x2C00  }
0x2d4: {  	[hbm4b:s7+s2] =	stream.indirect_vreg.scatter [tilespmem:s26], [sflag:$0x1], $0x80, v4, vm0, $0xb8;
	[tilespmem:$0xCC00] =	vst v63  }
0x2d5: {  	s26 =	simm.s32 $0x3400  }
0x2d6: {  	[hbm4b:s8+s2] =	stream.indirect_vreg.scatter [tilespmem:s26], [sflag:$0x1], $0x80, v4, vm0, $0xb8;
	[tilespmem:$0xCC00] =	vst v63  }
0x2d7: {  	s0 =	simm.s32 $0x3C00  }
0x2d8: {  	[hbm4b:s9+s2] =	stream.indirect_vreg.scatter [tilespmem:s0], [sflag:$0x1], $0x80, v4, vm0, $0xb8;
	[tilespmem:$0xCC00] =	vst v63  }
0x2d9: {  	s1 =	simm.s32 $0x4400  }
0x2da: {  	[hbm4b:s10+s2] =	stream.indirect_vreg.scatter [tilespmem:s1], [sflag:$0x1], $0x80, v4, vm0, $0xb8;
	[tilespmem:$0xCC00] =	vst v63  }
0x2db: {  	s26 =	simm.s32 $0x4C00  }
0x2dc: {  	[hbm4b:s11+s2] =	stream.indirect_vreg.scatter [tilespmem:s26], [sflag:$0x1], $0x80, v4, vm0, $0xb8;
	[tilespmem:$0xCC00] =	vst v63  }
0x2dd: {  	v3 =	vperm.xlane v3, v2;
	s26 =	simm.s32 $0x5400  }
0x2de: {  	[hbm4b:s12+s2] =	stream.indirect_vreg.scatter [tilespmem:s26], [sflag:$0x1], $0x80, v4, vm0, $0xb8;
	[tilespmem:$0xCC00] =	vst v63  }
0x2df: {  	s15 =	simm.s32 $0x5C00;
	v3 =	vadd.s32 v1, v3  }
0x2e0: {  	[hbm4b:s13+s2] =	stream.indirect_vreg.scatter [tilespmem:s15], [sflag:$0x1], $0x80, v4, vm0, $0xb8;
	[tilespmem:$0xCC00] =	vst v63  }
0x2e1: {  	s17 =	simm.s32 $0x6400  }
0x2e2: {  	[hbm4b:s14+s2] =	stream.indirect_vreg.scatter [tilespmem:s17], [sflag:$0x1], $0x80, v4, vm0, $0xb8;
	[tilespmem:$0xCC00] =	vst v63  }
0x2e3: {  	s18 =	simm.s32 $0x6C00  }
0x2e4: {  	[hbm4b:s3+s2] =	stream.indirect_vreg.scatter [tilespmem:s18], [sflag:$0x1], $0x80, v3, vm0, $0xb8;
	[tilespmem:$0xCC00] =	vst v63  }
0x2e5: {  	s19 =	simm.s32 $0x7400  }
0x2e6: {  	[hbm4b:s4+s2] =	stream.indirect_vreg.scatter [tilespmem:s19], [sflag:$0x1], $0x80, v3, vm0, $0xb8;
	[tilespmem:$0xCC00] =	vst v63  }
0x2e7: {  	s26 =	simm.s32 $0x7C00  }
0x2e8: {  	[hbm4b:s5+s2] =	stream.indirect_vreg.scatter [tilespmem:s26], [sflag:$0x1], $0x80, v3, vm0, $0xb8;
	[tilespmem:$0xCC00] =	vst v63  }
0x2e9: {  	s20 =	simm.s32 $0x8400  }
0x2ea: {  	[hbm4b:s6+s2] =	stream.indirect_vreg.scatter [tilespmem:s20], [sflag:$0x1], $0x80, v3, vm0, $0xb8;
	[tilespmem:$0xCC00] =	vst v63  }
0x2eb: {  	s22 =	simm.s32 $0x8C00  }
0x2ec: {  	[hbm4b:s7+s2] =	stream.indirect_vreg.scatter [tilespmem:s22], [sflag:$0x1], $0x80, v3, vm0, $0xb8;
	[tilespmem:$0xCC00] =	vst v63  }
0x2ed: {  	s23 =	simm.s32 $0x9400  }
0x2ee: {  	[hbm4b:s8+s2] =	stream.indirect_vreg.scatter [tilespmem:s23], [sflag:$0x1], $0x80, v3, vm0, $0xb8;
	[tilespmem:$0xCC00] =	vst v63  }
0x2ef: {  	s24 =	simm.s32 $0x9C00  }
0x2f0: {  	[hbm4b:s9+s2] =	stream.indirect_vreg.scatter [tilespmem:s24], [sflag:$0x1], $0x80, v3, vm0, $0xb8;
	[tilespmem:$0xCC00] =	vst v63  }
0x2f1: {  	s28 =	simm.s32 $0xA400  }
0x2f2: {  	[hbm4b:s10+s2] =	stream.indirect_vreg.scatter [tilespmem:s28], [sflag:$0x1], $0x80, v3, vm0, $0xb8;
	[tilespmem:$0xCC00] =	vst v63  }
0x2f3: {  	s30 =	simm.s32 $0xAC00  }
0x2f4: {  	[hbm4b:s11+s2] =	stream.indirect_vreg.scatter [tilespmem:s30], [sflag:$0x1], $0x80, v3, vm0, $0xb8;
	[tilespmem:$0xCC00] =	vst v63  }
0x2f5: {  	s31 =	simm.s32 $0xB400  }
0x2f6: {  	[hbm4b:s12+s2] =	stream.indirect_vreg.scatter [tilespmem:s31], [sflag:$0x1], $0x80, v3, vm0, $0xb8;
	[tilespmem:$0xCC00] =	vst v63  }
0x2f7: {  	s26 =	simm.s32 $0xBC00  }
0x2f8: {  	[hbm4b:s13+s2] =	stream.indirect_vreg.scatter [tilespmem:s26], [sflag:$0x1], $0x80, v3, vm0, $0xb8;
	[tilespmem:$0xCC00] =	vst v63  }
0x2f9: {  	s21 =	simm.s32 $0xC400  }
0x2fa: {  	[hbm4b:s14+s2] =	stream.indirect_vreg.scatter [tilespmem:s21], [sflag:$0x1], $0x80, v3, vm0, $0xb8;
	[tilespmem:$0xCC00] =	vst v63  }
0x2fb: {  	_ =	swait.ge [sflag:s25], $0xC000  }
0x2fc: {  	[sflag:s25] =	ssyncset.done $0x0  }
0x2fd: {  	s26 =	rddreg [dreg:$0xf];
	[sflag:s25] =	ssyncadd.s32 $0xFFFF4000  }
0x2fe: {  	[tilespmem:s29], [sflag:$0x2] =	stream.linear.gather [hbm4b:s26+s2], $0xC000, $0x38;
	[tilespmem:$0xCC00] =	vst v63  }
0x2ff: {  	_ =	swait.ge [sflag:s16], $0xC000  }
0x300: {  	[sflag:s16] =	ssyncset.done $0x0  }
0x301: {  	[sflag:s16] =	ssyncadd.s32 $0xFFFF4000  }
0x302: {  	v3 =	vld [tilespmem:$0x600];
	_ =	sdelay $0x4  }
0x303: {  	v59 =	vshrl.u32 v3, $0x3  }
0x304: {  	v4 =	vmul.u32 $0xC0, v59  }
0x305: {  	v3 =	vand.u32 $0x7, v3  }
0x306: {  	v3 =	vor.u32 v3, v4  }
0x307: {  	v4 =	vperm.xlane v3, v0;
	_ =	sdelay $0x1  }
0x308: {  	v4 =	vadd.s32 v1, v4;
	_ =	sdelay $0x4  }
0x309: {  	[hbm4b:s3+s2] =	stream.indirect_vreg.scatter [tilespmem:s29], [sflag:$0x1], $0x80, v4, vm0, $0xb8;
	[tilespmem:$0xCC00] =	vst v63  }
0x30a: {  	s26 =	simm.s32 $0x1400  }
0x30b: {  	[hbm4b:s4+s2] =	stream.indirect_vreg.scatter [tilespmem:s26], [sflag:$0x1], $0x80, v4, vm0, $0xb8;
	[tilespmem:$0xCC00] =	vst v63  }
0x30c: {  	s26 =	simm.s32 $0x1C00  }
0x30d: {  	[hbm4b:s5+s2] =	stream.indirect_vreg.scatter [tilespmem:s26], [sflag:$0x1], $0x80, v4, vm0, $0xb8;
	[tilespmem:$0xCC00] =	vst v63  }
0x30e: {  	s26 =	simm.s32 $0x2400  }
0x30f: {  	[hbm4b:s6+s2] =	stream.indirect_vreg.scatter [tilespmem:s26], [sflag:$0x1], $0x80, v4, vm0, $0xb8;
	[tilespmem:$0xCC00] =	vst v63  }
0x310: {  	s26 =	simm.s32 $0x2C00  }
0x311: {  	[hbm4b:s7+s2] =	stream.indirect_vreg.scatter [tilespmem:s26], [sflag:$0x1], $0x80, v4, vm0, $0xb8;
	[tilespmem:$0xCC00] =	vst v63  }
0x312: {  	s26 =	simm.s32 $0x3400  }
0x313: {  	[hbm4b:s8+s2] =	stream.indirect_vreg.scatter [tilespmem:s26], [sflag:$0x1], $0x80, v4, vm0, $0xb8;
	[tilespmem:$0xCC00] =	vst v63  }
0x314: {  	s0 =	simm.s32 $0x3C00  }
0x315: {  	[hbm4b:s9+s2] =	stream.indirect_vreg.scatter [tilespmem:s0], [sflag:$0x1], $0x80, v4, vm0, $0xb8;
	[tilespmem:$0xCC00] =	vst v63  }
0x316: {  	s1 =	simm.s32 $0x4400  }
0x317: {  	[hbm4b:s10+s2] =	stream.indirect_vreg.scatter [tilespmem:s1], [sflag:$0x1], $0x80, v4, vm0, $0xb8;
	[tilespmem:$0xCC00] =	vst v63  }
0x318: {  	s26 =	simm.s32 $0x4C00  }
0x319: {  	[hbm4b:s11+s2] =	stream.indirect_vreg.scatter [tilespmem:s26], [sflag:$0x1], $0x80, v4, vm0, $0xb8;
	[tilespmem:$0xCC00] =	vst v63  }
0x31a: {  	v3 =	vperm.xlane v3, v2;
	s26 =	simm.s32 $0x5400  }
0x31b: {  	[hbm4b:s12+s2] =	stream.indirect_vreg.scatter [tilespmem:s26], [sflag:$0x1], $0x80, v4, vm0, $0xb8;
	[tilespmem:$0xCC00] =	vst v63  }
0x31c: {  	s15 =	simm.s32 $0x5C00;
	v3 =	vadd.s32 v1, v3  }
0x31d: {  	[hbm4b:s13+s2] =	stream.indirect_vreg.scatter [tilespmem:s15], [sflag:$0x1], $0x80, v4, vm0, $0xb8;
	[tilespmem:$0xCC00] =	vst v63  }
0x31e: {  	s17 =	simm.s32 $0x6400  }
0x31f: {  	[hbm4b:s14+s2] =	stream.indirect_vreg.scatter [tilespmem:s17], [sflag:$0x1], $0x80, v4, vm0, $0xb8;
	[tilespmem:$0xCC00] =	vst v63  }
0x320: {  	s18 =	simm.s32 $0x6C00  }
0x321: {  	[hbm4b:s3+s2] =	stream.indirect_vreg.scatter [tilespmem:s18], [sflag:$0x1], $0x80, v3, vm0, $0xb8;
	[tilespmem:$0xCC00] =	vst v63  }
0x322: {  	s19 =	simm.s32 $0x7400  }
0x323: {  	[hbm4b:s4+s2] =	stream.indirect_vreg.scatter [tilespmem:s19], [sflag:$0x1], $0x80, v3, vm0, $0xb8;
	[tilespmem:$0xCC00] =	vst v63  }
0x324: {  	s26 =	simm.s32 $0x7C00  }
0x325: {  	[hbm4b:s5+s2] =	stream.indirect_vreg.scatter [tilespmem:s26], [sflag:$0x1], $0x80, v3, vm0, $0xb8;
	[tilespmem:$0xCC00] =	vst v63  }
0x326: {  	s20 =	simm.s32 $0x8400  }
0x327: {  	[hbm4b:s6+s2] =	stream.indirect_vreg.scatter [tilespmem:s20], [sflag:$0x1], $0x80, v3, vm0, $0xb8;
	[tilespmem:$0xCC00] =	vst v63  }
0x328: {  	s22 =	simm.s32 $0x8C00  }
0x329: {  	[hbm4b:s7+s2] =	stream.indirect_vreg.scatter [tilespmem:s22], [sflag:$0x1], $0x80, v3, vm0, $0xb8;
	[tilespmem:$0xCC00] =	vst v63  }
0x32a: {  	s23 =	simm.s32 $0x9400  }
0x32b: {  	[hbm4b:s8+s2] =	stream.indirect_vreg.scatter [tilespmem:s23], [sflag:$0x1], $0x80, v3, vm0, $0xb8;
	[tilespmem:$0xCC00] =	vst v63  }
0x32c: {  	s24 =	simm.s32 $0x9C00  }
0x32d: {  	[hbm4b:s9+s2] =	stream.indirect_vreg.scatter [tilespmem:s24], [sflag:$0x1], $0x80, v3, vm0, $0xb8;
	[tilespmem:$0xCC00] =	vst v63  }
0x32e: {  	s28 =	simm.s32 $0xA400  }
0x32f: {  	[hbm4b:s10+s2] =	stream.indirect_vreg.scatter [tilespmem:s28], [sflag:$0x1], $0x80, v3, vm0, $0xb8;
	[tilespmem:$0xCC00] =	vst v63  }
0x330: {  	s30 =	simm.s32 $0xAC00  }
0x331: {  	[hbm4b:s11+s2] =	stream.indirect_vreg.scatter [tilespmem:s30], [sflag:$0x1], $0x80, v3, vm0, $0xb8;
	[tilespmem:$0xCC00] =	vst v63  }
0x332: {  	s31 =	simm.s32 $0xB400  }
0x333: {  	[hbm4b:s12+s2] =	stream.indirect_vreg.scatter [tilespmem:s31], [sflag:$0x1], $0x80, v3, vm0, $0xb8;
	[tilespmem:$0xCC00] =	vst v63  }
0x334: {  	s26 =	simm.s32 $0xBC00  }
0x335: {  	[hbm4b:s13+s2] =	stream.indirect_vreg.scatter [tilespmem:s26], [sflag:$0x1], $0x80, v3, vm0, $0xb8;
	[tilespmem:$0xCC00] =	vst v63  }
0x336: {  	s21 =	simm.s32 $0xC400  }
0x337: {  	[hbm4b:s14+s2] =	stream.indirect_vreg.scatter [tilespmem:s21], [sflag:$0x1], $0x80, v3, vm0, $0xb8;
	[tilespmem:$0xCC00] =	vst v63  }
0x338: {  	_ =	swait.ge [sflag:s25], $0xC000  }
0x339: {  	[sflag:s25] =	ssyncset.done $0x0  }
0x33a: {  	s26 =	rddreg [dreg:$0x10];
	[sflag:s25] =	ssyncadd.s32 $0xFFFF4000  }
0x33b: {  	[tilespmem:s29], [sflag:$0x2] =	stream.linear.gather [hbm4b:s26+s2], $0xC000, $0x38;
	[tilespmem:$0xCC00] =	vst v63  }
0x33c: {  	_ =	swait.ge [sflag:s16], $0xC000  }
0x33d: {  	[sflag:s16] =	ssyncset.done $0x0  }
0x33e: {  	[sflag:s16] =	ssyncadd.s32 $0xFFFF4000  }
0x33f: {  	v3 =	vld [tilespmem:$0x680];
	_ =	sdelay $0x4  }
0x340: {  	v60 =	vshrl.u32 v3, $0x3  }
0x341: {  	v4 =	vmul.u32 $0xC0, v60  }
0x342: {  	v3 =	vand.u32 $0x7, v3  }
0x343: {  	v3 =	vor.u32 v3, v4  }
0x344: {  	v4 =	vperm.xlane v3, v0;
	_ =	sdelay $0x1  }
0x345: {  	v4 =	vadd.s32 v1, v4;
	_ =	sdelay $0x4  }
0x346: {  	[hbm4b:s3+s2] =	stream.indirect_vreg.scatter [tilespmem:s29], [sflag:$0x1], $0x80, v4, vm0, $0xb8;
	[tilespmem:$0xCC00] =	vst v63  }
0x347: {  	s26 =	simm.s32 $0x1400  }
0x348: {  	[hbm4b:s4+s2] =	stream.indirect_vreg.scatter [tilespmem:s26], [sflag:$0x1], $0x80, v4, vm0, $0xb8;
	[tilespmem:$0xCC00] =	vst v63  }
0x349: {  	s26 =	simm.s32 $0x1C00  }
0x34a: {  	[hbm4b:s5+s2] =	stream.indirect_vreg.scatter [tilespmem:s26], [sflag:$0x1], $0x80, v4, vm0, $0xb8;
	[tilespmem:$0xCC00] =	vst v63  }
0x34b: {  	s26 =	simm.s32 $0x2400  }
0x34c: {  	[hbm4b:s6+s2] =	stream.indirect_vreg.scatter [tilespmem:s26], [sflag:$0x1], $0x80, v4, vm0, $0xb8;
	[tilespmem:$0xCC00] =	vst v63  }
0x34d: {  	s26 =	simm.s32 $0x2C00  }
0x34e: {  	[hbm4b:s7+s2] =	stream.indirect_vreg.scatter [tilespmem:s26], [sflag:$0x1], $0x80, v4, vm0, $0xb8;
	[tilespmem:$0xCC00] =	vst v63  }
0x34f: {  	s26 =	simm.s32 $0x3400  }
0x350: {  	[hbm4b:s8+s2] =	stream.indirect_vreg.scatter [tilespmem:s26], [sflag:$0x1], $0x80, v4, vm0, $0xb8;
	[tilespmem:$0xCC00] =	vst v63  }
0x351: {  	s0 =	simm.s32 $0x3C00  }
0x352: {  	[hbm4b:s9+s2] =	stream.indirect_vreg.scatter [tilespmem:s0], [sflag:$0x1], $0x80, v4, vm0, $0xb8;
	[tilespmem:$0xCC00] =	vst v63  }
0x353: {  	s1 =	simm.s32 $0x4400  }
0x354: {  	[hbm4b:s10+s2] =	stream.indirect_vreg.scatter [tilespmem:s1], [sflag:$0x1], $0x80, v4, vm0, $0xb8;
	[tilespmem:$0xCC00] =	vst v63  }
0x355: {  	s26 =	simm.s32 $0x4C00  }
0x356: {  	[hbm4b:s11+s2] =	stream.indirect_vreg.scatter [tilespmem:s26], [sflag:$0x1], $0x80, v4, vm0, $0xb8;
	[tilespmem:$0xCC00] =	vst v63  }
0x357: {  	v3 =	vperm.xlane v3, v2;
	s26 =	simm.s32 $0x5400  }
0x358: {  	[hbm4b:s12+s2] =	stream.indirect_vreg.scatter [tilespmem:s26], [sflag:$0x1], $0x80, v4, vm0, $0xb8;
	[tilespmem:$0xCC00] =	vst v63  }
0x359: {  	s15 =	simm.s32 $0x5C00;
	v3 =	vadd.s32 v1, v3  }
0x35a: {  	[hbm4b:s13+s2] =	stream.indirect_vreg.scatter [tilespmem:s15], [sflag:$0x1], $0x80, v4, vm0, $0xb8;
	[tilespmem:$0xCC00] =	vst v63  }
0x35b: {  	s17 =	simm.s32 $0x6400  }
0x35c: {  	[hbm4b:s14+s2] =	stream.indirect_vreg.scatter [tilespmem:s17], [sflag:$0x1], $0x80, v4, vm0, $0xb8;
	[tilespmem:$0xCC00] =	vst v63  }
0x35d: {  	s18 =	simm.s32 $0x6C00  }
0x35e: {  	[hbm4b:s3+s2] =	stream.indirect_vreg.scatter [tilespmem:s18], [sflag:$0x1], $0x80, v3, vm0, $0xb8;
	[tilespmem:$0xCC00] =	vst v63  }
0x35f: {  	s19 =	simm.s32 $0x7400  }
0x360: {  	[hbm4b:s4+s2] =	stream.indirect_vreg.scatter [tilespmem:s19], [sflag:$0x1], $0x80, v3, vm0, $0xb8;
	[tilespmem:$0xCC00] =	vst v63  }
0x361: {  	s26 =	simm.s32 $0x7C00  }
0x362: {  	[hbm4b:s5+s2] =	stream.indirect_vreg.scatter [tilespmem:s26], [sflag:$0x1], $0x80, v3, vm0, $0xb8;
	[tilespmem:$0xCC00] =	vst v63  }
0x363: {  	s20 =	simm.s32 $0x8400  }
0x364: {  	[hbm4b:s6+s2] =	stream.indirect_vreg.scatter [tilespmem:s20], [sflag:$0x1], $0x80, v3, vm0, $0xb8;
	[tilespmem:$0xCC00] =	vst v63  }
0x365: {  	s22 =	simm.s32 $0x8C00  }
0x366: {  	[hbm4b:s7+s2] =	stream.indirect_vreg.scatter [tilespmem:s22], [sflag:$0x1], $0x80, v3, vm0, $0xb8;
	[tilespmem:$0xCC00] =	vst v63  }
0x367: {  	s23 =	simm.s32 $0x9400  }
0x368: {  	[hbm4b:s8+s2] =	stream.indirect_vreg.scatter [tilespmem:s23], [sflag:$0x1], $0x80, v3, vm0, $0xb8;
	[tilespmem:$0xCC00] =	vst v63  }
0x369: {  	s24 =	simm.s32 $0x9C00  }
0x36a: {  	[hbm4b:s9+s2] =	stream.indirect_vreg.scatter [tilespmem:s24], [sflag:$0x1], $0x80, v3, vm0, $0xb8;
	[tilespmem:$0xCC00] =	vst v63  }
0x36b: {  	s28 =	simm.s32 $0xA400  }
0x36c: {  	[hbm4b:s10+s2] =	stream.indirect_vreg.scatter [tilespmem:s28], [sflag:$0x1], $0x80, v3, vm0, $0xb8;
	[tilespmem:$0xCC00] =	vst v63  }
0x36d: {  	s30 =	simm.s32 $0xAC00  }
0x36e: {  	[hbm4b:s11+s2] =	stream.indirect_vreg.scatter [tilespmem:s30], [sflag:$0x1], $0x80, v3, vm0, $0xb8;
	[tilespmem:$0xCC00] =	vst v63  }
0x36f: {  	s31 =	simm.s32 $0xB400  }
0x370: {  	[hbm4b:s12+s2] =	stream.indirect_vreg.scatter [tilespmem:s31], [sflag:$0x1], $0x80, v3, vm0, $0xb8;
	[tilespmem:$0xCC00] =	vst v63  }
0x371: {  	s26 =	simm.s32 $0xBC00  }
0x372: {  	[hbm4b:s13+s2] =	stream.indirect_vreg.scatter [tilespmem:s26], [sflag:$0x1], $0x80, v3, vm0, $0xb8;
	[tilespmem:$0xCC00] =	vst v63  }
0x373: {  	s21 =	simm.s32 $0xC400  }
0x374: {  	[hbm4b:s14+s2] =	stream.indirect_vreg.scatter [tilespmem:s21], [sflag:$0x1], $0x80, v3, vm0, $0xb8;
	[tilespmem:$0xCC00] =	vst v63  }
0x375: {  	_ =	swait.ge [sflag:s25], $0xC000  }
0x376: {  	[sflag:s25] =	ssyncset.done $0x0  }
0x377: {  	s26 =	rddreg [dreg:$0x11];
	[sflag:s25] =	ssyncadd.s32 $0xFFFF4000  }
0x378: {  	[tilespmem:s29], [sflag:$0x2] =	stream.linear.gather [hbm4b:s26+s2], $0xC000, $0x38;
	[tilespmem:$0xCC00] =	vst v63  }
0x379: {  	_ =	swait.ge [sflag:s16], $0xC000  }
0x37a: {  	[sflag:s16] =	ssyncset.done $0x0  }
0x37b: {  	[sflag:s16] =	ssyncadd.s32 $0xFFFF4000  }
0x37c: {  	v3 =	vld [tilespmem:$0x700];
	_ =	sdelay $0x4  }
0x37d: {  	v61 =	vshrl.u32 v3, $0x3  }
0x37e: {  	v4 =	vmul.u32 $0xC0, v61  }
0x37f: {  	v3 =	vand.u32 $0x7, v3  }
0x380: {  	v3 =	vor.u32 v3, v4  }
0x381: {  	v4 =	vperm.xlane v3, v0;
	_ =	sdelay $0x1  }
0x382: {  	v4 =	vadd.s32 v1, v4;
	_ =	sdelay $0x4  }
0x383: {  	[hbm4b:s3+s2] =	stream.indirect_vreg.scatter [tilespmem:s29], [sflag:$0x1], $0x80, v4, vm0, $0xb8;
	[tilespmem:$0xCC00] =	vst v63  }
0x384: {  	s26 =	simm.s32 $0x1400  }
0x385: {  	[hbm4b:s4+s2] =	stream.indirect_vreg.scatter [tilespmem:s26], [sflag:$0x1], $0x80, v4, vm0, $0xb8;
	[tilespmem:$0xCC00] =	vst v63  }
0x386: {  	s26 =	simm.s32 $0x1C00  }
0x387: {  	[hbm4b:s5+s2] =	stream.indirect_vreg.scatter [tilespmem:s26], [sflag:$0x1], $0x80, v4, vm0, $0xb8;
	[tilespmem:$0xCC00] =	vst v63  }
0x388: {  	s26 =	simm.s32 $0x2400  }
0x389: {  	[hbm4b:s6+s2] =	stream.indirect_vreg.scatter [tilespmem:s26], [sflag:$0x1], $0x80, v4, vm0, $0xb8;
	[tilespmem:$0xCC00] =	vst v63  }
0x38a: {  	s26 =	simm.s32 $0x2C00  }
0x38b: {  	[hbm4b:s7+s2] =	stream.indirect_vreg.scatter [tilespmem:s26], [sflag:$0x1], $0x80, v4, vm0, $0xb8;
	[tilespmem:$0xCC00] =	vst v63  }
0x38c: {  	s26 =	simm.s32 $0x3400  }
0x38d: {  	[hbm4b:s8+s2] =	stream.indirect_vreg.scatter [tilespmem:s26], [sflag:$0x1], $0x80, v4, vm0, $0xb8;
	[tilespmem:$0xCC00] =	vst v63  }
0x38e: {  	s0 =	simm.s32 $0x3C00  }
0x38f: {  	[hbm4b:s9+s2] =	stream.indirect_vreg.scatter [tilespmem:s0], [sflag:$0x1], $0x80, v4, vm0, $0xb8;
	[tilespmem:$0xCC00] =	vst v63  }
0x390: {  	s1 =	simm.s32 $0x4400  }
0x391: {  	[hbm4b:s10+s2] =	stream.indirect_vreg.scatter [tilespmem:s1], [sflag:$0x1], $0x80, v4, vm0, $0xb8;
	[tilespmem:$0xCC00] =	vst v63  }
0x392: {  	s26 =	simm.s32 $0x4C00  }
0x393: {  	[hbm4b:s11+s2] =	stream.indirect_vreg.scatter [tilespmem:s26], [sflag:$0x1], $0x80, v4, vm0, $0xb8;
	[tilespmem:$0xCC00] =	vst v63  }
0x394: {  	v3 =	vperm.xlane v3, v2;
	s26 =	simm.s32 $0x5400  }
0x395: {  	[hbm4b:s12+s2] =	stream.indirect_vreg.scatter [tilespmem:s26], [sflag:$0x1], $0x80, v4, vm0, $0xb8;
	[tilespmem:$0xCC00] =	vst v63  }
0x396: {  	s15 =	simm.s32 $0x5C00;
	v3 =	vadd.s32 v1, v3  }
0x397: {  	[hbm4b:s13+s2] =	stream.indirect_vreg.scatter [tilespmem:s15], [sflag:$0x1], $0x80, v4, vm0, $0xb8;
	[tilespmem:$0xCC00] =	vst v63  }
0x398: {  	s17 =	simm.s32 $0x6400  }
0x399: {  	[hbm4b:s14+s2] =	stream.indirect_vreg.scatter [tilespmem:s17], [sflag:$0x1], $0x80, v4, vm0, $0xb8;
	[tilespmem:$0xCC00] =	vst v63  }
0x39a: {  	s18 =	simm.s32 $0x6C00  }
0x39b: {  	[hbm4b:s3+s2] =	stream.indirect_vreg.scatter [tilespmem:s18], [sflag:$0x1], $0x80, v3, vm0, $0xb8;
	[tilespmem:$0xCC00] =	vst v63  }
0x39c: {  	s19 =	simm.s32 $0x7400  }
0x39d: {  	[hbm4b:s4+s2] =	stream.indirect_vreg.scatter [tilespmem:s19], [sflag:$0x1], $0x80, v3, vm0, $0xb8;
	[tilespmem:$0xCC00] =	vst v63  }
0x39e: {  	s26 =	simm.s32 $0x7C00  }
0x39f: {  	[hbm4b:s5+s2] =	stream.indirect_vreg.scatter [tilespmem:s26], [sflag:$0x1], $0x80, v3, vm0, $0xb8;
	[tilespmem:$0xCC00] =	vst v63  }
0x3a0: {  	s20 =	simm.s32 $0x8400  }
0x3a1: {  	[hbm4b:s6+s2] =	stream.indirect_vreg.scatter [tilespmem:s20], [sflag:$0x1], $0x80, v3, vm0, $0xb8;
	[tilespmem:$0xCC00] =	vst v63  }
0x3a2: {  	s22 =	simm.s32 $0x8C00  }
0x3a3: {  	[hbm4b:s7+s2] =	stream.indirect_vreg.scatter [tilespmem:s22], [sflag:$0x1], $0x80, v3, vm0, $0xb8;
	[tilespmem:$0xCC00] =	vst v63  }
0x3a4: {  	s23 =	simm.s32 $0x9400  }
0x3a5: {  	[hbm4b:s8+s2] =	stream.indirect_vreg.scatter [tilespmem:s23], [sflag:$0x1], $0x80, v3, vm0, $0xb8;
	[tilespmem:$0xCC00] =	vst v63  }
0x3a6: {  	s24 =	simm.s32 $0x9C00  }
0x3a7: {  	[hbm4b:s9+s2] =	stream.indirect_vreg.scatter [tilespmem:s24], [sflag:$0x1], $0x80, v3, vm0, $0xb8;
	[tilespmem:$0xCC00] =	vst v63  }
0x3a8: {  	s28 =	simm.s32 $0xA400  }
0x3a9: {  	[hbm4b:s10+s2] =	stream.indirect_vreg.scatter [tilespmem:s28], [sflag:$0x1], $0x80, v3, vm0, $0xb8;
	[tilespmem:$0xCC00] =	vst v63  }
0x3aa: {  	s30 =	simm.s32 $0xAC00  }
0x3ab: {  	[hbm4b:s11+s2] =	stream.indirect_vreg.scatter [tilespmem:s30], [sflag:$0x1], $0x80, v3, vm0, $0xb8;
	[tilespmem:$0xCC00] =	vst v63  }
0x3ac: {  	s31 =	simm.s32 $0xB400  }
0x3ad: {  	[hbm4b:s12+s2] =	stream.indirect_vreg.scatter [tilespmem:s31], [sflag:$0x1], $0x80, v3, vm0, $0xb8;
	[tilespmem:$0xCC00] =	vst v63  }
0x3ae: {  	s26 =	simm.s32 $0xBC00  }
0x3af: {  	[hbm4b:s13+s2] =	stream.indirect_vreg.scatter [tilespmem:s26], [sflag:$0x1], $0x80, v3, vm0, $0xb8;
	[tilespmem:$0xCC00] =	vst v63  }
0x3b0: {  	s21 =	simm.s32 $0xC400  }
0x3b1: {  	[hbm4b:s14+s2] =	stream.indirect_vreg.scatter [tilespmem:s21], [sflag:$0x1], $0x80, v3, vm0, $0xb8;
	[tilespmem:$0xCC00] =	vst v63  }
0x3b2: {  	_ =	swait.ge [sflag:s25], $0xC000  }
0x3b3: {  	[sflag:s25] =	ssyncset.done $0x0  }
0x3b4: {  	s21 =	rddreg [dreg:$0x12];
	[sflag:s25] =	ssyncadd.s32 $0xFFFF4000  }
0x3b5: {  	[tilespmem:s29], [sflag:$0x2] =	stream.linear.gather [hbm4b:s21+s2], $0xC000, $0x38;
	[tilespmem:$0xCC00] =	vst v63  }
0x3b6: {  	_ =	swait.ge [sflag:s16], $0xC000  }
0x3b7: {  	[sflag:s16] =	ssyncset.done $0x0  }
0x3b8: {  	[sflag:s16] =	ssyncadd.s32 $0xFFFF4000  }
0x3b9: {  	v3 =	vld [tilespmem:$0x780];
	_ =	sdelay $0x4  }
0x3ba: {  	v62 =	vshrl.u32 v3, $0x3  }
0x3bb: {  	v4 =	vmul.u32 $0xC0, v62  }
0x3bc: {  	v3 =	vand.u32 $0x7, v3  }
0x3bd: {  	v3 =	vor.u32 v3, v4  }
0x3be: {  	v4 =	vperm.xlane v3, v0;
	_ =	sdelay $0x1  }
0x3bf: {  	v4 =	vadd.s32 v1, v4;
	_ =	sdelay $0x4  }
0x3c0: {  	[hbm4b:s3+s2] =	stream.indirect_vreg.scatter [tilespmem:s29], [sflag:$0x1], $0x80, v4, vm0, $0xb8;
	[tilespmem:$0xCC00] =	vst v63  }
0x3c1: {  	s26 =	simm.s32 $0x1400  }
0x3c2: {  	[hbm4b:s4+s2] =	stream.indirect_vreg.scatter [tilespmem:s26], [sflag:$0x1], $0x80, v4, vm0, $0xb8;
	[tilespmem:$0xCC00] =	vst v63  }
0x3c3: {  	s26 =	simm.s32 $0x1C00  }
0x3c4: {  	[hbm4b:s5+s2] =	stream.indirect_vreg.scatter [tilespmem:s26], [sflag:$0x1], $0x80, v4, vm0, $0xb8;
	[tilespmem:$0xCC00] =	vst v63  }
0x3c5: {  	s26 =	simm.s32 $0x2400  }
0x3c6: {  	[hbm4b:s6+s2] =	stream.indirect_vreg.scatter [tilespmem:s26], [sflag:$0x1], $0x80, v4, vm0, $0xb8;
	[tilespmem:$0xCC00] =	vst v63  }
0x3c7: {  	s26 =	simm.s32 $0x2C00  }
0x3c8: {  	[hbm4b:s7+s2] =	stream.indirect_vreg.scatter [tilespmem:s26], [sflag:$0x1], $0x80, v4, vm0, $0xb8;
	[tilespmem:$0xCC00] =	vst v63  }
0x3c9: {  	s26 =	simm.s32 $0x3400  }
0x3ca: {  	[hbm4b:s8+s2] =	stream.indirect_vreg.scatter [tilespmem:s26], [sflag:$0x1], $0x80, v4, vm0, $0xb8;
	[tilespmem:$0xCC00] =	vst v63  }
0x3cb: {  	s0 =	simm.s32 $0x3C00  }
0x3cc: {  	[hbm4b:s9+s2] =	stream.indirect_vreg.scatter [tilespmem:s0], [sflag:$0x1], $0x80, v4, vm0, $0xb8;
	[tilespmem:$0xCC00] =	vst v63  }
0x3cd: {  	s1 =	simm.s32 $0x4400  }
0x3ce: {  	[hbm4b:s10+s2] =	stream.indirect_vreg.scatter [tilespmem:s1], [sflag:$0x1], $0x80, v4, vm0, $0xb8;
	[tilespmem:$0xCC00] =	vst v63  }
0x3cf: {  	s0 =	simm.s32 $0x4C00  }
0x3d0: {  	[hbm4b:s11+s2] =	stream.indirect_vreg.scatter [tilespmem:s0], [sflag:$0x1], $0x80, v4, vm0, $0xb8;
	[tilespmem:$0xCC00] =	vst v63  }
0x3d1: {  	v3 =	vperm.xlane v3, v2;
	s0 =	simm.s32 $0x5400  }
0x3d2: {  	[hbm4b:s12+s2] =	stream.indirect_vreg.scatter [tilespmem:s0], [sflag:$0x1], $0x80, v4, vm0, $0xb8;
	[tilespmem:$0xCC00] =	vst v63  }
0x3d3: {  	s15 =	simm.s32 $0x5C00;
	v3 =	vadd.s32 v1, v3  }
0x3d4: {  	[hbm4b:s13+s2] =	stream.indirect_vreg.scatter [tilespmem:s15], [sflag:$0x1], $0x80, v4, vm0, $0xb8;
	[tilespmem:$0xCC00] =	vst v63  }
0x3d5: {  	s17 =	simm.s32 $0x6400  }
0x3d6: {  	[hbm4b:s14+s2] =	stream.indirect_vreg.scatter [tilespmem:s17], [sflag:$0x1], $0x80, v4, vm0, $0xb8;
	[tilespmem:$0xCC00] =	vst v63  }
0x3d7: {  	s18 =	simm.s32 $0x6C00  }
0x3d8: {  	[hbm4b:s3+s2] =	stream.indirect_vreg.scatter [tilespmem:s18], [sflag:$0x1], $0x80, v3, vm0, $0xb8;
	[tilespmem:$0xCC00] =	vst v63  }
0x3d9: {  	s19 =	simm.s32 $0x7400  }
0x3da: {  	[hbm4b:s4+s2] =	stream.indirect_vreg.scatter [tilespmem:s19], [sflag:$0x1], $0x80, v3, vm0, $0xb8;
	[tilespmem:$0xCC00] =	vst v63  }
0x3db: {  	s0 =	simm.s32 $0x7C00  }
0x3dc: {  	[hbm4b:s5+s2] =	stream.indirect_vreg.scatter [tilespmem:s0], [sflag:$0x1], $0x80, v3, vm0, $0xb8;
	[tilespmem:$0xCC00] =	vst v63  }
0x3dd: {  	s20 =	simm.s32 $0x8400  }
0x3de: {  	[hbm4b:s6+s2] =	stream.indirect_vreg.scatter [tilespmem:s20], [sflag:$0x1], $0x80, v3, vm0, $0xb8;
	[tilespmem:$0xCC00] =	vst v63  }
0x3df: {  	s22 =	simm.s32 $0x8C00  }
0x3e0: {  	[hbm4b:s7+s2] =	stream.indirect_vreg.scatter [tilespmem:s22], [sflag:$0x1], $0x80, v3, vm0, $0xb8;
	[tilespmem:$0xCC00] =	vst v63  }
0x3e1: {  	s23 =	simm.s32 $0x9400  }
0x3e2: {  	[hbm4b:s8+s2] =	stream.indirect_vreg.scatter [tilespmem:s23], [sflag:$0x1], $0x80, v3, vm0, $0xb8;
	[tilespmem:$0xCC00] =	vst v63  }
0x3e3: {  	s24 =	simm.s32 $0x9C00  }
0x3e4: {  	[hbm4b:s9+s2] =	stream.indirect_vreg.scatter [tilespmem:s24], [sflag:$0x1], $0x80, v3, vm0, $0xb8;
	[tilespmem:$0xCC00] =	vst v63  }
0x3e5: {  	s28 =	simm.s32 $0xA400  }
0x3e6: {  	[hbm4b:s10+s2] =	stream.indirect_vreg.scatter [tilespmem:s28], [sflag:$0x1], $0x80, v3, vm0, $0xb8;
	[tilespmem:$0xCC00] =	vst v63  }
0x3e7: {  	s30 =	simm.s32 $0xAC00  }
0x3e8: {  	[hbm4b:s11+s2] =	stream.indirect_vreg.scatter [tilespmem:s30], [sflag:$0x1], $0x80, v3, vm0, $0xb8;
	[tilespmem:$0xCC00] =	vst v63  }
0x3e9: {  	s31 =	simm.s32 $0xB400  }
0x3ea: {  	[hbm4b:s12+s2] =	stream.indirect_vreg.scatter [tilespmem:s31], [sflag:$0x1], $0x80, v3, vm0, $0xb8;
	[tilespmem:$0xCC00] =	vst v63  }
0x3eb: {  	s0 =	simm.s32 $0xBC00  }
0x3ec: {  	[hbm4b:s13+s2] =	stream.indirect_vreg.scatter [tilespmem:s0], [sflag:$0x1], $0x80, v3, vm0, $0xb8;
	[tilespmem:$0xCC00] =	vst v63  }
0x3ed: {  	s0 =	simm.s32 $0xC400  }
0x3ee: {  	[hbm4b:s14+s2] =	stream.indirect_vreg.scatter [tilespmem:s0], [sflag:$0x1], $0x80, v3, vm0, $0xb8;
	[tilespmem:$0xCC00] =	vst v63  }
0x3ef: {  	_ =	swait.ge [sflag:s25], $0xC000  }
0x3f0: {  	[sflag:s25] =	ssyncset.done $0x0  }
0x3f1: {  	s0 =	rddreg [dreg:$0x13];
	[sflag:s25] =	ssyncadd.s32 $0xFFFF4000  }
0x3f2: {  	[tilespmem:s29], [sflag:$0x2] =	stream.linear.gather [hbm4b:s0+s2], $0xC000, $0x38;
	[tilespmem:$0xCC00] =	vst v63  }
0x3f3: {  	s26 =	rddreg [dreg:$0x14];
	_ =	swait.ge [sflag:s16], $0xC000  }
0x3f4: {  	[sflag:s16] =	ssyncset.done $0x0  }
0x3f5: {  	[sflag:s16] =	ssyncadd.s32 $0xFFFF4000  }
0x3f6: {  	v3 =	vld [tilespmem:$0x800];
	_ =	sdelay $0x4  }
0x3f7: {  	v63 =	vshrl.u32 v3, $0x3  }
0x3f8: {  	v4 =	vmul.u32 $0xC0, v63  }
0x3f9: {  	v3 =	vand.u32 $0x7, v3  }
0x3fa: {  	v3 =	vor.u32 v3, v4  }
0x3fb: {  	v4 =	vperm.xlane v3, v0;
	_ =	sdelay $0x1  }
0x3fc: {  	v4 =	vadd.s32 v1, v4;
	_ =	sdelay $0x4  }
0x3fd: {  	[hbm4b:s3+s2] =	stream.indirect_vreg.scatter [tilespmem:s29], [sflag:$0x1], $0x80, v4, vm0, $0xb8;
	[tilespmem:$0xCC00] =	vst v63  }
0x3fe: {  	s0 =	simm.s32 $0x1400  }
0x3ff: {  	[hbm4b:s4+s2] =	stream.indirect_vreg.scatter [tilespmem:s0], [sflag:$0x1], $0x80, v4, vm0, $0xb8;
	[tilespmem:$0xCC00] =	vst v63  }
0x400: {  	s0 =	simm.s32 $0x1C00  }
0x401: {  	[hbm4b:s5+s2] =	stream.indirect_vreg.scatter [tilespmem:s0], [sflag:$0x1], $0x80, v4, vm0, $0xb8;
	[tilespmem:$0xCC00] =	vst v63  }
0x402: {  	s0 =	simm.s32 $0x2400  }
0x403: {  	[hbm4b:s6+s2] =	stream.indirect_vreg.scatter [tilespmem:s0], [sflag:$0x1], $0x80, v4, vm0, $0xb8;
	[tilespmem:$0xCC00] =	vst v63  }
0x404: {  	s0 =	simm.s32 $0x2C00  }
0x405: {  	[hbm4b:s7+s2] =	stream.indirect_vreg.scatter [tilespmem:s0], [sflag:$0x1], $0x80, v4, vm0, $0xb8;
	[tilespmem:$0xCC00] =	vst v63  }
0x406: {  	s21 =	simm.s32 $0x3400  }
0x407: {  	[hbm4b:s8+s2] =	stream.indirect_vreg.scatter [tilespmem:s21], [sflag:$0x1], $0x80, v4, vm0, $0xb8;
	[tilespmem:$0xCC00] =	vst v63  }
0x408: {  	s21 =	simm.s32 $0x3C00  }
0x409: {  	[hbm4b:s9+s2] =	stream.indirect_vreg.scatter [tilespmem:s21], [sflag:$0x1], $0x80, v4, vm0, $0xb8;
	[tilespmem:$0xCC00] =	vst v63  }
0x40a: {  	s1 =	simm.s32 $0x4400  }
0x40b: {  	[hbm4b:s10+s2] =	stream.indirect_vreg.scatter [tilespmem:s1], [sflag:$0x1], $0x80, v4, vm0, $0xb8;
	[tilespmem:$0xCC00] =	vst v63  }
0x40c: {  	s21 =	simm.s32 $0x4C00  }
0x40d: {  	[hbm4b:s11+s2] =	stream.indirect_vreg.scatter [tilespmem:s21], [sflag:$0x1], $0x80, v4, vm0, $0xb8;
	[tilespmem:$0xCC00] =	vst v63  }
0x40e: {  	v3 =	vperm.xlane v3, v2;
	s1 =	simm.s32 $0x5400  }
0x40f: {  	[hbm4b:s12+s2] =	stream.indirect_vreg.scatter [tilespmem:s1], [sflag:$0x1], $0x80, v4, vm0, $0xb8;
	[tilespmem:$0xCC00] =	vst v63  }
0x410: {  	s15 =	simm.s32 $0x5C00;
	v3 =	vadd.s32 v1, v3  }
0x411: {  	[hbm4b:s13+s2] =	stream.indirect_vreg.scatter [tilespmem:s15], [sflag:$0x1], $0x80, v4, vm0, $0xb8;
	[tilespmem:$0xCC00] =	vst v63  }
0x412: {  	s17 =	simm.s32 $0x6400  }
0x413: {  	[hbm4b:s14+s2] =	stream.indirect_vreg.scatter [tilespmem:s17], [sflag:$0x1], $0x80, v4, vm0, $0xb8;
	[tilespmem:$0xCC00] =	vst v63  }
0x414: {  	s18 =	simm.s32 $0x6C00  }
0x415: {  	[hbm4b:s3+s2] =	stream.indirect_vreg.scatter [tilespmem:s18], [sflag:$0x1], $0x80, v3, vm0, $0xb8;
	[tilespmem:$0xCC00] =	vst v63  }
0x416: {  	s19 =	simm.s32 $0x7400  }
0x417: {  	[hbm4b:s4+s2] =	stream.indirect_vreg.scatter [tilespmem:s19], [sflag:$0x1], $0x80, v3, vm0, $0xb8;
	[tilespmem:$0xCC00] =	vst v63  }
0x418: {  	s21 =	simm.s32 $0x7C00  }
0x419: {  	[hbm4b:s5+s2] =	stream.indirect_vreg.scatter [tilespmem:s21], [sflag:$0x1], $0x80, v3, vm0, $0xb8;
	[tilespmem:$0xCC00] =	vst v63  }
0x41a: {  	s20 =	simm.s32 $0x8400  }
0x41b: {  	[hbm4b:s6+s2] =	stream.indirect_vreg.scatter [tilespmem:s20], [sflag:$0x1], $0x80, v3, vm0, $0xb8;
	[tilespmem:$0xCC00] =	vst v63  }
0x41c: {  	s22 =	simm.s32 $0x8C00  }
0x41d: {  	[hbm4b:s7+s2] =	stream.indirect_vreg.scatter [tilespmem:s22], [sflag:$0x1], $0x80, v3, vm0, $0xb8;
	[tilespmem:$0xCC00] =	vst v63  }
0x41e: {  	s23 =	simm.s32 $0x9400  }
0x41f: {  	[hbm4b:s8+s2] =	stream.indirect_vreg.scatter [tilespmem:s23], [sflag:$0x1], $0x80, v3, vm0, $0xb8;
	[tilespmem:$0xCC00] =	vst v63  }
0x420: {  	s24 =	simm.s32 $0x9C00  }
0x421: {  	[hbm4b:s9+s2] =	stream.indirect_vreg.scatter [tilespmem:s24], [sflag:$0x1], $0x80, v3, vm0, $0xb8;
	[tilespmem:$0xCC00] =	vst v63  }
0x422: {  	s28 =	simm.s32 $0xA400  }
0x423: {  	[hbm4b:s10+s2] =	stream.indirect_vreg.scatter [tilespmem:s28], [sflag:$0x1], $0x80, v3, vm0, $0xb8;
	[tilespmem:$0xCC00] =	vst v63  }
0x424: {  	s30 =	simm.s32 $0xAC00  }
0x425: {  	[hbm4b:s11+s2] =	stream.indirect_vreg.scatter [tilespmem:s30], [sflag:$0x1], $0x80, v3, vm0, $0xb8;
	[tilespmem:$0xCC00] =	vst v63  }
0x426: {  	s31 =	simm.s32 $0xB400  }
0x427: {  	[hbm4b:s12+s2] =	stream.indirect_vreg.scatter [tilespmem:s31], [sflag:$0x1], $0x80, v3, vm0, $0xb8;
	[tilespmem:$0xCC00] =	vst v63  }
0x428: {  	p0 =	sne.s32 s26, $0x1;
	s30 =	simm.s32 $0xBC00  }
0x429: {  	[hbm4b:s13+s2] =	stream.indirect_vreg.scatter [tilespmem:s30], [sflag:$0x1], $0x80, v3, vm0, $0xb8;
	[tilespmem:$0xCC00] =	vst v63  }
.Ltmp0:
0x42a: {  	s31 =	simm.s32 $0xC400;
	(pc) =	sbr.rel @p0 .LBB2_1-.Ltmp0, $4  }
0x42b: {  	[hbm4b:s14+s2] =	stream.indirect_vreg.scatter [tilespmem:s31], [sflag:$0x1], $0x80, v3, vm0, $0xb8;
	[tilespmem:$0xCC00] =	vst v63  }
0x42c: {  	_ =	swait.ge [sflag:s25], $0xC000  }
0x42d: {  	[sflag:s25] =	ssyncset.done $0x0  }
0x42e: {  	s26 =	sadd.s32 $0xFFFFFFFF, s26;
	[sflag:s25] =	ssyncadd.s32 $0xFFFF4000  }
0x42f: {  	_ =	sfence.sel $0x180000  }
0x430: {  	[bflag:$0x0] =	sbarrier.arrive $0xFFFF  }
0x431: {  	_ =	strace $0x9000004D  }
0x432: {  	s0 =	stileid.u32;
	[bflag:$0x2] =	sbarrier.arrive $0xFFFF  }
0x433: {  	p0 =	sne.s32 s0, $0x0;
	s0 =	rddreg [dreg:$0x1]  }
0x434: {  	s0 =	sadd.s32 @!p0 $0x100000, s0  }
0x435: {  	[sflag:s0] =	ssyncadd.tile.s32 @!p0 $0x1;
	_ =	shalt  }
.Lfunc_end2:
_tile_overlayer_lowered:
.L_overlay_start_2:
0x436: {  	(tag) =	ssettag $0x2  }
0x437: {  	s0 =	rddreg [dreg:$0x0];
	s2 =	stileid.u32  }
0x438: {  	s1 =	rddreg [dreg:$0x1];
	p0 =	sne.s32 s2, $0x0  }
0x439: {  	s3 =	rddreg [dreg:$0x2];
	[bflag:$0x3] =	sbarrier.arrive $0xFFFF;
	s2 =	simm.s32 @!p0 $0x1C02  }
0x43a: {  	[timem:s3], [sflag:s2] =	dma.local @!p0 [hbm:s0], s1  }
0x43b: {  	s0 =	simm.s32 @!p0 $0x2  }
0x43c: {  	_ =	swait.ge @!p0 [sflag:s0], s1  }
0x43d: {  	s1 =	ssub.s32 @!p0 $0x0, s1;
	[sflag:s0] =	ssyncset.done @!p0 $0x0  }
0x43e: {  	[sflag:s0] =	ssyncadd.s32 @!p0 s1  }
0x43f: {  	[bflag:$0x3] =	sbarrier.arrive $0xFFFF  }
0x440: {  	_ =	shalt  }

// kernel: sparse-core-data-format-call.1.cloned.1.call-start
scs
called_computation.1_lowered:
.L_overlay_start_0:
0x0: {  	s2 =	sld [smem:$0x3FD9]  }
0x1: {  	s3 =	sld [smem:$0x3FFE];
	_ =	sdelay $0x1  }
0x2: {  	s1 =	srdreg.scid  }
0x3: {  	s0 =	sand.u32 $0x1, s1  }
0x4: {  	s18 =	sshll.u32 s0, $0xA;
	s2 =	sadd.s32 s3, s2  }
0x5: {  	s2 =	sadd.s32 s2, s18  }
0x6: {  	[smem:$0x3FBF] =	sst s2  }
0x7: {  	_ = 	snop  }
0x8: {  	s2 =	sld [smem:$0x3FD0];
	(tm) =	ssettm $0x1  }
0x9: {  	s19 =	sld [smem:$0x3FFB];
	_ =	sdelay $0x3  }
0xa: {  	_ =	strace s19  }
0xb: {  	s3 =	sld [smem:$0x3FFC];
	_ =	sdelay $0x3  }
0xc: {  	_ =	strace s3  }
0xd: {  	s3 =	sld [smem:$0x3FFD];
	_ =	sdelay $0x3  }
0xe: {  	_ =	strace s3  }
0xf: {  	_ =	strace $0x8FFFFFFF  }
0x10: {  	s20 =	sld [smem:$0x3FDB];
	_ =	sdelay $0x1  }
0x11: {  	s4 =	simm.s32 $_scs_section_size  }
0x12: {  	s5 =	simm.s32 $_size__tile_overlayer_lowered;
	s6 =	simm.s32 $_tile_overlayer_lowered  }
0x13: {  	s23 =	simm.s32 $0x1BFF;
	s22 =	sshll.u32 s6, $0x1;
	s3 =	sadd.s32 s4, s20  }
0x14: {  	s7 =	simm.s32 $0x0;
	s21 =	sshll.u32 s5, $0x1;
	s5 =	sadd.s32 s22, s3  }
0x15: {  	[timem:s7], [sflag:s23] =	dma.local [hbm:s5], s21  }
0x16: {  	_ =	swait.ge [sflag:s23], s21  }
0x17: {  	s4 =	ssub.s32 $0x0, s21;
	[sflag:s23] =	ssyncset.done $0x0  }
0x18: {  	[sflag:s23] =	ssyncadd.s32 s4;
	_ =	sdelay $0x1  }
0x19: {  	s24 =	simm.s32 $0x1B8B  }
0x1a: {  	_ =	swait.ge [sflag:s24], $0x1  }
0x1b: {  	[sflag:s24] =	ssyncset.done $0x0  }
0x1c: {  	s26 =	simm.s32 $0x1B8E;
	s25 =	sld [smem:$0x3FFE];
	[sflag:s24] =	ssyncadd.s32 $0xFFFFFFFF  }
0x1d: {  	s27 =	simm.s32 $execute0_lowered;
	[smem:$0x3FD2] =	sst s26  }
0x1e: {  	s5 =	sshll.u32 s27, $0x1;
	_ =	strace $0x8000004F;
	[dreg:$0x1] =	wrdreg $0xFFFFFFFF  }
0x1f: {  	s28 =	simm.s32 $_size_execute0_lowered;
	s3 =	sadd.s32 s3, s5;
	[dreg:$0x0] =	wrdreg $0x0  }
0x20: {  	s5 =	sshll.u32 s28, $0x1;
	[dreg:$0x2] =	wrdreg s3  }
0x21: {  	[dreg:$0x3] =	wrdreg s5  }
0x22: {  	[dreg:$0x4] =	wrdreg $0xC0  }
0x23: {  	_ =	task [dreg:s7], $0x5FFFF  }
0x24: {  	[dreg:$0x1] =	wrdreg $0xFFFFFFFF  }
0x25: {  	[dreg:$0x0] =	wrdreg $0x60  }
0x26: {  	[dreg:$0x2] =	wrdreg s2  }
0x27: {  	[dreg:$0x3] =	wrdreg s25  }
0x28: {  	[dreg:$0x4] =	wrdreg $0x9  }
0x29: {  	_ =	task.clear_ibuf [dreg:s7], $0x5FFFF;
	_ =	strace $0x9000004F  }
0x2a: {  	s29 =	simm.s32 $0x9;
	_ =	strace $0x80000051  }
0x2b: {  	_ =	swait.ge [sflag:s29], $0x1  }
0x2c: {  	[sflag:s29] =	ssyncadd.s32 $0xFFFFFFFF  }
0x2d: {  	_ =	strace $0x90000051  }
0x2e: {  	_ =	sfence  }
0x2f: {  	s30 =	sld [smem:$0x0];
	_ =	sdelay $0x2  }
0x30: {  	s31 =	sshll.u32 s1, $0xD;
	s1 =	sshrl.u32 s1, $0x2  }
0x31: {  	s3 =	sand.u32 $0x4000, s31;
	s1 =	sadd.s32 s1, s30  }
0x32: {  	s0 =	sor.u32 s3, s0;
	s1 =	sshll.u32 s1, $0x11  }
0x33: {  	s0 =	sor.u32 s1, s0  }
0x34: {  	s0 =	sadd.s32 $0x8F2B, s0  }
0x35: {  	[sflag:s0] =	ssyncadd.remote.s32 $0x1  }
0x36: {  	_ =	sfence.sel $0xFFFF  }
0x37: {  	[dreg:$0x0] =	wrdreg $0xFFFFFFFF;
	(pc) =	sbr.abs _section_cstart, $3  }
0x38: {  	[dreg:$0x1] =	wrdreg $0xFFFFFFFF  }
0x39: {  	_ =	task.clear_ibuf [dreg:s7], $0x2FFFF;
	_ =	strace $0x9FFFFFFF  }
0x3a: {  	(tm) =	ssettm $0x7FFFFFFF  }
0x3b: {  	_ =	shalt  }
tec
execute0_lowered:
.L_overlay_start_1:
0x0: {  	(tag) =	ssettag $0x1  }
0x1: {  	s0 =	srdreg.scid  }
0x2: {  	s1 =	sshll.u32 s0, $0x4  }
0x3: {  	s0 =	stileid.u32;
	s1 =	sand.u32 $0x10, s1  }
0x4: {  	s3 =	rddreg [dreg:$0x0];
	s1 =	sor.u32 s0, s1  }
0x5: {  	s6 =	rddreg [dreg:$0x1];
	s2 =	sshll.u32 s1, $0x7  }
0x6: {  	s7 =	simm.s32 $0x2;
	s13 =	simm.s32 $0x0;
	s1 =	ssub.s32 $0x2000, s2  }
0x7: {  	s8 =	simm.s32 $0x10000;
	s12 =	simm.s32 $0x0;
	s4 =	sand.u32 $0xF80, s1  }
0x8: {  	s9 =	simm.s32 $0x0;
	p0 =	sne.s32 s4, $0x0;
	s4 =	simm.s32 $0x1  }
.Ltmp0:
0x9: {  	s5 =	sshrl.u32 s1, $0xC;
	s4 =	simm.s32 @!p0 $0x0;
	(pc) =	sbr.rel .LBB1_1-.Ltmp0, $4  }
0xa: {  	s11 =	simm.s32 $0x0;
	s1 =	rddreg [dreg:$0x2];
	s5 =	sadd.s32 s4, s5  }
0xb: {  	_ =	strace $0x80000050;
	s4 =	simm.s32 $0x1;
	s5 =	smul.u32 $0x18, s5  }
0xc: {  	s6 =	sadd.s32 $0xA00, s6;
	s10 =	smov.u32 s2;
	[sflag:s4] =	ssyncpa.u1 $0x0  }
0xd: {  	p0 =	por $0x0, $0x0;
	[sflag:s7] =	ssyncpa.u1 $0x0;
	s7 =	sor.u32 $0x1, s5  }
.LBB1_4:
0xe: {  	v5 =	vld [tilespmem:s16+$0xFFFFFFD0];
	[tilespmem:s17+$0x2040 ss:$0x81] =	vst.msk $0xffff, v3  }
0xf: {  	v58 =	vld [tilespmem:s16+$0xFFFFFFE0];
	[tilespmem:s17+$0x2850 ss:$0x81] =	vst.msk $0xffff, v4;
	s19 =	sshll.u32 s13, $0xD;
	s20 =	sshll.u32 s12, $0x3  }
0x10: {  	s18 =	sshra.s32 s18, $0x2;
	v59 =	vld [tilespmem:s16+$0xFFFFFFF0];
	[tilespmem:s17+$0x3060 ss:$0x81] =	vst.msk $0xffff, v2;
	s19 =	sand.u32 $0xFFFF0000, s19;
	s21 =	sand.u32 $0xFFFFFC00, s20  }
0x11: {  	[tilespmem:s17+$0x0 ss:$0x81] =	vst.msk $0xffff, v0;
	v60 =	vld [tilespmem:s16+$0x0];
	s15 =	sadd.s32 s18, s15;
	s25 =	sadd.s32 s21, s19  }
0x12: {  	v61 =	vld [tilespmem:s16+$0x10];
	[tilespmem:s15+$0x3870 ss:$0x81] =	vst.msk $0xffff, v1;
	s17 =	sshrl.u32 s25, $0xD  }
0x13: {  	v62 =	vld [tilespmem:s16+$0x20];
	s26 =	smulhi.u32 $0x155556, s17;
	[tilespmem:s15+$0x810 ss:$0x81] =	vst.msk $0xffff, v5  }
0x14: {  	v63 =	vld [tilespmem:s16+$0xFFFFFFC0];
	s27 =	sand.u32 $0x78, s12;
	s28 =	sshll.u32 s13, $0x7;
	s29 =	sand.u32 $0x1C00, s20;
	[tilespmem:s15+$0x1020 ss:$0x81] =	vst.msk $0xffff, v58  }
0x15: {  	s13 =	sand.u32 $0x380, s28;
	s16 =	sor.u32 s27, s29;
	[tilespmem:s15+$0x1830 ss:$0x81] =	vst.msk $0xffff, v59;
	s18 =	smul.u32 $0xC00, s26  }
0x16: {  	s13 =	sor.u32 s13, s16;
	[tilespmem:s15+$0x2040 ss:$0x81] =	vst.msk $0xffff, v60  }
0x17: {  	s31 =	sand.u32 $0x7, s12;
	s13 =	sshrl.u32 s13, $0x3;
	[tilespmem:s15+$0x2850 ss:$0x81] =	vst.msk $0xffff, v61;
	s30 =	ssub.s32 s17, s18  }
0x18: {  	s12 =	sshll.u32 s31, $0x12;
	[tilespmem:s15+$0x3060 ss:$0x81] =	vst.msk $0xffff, v62;
	s13 =	sadd.s32 s6, s13;
	s16 =	sshll.u32 s30, $0xA  }
0x19: {  	s12 =	sor.u32 $0x400, s12;
	[tilespmem:s15+$0x0 ss:$0x81] =	vst.msk $0xffff, v63;
	s13 =	sadd.s32 s16, s13  }
0x1a: {  	[hbm4b:s13+s12] =	stream.strided.scatter [tilespmem:s14], [sflag:$0x2], $0x4000, s8, s12, $0x20;
	[tilespmem:$0x10100] =	vst v63  }
.LBB1_5:
0x1b: {  	s14 =	sadd.s32 $0x80, s9  }
0x1c: {  	s12 =	sadd.s32 $0x1000, s10;
	s16 =	smov.u32 s10;
	p2 =	sgt.s32 s14, $0xBFF  }
0x1d: {  	s16 =	smov.u32 @p2 s12  }
0x1e: {  	s14 =	simm.s32 @p2 $0x0;
	p2 =	sgt.s32 s16, $0x1FFF  }
0x1f: {  	s16 =	smov.u32 @p2 s2;
	p2 =	sne.s32 s11, s7  }
.Ltmp1:
0x20: {  	p1 =	slt.u32 s11, $0x2;
	(pc) =	sbr.rel @!p2 .LBB1_6-.Ltmp1, $4  }
0x21: {  	s15 =	simm.s32 @!p1 $0x2  }
0x22: {  	s13 =	smov.u32 s9;
	p0 =	por !p0, !p0;
	_ =	swait.ge @!p1 [sflag:s15], $0x4000  }
0x23: {  	s12 =	smov.u32 s10;
	[sflag:s15] =	ssyncset.done @!p1 $0x0;
	s9 =	smov.u32 s14  }
0x24: {  	s11 =	sadd.s32 $0x1, s11;
	[sflag:s15] =	ssyncadd.s32 @!p1 $0xFFFFC000;
	s10 =	smov.u32 s16  }
.LBB1_1:
0x25: {  	p1 =	sge.u32 s11, s5  }
0x26: {  	s14 =	sshrl.u32 @!p1 s10, $0x3  }
0x27: {  	s15 =	sshll.u32 @!p1 s9, $0x3;
	s16 =	sshll.u32 @!p1 s10, $0x7;
	s14 =	smul.u32 @!p1 $0x6000, s14  }
0x28: {  	s17 =	sand.u32 @!p1 $0x7F, s9;
	s15 =	sand.u32 @!p1 $0xFFFFFC00, s15;
	s16 =	sand.u32 @!p1 $0x380, s16  }
0x29: {  	s14 =	sadd.s32 @!p1 s14, s15;
	s15 =	sor.u32 @!p1 s17, s16  }
0x2a: {  	s15 =	sor.u32 @!p1 s14, s15  }
0x2b: {  	s16 =	smulhi.u32 @!p1 $0xAAAAAAAB, s15;
	_ =	sdelay $0x1  }
0x2c: {  	s14 =	smulhi.u32 @!p1 $0xAAAAAAAB, s14;
	s16 =	sshrl.u32 @!p1 s16, $0xB  }
0x2d: {  	s16 =	smul.u32 @!p1 $0xC00, s16  }
0x2e: {  	s31 =	sadd.s32 $0xFFFFFFFF, s11;
	s17 =	sxor.u32 @!p1 $0xFFFFFFFF, s11;
	s14 =	sshrl.u32 @!p1 s14, $0xB  }
0x2f: {  	s17 =	sshll.u32 @!p1 s17, $0xE;
	s14 =	sand.u32 @!p1 $0x1FFF, s14;
	s15 =	ssub.s32 @!p1 s15, s16  }
0x30: {  	s14 =	smul.u32 @!p1 $0x180, s14;
	s16 =	sshrl.u32 @!p1 s15, $0x3;
	s15 =	sand.u32 @!p1 $0x7, s15  }
0x31: {  	s17 =	sand.u32 @!p1 $0x4000, s17;
	s16 =	sadd.s32 @!p1 s3, s16;
	s15 =	sshll.u32 @!p1 s15, $0x12  }
0x32: {  	s14 =	sadd.s32 @!p1 s14, s16;
	s15 =	sor.u32 @!p1 $0x400, s15;
	s16 =	simm.s32 @!p1 $0x6000  }
0x33: {  	[tilespmem:s17], [sflag:$0x1] =	stream.strided.gather @!p1 [hbm4b:s14+s15], $0x4000, s16, s15, $0x38;
	[tilespmem:$0x10100] =	vst v63  }
0x34: {  	p1 =	sge.u32 s31, s5  }
.Ltmp2:
0x35: {  	_ = 	snop;
	(pc) =	sbr.rel @p1 .LBB1_5-.Ltmp2, $1  }
0x36: {  	_ =	sdelay $0x3  }
0x37: {  	s14 =	simm.s32 $0x1  }
0x38: {  	_ =	swait.ge [sflag:s4], $0x4000;
	s14 =	simm.s32 @!p0 $0x0  }
0x39: {  	[sflag:s4] =	ssyncset.done $0x0;
	s15 =	sshll.u32 s14, $0xE  }
0x3a: {  	[sflag:s4] =	ssyncadd.s32 $0xFFFFC000;
	s16 =	sor.u32 $0x40, s15  }
0x3b: {  	s14 =	smul.u32 $0x10200, s14;
	v0 =	vld [tilespmem:s16+$0x30]  }
0x3c: {  	v1 =	vld [tilespmem:s16+$0xFFFFFFD0]  }
0x3d: {  	s14 =	sshrl.u32 s14, $0x2;
	v5 =	vld [tilespmem:s16+$0xFFFFFFE0]  }
0x3e: {  	v6 =	vld [tilespmem:s16+$0xFFFFFFF0];
	s15 =	sor.u32 $0x8000, s14  }
0x3f: {  	s31 =	sand.u32 $0x1, s11;
	v3 =	vld [tilespmem:s16+$0x0];
	s17 =	sadd.s32 $0x0, s15  }
0x40: {  	v4 =	vld [tilespmem:s16+$0x10];
	s14 =	smul.u32 $0x10200, s31;
	[tilespmem:s17+$0x3870 ss:$0x81] =	vst.msk $0xffff, v0  }
0x41: {  	v2 =	vld [tilespmem:s16+$0x20];
	[tilespmem:s17+$0x810 ss:$0x81] =	vst.msk $0xffff, v1  }
0x42: {  	s14 =	sshrl.u32 s14, $0x2;
	v0 =	vld [tilespmem:s16+$0xFFFFFFC0];
	[tilespmem:s17+$0x1020 ss:$0x81] =	vst.msk $0xffff, v5;
	s16 =	sadd.s32 $0x80, s16  }
0x43: {  	s18 =	simm.s32 $0x4;
	s19 =	simm.s32 $0x8;
	s14 =	sor.u32 $0x8000, s14;
	[tilespmem:s17+$0x1830 ss:$0x81] =	vst.msk $0xffff, v6;
	v1 =	vld [tilespmem:s16+$0x30]  }
.LBB1_3:
0x44: {  	p1 =	sne.s32 s19, $0x1FC;
	v5 =	vld [tilespmem:s16+$0xFFFFFFD0];
	[tilespmem:s17+$0x2040 ss:$0x81] =	vst.msk $0xffff, v3  }
0x45: {  	v6 =	vld [tilespmem:s16+$0xFFFFFFE0];
	[tilespmem:s17+$0x2850 ss:$0x81] =	vst.msk $0xffff, v4  }
0x46: {  	s20 =	sshra.s32 s18, $0x2;
	s18 =	smov.u32 s19;
	v7 =	vld [tilespmem:s16+$0xFFFFFFF0];
	[tilespmem:s17+$0x3060 ss:$0x81] =	vst.msk $0xffff, v2  }
.Ltmp3:
0x47: {  	v3 =	vld [tilespmem:s16+$0x0];
	[tilespmem:s17+$0x0 ss:$0x81] =	vst.msk $0xffff, v0;
	s17 =	sadd.s32 s20, s15;
	(pc) =	sbr.rel @p1 .LBB1_3-.Ltmp3, $4  }
0x48: {  	v4 =	vld [tilespmem:s16+$0x10];
	[tilespmem:s17+$0x3870 ss:$0x81] =	vst.msk $0xffff, v1  }
0x49: {  	[tilespmem:s17+$0x810 ss:$0x81] =	vst.msk $0xffff, v5;
	v2 =	vld [tilespmem:s16+$0x20]  }
0x4a: {  	v0 =	vld [tilespmem:s16+$0xFFFFFFC0];
	[tilespmem:s17+$0x1020 ss:$0x81] =	vst.msk $0xffff, v6;
	s16 =	sadd.s32 $0x80, s16  }
0x4b: {  	s19 =	sadd.s32 $0x4, s19;
	v1 =	vld [tilespmem:s16+$0x30];
	[tilespmem:s17+$0x1830 ss:$0x81] =	vst.msk $0xffff, v7  }
.Ltmp4:
0x4c: {  	_ = 	snop;
	(pc) =	sbr.rel .LBB1_4-.Ltmp4, $1  }
0x4d: {  	_ =	sdelay $0x3  }
.LBB1_6:
0x4e: {  	_ =	sfence.sel $0x180000  }
0x4f: {  	s2 =	simm.s32 $0x1;
	[bflag:$0x0] =	sbarrier.arrive $0xFFFF  }
0x50: {  	s31 =	simm.s32 $0x2;
	[sflag:s2] =	ssyncpa.u1 $0x1  }
0x51: {  	[sflag:s31] =	ssyncpa.u1 $0x1  }
0x52: {  	p0 =	sne.s32 s0, $0x0;
	_ =	strace $0x90000050  }
0x53: {  	s0 =	sadd.s32 @!p0 $0x100000, s1;
	[bflag:$0x2] =	sbarrier.arrive $0xFFFF  }
0x54: {  	[sflag:s0] =	ssyncadd.tile.s32 @!p0 $0x1;
	_ =	shalt  }
.Lfunc_end1:
_tile_overlayer_lowered:
.L_overlay_start_2:
0x55: {  	(tag) =	ssettag $0x2  }
0x56: {  	s0 =	rddreg [dreg:$0x0];
	s2 =	stileid.u32  }
0x57: {  	s1 =	rddreg [dreg:$0x1];
	p0 =	sne.s32 s2, $0x0  }
0x58: {  	s3 =	rddreg [dreg:$0x2];
	[bflag:$0x3] =	sbarrier.arrive $0xFFFF;
	s2 =	simm.s32 @!p0 $0x1C01  }
0x59: {  	[timem:s3], [sflag:s2] =	dma.local @!p0 [hbm:s0], s1  }
0x5a: {  	s0 =	simm.s32 @!p0 $0x1  }
0x5b: {  	_ =	swait.ge @!p0 [sflag:s0], s1  }
0x5c: {  	s1 =	ssub.s32 @!p0 $0x0, s1;
	[sflag:s0] =	ssyncset.done @!p0 $0x0  }
0x5d: {  	[sflag:s0] =	ssyncadd.s32 @!p0 s1  }
0x5e: {  	[bflag:$0x3] =	sbarrier.arrive $0xFFFF  }
0x5f: {  	_ =	shalt  }

// kernel: sparse-core-data-format-call.cloned.1.call-start
scs
called_computation_lowered:
.L_overlay_start_0:
0x0: {  	s2 =	sld [smem:$0x3FD9]  }
0x1: {  	s3 =	sld [smem:$0x3FFE];
	_ =	sdelay $0x1  }
0x2: {  	s1 =	srdreg.scid  }
0x3: {  	s0 =	sand.u32 $0x1, s1  }
0x4: {  	s18 =	sshll.u32 s0, $0xA;
	s2 =	sadd.s32 s3, s2  }
0x5: {  	s2 =	sadd.s32 s2, s18  }
0x6: {  	[smem:$0x3FBF] =	sst s2  }
0x7: {  	_ = 	snop  }
0x8: {  	s2 =	sld [smem:$0x3FD0];
	(tm) =	ssettm $0x1  }
0x9: {  	s19 =	sld [smem:$0x3FFB];
	_ =	sdelay $0x3  }
0xa: {  	_ =	strace s19  }
0xb: {  	s3 =	sld [smem:$0x3FFC];
	_ =	sdelay $0x3  }
0xc: {  	_ =	strace s3  }
0xd: {  	s3 =	sld [smem:$0x3FFD];
	_ =	sdelay $0x3  }
0xe: {  	_ =	strace s3  }
0xf: {  	_ =	strace $0x8FFFFFFF  }
0x10: {  	s20 =	sld [smem:$0x3FDB];
	_ =	sdelay $0x1  }
0x11: {  	s4 =	simm.s32 $_scs_section_size  }
0x12: {  	s5 =	simm.s32 $_size__tile_overlayer_lowered;
	s6 =	simm.s32 $_tile_overlayer_lowered  }
0x13: {  	s23 =	simm.s32 $0x1BFF;
	s22 =	sshll.u32 s6, $0x1;
	s3 =	sadd.s32 s4, s20  }
0x14: {  	s7 =	simm.s32 $0x0;
	s21 =	sshll.u32 s5, $0x1;
	s5 =	sadd.s32 s22, s3  }
0x15: {  	[timem:s7], [sflag:s23] =	dma.local [hbm:s5], s21  }
0x16: {  	_ =	swait.ge [sflag:s23], s21  }
0x17: {  	s4 =	ssub.s32 $0x0, s21;
	[sflag:s23] =	ssyncset.done $0x0  }
0x18: {  	[sflag:s23] =	ssyncadd.s32 s4;
	_ =	sdelay $0x1  }
0x19: {  	s24 =	simm.s32 $0x1B8B  }
0x1a: {  	_ =	swait.ge [sflag:s24], $0x1  }
0x1b: {  	[sflag:s24] =	ssyncset.done $0x0  }
0x1c: {  	s26 =	simm.s32 $0x1B8E;
	s25 =	sld [smem:$0x3FFE];
	[sflag:s24] =	ssyncadd.s32 $0xFFFFFFFF  }
0x1d: {  	s27 =	simm.s32 $execute0_lowered;
	[smem:$0x3FD2] =	sst s26  }
0x1e: {  	s5 =	sshll.u32 s27, $0x1;
	_ =	strace $0x80000052;
	[dreg:$0x1] =	wrdreg $0xFFFFFFFF  }
0x1f: {  	s28 =	simm.s32 $_size_execute0_lowered;
	s3 =	sadd.s32 s3, s5;
	[dreg:$0x0] =	wrdreg $0x0  }
0x20: {  	s5 =	sshll.u32 s28, $0x1;
	[dreg:$0x2] =	wrdreg s3  }
0x21: {  	[dreg:$0x3] =	wrdreg s5  }
0x22: {  	[dreg:$0x4] =	wrdreg $0xC0  }
0x23: {  	_ =	task [dreg:s7], $0x5FFFF  }
0x24: {  	[dreg:$0x1] =	wrdreg $0xFFFFFFFF  }
0x25: {  	[dreg:$0x0] =	wrdreg $0x60  }
0x26: {  	[dreg:$0x2] =	wrdreg s25  }
0x27: {  	[dreg:$0x3] =	wrdreg s2  }
0x28: {  	[dreg:$0x4] =	wrdreg $0x9  }
0x29: {  	_ =	task.clear_ibuf [dreg:s7], $0x5FFFF;
	_ =	strace $0x90000052  }
0x2a: {  	s29 =	simm.s32 $0x9;
	_ =	strace $0x80000054  }
0x2b: {  	_ =	swait.ge [sflag:s29], $0x1  }
0x2c: {  	[sflag:s29] =	ssyncadd.s32 $0xFFFFFFFF  }
0x2d: {  	_ =	strace $0x90000054  }
0x2e: {  	_ =	sfence  }
0x2f: {  	s30 =	sld [smem:$0x0];
	_ =	sdelay $0x2  }
0x30: {  	s31 =	sshll.u32 s1, $0xD;
	s1 =	sshrl.u32 s1, $0x2  }
0x31: {  	s3 =	sand.u32 $0x4000, s31;
	s1 =	sadd.s32 s1, s30  }
0x32: {  	s0 =	sor.u32 s3, s0;
	s1 =	sshll.u32 s1, $0x11  }
0x33: {  	s0 =	sor.u32 s1, s0  }
0x34: {  	s0 =	sadd.s32 $0x8F2B, s0  }
0x35: {  	[sflag:s0] =	ssyncadd.remote.s32 $0x1  }
0x36: {  	_ =	sfence.sel $0xFFFF  }
0x37: {  	[dreg:$0x0] =	wrdreg $0xFFFFFFFF;
	(pc) =	sbr.abs _section_cstart, $3  }
0x38: {  	[dreg:$0x1] =	wrdreg $0xFFFFFFFF  }
0x39: {  	_ =	task.clear_ibuf [dreg:s7], $0x2FFFF;
	_ =	strace $0x9FFFFFFF  }
0x3a: {  	(tm) =	ssettm $0x7FFFFFFF  }
0x3b: {  	_ =	shalt  }
tec
execute0_lowered:
.L_overlay_start_1:
0x0: {  	(tag) =	ssettag $0x1  }
0x1: {  	s4 =	rddreg [dreg:$0x0]  }
0x2: {  	s2 =	rddreg [dreg:$0x1]  }
0x3: {  	s0 =	rddreg [dreg:$0x2];
	_ =	strace $0x80000053  }
0x4: {  	s3 =	srdreg.scid;
	s1 =	stileid.u32;
	s6 =	simm.s32 $0x2  }
0x5: {  	s11 =	simm.s32 $0x0;
	p0 =	por $0x0, $0x0;
	s14 =	simm.s32 $0x0  }
.Ltmp0:
0x6: {  	s12 =	simm.s32 $0x0;
	s13 =	simm.s32 $0x0;
	(pc) =	sbr.rel .LBB1_1-.Ltmp0, $4  }
0x7: {  	s7 =	simm.s32 $0x0;
	s8 =	simm.s32 $0x0;
	s5 =	sshll.u32 s3, $0x4  }
0x8: {  	s9 =	simm.s32 $0x0;
	s3 =	simm.s32 $0x1;
	s5 =	sand.u32 $0x10, s5  }
0x9: {  	s4 =	sadd.s32 $0xA00, s4;
	[sflag:s3] =	ssyncpa.u1 $0x0;
	s5 =	sor.u32 s1, s5  }
0xa: {  	[sflag:s6] =	ssyncpa.u1 $0x0;
	s6 =	simm.s32 $0x0;
	s10 =	smov.u32 s5  }
.LBB1_7:
0xb: {  	s15 =	sadd.s32 $0x800, s7  }
0xc: {  	s11 =	sadd.s32 $0x8, s8;
	s16 =	smov.u32 s8;
	p2 =	sgt.s32 s15, $0x1FFF  }
0xd: {  	s16 =	smov.u32 @p2 s11  }
0xe: {  	s11 =	simm.s32 $0x1;
	p3 =	sgt.s32 s16, $0x1F  }
0xf: {  	s11 =	simm.s32 @!p3 $0x0  }
0x10: {  	s17 =	sadd.s32 s11, s9  }
0x11: {  	s18 =	smov.u32 s10;
	s11 =	sadd.s32 $0x20, s10;
	p4 =	sgt.s32 s17, $0x2  }
0x12: {  	p1 =	slt.u32 s6, $0x2;
	s18 =	smov.u32 @p4 s11  }
0x13: {  	s6 =	sadd.s32 $0x1, s6;
	s15 =	simm.s32 @p2 $0x0;
	p2 =	sgt.s32 s18, $0x1F  }
0x14: {  	s19 =	simm.s32 @!p1 $0x2;
	s18 =	smov.u32 @p2 s5;
	p2 =	sne.s32 s6, $0x32  }
.Ltmp1:
0x15: {  	s14 =	smov.u32 s8;
	_ =	swait.ge @!p1 [sflag:s19], $0x4000;
	(pc) =	sbr.rel @!p2 .LBB1_8-.Ltmp1, $4  }
0x16: {  	s12 =	smov.u32 s9;
	s13 =	smov.u32 s10;
	[sflag:s19] =	ssyncset.done @!p1 $0x0  }
0x17: {  	p0 =	por !p0, !p0;
	s16 =	simm.s32 @p3 $0x0;
	[sflag:s19] =	ssyncadd.s32 @!p1 $0xFFFFC000  }
0x18: {  	s8 =	smov.u32 s16;
	s17 =	simm.s32 @p4 $0x0;
	s11 =	smov.u32 s7  }
0x19: {  	s7 =	smov.u32 s15;
	s9 =	smov.u32 s17;
	s10 =	smov.u32 s18  }
.LBB1_1:
0x1a: {  	p1 =	sgt.u32 s6, $0x2F  }
0x1b: {  	s15 =	sand.u32 @!p1 $0x78, s7;
	s17 =	sshll.u32 @!p1 s8, $0x7  }
0x1c: {  	s16 =	sshll.u32 @!p1 s8, $0xD;
	s18 =	sshll.u32 @!p1 s7, $0x3;
	s17 =	sand.u32 @!p1 $0x380, s17  }
0x1d: {  	s16 =	sand.u32 @!p1 $0x30000, s16;
	s15 =	sor.u32 @!p1 s17, s15;
	s17 =	smul.u32 @!p1 $0x18000, s10  }
0x1e: {  	s19 =	sand.u32 @!p1 $0x1C00, s18;
	s16 =	sadd.s32 @!p1 s16, s18;
	s18 =	sshll.u32 @!p1 s9, $0xF  }
0x1f: {  	s15 =	sor.u32 @!p1 s19, s15;
	s16 =	sshrl.u32 @!p1 s16, $0x3;
	s17 =	sadd.s32 @!p1 s4, s17  }
0x20: {  	s19 =	sxor.u32 @!p1 $0xFFFFFFFF, s6;
	s16 =	sand.u32 @!p1 $0x7C00, s16;
	s17 =	sadd.s32 @!p1 s18, s17  }
0x21: {  	s15 =	sshrl.u32 @!p1 s15, $0x3;
	s18 =	sshll.u32 @!p1 s19, $0xE;
	s16 =	sadd.s32 @!p1 s16, s17  }
0x22: {  	s17 =	sand.u32 @!p1 $0x4000, s18;
	s15 =	sadd.s32 @!p1 s15, s16;
	s16 =	sand.u32 @!p1 $0x7, s7  }
0x23: {  	[tilespmem:s17], [sflag:$0x1] =	stream.linear.gather @!p1 [hbm4b:s15+s16], $0x4000, $0x38;
	[tilespmem:$0x10000] =	vst v63  }
0x24: {  	p1 =	seq.s32 s6, $0x0  }
0x25: {  	p2 =	seq.s32 @!p1 s6, $0x31  }
0x26: {  	p1 =	por p1, p2  }
.Ltmp2:
0x27: {  	_ = 	snop;
	(pc) =	sbr.rel @p1 .LBB1_7-.Ltmp2, $1  }
0x28: {  	_ =	sdelay $0x3  }
0x29: {  	s15 =	simm.s32 $0x1;
	_ =	swait.ge [sflag:s3], $0x4000;
	s18 =	sshll.u32 s6, $0xE  }
0x2a: {  	s15 =	simm.s32 @!p0 $0x0;
	[sflag:s3] =	ssyncset.done $0x0;
	s31 =	sand.u32 $0x4000, s18  }
0x2b: {  	s18 =	simm.s32 $0x0;
	s15 =	sshll.u32 s15, $0xE;
	[sflag:s3] =	ssyncadd.s32 $0xFFFFC000  }
0x2c: {  	s16 =	sor.u32 $0x8800, s15;
	s17 =	sor.u32 $0x800, s15;
	s15 =	sor.u32 $0x8000, s31  }
.LBB1_3:
0x2d: {  	v0 =	vld [tilespmem:s17+$0x470]  }
0x2e: {  	v1 =	vld [tilespmem:s17+$0xFFFFF810]  }
0x2f: {  	v2 =	vld [tilespmem:s17+$0xFFFFF820]  }
0x30: {  	v3 =	vld [tilespmem:s17+$0xFFFFF830]  }
0x31: {  	v4 =	vld [tilespmem:s17+$0xFFFFF840]  }
0x32: {  	v5 =	vld [tilespmem:s17+$0xFFFFF850];
	[tilespmem:s16+$0x470] =	vst v0  }
0x33: {  	[tilespmem:s16+$0xFFFFF810] =	vst v1;
	v0 =	vld [tilespmem:s17+$0xFFFFF860]  }
0x34: {  	[tilespmem:s16+$0xFFFFF820] =	vst v2;
	v1 =	vld [tilespmem:s17+$0xFFFFF870]  }
0x35: {  	[tilespmem:s16+$0xFFFFF830] =	vst v3;
	v2 =	vld [tilespmem:s17+$0xFFFFFC00]  }
0x36: {  	[tilespmem:s16+$0xFFFFF840] =	vst v4;
	v3 =	vld [tilespmem:s17+$0xFFFFFC10]  }
0x37: {  	[tilespmem:s16+$0xFFFFF850] =	vst v5;
	v4 =	vld [tilespmem:s17+$0xFFFFFC20]  }
0x38: {  	v5 =	vld [tilespmem:s17+$0x420];
	[tilespmem:s16+$0xFFFFF860] =	vst v0  }
0x39: {  	v0 =	vld [tilespmem:s17+$0xFFFFFC30];
	[tilespmem:s16+$0xFFFFF870] =	vst v1  }
0x3a: {  	v1 =	vld [tilespmem:s17+$0xFFFFFC40];
	[tilespmem:s16+$0xFFFFFC00] =	vst v2  }
0x3b: {  	[tilespmem:s16+$0xFFFFFC10] =	vst v3;
	v3 =	vld [tilespmem:s17+$0xFFFFFC60]  }
0x3c: {  	[tilespmem:s16+$0xFFFFFC20] =	vst v4;
	v4 =	vld [tilespmem:s17+$0xFFFFFC70]  }
0x3d: {  	v2 =	vld [tilespmem:s17+$0xFFFFFC50];
	[tilespmem:s16+$0x420] =	vst v5  }
0x3e: {  	[tilespmem:s16+$0xFFFFFC30] =	vst v0;
	v0 =	vld [tilespmem:s17+$0x0]  }
0x3f: {  	[tilespmem:s16+$0xFFFFFC40] =	vst v1;
	v1 =	vld [tilespmem:s17+$0x10]  }
0x40: {  	[tilespmem:s16+$0xFFFFFC60] =	vst v3;
	v3 =	vld [tilespmem:s17+$0x30]  }
0x41: {  	[tilespmem:s16+$0xFFFFFC70] =	vst v4;
	v4 =	vld [tilespmem:s17+$0x40]  }
0x42: {  	[tilespmem:s16+$0xFFFFFC50] =	vst v2;
	v2 =	vld [tilespmem:s17+$0x20]  }
0x43: {  	[tilespmem:s16+$0x0] =	vst v0;
	v0 =	vld [tilespmem:s17+$0x50]  }
0x44: {  	[tilespmem:s16+$0x10] =	vst v1;
	v1 =	vld [tilespmem:s17+$0x60]  }
0x45: {  	[tilespmem:s16+$0x30] =	vst v3;
	v3 =	vld [tilespmem:s17+$0x400]  }
0x46: {  	[tilespmem:s16+$0x40] =	vst v4;
	v4 =	vld [tilespmem:s17+$0x410]  }
0x47: {  	[tilespmem:s16+$0x20] =	vst v2;
	v2 =	vld [tilespmem:s17+$0x70]  }
0x48: {  	[tilespmem:s16+$0x50] =	vst v0;
	v0 =	vld [tilespmem:s17+$0x430]  }
0x49: {  	[tilespmem:s16+$0x60] =	vst v1;
	v1 =	vld [tilespmem:s17+$0x440]  }
0x4a: {  	[tilespmem:s16+$0x400] =	vst v3;
	v3 =	vld [tilespmem:s17+$0x450]  }
0x4b: {  	[tilespmem:s16+$0x410] =	vst v4;
	v4 =	vld [tilespmem:s17+$0x460]  }
0x4c: {  	s20 =	simm.s32 $0x0;
	s21 =	sadd.s32 $0x1000, s17;
	s19 =	smov.u32 s16;
	[tilespmem:s16+$0x70] =	vst v2;
	v2 =	vld [tilespmem:s17+$0xFFFFF800]  }
.LBB1_4:
0x4d: {  	v5 =	vld [tilespmem:s21+$0x470];
	s20 =	sadd.s32 $0x200, s20;
	[tilespmem:s19+$0x430] =	vst v0  }
0x4e: {  	v0 =	vld [tilespmem:s21+$0xFFFFF810];
	p1 =	slt.u32 s20, $0x600;
	[tilespmem:s19+$0x440] =	vst v1  }
0x4f: {  	v1 =	vld [tilespmem:s21+$0xFFFFF820];
	[tilespmem:s19+$0x450] =	vst v3  }
0x50: {  	v3 =	vld [tilespmem:s21+$0xFFFFF830];
	[tilespmem:s19+$0x460] =	vst v4  }
0x51: {  	v4 =	vld [tilespmem:s21+$0xFFFFF840];
	[tilespmem:s19+$0xFFFFF800] =	vst v2;
	s19 =	sadd.s32 $0x1000, s19  }
0x52: {  	v2 =	vld [tilespmem:s21+$0xFFFFF850];
	[tilespmem:s19+$0x470] =	vst v5  }
0x53: {  	[tilespmem:s19+$0xFFFFF810] =	vst v0;
	v0 =	vld [tilespmem:s21+$0xFFFFF860]  }
0x54: {  	[tilespmem:s19+$0xFFFFF820] =	vst v1;
	v1 =	vld [tilespmem:s21+$0xFFFFF870]  }
0x55: {  	[tilespmem:s19+$0xFFFFF830] =	vst v3;
	v3 =	vld [tilespmem:s21+$0xFFFFFC00]  }
0x56: {  	[tilespmem:s19+$0xFFFFF840] =	vst v4;
	v4 =	vld [tilespmem:s21+$0xFFFFFC10]  }
0x57: {  	[tilespmem:s19+$0xFFFFF850] =	vst v2;
	v2 =	vld [tilespmem:s21+$0xFFFFFC20]  }
0x58: {  	[tilespmem:s19+$0xFFFFF860] =	vst v0;
	v0 =	vld [tilespmem:s21+$0xFFFFFC30]  }
0x59: {  	[tilespmem:s19+$0xFFFFF870] =	vst v1;
	v1 =	vld [tilespmem:s21+$0xFFFFFC40]  }
0x5a: {  	[tilespmem:s19+$0xFFFFFC00] =	vst v3;
	v3 =	vld [tilespmem:s21+$0xFFFFFC50]  }
0x5b: {  	[tilespmem:s19+$0xFFFFFC10] =	vst v4;
	v4 =	vld [tilespmem:s21+$0xFFFFFC60]  }
0x5c: {  	[tilespmem:s19+$0xFFFFFC20] =	vst v2;
	v2 =	vld [tilespmem:s21+$0xFFFFFC70]  }
0x5d: {  	[tilespmem:s19+$0xFFFFFC30] =	vst v0;
	v0 =	vld [tilespmem:s21+$0x0]  }
0x5e: {  	[tilespmem:s19+$0xFFFFFC40] =	vst v1;
	v1 =	vld [tilespmem:s21+$0x10]  }
0x5f: {  	[tilespmem:s19+$0xFFFFFC50] =	vst v3;
	v3 =	vld [tilespmem:s21+$0x20]  }
0x60: {  	[tilespmem:s19+$0xFFFFFC60] =	vst v4;
	v4 =	vld [tilespmem:s21+$0x30]  }
0x61: {  	[tilespmem:s19+$0xFFFFFC70] =	vst v2;
	v2 =	vld [tilespmem:s21+$0x40]  }
0x62: {  	[tilespmem:s19+$0x0] =	vst v0;
	v0 =	vld [tilespmem:s21+$0x50]  }
0x63: {  	[tilespmem:s19+$0x10] =	vst v1;
	v1 =	vld [tilespmem:s21+$0x60]  }
0x64: {  	[tilespmem:s19+$0x20] =	vst v3;
	v3 =	vld [tilespmem:s21+$0x70]  }
0x65: {  	[tilespmem:s19+$0x30] =	vst v4;
	v4 =	vld [tilespmem:s21+$0x400]  }
0x66: {  	[tilespmem:s19+$0x40] =	vst v2;
	v2 =	vld [tilespmem:s21+$0x410]  }
0x67: {  	[tilespmem:s19+$0x50] =	vst v0;
	v5 =	vld [tilespmem:s21+$0x420]  }
.Ltmp3:
0x68: {  	[tilespmem:s19+$0x60] =	vst v1;
	v0 =	vld [tilespmem:s21+$0x430];
	(pc) =	sbr.rel @p1 .LBB1_4-.Ltmp3, $4  }
0x69: {  	[tilespmem:s19+$0x70] =	vst v3;
	v1 =	vld [tilespmem:s21+$0x440]  }
0x6a: {  	[tilespmem:s19+$0x400] =	vst v4;
	v3 =	vld [tilespmem:s21+$0x450]  }
0x6b: {  	[tilespmem:s19+$0x410] =	vst v2;
	v4 =	vld [tilespmem:s21+$0x460]  }
0x6c: {  	v2 =	vld [tilespmem:s21+$0xFFFFF800];
	[tilespmem:s19+$0x420] =	vst v5;
	s21 =	sadd.s32 $0x1000, s21  }
0x6d: {  	s18 =	sadd.s32 $0x1, s18  }
0x6e: {  	p1 =	sne.s32 s18, $0x8  }
.Ltmp4:
0x6f: {  	[tilespmem:s19+$0x430] =	vst v0;
	(pc) =	sbr.rel @p1 .LBB1_3-.Ltmp4, $4  }
0x70: {  	[tilespmem:s19+$0x440] =	vst v1  }
0x71: {  	[tilespmem:s19+$0x450] =	vst v3  }
0x72: {  	[tilespmem:s19+$0x460] =	vst v4  }
0x73: {  	s16 =	sadd.s32 $0x80, s16;
	s17 =	sadd.s32 $0x80, s17;
	[tilespmem:s19+$0xFFFFF800] =	vst v2  }
0x74: {  	s16 =	sshll.u32 s14, $0xD;
	s17 =	sshll.u32 s11, $0x3  }
0x75: {  	s29 =	sshll.u32 s14, $0x7;
	s18 =	sand.u32 $0x78, s11;
	s13 =	sshll.u32 s13, $0xF  }
0x76: {  	s12 =	sshll.u32 s12, $0x14;
	s16 =	sand.u32 $0x30000, s16;
	s14 =	sand.u32 $0x380, s29  }
0x77: {  	s13 =	sadd.s32 s2, s13;
	s16 =	sadd.s32 s16, s17;
	s17 =	sand.u32 $0x1C00, s17  }
.Ltmp5:
0x78: {  	s14 =	sor.u32 s14, s18;
	s16 =	sshrl.u32 s16, $0x3;
	(pc) =	sbr.rel .LBB1_7-.Ltmp5, $4  }
0x79: {  	s12 =	sadd.s32 s12, s13;
	s14 =	sor.u32 s17, s14;
	s16 =	sand.u32 $0x7C00, s16  }
0x7a: {  	s30 =	sshrl.u32 s14, $0x3;
	s12 =	sadd.s32 s16, s12  }
0x7b: {  	s31 =	sand.u32 $0x7, s11;
	s12 =	sadd.s32 s30, s12  }
0x7c: {  	[hbm4b:s12+s31] =	stream.linear.scatter [tilespmem:s15], [sflag:$0x2], $0x4000, $0x38;
	[tilespmem:$0x10000] =	vst v63  }
.LBB1_8:
0x7d: {  	_ =	sfence.sel $0x180000  }
0x7e: {  	s2 =	simm.s32 $0x1;
	[bflag:$0x0] =	sbarrier.arrive $0xFFFF  }
0x7f: {  	s31 =	simm.s32 $0x2;
	[sflag:s2] =	ssyncpa.u1 $0x1  }
0x80: {  	[sflag:s31] =	ssyncpa.u1 $0x1  }
0x81: {  	p0 =	sne.s32 s1, $0x0;
	_ =	strace $0x90000053  }
0x82: {  	s0 =	sadd.s32 @!p0 $0x100000, s0;
	[bflag:$0x2] =	sbarrier.arrive $0xFFFF  }
0x83: {  	[sflag:s0] =	ssyncadd.tile.s32 @!p0 $0x1;
	_ =	shalt  }
.Lfunc_end1:
_tile_overlayer_lowered:
.L_overlay_start_2:
0x84: {  	(tag) =	ssettag $0x2  }
0x85: {  	s0 =	rddreg [dreg:$0x0];
	s2 =	stileid.u32  }
0x86: {  	s1 =	rddreg [dreg:$0x1];
	p0 =	sne.s32 s2, $0x0  }
0x87: {  	s3 =	rddreg [dreg:$0x2];
	[bflag:$0x3] =	sbarrier.arrive $0xFFFF;
	s2 =	simm.s32 @!p0 $0x1C01  }
0x88: {  	[timem:s3], [sflag:s2] =	dma.local @!p0 [hbm:s0], s1  }
0x89: {  	s0 =	simm.s32 @!p0 $0x1  }
0x8a: {  	_ =	swait.ge @!p0 [sflag:s0], s1  }
0x8b: {  	s1 =	ssub.s32 @!p0 $0x0, s1;
	[sflag:s0] =	ssyncset.done @!p0 $0x0  }
0x8c: {  	[sflag:s0] =	ssyncadd.s32 @!p0 s1  }
0x8d: {  	[bflag:$0x3] =	sbarrier.arrive $0xFFFF  }
0x8e: {  	_ =	shalt  }

</sc_bundles>
